<compile_context>
chip_gen: v7x
topology: tpu7x:2x2x1
jax: 0.10.2.dev20260603
libtpu: 0.0.44.dev20260713+nightly
codegen_flags: <defaults>
</compile_context>

<pallas_src>
import functools

import jax
import jax.numpy as jnp
import numpy as np
from jax import lax
from jax.experimental import pallas as pl
from jax.experimental.pallas import tpu as pltpu
from jax.experimental.pallas import tpu_sc as plsc

N = 50000
E = 800000
HID = 64
TDIM = 32
MAXPOS = 1000
NMP = 5

NC = 2
NS = 16
CHUNK = 128
EPAD = 802816
CPT = EPAD // NS // CHUNK
GB = 28
NGRP = CPT // GB
NHALF = N // 2
NGARB = 600
NLOC = NHALF + NGARB
ZSTRIPE = NLOC // NS
OSTRIPE = 1560


def _ln(h, g, b):
    m = jnp.mean(h, axis=-1, keepdims=True)
    v = jnp.mean((h - m) ** 2, axis=-1, keepdims=True)
    return (h - m) / jnp.sqrt(v + 1e-5) * g + b


def _dot(a, b):
    return jax.lax.dot_general(a, b, (((1,), (0,)), ((), ())),
                               preferred_element_type=jnp.float32)


def _dot_hi(a, b):
    return jax.lax.dot_general(a, b, (((1,), (0,)), ((), ())),
                               precision=jax.lax.Precision.HIGHEST,
                               preferred_element_type=jnp.float32)


def _bf16r(x):
    return x.astype(jnp.bfloat16).astype(jnp.float32)



def _enc2_body(h_ref, w1, b1, g1, be1, w2, b2, g2, be2, o_ref):
    t = jnp.maximum(_dot(h_ref[...], w1[...]) + b1[...], 0.0)
    t = _ln(t, g1[...], be1[...])
    t = jnp.maximum(_dot(t, w2[...]) + b2[...], 0.0)
    o_ref[...] = _ln(t, g2[...], be2[...])


def _mlp2(h, l1, l2, blk):
    n, din = h.shape
    grid = n // blk
    wspec = lambda shape: pl.BlockSpec(shape, lambda i: (0, 0))
    return pl.pallas_call(
        _enc2_body,
        grid=(grid,),
        in_specs=[
            pl.BlockSpec((blk, din), lambda i: (i, 0)),
            wspec((din, HID)), wspec((1, HID)), wspec((1, HID)), wspec((1, HID)),
            wspec((HID, HID)), wspec((1, HID)), wspec((1, HID)), wspec((1, HID)),
        ],
        out_specs=pl.BlockSpec((blk, HID), lambda i: (i, 0)),
        out_shape=jax.ShapeDtypeStruct((n, HID), jnp.float32),
    )(h, l1["Wt"], l1["b"], l1["g"], l1["beta"],
      l2["Wt"], l2["b"], l2["g"], l2["beta"])


def _comb_body(nd_ref, g_ref, ea_ref, at, bt, w1n, w1a, b1, g1, be1,
               w2, b2, g2, be2, wn, lng, lnb, o_ref):
    nd = nd_ref[...]
    agg = _dot_hi(g_ref[...], at[...]) + _dot_hi(ea_ref[...], bt[...])
    t = jnp.maximum(_dot(nd, w1n[...]) + _dot(agg, w1a[...]) + b1[...], 0.0)
    t = _ln(t, g1[...], be1[...])
    t = jnp.maximum(_dot(t, w2[...]) + b2[...], 0.0)
    t = _ln(t, g2[...], be2[...])
    o_ref[...] = _ln(_dot(nd, wn[...]) + t, lng[...], lnb[...])


def _combine(nodes, g, ea, wr, blk):
    grid = N // blk
    wspec = lambda: pl.BlockSpec((HID, HID), lambda i: (0, 0))
    vspec = lambda: pl.BlockSpec((1, HID), lambda i: (0, 0))
    xspec = pl.BlockSpec((blk, HID), lambda i: (i, 0))
    return pl.pallas_call(
        _comb_body,
        grid=(grid,),
        in_specs=[xspec, xspec, xspec,
                  wspec(), wspec(), wspec(), wspec(), vspec(), vspec(), vspec(),
                  wspec(), vspec(), vspec(), vspec(), wspec(), vspec(), vspec()],
        out_specs=xspec,
        out_shape=jax.ShapeDtypeStruct((N, HID), jnp.float32),
    )(nodes, g, ea, wr["At"], wr["Bt"], wr["W1n"], wr["W1a"], wr["b1"],
      wr["g1"], wr["be1"], wr["W2t"], wr["b2"], wr["g2"], wr["be2"],
      wr["Wnt"], wr["lng"], wr["lnb"])


def _dec_body(nd_ref, wd, bd, gd, bed, wo, bo, o_ref):
    t = jnp.maximum(_dot(nd_ref[...], wd[...]) + bd[...], 0.0)
    t = _ln(t, gd[...], bed[...])
    l = _dot(t, wo[...]) + bo[...]
    l0 = l[:, 0:1]
    l1 = l[:, 1:2]
    m = jnp.maximum(l0, l1)
    lse = m + jnp.log(jnp.exp(l0 - m) + jnp.exp(l1 - m))
    o_ref[...] = l[:, 0:2] - lse


def _decoder(nodes, wd, blk):
    grid = N // blk
    return pl.pallas_call(
        _dec_body,
        grid=(grid,),
        in_specs=[
            pl.BlockSpec((blk, HID), lambda i: (i, 0)),
            pl.BlockSpec((HID, HID), lambda i: (0, 0)),
            pl.BlockSpec((1, HID), lambda i: (0, 0)),
            pl.BlockSpec((1, HID), lambda i: (0, 0)),
            pl.BlockSpec((1, HID), lambda i: (0, 0)),
            pl.BlockSpec((HID, 8), lambda i: (0, 0)),
            pl.BlockSpec((1, 8), lambda i: (0, 0)),
        ],
        out_specs=pl.BlockSpec((blk, 2), lambda i: (i, 0)),
        out_shape=jax.ShapeDtypeStruct((N, 2), jnp.float32),
    )(nodes, wd["Wdt"], wd["bd"], wd["gd"], wd["bed"], wd["Wot"], wd["bo"])



def _segsum_body(table, senders, recv2, zeros, out, sidx, ridx, rows0, rows1,
                 acc, sem0, sem1):
    cid = lax.axis_index("c")
    sid = lax.axis_index("s")
    zb = sid * ZSTRIPE
    pltpu.sync_copy(zeros.at[pl.ds(zb, ZSTRIPE)], acc.at[pl.ds(zb, ZSTRIPE)])
    plsc.subcore_barrier()

    def group_body(grp, _):
        pltpu.sync_copy(senders.at[sid, pl.ds(grp * GB, GB)], sidx)
        pltpu.sync_copy(recv2.at[cid, sid, pl.ds(grp * GB, GB)], ridx)

        pltpu.async_copy(table.at[sidx.at[0]], rows0, sem0)
        pltpu.async_copy(table.at[sidx.at[1]], rows1, sem1)

        def pair_body(i, _):
            g = 2 * i
            pltpu.make_async_copy(table.at[sidx.at[g]], rows0, sem0).wait()
            pltpu.sync_copy(rows0, acc.at[ridx.at[g]], add=True)

            @pl.when(g + 2 < GB)
            def _():
                pltpu.async_copy(table.at[sidx.at[g + 2]], rows0, sem0)

            pltpu.make_async_copy(table.at[sidx.at[g + 1]], rows1, sem1).wait()
            pltpu.sync_copy(rows1, acc.at[ridx.at[g + 1]], add=True)

            @pl.when(g + 3 < GB)
            def _():
                pltpu.async_copy(table.at[sidx.at[g + 3]], rows1, sem1)

            return 0

        lax.fori_loop(0, GB // 2, pair_body, 0)
        return 0

    lax.fori_loop(0, NGRP, group_body, 0)
    plsc.subcore_barrier()
    nbase = cid * NHALF
    ob = sid * OSTRIPE
    pltpu.sync_copy(acc.at[pl.ds(ob, OSTRIPE)], out.at[pl.ds(nbase + ob, OSTRIPE)])

    @pl.when(sid == 0)
    def _():
        rb = NS * OSTRIPE
        pltpu.sync_copy(acc.at[pl.ds(rb, NHALF - NS * OSTRIPE)],
                        out.at[pl.ds(nbase + rb, NHALF - NS * OSTRIPE)])


def _segsum(table, senders, recv2, zeros):
    return pl.kernel(
        _segsum_body,
        out_type=jax.ShapeDtypeStruct((N, HID), jnp.float32),
        mesh=plsc.VectorSubcoreMesh(core_axis_name="c", subcore_axis_name="s"),
        scratch_types=[
            pltpu.VMEM((GB, CHUNK), jnp.int32),
            pltpu.VMEM((GB, CHUNK), jnp.int32),
            pltpu.VMEM((CHUNK, HID), jnp.float32),
            pltpu.VMEM((CHUNK, HID), jnp.float32),
            pltpu.VMEM_SHARED((NLOC, HID), jnp.float32),
            pltpu.SemaphoreType.DMA,
            pltpu.SemaphoreType.DMA,
        ],
        compiler_params=pltpu.CompilerParams(use_tc_tiling_on_sc=False),
    )(table, senders, recv2, zeros)



def _prep_layer(l, din):
    W = l["W"]
    Wt = jnp.zeros((din, HID), jnp.float32).at[: W.shape[1], :].set(W.T)
    return {"Wt": Wt, "b": l["b"][None, :], "g": l["g"][None, :],
            "beta": l["beta"][None, :]}


def kernel(x, edge_index, edge_attr, timestep, params):
    pos = timestep.astype(jnp.float32)
    div = jnp.exp(jnp.arange(0, TDIM, 2, dtype=jnp.float32)
                  * (-np.log(MAXPOS) / TDIM))
    pe = jnp.zeros((pos.shape[0], TDIM), jnp.float32)
    pe = pe.at[:, 0::2].set(jnp.sin(pos[:, None] * div))
    pe = pe.at[:, 1::2].set(jnp.cos(pos[:, None] * div))

    h0 = jnp.concatenate(
        [x, jnp.broadcast_to(pe, (N, TDIM)), jnp.zeros((N, 30), jnp.float32)],
        axis=-1)

    ne = params["node_enc"]
    nodes = _mlp2(h0, _prep_layer(ne[0], HID), _prep_layer(ne[1], HID), 2000)

    ee = params["edge_enc"]
    ea8 = jnp.concatenate([edge_attr, jnp.zeros((E, 4), jnp.float32)], axis=-1)
    edges = _mlp2(ea8, _prep_layer(ee[0], 8), _prep_layer(ee[1], HID), 2000)

    senders = edge_index[0]
    receivers = edge_index[1]
    pad = EPAD - E
    send_pad = jnp.concatenate(
        [senders, (jnp.arange(pad, dtype=jnp.int32) * 17) % N])
    eiota_pad = jnp.concatenate(
        [jnp.arange(E, dtype=jnp.int32), jnp.zeros((pad,), jnp.int32)])
    recv_pad = jnp.concatenate(
        [receivers, jnp.full((pad,), N, jnp.int32)])
    garb = NHALF + jnp.bitwise_and(recv_pad, 511)
    loc0 = jnp.where((recv_pad >= 0) & (recv_pad < NHALF), recv_pad, garb)
    r1 = recv_pad - NHALF
    loc1 = jnp.where((r1 >= 0) & (r1 < NHALF), r1, garb)
    recv2 = jnp.stack([loc0, loc1]).reshape(2, NS, CPT, CHUNK)
    send_pad = send_pad.reshape(NS, CPT, CHUNK)
    eiota_pad = eiota_pad.reshape(NS, CPT, CHUNK)

    zeros_acc = jnp.zeros((NLOC, HID), jnp.float32)

    ea = _segsum(_bf16r(edges), eiota_pad, recv2, zeros_acc)

    rounds = []
    for lp in params["mp"]:
        Wm = lp["W_msg"]
        W1 = lp["node_mlp"][0]["W"]
        rounds.append({
            "At": _bf16r(Wm[:, :HID].T), "Bt": _bf16r(Wm[:, HID:].T),
            "W1n": W1[:, :HID].T, "W1a": W1[:, HID:].T,
            "b1": lp["node_mlp"][0]["b"][None, :],
            "g1": lp["node_mlp"][0]["g"][None, :],
            "be1": lp["node_mlp"][0]["beta"][None, :],
            "W2t": lp["node_mlp"][1]["W"].T,
            "b2": lp["node_mlp"][1]["b"][None, :],
            "g2": lp["node_mlp"][1]["g"][None, :],
            "be2": lp["node_mlp"][1]["beta"][None, :],
            "Wnt": lp["W_node"].T,
            "lng": lp["ln_g"][None, :], "lnb": lp["ln_b"][None, :],
        })

    for wr in rounds:
        g = _segsum(_bf16r(nodes), send_pad, recv2, zeros_acc)
        nodes = _combine(nodes, g, ea, wr, 2000)

    dh = params["dec_hidden"][0]
    do = params["dec_out"]
    wd = {"Wdt": dh["W"].T, "bd": dh["b"][None, :], "gd": dh["g"][None, :],
          "bed": dh["beta"][None, :],
          "Wot": jnp.concatenate(
              [do["W"].T, jnp.zeros((HID, 6), jnp.float32)], axis=-1),
          "bo": jnp.concatenate(
              [do["b"], jnp.full((6,), -1e30, jnp.float32)])[None, :]}
    return _decoder(nodes, wd, 2000)

# --- scband reference (transcript-rebuilt; emitter-appended) ---
"""Pipeline reference for scband-diffusion-step-model-89481348644994 (READ-ONLY COPY).

The authoritative reference and input builder live on the scoring server;
editing this copy changes nothing except your own understanding.
"""

import jax
import jax.numpy as jnp
import numpy as np

N_NODES = 50000
N_EDGES = 800000
IN_DIM = 2
EDGE_DIM = 4
HID = 64
OUT_DIM = 2
TDIM = 32
MAXPOS = 1000
NMP = 5


def _mlp_params(key, dims):
    layers = []
    for i in range(len(dims) - 1):
        key, k = jax.random.split(key)
        W = jax.random.normal(k, (dims[i + 1], dims[i]), dtype=jnp.float32) * np.sqrt(2.0 / dims[i])
        layers.append({"W": W,
                       "b": jnp.zeros((dims[i + 1],), jnp.float32),
                       "g": jnp.ones((dims[i + 1],), jnp.float32),
                       "beta": jnp.zeros((dims[i + 1],), jnp.float32)})
    return layers


def _mp_params(key):
    k1, k2, k3 = jax.random.split(key, 3)
    return {"W_msg": jax.random.normal(k1, (HID, 2 * HID), dtype=jnp.float32) * np.sqrt(2.0 / (2 * HID)),
            "W_node": jax.random.normal(k2, (HID, HID), dtype=jnp.float32) * np.sqrt(2.0 / HID),
            "node_mlp": _mlp_params(k3, [2 * HID, HID, HID]),
            "ln_g": jnp.ones((HID,), jnp.float32),
            "ln_b": jnp.zeros((HID,), jnp.float32)}


def setup_inputs(seed: int = 0):
    key = jax.random.key(seed)
    ks = jax.random.split(key, 12)
    x = jax.random.normal(ks[0], (N_NODES, IN_DIM), dtype=jnp.float32)
    edge_index = jax.random.randint(ks[1], (2, N_EDGES), 0, N_NODES, dtype=jnp.int32)
    edge_attr = jax.random.normal(ks[2], (N_EDGES, EDGE_DIM), dtype=jnp.float32)
    timestep = jax.random.randint(ks[3], (1,), 0, MAXPOS, dtype=jnp.int32)
    ko = jax.random.split(ks[4], 2)
    params = {
        "node_enc": _mlp_params(ks[5], [IN_DIM + TDIM, HID, HID]),
        "edge_enc": _mlp_params(ks[6], [EDGE_DIM, HID, HID]),
        "mp": [_mp_params(k) for k in jax.random.split(ks[7], NMP)],
        "dec_hidden": _mlp_params(ks[8], [HID, HID]),
        "dec_out": {"W": jax.random.normal(ko[0], (OUT_DIM, HID), dtype=jnp.float32) * np.sqrt(2.0 / HID),
                    "b": jnp.zeros((OUT_DIM,), jnp.float32)},
    }
    return {"x": x, "edge_index": edge_index, "edge_attr": edge_attr,
            "timestep": timestep, "params": params}


def _layernorm(h, g, b):
    m = jnp.mean(h, axis=-1, keepdims=True)
    v = jnp.var(h, axis=-1, keepdims=True)
    return (h - m) / jnp.sqrt(v + 1e-5) * g + b


def _relu_mlp(h, layers):
    for l in layers:
        h = _layernorm(jax.nn.relu(h @ l["W"].T + l["b"]), l["g"], l["beta"])
    return h


def _time_embedding(timestep, dim, max_position):
    pos = timestep.astype(jnp.float32)
    div = jnp.exp(jnp.arange(0, dim, 2, dtype=jnp.float32) * (-np.log(max_position) / dim))
    pe = jnp.zeros((pos.shape[0], dim), jnp.float32)
    pe = pe.at[:, 0::2].set(jnp.sin(pos[:, None] * div))
    pe = pe.at[:, 1::2].set(jnp.cos(pos[:, None] * div))
    return pe


def _forward(x, edge_index, edge_attr, timestep, params):
    n = x.shape[0]
    temb = _time_embedding(timestep, TDIM, MAXPOS)
    h = jnp.concatenate([x, jnp.broadcast_to(temb, (n, TDIM))], axis=-1)
    nodes = _relu_mlp(h, params["node_enc"])
    edges = _relu_mlp(edge_attr, params["edge_enc"])
    senders = edge_index[0]
    receivers = edge_index[1]
    for lp in params["mp"]:
        msg_in = jnp.concatenate([nodes[senders], edges], axis=-1)
        msgs = msg_in @ lp["W_msg"].T
        agg = jax.ops.segment_sum(msgs, receivers, num_segments=n)
        node_out = _relu_mlp(jnp.concatenate([nodes, agg], axis=-1), lp["node_mlp"])
        nodes = _layernorm(nodes @ lp["W_node"].T + node_out, lp["ln_g"], lp["ln_b"])
    h = _relu_mlp(nodes, params["dec_hidden"])
    logits = h @ params["dec_out"]["W"].T + params["dec_out"]["b"]
    return jax.nn.log_softmax(logits, axis=-1)


def reference(x, edge_index, edge_attr, timestep, params):
    return _forward(x, edge_index, edge_attr, timestep, params)

if __name__ == "__main__":
    import jax
    _d = setup_inputs()
    print(jax.jit(kernel)(*tuple(_d.values())))

</pallas_src>

<mosaic_0001>
#map = affine_map<(d0, d1) -> (0, 0)>
#map1 = affine_map<(d0, d1) -> (0, 0, 0)>
#map2 = affine_map<(d0, d1) -> (0, 0, 0, 0)>
module attributes {stable_mosaic.version = 14 : i64} {
  func.func @_segsum_body(%arg0: i32, %arg1: i32, %arg2: memref<800000x64xf32, #tpu.memory_space<hbm>>, %arg3: memref<16x392x128xi32, #tpu.memory_space<hbm>>, %arg4: memref<2x16x392x128xi32, #tpu.memory_space<hbm>>, %arg5: memref<25600x64xf32, #tpu.memory_space<hbm>>, %arg6: memref<50000x64xf32, #tpu.memory_space<hbm>>, %arg7: memref<28x128xi32, #tpu.memory_space<vmem>>, %arg8: memref<28x128xi32, #tpu.memory_space<vmem>>, %arg9: memref<128x64xf32, #tpu.memory_space<vmem>>, %arg10: memref<128x64xf32, #tpu.memory_space<vmem>>, %arg11: memref<25600x64xf32, #tpu.memory_space<vmem_shared>>, %arg12: memref<!tpu.dma_semaphore, #tpu.memory_space<semaphore_mem>>, %arg13: memref<!tpu.dma_semaphore, #tpu.memory_space<semaphore_mem>>) attributes {dimension_semantics = [#tpu.dimension_semantics<core_parallel>, #tpu.dimension_semantics<subcore_parallel>], iteration_bounds = array<i64: 2, 16>, scalar_prefetch = 0 : i64, scratch_operands = 7 : i64, tpu.core_type = #tpu.core_type<sc_vector_subcore>, window_params = [{transform_indices = #map}, {transform_indices = #map1}, {transform_indices = #map2}, {transform_indices = #map}, {transform_indices = #map}]} {
    %mul3A = arith.constant 1600 : i32
    %mul3A_0 = arith.muli %arg1, %mul3A : i32
    "tpu.region"() ({
      %run_scoped3A = tpu.sem_alloc : memref<!tpu.dma_semaphore, #tpu.memory_space<semaphore_mem>>
      %dma_start3A = arith.constant 0 : i32
      %dma_start3A_14 = tpu.memref_slice %arg11[%mul3A_0, %dma_start3A] : memref<25600x64xf32, #tpu.memory_space<vmem_shared>> -> memref<1600x64xf32, #tpu.memory_space<vmem_shared>>
      %dma_start3A_15 = arith.constant 0 : i32
      %dma_start3A_16 = tpu.memref_slice %arg5[%mul3A_0, %dma_start3A_15] : memref<25600x64xf32, #tpu.memory_space<hbm>> -> memref<1600x64xf32, #tpu.memory_space<hbm>>
      tpu.enqueue_dma source(%dma_start3A_16 : memref<1600x64xf32, #tpu.memory_space<hbm>>) target(%dma_start3A_14 : memref<1600x64xf32, #tpu.memory_space<vmem_shared>>) target_semaphore(%run_scoped3A : memref<!tpu.dma_semaphore, #tpu.memory_space<semaphore_mem>>)
      %dma_wait3A = arith.constant 0 : i32
      %dma_wait3A_17 = tpu.memref_slice %arg11[%mul3A_0, %dma_wait3A] : memref<25600x64xf32, #tpu.memory_space<vmem_shared>> -> memref<1600x64xf32, #tpu.memory_space<vmem_shared>>
      %dma_wait3A_18 = arith.constant 0 : i32
      %dma_wait3A_19 = tpu.memref_slice %arg5[%mul3A_0, %dma_wait3A_18] : memref<25600x64xf32, #tpu.memory_space<hbm>> -> memref<1600x64xf32, #tpu.memory_space<hbm>>
      tpu.wait_dma2 semaphore(%run_scoped3A : memref<!tpu.dma_semaphore, #tpu.memory_space<semaphore_mem>>) src(%dma_wait3A_19 : memref<1600x64xf32, #tpu.memory_space<hbm>>) dst(%dma_wait3A_17 : memref<1600x64xf32, #tpu.memory_space<vmem_shared>>)
      tpu.yield
    }) : () -> ()
    %barrier3A = arith.constant 0 : index
    tpu.barrier barrier_id(%barrier3A)
    %scan3A = arith.constant 0 : i32
    %scan3A_1 = arith.constant 0 : i32
    %scan3A_2 = arith.constant 14 : i32
    %scan3A_3 = arith.addi %scan3A_1, %scan3A_2 : i32
    %scan3A_4 = arith.constant 1 : i32
    %scan3A_5 = scf.for %scan3A_14 = %scan3A_1 to %scan3A_3 step %scan3A_4 iter_args(%scan3A_15 = %scan3A) -> (i32)  : i32 {
      %mul3A_16 = arith.constant 28 : i32
      %mul3A_17 = arith.muli %scan3A_14, %mul3A_16 : i32
      "tpu.region"() ({
        %run_scoped3A = tpu.sem_alloc : memref<!tpu.dma_semaphore, #tpu.memory_space<semaphore_mem>>
        %dma_start3A_41 = arith.constant 0 : i32
        %dma_start3A_42 = tpu.memref_slice %arg3[%arg1, %mul3A_17, %dma_start3A_41] : memref<16x392x128xi32, #tpu.memory_space<hbm>> -> memref<1x28x128xi32, #tpu.memory_space<hbm>>
        %dma_start3A_43 = tpu.memref_squeeze %dma_start3A_42 : memref<1x28x128xi32, #tpu.memory_space<hbm>> -> memref<28x128xi32, #tpu.memory_space<hbm>>
        %dma_start3A_44 = arith.constant 0 : i32
        %dma_start3A_45 = tpu.memref_slice %arg3[%arg1, %mul3A_17, %dma_start3A_44] : memref<16x392x128xi32, #tpu.memory_space<hbm>> -> memref<1x28x128xi32, #tpu.memory_space<hbm>>
        %dma_start3A_46 = tpu.memref_squeeze %dma_start3A_45 : memref<1x28x128xi32, #tpu.memory_space<hbm>> -> memref<28x128xi32, #tpu.memory_space<hbm>>
        tpu.enqueue_dma source(%dma_start3A_46 : memref<28x128xi32, #tpu.memory_space<hbm>>) target(%arg7 : memref<28x128xi32, #tpu.memory_space<vmem>>) target_semaphore(%run_scoped3A : memref<!tpu.dma_semaphore, #tpu.memory_space<semaphore_mem>>)
        %dma_wait3A = arith.constant 0 : i32
        %dma_wait3A_47 = tpu.memref_slice %arg3[%arg1, %mul3A_17, %dma_wait3A] : memref<16x392x128xi32, #tpu.memory_space<hbm>> -> memref<1x28x128xi32, #tpu.memory_space<hbm>>
        %dma_wait3A_48 = tpu.memref_squeeze %dma_wait3A_47 : memref<1x28x128xi32, #tpu.memory_space<hbm>> -> memref<28x128xi32, #tpu.memory_space<hbm>>
        %dma_wait3A_49 = arith.constant 0 : i32
        %dma_wait3A_50 = tpu.memref_slice %arg3[%arg1, %mul3A_17, %dma_wait3A_49] : memref<16x392x128xi32, #tpu.memory_space<hbm>> -> memref<1x28x128xi32, #tpu.memory_space<hbm>>
        %dma_wait3A_51 = tpu.memref_squeeze %dma_wait3A_50 : memref<1x28x128xi32, #tpu.memory_space<hbm>> -> memref<28x128xi32, #tpu.memory_space<hbm>>
        tpu.wait_dma2 semaphore(%run_scoped3A : memref<!tpu.dma_semaphore, #tpu.memory_space<semaphore_mem>>) src(%dma_wait3A_51 : memref<28x128xi32, #tpu.memory_space<hbm>>) dst(%arg7 : memref<28x128xi32, #tpu.memory_space<vmem>>)
        tpu.yield
      }) : () -> ()
      %mul3A_18 = arith.constant 28 : i32
      %mul3A_19 = arith.muli %scan3A_14, %mul3A_18 : i32
      "tpu.region"() ({
        %run_scoped3A = tpu.sem_alloc : memref<!tpu.dma_semaphore, #tpu.memory_space<semaphore_mem>>
        %dma_start3A_41 = arith.constant 0 : i32
        %dma_start3A_42 = tpu.memref_slice %arg4[%arg0, %arg1, %mul3A_19, %dma_start3A_41] : memref<2x16x392x128xi32, #tpu.memory_space<hbm>> -> memref<1x1x28x128xi32, #tpu.memory_space<hbm>>
        %dma_start3A_43 = tpu.memref_squeeze %dma_start3A_42 : memref<1x1x28x128xi32, #tpu.memory_space<hbm>> -> memref<28x128xi32, #tpu.memory_space<hbm>>
        %dma_start3A_44 = arith.constant 0 : i32
        %dma_start3A_45 = tpu.memref_slice %arg4[%arg0, %arg1, %mul3A_19, %dma_start3A_44] : memref<2x16x392x128xi32, #tpu.memory_space<hbm>> -> memref<1x1x28x128xi32, #tpu.memory_space<hbm>>
        %dma_start3A_46 = tpu.memref_squeeze %dma_start3A_45 : memref<1x1x28x128xi32, #tpu.memory_space<hbm>> -> memref<28x128xi32, #tpu.memory_space<hbm>>
        tpu.enqueue_dma source(%dma_start3A_46 : memref<28x128xi32, #tpu.memory_space<hbm>>) target(%arg8 : memref<28x128xi32, #tpu.memory_space<vmem>>) target_semaphore(%run_scoped3A : memref<!tpu.dma_semaphore, #tpu.memory_space<semaphore_mem>>)
        %dma_wait3A = arith.constant 0 : i32
        %dma_wait3A_47 = tpu.memref_slice %arg4[%arg0, %arg1, %mul3A_19, %dma_wait3A] : memref<2x16x392x128xi32, #tpu.memory_space<hbm>> -> memref<1x1x28x128xi32, #tpu.memory_space<hbm>>
        %dma_wait3A_48 = tpu.memref_squeeze %dma_wait3A_47 : memref<1x1x28x128xi32, #tpu.memory_space<hbm>> -> memref<28x128xi32, #tpu.memory_space<hbm>>
        %dma_wait3A_49 = arith.constant 0 : i32
        %dma_wait3A_50 = tpu.memref_slice %arg4[%arg0, %arg1, %mul3A_19, %dma_wait3A_49] : memref<2x16x392x128xi32, #tpu.memory_space<hbm>> -> memref<1x1x28x128xi32, #tpu.memory_space<hbm>>
        %dma_wait3A_51 = tpu.memref_squeeze %dma_wait3A_50 : memref<1x1x28x128xi32, #tpu.memory_space<hbm>> -> memref<28x128xi32, #tpu.memory_space<hbm>>
        tpu.wait_dma2 semaphore(%run_scoped3A : memref<!tpu.dma_semaphore, #tpu.memory_space<semaphore_mem>>) src(%dma_wait3A_51 : memref<28x128xi32, #tpu.memory_space<hbm>>) dst(%arg8 : memref<28x128xi32, #tpu.memory_space<vmem>>)
        tpu.yield
      }) : () -> ()
      %dma_start3A = arith.constant 0 : i32
      %dma_start3A_20 = arith.constant 0 : i32
      %dma_start3A_21 = tpu.memref_slice %arg7[%dma_start3A, %dma_start3A_20] : memref<28x128xi32, #tpu.memory_space<vmem>> -> memref<1x128xi32, #tpu.memory_space<vmem>>
      %dma_start3A_22 = tpu.memref_squeeze %dma_start3A_21 : memref<1x128xi32, #tpu.memory_space<vmem>> -> memref<128xi32, #tpu.memory_space<vmem>>
      %dma_start3A_23 = arith.constant 0 : i32
      %dma_start3A_24 = arith.constant 0 : i32
      %dma_start3A_25 = tpu.memref_slice %arg2[%dma_start3A_23, %dma_start3A_24] : memref<800000x64xf32, #tpu.memory_space<hbm>> -> memref<800000x64xf32, #tpu.memory_space<hbm>>
      tpu.enqueue_indirect_dma source(%dma_start3A_25 : memref<800000x64xf32, #tpu.memory_space<hbm>>) target(%arg9 : memref<128x64xf32, #tpu.memory_space<vmem>>) offsets(%dma_start3A_22 : memref<128xi32, #tpu.memory_space<vmem>>) semaphore(%arg12 : memref<!tpu.dma_semaphore, #tpu.memory_space<semaphore_mem>>)
      %dma_start3A_26 = arith.constant 1 : i32
      %dma_start3A_27 = arith.constant 0 : i32
      %dma_start3A_28 = tpu.memref_slice %arg7[%dma_start3A_26, %dma_start3A_27] : memref<28x128xi32, #tpu.memory_space<vmem>> -> memref<1x128xi32, #tpu.memory_space<vmem>>
      %dma_start3A_29 = tpu.memref_squeeze %dma_start3A_28 : memref<1x128xi32, #tpu.memory_space<vmem>> -> memref<128xi32, #tpu.memory_space<vmem>>
      %dma_start3A_30 = arith.constant 0 : i32
      %dma_start3A_31 = arith.constant 0 : i32
      %dma_start3A_32 = tpu.memref_slice %arg2[%dma_start3A_30, %dma_start3A_31] : memref<800000x64xf32, #tpu.memory_space<hbm>> -> memref<800000x64xf32, #tpu.memory_space<hbm>>
      tpu.enqueue_indirect_dma source(%dma_start3A_32 : memref<800000x64xf32, #tpu.memory_space<hbm>>) target(%arg10 : memref<128x64xf32, #tpu.memory_space<vmem>>) offsets(%dma_start3A_29 : memref<128xi32, #tpu.memory_space<vmem>>) semaphore(%arg13 : memref<!tpu.dma_semaphore, #tpu.memory_space<semaphore_mem>>)
      %scan3A_33 = arith.constant 0 : i32
      %scan3A_34 = arith.constant 0 : i32
      %scan3A_35 = arith.constant 14 : i32
      %scan3A_36 = arith.addi %scan3A_34, %scan3A_35 : i32
      %scan3A_37 = arith.constant 1 : i32
      %scan3A_38 = scf.for %scan3A_41 = %scan3A_34 to %scan3A_36 step %scan3A_37 iter_args(%scan3A_42 = %scan3A_33) -> (i32)  : i32 {
        %mul3A_43 = arith.constant 2 : i32
        %mul3A_44 = arith.muli %mul3A_43, %scan3A_41 : i32
        %dma_wait3A = arith.constant 0 : i32
        %dma_wait3A_45 = tpu.memref_slice %arg7[%mul3A_44, %dma_wait3A] : memref<28x128xi32, #tpu.memory_space<vmem>> -> memref<1x128xi32, #tpu.memory_space<vmem>>
        %dma_wait3A_46 = tpu.memref_squeeze %dma_wait3A_45 : memref<1x128xi32, #tpu.memory_space<vmem>> -> memref<128xi32, #tpu.memory_space<vmem>>
        %dma_wait3A_47 = arith.constant 0 : i32
        %dma_wait3A_48 = arith.constant 0 : i32
        %dma_wait3A_49 = tpu.memref_slice %arg2[%dma_wait3A_47, %dma_wait3A_48] : memref<800000x64xf32, #tpu.memory_space<hbm>> -> memref<800000x64xf32, #tpu.memory_space<hbm>>
        tpu.wait_indirect_dma semaphore(%arg12 : memref<!tpu.dma_semaphore, #tpu.memory_space<semaphore_mem>>) src(%dma_wait3A_49 : memref<800000x64xf32, #tpu.memory_space<hbm>>) dst(%arg9 : memref<128x64xf32, #tpu.memory_space<vmem>>)
        "tpu.region"() ({
          %run_scoped3A = tpu.sem_alloc : memref<!tpu.dma_semaphore, #tpu.memory_space<semaphore_mem>>
          %dma_start3A_74 = arith.constant 0 : i32
          %dma_start3A_75 = tpu.memref_slice %arg8[%mul3A_44, %dma_start3A_74] : memref<28x128xi32, #tpu.memory_space<vmem>> -> memref<1x128xi32, #tpu.memory_space<vmem>>
          %dma_start3A_76 = tpu.memref_squeeze %dma_start3A_75 : memref<1x128xi32, #tpu.memory_space<vmem>> -> memref<128xi32, #tpu.memory_space<vmem>>
          %dma_start3A_77 = arith.constant 0 : i32
          %dma_start3A_78 = arith.constant 0 : i32
          %dma_start3A_79 = tpu.memref_slice %arg11[%dma_start3A_77, %dma_start3A_78] : memref<25600x64xf32, #tpu.memory_space<vmem_shared>> -> memref<25600x64xf32, #tpu.memory_space<vmem_shared>>
          tpu.enqueue_indirect_dma source(%arg9 : memref<128x64xf32, #tpu.memory_space<vmem>>) target(%dma_start3A_79 : memref<25600x64xf32, #tpu.memory_space<vmem_shared>>) offsets(%dma_start3A_76 : memref<128xi32, #tpu.memory_space<vmem>>) semaphore(%run_scoped3A : memref<!tpu.dma_semaphore, #tpu.memory_space<semaphore_mem>>) {add = true}
          %dma_wait3A_80 = arith.constant 0 : i32
          %dma_wait3A_81 = tpu.memref_slice %arg8[%mul3A_44, %dma_wait3A_80] : memref<28x128xi32, #tpu.memory_space<vmem>> -> memref<1x128xi32, #tpu.memory_space<vmem>>
          %dma_wait3A_82 = tpu.memref_squeeze %dma_wait3A_81 : memref<1x128xi32, #tpu.memory_space<vmem>> -> memref<128xi32, #tpu.memory_space<vmem>>
          %dma_wait3A_83 = arith.constant 0 : i32
          %dma_wait3A_84 = arith.constant 0 : i32
          %dma_wait3A_85 = tpu.memref_slice %arg11[%dma_wait3A_83, %dma_wait3A_84] : memref<25600x64xf32, #tpu.memory_space<vmem_shared>> -> memref<25600x64xf32, #tpu.memory_space<vmem_shared>>
          tpu.wait_indirect_dma semaphore(%run_scoped3A : memref<!tpu.dma_semaphore, #tpu.memory_space<semaphore_mem>>) src(%arg9 : memref<128x64xf32, #tpu.memory_space<vmem>>) dst(%dma_wait3A_85 : memref<25600x64xf32, #tpu.memory_space<vmem_shared>>)
          tpu.yield
        }) : () -> ()
        %add3A_50 = arith.constant 2 : i32
        %add3A_51 = arith.addi %mul3A_44, %add3A_50 : i32
        %lt3A = arith.constant 28 : i32
        %lt3A_52 = arith.cmpi slt, %add3A_51, %lt3A : i32
        %convert_element_type3A_53 = arith.extui %lt3A_52 : i1 to i32
        %cond3A_54 = arith.constant 0 : i32
        %cond3A_55 = arith.cmpi ne, %convert_element_type3A_53, %cond3A_54 : i32
        scf.if %cond3A_55 {
          %add3A_74 = arith.constant 2 : i32
          %add3A_75 = arith.addi %mul3A_44, %add3A_74 : i32
          %dma_start3A_76 = arith.constant 0 : i32
          %dma_start3A_77 = tpu.memref_slice %arg7[%add3A_75, %dma_start3A_76] : memref<28x128xi32, #tpu.memory_space<vmem>> -> memref<1x128xi32, #tpu.memory_space<vmem>>
          %dma_start3A_78 = tpu.memref_squeeze %dma_start3A_77 : memref<1x128xi32, #tpu.memory_space<vmem>> -> memref<128xi32, #tpu.memory_space<vmem>>
          %dma_start3A_79 = arith.constant 0 : i32
          %dma_start3A_80 = arith.constant 0 : i32
          %dma_start3A_81 = tpu.memref_slice %arg2[%dma_start3A_79, %dma_start3A_80] : memref<800000x64xf32, #tpu.memory_space<hbm>> -> memref<800000x64xf32, #tpu.memory_space<hbm>>
          tpu.enqueue_indirect_dma source(%dma_start3A_81 : memref<800000x64xf32, #tpu.memory_space<hbm>>) target(%arg9 : memref<128x64xf32, #tpu.memory_space<vmem>>) offsets(%dma_start3A_78 : memref<128xi32, #tpu.memory_space<vmem>>) semaphore(%arg12 : memref<!tpu.dma_semaphore, #tpu.memory_space<semaphore_mem>>)
        } else {
        }
        %add3A_56 = arith.constant 1 : i32
        %add3A_57 = arith.addi %mul3A_44, %add3A_56 : i32
        %dma_wait3A_58 = arith.constant 0 : i32
        %dma_wait3A_59 = tpu.memref_slice %arg7[%add3A_57, %dma_wait3A_58] : memref<28x128xi32, #tpu.memory_space<vmem>> -> memref<1x128xi32, #tpu.memory_space<vmem>>
        %dma_wait3A_60 = tpu.memref_squeeze %dma_wait3A_59 : memref<1x128xi32, #tpu.memory_space<vmem>> -> memref<128xi32, #tpu.memory_space<vmem>>
        %dma_wait3A_61 = arith.constant 0 : i32
        %dma_wait3A_62 = arith.constant 0 : i32
        %dma_wait3A_63 = tpu.memref_slice %arg2[%dma_wait3A_61, %dma_wait3A_62] : memref<800000x64xf32, #tpu.memory_space<hbm>> -> memref<800000x64xf32, #tpu.memory_space<hbm>>
        tpu.wait_indirect_dma semaphore(%arg13 : memref<!tpu.dma_semaphore, #tpu.memory_space<semaphore_mem>>) src(%dma_wait3A_63 : memref<800000x64xf32, #tpu.memory_space<hbm>>) dst(%arg10 : memref<128x64xf32, #tpu.memory_space<vmem>>)
        %add3A_64 = arith.constant 1 : i32
        %add3A_65 = arith.addi %mul3A_44, %add3A_64 : i32
        "tpu.region"() ({
          %run_scoped3A = tpu.sem_alloc : memref<!tpu.dma_semaphore, #tpu.memory_space<semaphore_mem>>
          %dma_start3A_74 = arith.constant 0 : i32
          %dma_start3A_75 = tpu.memref_slice %arg8[%add3A_65, %dma_start3A_74] : memref<28x128xi32, #tpu.memory_space<vmem>> -> memref<1x128xi32, #tpu.memory_space<vmem>>
          %dma_start3A_76 = tpu.memref_squeeze %dma_start3A_75 : memref<1x128xi32, #tpu.memory_space<vmem>> -> memref<128xi32, #tpu.memory_space<vmem>>
          %dma_start3A_77 = arith.constant 0 : i32
          %dma_start3A_78 = arith.constant 0 : i32
          %dma_start3A_79 = tpu.memref_slice %arg11[%dma_start3A_77, %dma_start3A_78] : memref<25600x64xf32, #tpu.memory_space<vmem_shared>> -> memref<25600x64xf32, #tpu.memory_space<vmem_shared>>
          tpu.enqueue_indirect_dma source(%arg10 : memref<128x64xf32, #tpu.memory_space<vmem>>) target(%dma_start3A_79 : memref<25600x64xf32, #tpu.memory_space<vmem_shared>>) offsets(%dma_start3A_76 : memref<128xi32, #tpu.memory_space<vmem>>) semaphore(%run_scoped3A : memref<!tpu.dma_semaphore, #tpu.memory_space<semaphore_mem>>) {add = true}
          %dma_wait3A_80 = arith.constant 0 : i32
          %dma_wait3A_81 = tpu.memref_slice %arg8[%add3A_65, %dma_wait3A_80] : memref<28x128xi32, #tpu.memory_space<vmem>> -> memref<1x128xi32, #tpu.memory_space<vmem>>
          %dma_wait3A_82 = tpu.memref_squeeze %dma_wait3A_81 : memref<1x128xi32, #tpu.memory_space<vmem>> -> memref<128xi32, #tpu.memory_space<vmem>>
          %dma_wait3A_83 = arith.constant 0 : i32
          %dma_wait3A_84 = arith.constant 0 : i32
          %dma_wait3A_85 = tpu.memref_slice %arg11[%dma_wait3A_83, %dma_wait3A_84] : memref<25600x64xf32, #tpu.memory_space<vmem_shared>> -> memref<25600x64xf32, #tpu.memory_space<vmem_shared>>
          tpu.wait_indirect_dma semaphore(%run_scoped3A : memref<!tpu.dma_semaphore, #tpu.memory_space<semaphore_mem>>) src(%arg10 : memref<128x64xf32, #tpu.memory_space<vmem>>) dst(%dma_wait3A_85 : memref<25600x64xf32, #tpu.memory_space<vmem_shared>>)
          tpu.yield
        }) : () -> ()
        %add3A_66 = arith.constant 3 : i32
        %add3A_67 = arith.addi %mul3A_44, %add3A_66 : i32
        %lt3A_68 = arith.constant 28 : i32
        %lt3A_69 = arith.cmpi slt, %add3A_67, %lt3A_68 : i32
        %convert_element_type3A_70 = arith.extui %lt3A_69 : i1 to i32
        %cond3A_71 = arith.constant 0 : i32
        %cond3A_72 = arith.cmpi ne, %convert_element_type3A_70, %cond3A_71 : i32
        scf.if %cond3A_72 {
          %add3A_74 = arith.constant 3 : i32
          %add3A_75 = arith.addi %mul3A_44, %add3A_74 : i32
          %dma_start3A_76 = arith.constant 0 : i32
          %dma_start3A_77 = tpu.memref_slice %arg7[%add3A_75, %dma_start3A_76] : memref<28x128xi32, #tpu.memory_space<vmem>> -> memref<1x128xi32, #tpu.memory_space<vmem>>
          %dma_start3A_78 = tpu.memref_squeeze %dma_start3A_77 : memref<1x128xi32, #tpu.memory_space<vmem>> -> memref<128xi32, #tpu.memory_space<vmem>>
          %dma_start3A_79 = arith.constant 0 : i32
          %dma_start3A_80 = arith.constant 0 : i32
          %dma_start3A_81 = tpu.memref_slice %arg2[%dma_start3A_79, %dma_start3A_80] : memref<800000x64xf32, #tpu.memory_space<hbm>> -> memref<800000x64xf32, #tpu.memory_space<hbm>>
          tpu.enqueue_indirect_dma source(%dma_start3A_81 : memref<800000x64xf32, #tpu.memory_space<hbm>>) target(%arg10 : memref<128x64xf32, #tpu.memory_space<vmem>>) offsets(%dma_start3A_78 : memref<128xi32, #tpu.memory_space<vmem>>) semaphore(%arg13 : memref<!tpu.dma_semaphore, #tpu.memory_space<semaphore_mem>>)
        } else {
        }
        %scan3A_73 = arith.constant 0 : i32
        scf.yield %scan3A_73 : i32
      }
      %scan3A_39 = arith.constant 14 : i32
      %scan3A_40 = arith.constant 0 : i32
      scf.yield %scan3A_40 : i32
    }
    %scan3A_6 = arith.constant 14 : i32
    %barrier3A_7 = arith.constant 0 : index
    tpu.barrier barrier_id(%barrier3A_7)
    %mul3A_8 = arith.constant 25000 : i32
    %mul3A_9 = arith.muli %arg0, %mul3A_8 : i32
    %mul3A_10 = arith.constant 1560 : i32
    %mul3A_11 = arith.muli %arg1, %mul3A_10 : i32
    %add3A = arith.addi %mul3A_9, %mul3A_11 : i32
    "tpu.region"() ({
      %run_scoped3A = tpu.sem_alloc : memref<!tpu.dma_semaphore, #tpu.memory_space<semaphore_mem>>
      %dma_start3A = arith.constant 0 : i32
      %dma_start3A_14 = tpu.memref_slice %arg6[%add3A, %dma_start3A] : memref<50000x64xf32, #tpu.memory_space<hbm>> -> memref<1560x64xf32, #tpu.memory_space<hbm>>
      %dma_start3A_15 = arith.constant 0 : i32
      %dma_start3A_16 = tpu.memref_slice %arg11[%mul3A_11, %dma_start3A_15] : memref<25600x64xf32, #tpu.memory_space<vmem_shared>> -> memref<1560x64xf32, #tpu.memory_space<vmem_shared>>
      tpu.enqueue_dma source(%dma_start3A_16 : memref<1560x64xf32, #tpu.memory_space<vmem_shared>>) target(%dma_start3A_14 : memref<1560x64xf32, #tpu.memory_space<hbm>>) target_semaphore(%run_scoped3A : memref<!tpu.dma_semaphore, #tpu.memory_space<semaphore_mem>>)
      %dma_wait3A = arith.constant 0 : i32
      %dma_wait3A_17 = tpu.memref_slice %arg6[%add3A, %dma_wait3A] : memref<50000x64xf32, #tpu.memory_space<hbm>> -> memref<1560x64xf32, #tpu.memory_space<hbm>>
      %dma_wait3A_18 = arith.constant 0 : i32
      %dma_wait3A_19 = tpu.memref_slice %arg11[%mul3A_11, %dma_wait3A_18] : memref<25600x64xf32, #tpu.memory_space<vmem_shared>> -> memref<1560x64xf32, #tpu.memory_space<vmem_shared>>
      tpu.wait_dma2 semaphore(%run_scoped3A : memref<!tpu.dma_semaphore, #tpu.memory_space<semaphore_mem>>) src(%dma_wait3A_19 : memref<1560x64xf32, #tpu.memory_space<vmem_shared>>) dst(%dma_wait3A_17 : memref<1560x64xf32, #tpu.memory_space<hbm>>)
      tpu.yield
    }) : () -> ()
    %eq3A = arith.constant 0 : i32
    %eq3A_12 = arith.cmpi eq, %arg1, %eq3A : i32
    %convert_element_type3A = arith.extui %eq3A_12 : i1 to i32
    %cond3A = arith.constant 0 : i32
    %cond3A_13 = arith.cmpi ne, %convert_element_type3A, %cond3A : i32
    scf.if %cond3A_13 {
      %add3A_14 = arith.constant 24960 : i32
      %add3A_15 = arith.addi %mul3A_9, %add3A_14 : i32
      "tpu.region"() ({
        %run_scoped3A = tpu.sem_alloc : memref<!tpu.dma_semaphore, #tpu.memory_space<semaphore_mem>>
        %dma_start3A = arith.constant 0 : i32
        %dma_start3A_16 = tpu.memref_slice %arg6[%add3A_15, %dma_start3A] : memref<50000x64xf32, #tpu.memory_space<hbm>> -> memref<40x64xf32, #tpu.memory_space<hbm>>
        %dma_start3A_17 = arith.constant 24960 : i32
        %dma_start3A_18 = arith.constant 0 : i32
        %dma_start3A_19 = tpu.memref_slice %arg11[%dma_start3A_17, %dma_start3A_18] : memref<25600x64xf32, #tpu.memory_space<vmem_shared>> -> memref<40x64xf32, #tpu.memory_space<vmem_shared>>
        tpu.enqueue_dma source(%dma_start3A_19 : memref<40x64xf32, #tpu.memory_space<vmem_shared>>) target(%dma_start3A_16 : memref<40x64xf32, #tpu.memory_space<hbm>>) target_semaphore(%run_scoped3A : memref<!tpu.dma_semaphore, #tpu.memory_space<semaphore_mem>>)
        %dma_wait3A = arith.constant 0 : i32
        %dma_wait3A_20 = tpu.memref_slice %arg6[%add3A_15, %dma_wait3A] : memref<50000x64xf32, #tpu.memory_space<hbm>> -> memref<40x64xf32, #tpu.memory_space<hbm>>
        %dma_wait3A_21 = arith.constant 24960 : i32
        %dma_wait3A_22 = arith.constant 0 : i32
        %dma_wait3A_23 = tpu.memref_slice %arg11[%dma_wait3A_21, %dma_wait3A_22] : memref<25600x64xf32, #tpu.memory_space<vmem_shared>> -> memref<40x64xf32, #tpu.memory_space<vmem_shared>>
        tpu.wait_dma2 semaphore(%run_scoped3A : memref<!tpu.dma_semaphore, #tpu.memory_space<semaphore_mem>>) src(%dma_wait3A_23 : memref<40x64xf32, #tpu.memory_space<vmem_shared>>) dst(%dma_wait3A_20 : memref<40x64xf32, #tpu.memory_space<hbm>>)
        tpu.yield
      }) : () -> ()
    } else {
    }
    return
  }
}

#map = affine_map<(d0, d1) -> (0, 0)>
#map1 = affine_map<(d0, d1) -> (0, 0, 0)>
#map2 = affine_map<(d0, d1) -> (0, 0, 0, 0)>
module attributes {stable_mosaic.version = 14 : i64} {
  func.func @_segsum_body(%arg0: i32, %arg1: i32, %arg2: memref<50000x64xf32, #tpu.memory_space<hbm>>, %arg3: memref<16x392x128xi32, #tpu.memory_space<hbm>>, %arg4: memref<2x16x392x128xi32, #tpu.memory_space<hbm>>, %arg5: memref<25600x64xf32, #tpu.memory_space<hbm>>, %arg6: memref<50000x64xf32, #tpu.memory_space<hbm>>, %arg7: memref<28x128xi32, #tpu.memory_space<vmem>>, %arg8: memref<28x128xi32, #tpu.memory_space<vmem>>, %arg9: memref<128x64xf32, #tpu.memory_space<vmem>>, %arg10: memref<128x64xf32, #tpu.memory_space<vmem>>, %arg11: memref<25600x64xf32, #tpu.memory_space<vmem_shared>>, %arg12: memref<!tpu.dma_semaphore, #tpu.memory_space<semaphore_mem>>, %arg13: memref<!tpu.dma_semaphore, #tpu.memory_space<semaphore_mem>>) attributes {dimension_semantics = [#tpu.dimension_semantics<core_parallel>, #tpu.dimension_semantics<subcore_parallel>], iteration_bounds = array<i64: 2, 16>, scalar_prefetch = 0 : i64, scratch_operands = 7 : i64, tpu.core_type = #tpu.core_type<sc_vector_subcore>, window_params = [{transform_indices = #map}, {transform_indices = #map1}, {transform_indices = #map2}, {transform_indices = #map}, {transform_indices = #map}]} {
    %mul3A = arith.constant 1600 : i32
    %mul3A_0 = arith.muli %arg1, %mul3A : i32
    "tpu.region"() ({
      %run_scoped3A = tpu.sem_alloc : memref<!tpu.dma_semaphore, #tpu.memory_space<semaphore_mem>>
      %dma_start3A = arith.constant 0 : i32
      %dma_start3A_14 = tpu.memref_slice %arg11[%mul3A_0, %dma_start3A] : memref<25600x64xf32, #tpu.memory_space<vmem_shared>> -> memref<1600x64xf32, #tpu.memory_space<vmem_shared>>
      %dma_start3A_15 = arith.constant 0 : i32
      %dma_start3A_16 = tpu.memref_slice %arg5[%mul3A_0, %dma_start3A_15] : memref<25600x64xf32, #tpu.memory_space<hbm>> -> memref<1600x64xf32, #tpu.memory_space<hbm>>
      tpu.enqueue_dma source(%dma_start3A_16 : memref<1600x64xf32, #tpu.memory_space<hbm>>) target(%dma_start3A_14 : memref<1600x64xf32, #tpu.memory_space<vmem_shared>>) target_semaphore(%run_scoped3A : memref<!tpu.dma_semaphore, #tpu.memory_space<semaphore_mem>>)
      %dma_wait3A = arith.constant 0 : i32
      %dma_wait3A_17 = tpu.memref_slice %arg11[%mul3A_0, %dma_wait3A] : memref<25600x64xf32, #tpu.memory_space<vmem_shared>> -> memref<1600x64xf32, #tpu.memory_space<vmem_shared>>
      %dma_wait3A_18 = arith.constant 0 : i32
      %dma_wait3A_19 = tpu.memref_slice %arg5[%mul3A_0, %dma_wait3A_18] : memref<25600x64xf32, #tpu.memory_space<hbm>> -> memref<1600x64xf32, #tpu.memory_space<hbm>>
      tpu.wait_dma2 semaphore(%run_scoped3A : memref<!tpu.dma_semaphore, #tpu.memory_space<semaphore_mem>>) src(%dma_wait3A_19 : memref<1600x64xf32, #tpu.memory_space<hbm>>) dst(%dma_wait3A_17 : memref<1600x64xf32, #tpu.memory_space<vmem_shared>>)
      tpu.yield
    }) : () -> ()
    %barrier3A = arith.constant 0 : index
    tpu.barrier barrier_id(%barrier3A)
    %scan3A = arith.constant 0 : i32
    %scan3A_1 = arith.constant 0 : i32
    %scan3A_2 = arith.constant 14 : i32
    %scan3A_3 = arith.addi %scan3A_1, %scan3A_2 : i32
    %scan3A_4 = arith.constant 1 : i32
    %scan3A_5 = scf.for %scan3A_14 = %scan3A_1 to %scan3A_3 step %scan3A_4 iter_args(%scan3A_15 = %scan3A) -> (i32)  : i32 {
      %mul3A_16 = arith.constant 28 : i32
      %mul3A_17 = arith.muli %scan3A_14, %mul3A_16 : i32
      "tpu.region"() ({
        %run_scoped3A = tpu.sem_alloc : memref<!tpu.dma_semaphore, #tpu.memory_space<semaphore_mem>>
        %dma_start3A_41 = arith.constant 0 : i32
        %dma_start3A_42 = tpu.memref_slice %arg3[%arg1, %mul3A_17, %dma_start3A_41] : memref<16x392x128xi32, #tpu.memory_space<hbm>> -> memref<1x28x128xi32, #tpu.memory_space<hbm>>
        %dma_start3A_43 = tpu.memref_squeeze %dma_start3A_42 : memref<1x28x128xi32, #tpu.memory_space<hbm>> -> memref<28x128xi32, #tpu.memory_space<hbm>>
        %dma_start3A_44 = arith.constant 0 : i32
        %dma_start3A_45 = tpu.memref_slice %arg3[%arg1, %mul3A_17, %dma_start3A_44] : memref<16x392x128xi32, #tpu.memory_space<hbm>> -> memref<1x28x128xi32, #tpu.memory_space<hbm>>
        %dma_start3A_46 = tpu.memref_squeeze %dma_start3A_45 : memref<1x28x128xi32, #tpu.memory_space<hbm>> -> memref<28x128xi32, #tpu.memory_space<hbm>>
        tpu.enqueue_dma source(%dma_start3A_46 : memref<28x128xi32, #tpu.memory_space<hbm>>) target(%arg7 : memref<28x128xi32, #tpu.memory_space<vmem>>) target_semaphore(%run_scoped3A : memref<!tpu.dma_semaphore, #tpu.memory_space<semaphore_mem>>)
        %dma_wait3A = arith.constant 0 : i32
        %dma_wait3A_47 = tpu.memref_slice %arg3[%arg1, %mul3A_17, %dma_wait3A] : memref<16x392x128xi32, #tpu.memory_space<hbm>> -> memref<1x28x128xi32, #tpu.memory_space<hbm>>
        %dma_wait3A_48 = tpu.memref_squeeze %dma_wait3A_47 : memref<1x28x128xi32, #tpu.memory_space<hbm>> -> memref<28x128xi32, #tpu.memory_space<hbm>>
        %dma_wait3A_49 = arith.constant 0 : i32
        %dma_wait3A_50 = tpu.memref_slice %arg3[%arg1, %mul3A_17, %dma_wait3A_49] : memref<16x392x128xi32, #tpu.memory_space<hbm>> -> memref<1x28x128xi32, #tpu.memory_space<hbm>>
        %dma_wait3A_51 = tpu.memref_squeeze %dma_wait3A_50 : memref<1x28x128xi32, #tpu.memory_space<hbm>> -> memref<28x128xi32, #tpu.memory_space<hbm>>
        tpu.wait_dma2 semaphore(%run_scoped3A : memref<!tpu.dma_semaphore, #tpu.memory_space<semaphore_mem>>) src(%dma_wait3A_51 : memref<28x128xi32, #tpu.memory_space<hbm>>) dst(%arg7 : memref<28x128xi32, #tpu.memory_space<vmem>>)
        tpu.yield
      }) : () -> ()
      %mul3A_18 = arith.constant 28 : i32
      %mul3A_19 = arith.muli %scan3A_14, %mul3A_18 : i32
      "tpu.region"() ({
        %run_scoped3A = tpu.sem_alloc : memref<!tpu.dma_semaphore, #tpu.memory_space<semaphore_mem>>
        %dma_start3A_41 = arith.constant 0 : i32
        %dma_start3A_42 = tpu.memref_slice %arg4[%arg0, %arg1, %mul3A_19, %dma_start3A_41] : memref<2x16x392x128xi32, #tpu.memory_space<hbm>> -> memref<1x1x28x128xi32, #tpu.memory_space<hbm>>
        %dma_start3A_43 = tpu.memref_squeeze %dma_start3A_42 : memref<1x1x28x128xi32, #tpu.memory_space<hbm>> -> memref<28x128xi32, #tpu.memory_space<hbm>>
        %dma_start3A_44 = arith.constant 0 : i32
        %dma_start3A_45 = tpu.memref_slice %arg4[%arg0, %arg1, %mul3A_19, %dma_start3A_44] : memref<2x16x392x128xi32, #tpu.memory_space<hbm>> -> memref<1x1x28x128xi32, #tpu.memory_space<hbm>>
        %dma_start3A_46 = tpu.memref_squeeze %dma_start3A_45 : memref<1x1x28x128xi32, #tpu.memory_space<hbm>> -> memref<28x128xi32, #tpu.memory_space<hbm>>
        tpu.enqueue_dma source(%dma_start3A_46 : memref<28x128xi32, #tpu.memory_space<hbm>>) target(%arg8 : memref<28x128xi32, #tpu.memory_space<vmem>>) target_semaphore(%run_scoped3A : memref<!tpu.dma_semaphore, #tpu.memory_space<semaphore_mem>>)
        %dma_wait3A = arith.constant 0 : i32
        %dma_wait3A_47 = tpu.memref_slice %arg4[%arg0, %arg1, %mul3A_19, %dma_wait3A] : memref<2x16x392x128xi32, #tpu.memory_space<hbm>> -> memref<1x1x28x128xi32, #tpu.memory_space<hbm>>
        %dma_wait3A_48 = tpu.memref_squeeze %dma_wait3A_47 : memref<1x1x28x128xi32, #tpu.memory_space<hbm>> -> memref<28x128xi32, #tpu.memory_space<hbm>>
        %dma_wait3A_49 = arith.constant 0 : i32
        %dma_wait3A_50 = tpu.memref_slice %arg4[%arg0, %arg1, %mul3A_19, %dma_wait3A_49] : memref<2x16x392x128xi32, #tpu.memory_space<hbm>> -> memref<1x1x28x128xi32, #tpu.memory_space<hbm>>
        %dma_wait3A_51 = tpu.memref_squeeze %dma_wait3A_50 : memref<1x1x28x128xi32, #tpu.memory_space<hbm>> -> memref<28x128xi32, #tpu.memory_space<hbm>>
        tpu.wait_dma2 semaphore(%run_scoped3A : memref<!tpu.dma_semaphore, #tpu.memory_space<semaphore_mem>>) src(%dma_wait3A_51 : memref<28x128xi32, #tpu.memory_space<hbm>>) dst(%arg8 : memref<28x128xi32, #tpu.memory_space<vmem>>)
        tpu.yield
      }) : () -> ()
      %dma_start3A = arith.constant 0 : i32
      %dma_start3A_20 = arith.constant 0 : i32
      %dma_start3A_21 = tpu.memref_slice %arg7[%dma_start3A, %dma_start3A_20] : memref<28x128xi32, #tpu.memory_space<vmem>> -> memref<1x128xi32, #tpu.memory_space<vmem>>
      %dma_start3A_22 = tpu.memref_squeeze %dma_start3A_21 : memref<1x128xi32, #tpu.memory_space<vmem>> -> memref<128xi32, #tpu.memory_space<vmem>>
      %dma_start3A_23 = arith.constant 0 : i32
      %dma_start3A_24 = arith.constant 0 : i32
      %dma_start3A_25 = tpu.memref_slice %arg2[%dma_start3A_23, %dma_start3A_24] : memref<50000x64xf32, #tpu.memory_space<hbm>> -> memref<50000x64xf32, #tpu.memory_space<hbm>>
      tpu.enqueue_indirect_dma source(%dma_start3A_25 : memref<50000x64xf32, #tpu.memory_space<hbm>>) target(%arg9 : memref<128x64xf32, #tpu.memory_space<vmem>>) offsets(%dma_start3A_22 : memref<128xi32, #tpu.memory_space<vmem>>) semaphore(%arg12 : memref<!tpu.dma_semaphore, #tpu.memory_space<semaphore_mem>>)
      %dma_start3A_26 = arith.constant 1 : i32
      %dma_start3A_27 = arith.constant 0 : i32
      %dma_start3A_28 = tpu.memref_slice %arg7[%dma_start3A_26, %dma_start3A_27] : memref<28x128xi32, #tpu.memory_space<vmem>> -> memref<1x128xi32, #tpu.memory_space<vmem>>
      %dma_start3A_29 = tpu.memref_squeeze %dma_start3A_28 : memref<1x128xi32, #tpu.memory_space<vmem>> -> memref<128xi32, #tpu.memory_space<vmem>>
      %dma_start3A_30 = arith.constant 0 : i32
      %dma_start3A_31 = arith.constant 0 : i32
      %dma_start3A_32 = tpu.memref_slice %arg2[%dma_start3A_30, %dma_start3A_31] : memref<50000x64xf32, #tpu.memory_space<hbm>> -> memref<50000x64xf32, #tpu.memory_space<hbm>>
      tpu.enqueue_indirect_dma source(%dma_start3A_32 : memref<50000x64xf32, #tpu.memory_space<hbm>>) target(%arg10 : memref<128x64xf32, #tpu.memory_space<vmem>>) offsets(%dma_start3A_29 : memref<128xi32, #tpu.memory_space<vmem>>) semaphore(%arg13 : memref<!tpu.dma_semaphore, #tpu.memory_space<semaphore_mem>>)
      %scan3A_33 = arith.constant 0 : i32
      %scan3A_34 = arith.constant 0 : i32
      %scan3A_35 = arith.constant 14 : i32
      %scan3A_36 = arith.addi %scan3A_34, %scan3A_35 : i32
      %scan3A_37 = arith.constant 1 : i32
      %scan3A_38 = scf.for %scan3A_41 = %scan3A_34 to %scan3A_36 step %scan3A_37 iter_args(%scan3A_42 = %scan3A_33) -> (i32)  : i32 {
        %mul3A_43 = arith.constant 2 : i32
        %mul3A_44 = arith.muli %mul3A_43, %scan3A_41 : i32
        %dma_wait3A = arith.constant 0 : i32
        %dma_wait3A_45 = tpu.memref_slice %arg7[%mul3A_44, %dma_wait3A] : memref<28x128xi32, #tpu.memory_space<vmem>> -> memref<1x128xi32, #tpu.memory_space<vmem>>
        %dma_wait3A_46 = tpu.memref_squeeze %dma_wait3A_45 : memref<1x128xi32, #tpu.memory_space<vmem>> -> memref<128xi32, #tpu.memory_space<vmem>>
        %dma_wait3A_47 = arith.constant 0 : i32
        %dma_wait3A_48 = arith.constant 0 : i32
        %dma_wait3A_49 = tpu.memref_slice %arg2[%dma_wait3A_47, %dma_wait3A_48] : memref<50000x64xf32, #tpu.memory_space<hbm>> -> memref<50000x64xf32, #tpu.memory_space<hbm>>
        tpu.wait_indirect_dma semaphore(%arg12 : memref<!tpu.dma_semaphore, #tpu.memory_space<semaphore_mem>>) src(%dma_wait3A_49 : memref<50000x64xf32, #tpu.memory_space<hbm>>) dst(%arg9 : memref<128x64xf32, #tpu.memory_space<vmem>>)
        "tpu.region"() ({
          %run_scoped3A = tpu.sem_alloc : memref<!tpu.dma_semaphore, #tpu.memory_space<semaphore_mem>>
          %dma_start3A_74 = arith.constant 0 : i32
          %dma_start3A_75 = tpu.memref_slice %arg8[%mul3A_44, %dma_start3A_74] : memref<28x128xi32, #tpu.memory_space<vmem>> -> memref<1x128xi32, #tpu.memory_space<vmem>>
          %dma_start3A_76 = tpu.memref_squeeze %dma_start3A_75 : memref<1x128xi32, #tpu.memory_space<vmem>> -> memref<128xi32, #tpu.memory_space<vmem>>
          %dma_start3A_77 = arith.constant 0 : i32
          %dma_start3A_78 = arith.constant 0 : i32
          %dma_start3A_79 = tpu.memref_slice %arg11[%dma_start3A_77, %dma_start3A_78] : memref<25600x64xf32, #tpu.memory_space<vmem_shared>> -> memref<25600x64xf32, #tpu.memory_space<vmem_shared>>
          tpu.enqueue_indirect_dma source(%arg9 : memref<128x64xf32, #tpu.memory_space<vmem>>) target(%dma_start3A_79 : memref<25600x64xf32, #tpu.memory_space<vmem_shared>>) offsets(%dma_start3A_76 : memref<128xi32, #tpu.memory_space<vmem>>) semaphore(%run_scoped3A : memref<!tpu.dma_semaphore, #tpu.memory_space<semaphore_mem>>) {add = true}
          %dma_wait3A_80 = arith.constant 0 : i32
          %dma_wait3A_81 = tpu.memref_slice %arg8[%mul3A_44, %dma_wait3A_80] : memref<28x128xi32, #tpu.memory_space<vmem>> -> memref<1x128xi32, #tpu.memory_space<vmem>>
          %dma_wait3A_82 = tpu.memref_squeeze %dma_wait3A_81 : memref<1x128xi32, #tpu.memory_space<vmem>> -> memref<128xi32, #tpu.memory_space<vmem>>
          %dma_wait3A_83 = arith.constant 0 : i32
          %dma_wait3A_84 = arith.constant 0 : i32
          %dma_wait3A_85 = tpu.memref_slice %arg11[%dma_wait3A_83, %dma_wait3A_84] : memref<25600x64xf32, #tpu.memory_space<vmem_shared>> -> memref<25600x64xf32, #tpu.memory_space<vmem_shared>>
          tpu.wait_indirect_dma semaphore(%run_scoped3A : memref<!tpu.dma_semaphore, #tpu.memory_space<semaphore_mem>>) src(%arg9 : memref<128x64xf32, #tpu.memory_space<vmem>>) dst(%dma_wait3A_85 : memref<25600x64xf32, #tpu.memory_space<vmem_shared>>)
          tpu.yield
        }) : () -> ()
        %add3A_50 = arith.constant 2 : i32
        %add3A_51 = arith.addi %mul3A_44, %add3A_50 : i32
        %lt3A = arith.constant 28 : i32
        %lt3A_52 = arith.cmpi slt, %add3A_51, %lt3A : i32
        %convert_element_type3A_53 = arith.extui %lt3A_52 : i1 to i32
        %cond3A_54 = arith.constant 0 : i32
        %cond3A_55 = arith.cmpi ne, %convert_element_type3A_53, %cond3A_54 : i32
        scf.if %cond3A_55 {
          %add3A_74 = arith.constant 2 : i32
          %add3A_75 = arith.addi %mul3A_44, %add3A_74 : i32
          %dma_start3A_76 = arith.constant 0 : i32
          %dma_start3A_77 = tpu.memref_slice %arg7[%add3A_75, %dma_start3A_76] : memref<28x128xi32, #tpu.memory_space<vmem>> -> memref<1x128xi32, #tpu.memory_space<vmem>>
          %dma_start3A_78 = tpu.memref_squeeze %dma_start3A_77 : memref<1x128xi32, #tpu.memory_space<vmem>> -> memref<128xi32, #tpu.memory_space<vmem>>
          %dma_start3A_79 = arith.constant 0 : i32
          %dma_start3A_80 = arith.constant 0 : i32
          %dma_start3A_81 = tpu.memref_slice %arg2[%dma_start3A_79, %dma_start3A_80] : memref<50000x64xf32, #tpu.memory_space<hbm>> -> memref<50000x64xf32, #tpu.memory_space<hbm>>
          tpu.enqueue_indirect_dma source(%dma_start3A_81 : memref<50000x64xf32, #tpu.memory_space<hbm>>) target(%arg9 : memref<128x64xf32, #tpu.memory_space<vmem>>) offsets(%dma_start3A_78 : memref<128xi32, #tpu.memory_space<vmem>>) semaphore(%arg12 : memref<!tpu.dma_semaphore, #tpu.memory_space<semaphore_mem>>)
        } else {
        }
        %add3A_56 = arith.constant 1 : i32
        %add3A_57 = arith.addi %mul3A_44, %add3A_56 : i32
        %dma_wait3A_58 = arith.constant 0 : i32
        %dma_wait3A_59 = tpu.memref_slice %arg7[%add3A_57, %dma_wait3A_58] : memref<28x128xi32, #tpu.memory_space<vmem>> -> memref<1x128xi32, #tpu.memory_space<vmem>>
        %dma_wait3A_60 = tpu.memref_squeeze %dma_wait3A_59 : memref<1x128xi32, #tpu.memory_space<vmem>> -> memref<128xi32, #tpu.memory_space<vmem>>
        %dma_wait3A_61 = arith.constant 0 : i32
        %dma_wait3A_62 = arith.constant 0 : i32
        %dma_wait3A_63 = tpu.memref_slice %arg2[%dma_wait3A_61, %dma_wait3A_62] : memref<50000x64xf32, #tpu.memory_space<hbm>> -> memref<50000x64xf32, #tpu.memory_space<hbm>>
        tpu.wait_indirect_dma semaphore(%arg13 : memref<!tpu.dma_semaphore, #tpu.memory_space<semaphore_mem>>) src(%dma_wait3A_63 : memref<50000x64xf32, #tpu.memory_space<hbm>>) dst(%arg10 : memref<128x64xf32, #tpu.memory_space<vmem>>)
        %add3A_64 = arith.constant 1 : i32
        %add3A_65 = arith.addi %mul3A_44, %add3A_64 : i32
        "tpu.region"() ({
          %run_scoped3A = tpu.sem_alloc : memref<!tpu.dma_semaphore, #tpu.memory_space<semaphore_mem>>
          %dma_start3A_74 = arith.constant 0 : i32
          %dma_start3A_75 = tpu.memref_slice %arg8[%add3A_65, %dma_start3A_74] : memref<28x128xi32, #tpu.memory_space<vmem>> -> memref<1x128xi32, #tpu.memory_space<vmem>>
          %dma_start3A_76 = tpu.memref_squeeze %dma_start3A_75 : memref<1x128xi32, #tpu.memory_space<vmem>> -> memref<128xi32, #tpu.memory_space<vmem>>
          %dma_start3A_77 = arith.constant 0 : i32
          %dma_start3A_78 = arith.constant 0 : i32
          %dma_start3A_79 = tpu.memref_slice %arg11[%dma_start3A_77, %dma_start3A_78] : memref<25600x64xf32, #tpu.memory_space<vmem_shared>> -> memref<25600x64xf32, #tpu.memory_space<vmem_shared>>
          tpu.enqueue_indirect_dma source(%arg10 : memref<128x64xf32, #tpu.memory_space<vmem>>) target(%dma_start3A_79 : memref<25600x64xf32, #tpu.memory_space<vmem_shared>>) offsets(%dma_start3A_76 : memref<128xi32, #tpu.memory_space<vmem>>) semaphore(%run_scoped3A : memref<!tpu.dma_semaphore, #tpu.memory_space<semaphore_mem>>) {add = true}
          %dma_wait3A_80 = arith.constant 0 : i32
          %dma_wait3A_81 = tpu.memref_slice %arg8[%add3A_65, %dma_wait3A_80] : memref<28x128xi32, #tpu.memory_space<vmem>> -> memref<1x128xi32, #tpu.memory_space<vmem>>
          %dma_wait3A_82 = tpu.memref_squeeze %dma_wait3A_81 : memref<1x128xi32, #tpu.memory_space<vmem>> -> memref<128xi32, #tpu.memory_space<vmem>>
          %dma_wait3A_83 = arith.constant 0 : i32
          %dma_wait3A_84 = arith.constant 0 : i32
          %dma_wait3A_85 = tpu.memref_slice %arg11[%dma_wait3A_83, %dma_wait3A_84] : memref<25600x64xf32, #tpu.memory_space<vmem_shared>> -> memref<25600x64xf32, #tpu.memory_space<vmem_shared>>
          tpu.wait_indirect_dma semaphore(%run_scoped3A : memref<!tpu.dma_semaphore, #tpu.memory_space<semaphore_mem>>) src(%arg10 : memref<128x64xf32, #tpu.memory_space<vmem>>) dst(%dma_wait3A_85 : memref<25600x64xf32, #tpu.memory_space<vmem_shared>>)
          tpu.yield
        }) : () -> ()
        %add3A_66 = arith.constant 3 : i32
        %add3A_67 = arith.addi %mul3A_44, %add3A_66 : i32
        %lt3A_68 = arith.constant 28 : i32
        %lt3A_69 = arith.cmpi slt, %add3A_67, %lt3A_68 : i32
        %convert_element_type3A_70 = arith.extui %lt3A_69 : i1 to i32
        %cond3A_71 = arith.constant 0 : i32
        %cond3A_72 = arith.cmpi ne, %convert_element_type3A_70, %cond3A_71 : i32
        scf.if %cond3A_72 {
          %add3A_74 = arith.constant 3 : i32
          %add3A_75 = arith.addi %mul3A_44, %add3A_74 : i32
          %dma_start3A_76 = arith.constant 0 : i32
          %dma_start3A_77 = tpu.memref_slice %arg7[%add3A_75, %dma_start3A_76] : memref<28x128xi32, #tpu.memory_space<vmem>> -> memref<1x128xi32, #tpu.memory_space<vmem>>
          %dma_start3A_78 = tpu.memref_squeeze %dma_start3A_77 : memref<1x128xi32, #tpu.memory_space<vmem>> -> memref<128xi32, #tpu.memory_space<vmem>>
          %dma_start3A_79 = arith.constant 0 : i32
          %dma_start3A_80 = arith.constant 0 : i32
          %dma_start3A_81 = tpu.memref_slice %arg2[%dma_start3A_79, %dma_start3A_80] : memref<50000x64xf32, #tpu.memory_space<hbm>> -> memref<50000x64xf32, #tpu.memory_space<hbm>>
          tpu.enqueue_indirect_dma source(%dma_start3A_81 : memref<50000x64xf32, #tpu.memory_space<hbm>>) target(%arg10 : memref<128x64xf32, #tpu.memory_space<vmem>>) offsets(%dma_start3A_78 : memref<128xi32, #tpu.memory_space<vmem>>) semaphore(%arg13 : memref<!tpu.dma_semaphore, #tpu.memory_space<semaphore_mem>>)
        } else {
        }
        %scan3A_73 = arith.constant 0 : i32
        scf.yield %scan3A_73 : i32
      }
      %scan3A_39 = arith.constant 14 : i32
      %scan3A_40 = arith.constant 0 : i32
      scf.yield %scan3A_40 : i32
    }
    %scan3A_6 = arith.constant 14 : i32
    %barrier3A_7 = arith.constant 0 : index
    tpu.barrier barrier_id(%barrier3A_7)
    %mul3A_8 = arith.constant 25000 : i32
    %mul3A_9 = arith.muli %arg0, %mul3A_8 : i32
    %mul3A_10 = arith.constant 1560 : i32
    %mul3A_11 = arith.muli %arg1, %mul3A_10 : i32
    %add3A = arith.addi %mul3A_9, %mul3A_11 : i32
    "tpu.region"() ({
      %run_scoped3A = tpu.sem_alloc : memref<!tpu.dma_semaphore, #tpu.memory_space<semaphore_mem>>
      %dma_start3A = arith.constant 0 : i32
      %dma_start3A_14 = tpu.memref_slice %arg6[%add3A, %dma_start3A] : memref<50000x64xf32, #tpu.memory_space<hbm>> -> memref<1560x64xf32, #tpu.memory_space<hbm>>
      %dma_start3A_15 = arith.constant 0 : i32
      %dma_start3A_16 = tpu.memref_slice %arg11[%mul3A_11, %dma_start3A_15] : memref<25600x64xf32, #tpu.memory_space<vmem_shared>> -> memref<1560x64xf32, #tpu.memory_space<vmem_shared>>
      tpu.enqueue_dma source(%dma_start3A_16 : memref<1560x64xf32, #tpu.memory_space<vmem_shared>>) target(%dma_start3A_14 : memref<1560x64xf32, #tpu.memory_space<hbm>>) target_semaphore(%run_scoped3A : memref<!tpu.dma_semaphore, #tpu.memory_space<semaphore_mem>>)
      %dma_wait3A = arith.constant 0 : i32
      %dma_wait3A_17 = tpu.memref_slice %arg6[%add3A, %dma_wait3A] : memref<50000x64xf32, #tpu.memory_space<hbm>> -> memref<1560x64xf32, #tpu.memory_space<hbm>>
      %dma_wait3A_18 = arith.constant 0 : i32
      %dma_wait3A_19 = tpu.memref_slice %arg11[%mul3A_11, %dma_wait3A_18] : memref<25600x64xf32, #tpu.memory_space<vmem_shared>> -> memref<1560x64xf32, #tpu.memory_space<vmem_shared>>
      tpu.wait_dma2 semaphore(%run_scoped3A : memref<!tpu.dma_semaphore, #tpu.memory_space<semaphore_mem>>) src(%dma_wait3A_19 : memref<1560x64xf32, #tpu.memory_space<vmem_shared>>) dst(%dma_wait3A_17 : memref<1560x64xf32, #tpu.memory_space<hbm>>)
      tpu.yield
    }) : () -> ()
    %eq3A = arith.constant 0 : i32
    %eq3A_12 = arith.cmpi eq, %arg1, %eq3A : i32
    %convert_element_type3A = arith.extui %eq3A_12 : i1 to i32
    %cond3A = arith.constant 0 : i32
    %cond3A_13 = arith.cmpi ne, %convert_element_type3A, %cond3A : i32
    scf.if %cond3A_13 {
      %add3A_14 = arith.constant 24960 : i32
      %add3A_15 = arith.addi %mul3A_9, %add3A_14 : i32
      "tpu.region"() ({
        %run_scoped3A = tpu.sem_alloc : memref<!tpu.dma_semaphore, #tpu.memory_space<semaphore_mem>>
        %dma_start3A = arith.constant 0 : i32
        %dma_start3A_16 = tpu.memref_slice %arg6[%add3A_15, %dma_start3A] : memref<50000x64xf32, #tpu.memory_space<hbm>> -> memref<40x64xf32, #tpu.memory_space<hbm>>
        %dma_start3A_17 = arith.constant 24960 : i32
        %dma_start3A_18 = arith.constant 0 : i32
        %dma_start3A_19 = tpu.memref_slice %arg11[%dma_start3A_17, %dma_start3A_18] : memref<25600x64xf32, #tpu.memory_space<vmem_shared>> -> memref<40x64xf32, #tpu.memory_space<vmem_shared>>
        tpu.enqueue_dma source(%dma_start3A_19 : memref<40x64xf32, #tpu.memory_space<vmem_shared>>) target(%dma_start3A_16 : memref<40x64xf32, #tpu.memory_space<hbm>>) target_semaphore(%run_scoped3A : memref<!tpu.dma_semaphore, #tpu.memory_space<semaphore_mem>>)
        %dma_wait3A = arith.constant 0 : i32
        %dma_wait3A_20 = tpu.memref_slice %arg6[%add3A_15, %dma_wait3A] : memref<50000x64xf32, #tpu.memory_space<hbm>> -> memref<40x64xf32, #tpu.memory_space<hbm>>
        %dma_wait3A_21 = arith.constant 24960 : i32
        %dma_wait3A_22 = arith.constant 0 : i32
        %dma_wait3A_23 = tpu.memref_slice %arg11[%dma_wait3A_21, %dma_wait3A_22] : memref<25600x64xf32, #tpu.memory_space<vmem_shared>> -> memref<40x64xf32, #tpu.memory_space<vmem_shared>>
        tpu.wait_dma2 semaphore(%run_scoped3A : memref<!tpu.dma_semaphore, #tpu.memory_space<semaphore_mem>>) src(%dma_wait3A_23 : memref<40x64xf32, #tpu.memory_space<vmem_shared>>) dst(%dma_wait3A_20 : memref<40x64xf32, #tpu.memory_space<hbm>>)
        tpu.yield
      }) : () -> ()
    } else {
    }
    return
  }
}

#map = affine_map<(d0, d1) -> (0, 0)>
#map1 = affine_map<(d0, d1) -> (0, 0, 0)>
#map2 = affine_map<(d0, d1) -> (0, 0, 0, 0)>
module attributes {stable_mosaic.version = 14 : i64} {
  func.func @_segsum_body(%arg0: i32, %arg1: i32, %arg2: memref<50000x64xf32, #tpu.memory_space<hbm>>, %arg3: memref<16x392x128xi32, #tpu.memory_space<hbm>>, %arg4: memref<2x16x392x128xi32, #tpu.memory_space<hbm>>, %arg5: memref<25600x64xf32, #tpu.memory_space<hbm>>, %arg6: memref<50000x64xf32, #tpu.memory_space<hbm>>, %arg7: memref<28x128xi32, #tpu.memory_space<vmem>>, %arg8: memref<28x128xi32, #tpu.memory_space<vmem>>, %arg9: memref<128x64xf32, #tpu.memory_space<vmem>>, %arg10: memref<128x64xf32, #tpu.memory_space<vmem>>, %arg11: memref<25600x64xf32, #tpu.memory_space<vmem_shared>>, %arg12: memref<!tpu.dma_semaphore, #tpu.memory_space<semaphore_mem>>, %arg13: memref<!tpu.dma_semaphore, #tpu.memory_space<semaphore_mem>>) attributes {dimension_semantics = [#tpu.dimension_semantics<core_parallel>, #tpu.dimension_semantics<subcore_parallel>], iteration_bounds = array<i64: 2, 16>, scalar_prefetch = 0 : i64, scratch_operands = 7 : i64, tpu.core_type = #tpu.core_type<sc_vector_subcore>, window_params = [{transform_indices = #map}, {transform_indices = #map1}, {transform_indices = #map2}, {transform_indices = #map}, {transform_indices = #map}]} {
    %mul3A = arith.constant 1600 : i32
    %mul3A_0 = arith.muli %arg1, %mul3A : i32
    "tpu.region"() ({
      %run_scoped3A = tpu.sem_alloc : memref<!tpu.dma_semaphore, #tpu.memory_space<semaphore_mem>>
      %dma_start3A = arith.constant 0 : i32
      %dma_start3A_14 = tpu.memref_slice %arg11[%mul3A_0, %dma_start3A] : memref<25600x64xf32, #tpu.memory_space<vmem_shared>> -> memref<1600x64xf32, #tpu.memory_space<vmem_shared>>
      %dma_start3A_15 = arith.constant 0 : i32
      %dma_start3A_16 = tpu.memref_slice %arg5[%mul3A_0, %dma_start3A_15] : memref<25600x64xf32, #tpu.memory_space<hbm>> -> memref<1600x64xf32, #tpu.memory_space<hbm>>
      tpu.enqueue_dma source(%dma_start3A_16 : memref<1600x64xf32, #tpu.memory_space<hbm>>) target(%dma_start3A_14 : memref<1600x64xf32, #tpu.memory_space<vmem_shared>>) target_semaphore(%run_scoped3A : memref<!tpu.dma_semaphore, #tpu.memory_space<semaphore_mem>>)
      %dma_wait3A = arith.constant 0 : i32
      %dma_wait3A_17 = tpu.memref_slice %arg11[%mul3A_0, %dma_wait3A] : memref<25600x64xf32, #tpu.memory_space<vmem_shared>> -> memref<1600x64xf32, #tpu.memory_space<vmem_shared>>
      %dma_wait3A_18 = arith.constant 0 : i32
      %dma_wait3A_19 = tpu.memref_slice %arg5[%mul3A_0, %dma_wait3A_18] : memref<25600x64xf32, #tpu.memory_space<hbm>> -> memref<1600x64xf32, #tpu.memory_space<hbm>>
      tpu.wait_dma2 semaphore(%run_scoped3A : memref<!tpu.dma_semaphore, #tpu.memory_space<semaphore_mem>>) src(%dma_wait3A_19 : memref<1600x64xf32, #tpu.memory_space<hbm>>) dst(%dma_wait3A_17 : memref<1600x64xf32, #tpu.memory_space<vmem_shared>>)
      tpu.yield
    }) : () -> ()
    %barrier3A = arith.constant 0 : index
    tpu.barrier barrier_id(%barrier3A)
    %scan3A = arith.constant 0 : i32
    %scan3A_1 = arith.constant 0 : i32
    %scan3A_2 = arith.constant 14 : i32
    %scan3A_3 = arith.addi %scan3A_1, %scan3A_2 : i32
    %scan3A_4 = arith.constant 1 : i32
    %scan3A_5 = scf.for %scan3A_14 = %scan3A_1 to %scan3A_3 step %scan3A_4 iter_args(%scan3A_15 = %scan3A) -> (i32)  : i32 {
      %mul3A_16 = arith.constant 28 : i32
      %mul3A_17 = arith.muli %scan3A_14, %mul3A_16 : i32
      "tpu.region"() ({
        %run_scoped3A = tpu.sem_alloc : memref<!tpu.dma_semaphore, #tpu.memory_space<semaphore_mem>>
        %dma_start3A_41 = arith.constant 0 : i32
        %dma_start3A_42 = tpu.memref_slice %arg3[%arg1, %mul3A_17, %dma_start3A_41] : memref<16x392x128xi32, #tpu.memory_space<hbm>> -> memref<1x28x128xi32, #tpu.memory_space<hbm>>
        %dma_start3A_43 = tpu.memref_squeeze %dma_start3A_42 : memref<1x28x128xi32, #tpu.memory_space<hbm>> -> memref<28x128xi32, #tpu.memory_space<hbm>>
        %dma_start3A_44 = arith.constant 0 : i32
        %dma_start3A_45 = tpu.memref_slice %arg3[%arg1, %mul3A_17, %dma_start3A_44] : memref<16x392x128xi32, #tpu.memory_space<hbm>> -> memref<1x28x128xi32, #tpu.memory_space<hbm>>
        %dma_start3A_46 = tpu.memref_squeeze %dma_start3A_45 : memref<1x28x128xi32, #tpu.memory_space<hbm>> -> memref<28x128xi32, #tpu.memory_space<hbm>>
        tpu.enqueue_dma source(%dma_start3A_46 : memref<28x128xi32, #tpu.memory_space<hbm>>) target(%arg7 : memref<28x128xi32, #tpu.memory_space<vmem>>) target_semaphore(%run_scoped3A : memref<!tpu.dma_semaphore, #tpu.memory_space<semaphore_mem>>)
        %dma_wait3A = arith.constant 0 : i32
        %dma_wait3A_47 = tpu.memref_slice %arg3[%arg1, %mul3A_17, %dma_wait3A] : memref<16x392x128xi32, #tpu.memory_space<hbm>> -> memref<1x28x128xi32, #tpu.memory_space<hbm>>
        %dma_wait3A_48 = tpu.memref_squeeze %dma_wait3A_47 : memref<1x28x128xi32, #tpu.memory_space<hbm>> -> memref<28x128xi32, #tpu.memory_space<hbm>>
        %dma_wait3A_49 = arith.constant 0 : i32
        %dma_wait3A_50 = tpu.memref_slice %arg3[%arg1, %mul3A_17, %dma_wait3A_49] : memref<16x392x128xi32, #tpu.memory_space<hbm>> -> memref<1x28x128xi32, #tpu.memory_space<hbm>>
        %dma_wait3A_51 = tpu.memref_squeeze %dma_wait3A_50 : memref<1x28x128xi32, #tpu.memory_space<hbm>> -> memref<28x128xi32, #tpu.memory_space<hbm>>
        tpu.wait_dma2 semaphore(%run_scoped3A : memref<!tpu.dma_semaphore, #tpu.memory_space<semaphore_mem>>) src(%dma_wait3A_51 : memref<28x128xi32, #tpu.memory_space<hbm>>) dst(%arg7 : memref<28x128xi32, #tpu.memory_space<vmem>>)
        tpu.yield
      }) : () -> ()
      %mul3A_18 = arith.constant 28 : i32
      %mul3A_19 = arith.muli %scan3A_14, %mul3A_18 : i32
      "tpu.region"() ({
        %run_scoped3A = tpu.sem_alloc : memref<!tpu.dma_semaphore, #tpu.memory_space<semaphore_mem>>
        %dma_start3A_41 = arith.constant 0 : i32
        %dma_start3A_42 = tpu.memref_slice %arg4[%arg0, %arg1, %mul3A_19, %dma_start3A_41] : memref<2x16x392x128xi32, #tpu.memory_space<hbm>> -> memref<1x1x28x128xi32, #tpu.memory_space<hbm>>
        %dma_start3A_43 = tpu.memref_squeeze %dma_start3A_42 : memref<1x1x28x128xi32, #tpu.memory_space<hbm>> -> memref<28x128xi32, #tpu.memory_space<hbm>>
        %dma_start3A_44 = arith.constant 0 : i32
        %dma_start3A_45 = tpu.memref_slice %arg4[%arg0, %arg1, %mul3A_19, %dma_start3A_44] : memref<2x16x392x128xi32, #tpu.memory_space<hbm>> -> memref<1x1x28x128xi32, #tpu.memory_space<hbm>>
        %dma_start3A_46 = tpu.memref_squeeze %dma_start3A_45 : memref<1x1x28x128xi32, #tpu.memory_space<hbm>> -> memref<28x128xi32, #tpu.memory_space<hbm>>
        tpu.enqueue_dma source(%dma_start3A_46 : memref<28x128xi32, #tpu.memory_space<hbm>>) target(%arg8 : memref<28x128xi32, #tpu.memory_space<vmem>>) target_semaphore(%run_scoped3A : memref<!tpu.dma_semaphore, #tpu.memory_space<semaphore_mem>>)
        %dma_wait3A = arith.constant 0 : i32
        %dma_wait3A_47 = tpu.memref_slice %arg4[%arg0, %arg1, %mul3A_19, %dma_wait3A] : memref<2x16x392x128xi32, #tpu.memory_space<hbm>> -> memref<1x1x28x128xi32, #tpu.memory_space<hbm>>
        %dma_wait3A_48 = tpu.memref_squeeze %dma_wait3A_47 : memref<1x1x28x128xi32, #tpu.memory_space<hbm>> -> memref<28x128xi32, #tpu.memory_space<hbm>>
        %dma_wait3A_49 = arith.constant 0 : i32
        %dma_wait3A_50 = tpu.memref_slice %arg4[%arg0, %arg1, %mul3A_19, %dma_wait3A_49] : memref<2x16x392x128xi32, #tpu.memory_space<hbm>> -> memref<1x1x28x128xi32, #tpu.memory_space<hbm>>
        %dma_wait3A_51 = tpu.memref_squeeze %dma_wait3A_50 : memref<1x1x28x128xi32, #tpu.memory_space<hbm>> -> memref<28x128xi32, #tpu.memory_space<hbm>>
        tpu.wait_dma2 semaphore(%run_scoped3A : memref<!tpu.dma_semaphore, #tpu.memory_space<semaphore_mem>>) src(%dma_wait3A_51 : memref<28x128xi32, #tpu.memory_space<hbm>>) dst(%arg8 : memref<28x128xi32, #tpu.memory_space<vmem>>)
        tpu.yield
      }) : () -> ()
      %dma_start3A = arith.constant 0 : i32
      %dma_start3A_20 = arith.constant 0 : i32
      %dma_start3A_21 = tpu.memref_slice %arg7[%dma_start3A, %dma_start3A_20] : memref<28x128xi32, #tpu.memory_space<vmem>> -> memref<1x128xi32, #tpu.memory_space<vmem>>
      %dma_start3A_22 = tpu.memref_squeeze %dma_start3A_21 : memref<1x128xi32, #tpu.memory_space<vmem>> -> memref<128xi32, #tpu.memory_space<vmem>>
      %dma_start3A_23 = arith.constant 0 : i32
      %dma_start3A_24 = arith.constant 0 : i32
      %dma_start3A_25 = tpu.memref_slice %arg2[%dma_start3A_23, %dma_start3A_24] : memref<50000x64xf32, #tpu.memory_space<hbm>> -> memref<50000x64xf32, #tpu.memory_space<hbm>>
      tpu.enqueue_indirect_dma source(%dma_start3A_25 : memref<50000x64xf32, #tpu.memory_space<hbm>>) target(%arg9 : memref<128x64xf32, #tpu.memory_space<vmem>>) offsets(%dma_start3A_22 : memref<128xi32, #tpu.memory_space<vmem>>) semaphore(%arg12 : memref<!tpu.dma_semaphore, #tpu.memory_space<semaphore_mem>>)
      %dma_start3A_26 = arith.constant 1 : i32
      %dma_start3A_27 = arith.constant 0 : i32
      %dma_start3A_28 = tpu.memref_slice %arg7[%dma_start3A_26, %dma_start3A_27] : memref<28x128xi32, #tpu.memory_space<vmem>> -> memref<1x128xi32, #tpu.memory_space<vmem>>
      %dma_start3A_29 = tpu.memref_squeeze %dma_start3A_28 : memref<1x128xi32, #tpu.memory_space<vmem>> -> memref<128xi32, #tpu.memory_space<vmem>>
      %dma_start3A_30 = arith.constant 0 : i32
      %dma_start3A_31 = arith.constant 0 : i32
      %dma_start3A_32 = tpu.memref_slice %arg2[%dma_start3A_30, %dma_start3A_31] : memref<50000x64xf32, #tpu.memory_space<hbm>> -> memref<50000x64xf32, #tpu.memory_space<hbm>>
      tpu.enqueue_indirect_dma source(%dma_start3A_32 : memref<50000x64xf32, #tpu.memory_space<hbm>>) target(%arg10 : memref<128x64xf32, #tpu.memory_space<vmem>>) offsets(%dma_start3A_29 : memref<128xi32, #tpu.memory_space<vmem>>) semaphore(%arg13 : memref<!tpu.dma_semaphore, #tpu.memory_space<semaphore_mem>>)
      %scan3A_33 = arith.constant 0 : i32
      %scan3A_34 = arith.constant 0 : i32
      %scan3A_35 = arith.constant 14 : i32
      %scan3A_36 = arith.addi %scan3A_34, %scan3A_35 : i32
      %scan3A_37 = arith.constant 1 : i32
      %scan3A_38 = scf.for %scan3A_41 = %scan3A_34 to %scan3A_36 step %scan3A_37 iter_args(%scan3A_42 = %scan3A_33) -> (i32)  : i32 {
        %mul3A_43 = arith.constant 2 : i32
        %mul3A_44 = arith.muli %mul3A_43, %scan3A_41 : i32
        %dma_wait3A = arith.constant 0 : i32
        %dma_wait3A_45 = tpu.memref_slice %arg7[%mul3A_44, %dma_wait3A] : memref<28x128xi32, #tpu.memory_space<vmem>> -> memref<1x128xi32, #tpu.memory_space<vmem>>
        %dma_wait3A_46 = tpu.memref_squeeze %dma_wait3A_45 : memref<1x128xi32, #tpu.memory_space<vmem>> -> memref<128xi32, #tpu.memory_space<vmem>>
        %dma_wait3A_47 = arith.constant 0 : i32
        %dma_wait3A_48 = arith.constant 0 : i32
        %dma_wait3A_49 = tpu.memref_slice %arg2[%dma_wait3A_47, %dma_wait3A_48] : memref<50000x64xf32, #tpu.memory_space<hbm>> -> memref<50000x64xf32, #tpu.memory_space<hbm>>
        tpu.wait_indirect_dma semaphore(%arg12 : memref<!tpu.dma_semaphore, #tpu.memory_space<semaphore_mem>>) src(%dma_wait3A_49 : memref<50000x64xf32, #tpu.memory_space<hbm>>) dst(%arg9 : memref<128x64xf32, #tpu.memory_space<vmem>>)
        "tpu.region"() ({
          %run_scoped3A = tpu.sem_alloc : memref<!tpu.dma_semaphore, #tpu.memory_space<semaphore_mem>>
          %dma_start3A_74 = arith.constant 0 : i32
          %dma_start3A_75 = tpu.memref_slice %arg8[%mul3A_44, %dma_start3A_74] : memref<28x128xi32, #tpu.memory_space<vmem>> -> memref<1x128xi32, #tpu.memory_space<vmem>>
          %dma_start3A_76 = tpu.memref_squeeze %dma_start3A_75 : memref<1x128xi32, #tpu.memory_space<vmem>> -> memref<128xi32, #tpu.memory_space<vmem>>
          %dma_start3A_77 = arith.constant 0 : i32
          %dma_start3A_78 = arith.constant 0 : i32
          %dma_start3A_79 = tpu.memref_slice %arg11[%dma_start3A_77, %dma_start3A_78] : memref<25600x64xf32, #tpu.memory_space<vmem_shared>> -> memref<25600x64xf32, #tpu.memory_space<vmem_shared>>
          tpu.enqueue_indirect_dma source(%arg9 : memref<128x64xf32, #tpu.memory_space<vmem>>) target(%dma_start3A_79 : memref<25600x64xf32, #tpu.memory_space<vmem_shared>>) offsets(%dma_start3A_76 : memref<128xi32, #tpu.memory_space<vmem>>) semaphore(%run_scoped3A : memref<!tpu.dma_semaphore, #tpu.memory_space<semaphore_mem>>) {add = true}
          %dma_wait3A_80 = arith.constant 0 : i32
          %dma_wait3A_81 = tpu.memref_slice %arg8[%mul3A_44, %dma_wait3A_80] : memref<28x128xi32, #tpu.memory_space<vmem>> -> memref<1x128xi32, #tpu.memory_space<vmem>>
          %dma_wait3A_82 = tpu.memref_squeeze %dma_wait3A_81 : memref<1x128xi32, #tpu.memory_space<vmem>> -> memref<128xi32, #tpu.memory_space<vmem>>
          %dma_wait3A_83 = arith.constant 0 : i32
          %dma_wait3A_84 = arith.constant 0 : i32
          %dma_wait3A_85 = tpu.memref_slice %arg11[%dma_wait3A_83, %dma_wait3A_84] : memref<25600x64xf32, #tpu.memory_space<vmem_shared>> -> memref<25600x64xf32, #tpu.memory_space<vmem_shared>>
          tpu.wait_indirect_dma semaphore(%run_scoped3A : memref<!tpu.dma_semaphore, #tpu.memory_space<semaphore_mem>>) src(%arg9 : memref<128x64xf32, #tpu.memory_space<vmem>>) dst(%dma_wait3A_85 : memref<25600x64xf32, #tpu.memory_space<vmem_shared>>)
          tpu.yield
        }) : () -> ()
        %add3A_50 = arith.constant 2 : i32
        %add3A_51 = arith.addi %mul3A_44, %add3A_50 : i32
        %lt3A = arith.constant 28 : i32
        %lt3A_52 = arith.cmpi slt, %add3A_51, %lt3A : i32
        %convert_element_type3A_53 = arith.extui %lt3A_52 : i1 to i32
        %cond3A_54 = arith.constant 0 : i32
        %cond3A_55 = arith.cmpi ne, %convert_element_type3A_53, %cond3A_54 : i32
        scf.if %cond3A_55 {
          %add3A_74 = arith.constant 2 : i32
          %add3A_75 = arith.addi %mul3A_44, %add3A_74 : i32
          %dma_start3A_76 = arith.constant 0 : i32
          %dma_start3A_77 = tpu.memref_slice %arg7[%add3A_75, %dma_start3A_76] : memref<28x128xi32, #tpu.memory_space<vmem>> -> memref<1x128xi32, #tpu.memory_space<vmem>>
          %dma_start3A_78 = tpu.memref_squeeze %dma_start3A_77 : memref<1x128xi32, #tpu.memory_space<vmem>> -> memref<128xi32, #tpu.memory_space<vmem>>
          %dma_start3A_79 = arith.constant 0 : i32
          %dma_start3A_80 = arith.constant 0 : i32
          %dma_start3A_81 = tpu.memref_slice %arg2[%dma_start3A_79, %dma_start3A_80] : memref<50000x64xf32, #tpu.memory_space<hbm>> -> memref<50000x64xf32, #tpu.memory_space<hbm>>
          tpu.enqueue_indirect_dma source(%dma_start3A_81 : memref<50000x64xf32, #tpu.memory_space<hbm>>) target(%arg9 : memref<128x64xf32, #tpu.memory_space<vmem>>) offsets(%dma_start3A_78 : memref<128xi32, #tpu.memory_space<vmem>>) semaphore(%arg12 : memref<!tpu.dma_semaphore, #tpu.memory_space<semaphore_mem>>)
        } else {
        }
        %add3A_56 = arith.constant 1 : i32
        %add3A_57 = arith.addi %mul3A_44, %add3A_56 : i32
        %dma_wait3A_58 = arith.constant 0 : i32
        %dma_wait3A_59 = tpu.memref_slice %arg7[%add3A_57, %dma_wait3A_58] : memref<28x128xi32, #tpu.memory_space<vmem>> -> memref<1x128xi32, #tpu.memory_space<vmem>>
        %dma_wait3A_60 = tpu.memref_squeeze %dma_wait3A_59 : memref<1x128xi32, #tpu.memory_space<vmem>> -> memref<128xi32, #tpu.memory_space<vmem>>
        %dma_wait3A_61 = arith.constant 0 : i32
        %dma_wait3A_62 = arith.constant 0 : i32
        %dma_wait3A_63 = tpu.memref_slice %arg2[%dma_wait3A_61, %dma_wait3A_62] : memref<50000x64xf32, #tpu.memory_space<hbm>> -> memref<50000x64xf32, #tpu.memory_space<hbm>>
        tpu.wait_indirect_dma semaphore(%arg13 : memref<!tpu.dma_semaphore, #tpu.memory_space<semaphore_mem>>) src(%dma_wait3A_63 : memref<50000x64xf32, #tpu.memory_space<hbm>>) dst(%arg10 : memref<128x64xf32, #tpu.memory_space<vmem>>)
        %add3A_64 = arith.constant 1 : i32
        %add3A_65 = arith.addi %mul3A_44, %add3A_64 : i32
        "tpu.region"() ({
          %run_scoped3A = tpu.sem_alloc : memref<!tpu.dma_semaphore, #tpu.memory_space<semaphore_mem>>
          %dma_start3A_74 = arith.constant 0 : i32
          %dma_start3A_75 = tpu.memref_slice %arg8[%add3A_65, %dma_start3A_74] : memref<28x128xi32, #tpu.memory_space<vmem>> -> memref<1x128xi32, #tpu.memory_space<vmem>>
          %dma_start3A_76 = tpu.memref_squeeze %dma_start3A_75 : memref<1x128xi32, #tpu.memory_space<vmem>> -> memref<128xi32, #tpu.memory_space<vmem>>
          %dma_start3A_77 = arith.constant 0 : i32
          %dma_start3A_78 = arith.constant 0 : i32
          %dma_start3A_79 = tpu.memref_slice %arg11[%dma_start3A_77, %dma_start3A_78] : memref<25600x64xf32, #tpu.memory_space<vmem_shared>> -> memref<25600x64xf32, #tpu.memory_space<vmem_shared>>
          tpu.enqueue_indirect_dma source(%arg10 : memref<128x64xf32, #tpu.memory_space<vmem>>) target(%dma_start3A_79 : memref<25600x64xf32, #tpu.memory_space<vmem_shared>>) offsets(%dma_start3A_76 : memref<128xi32, #tpu.memory_space<vmem>>) semaphore(%run_scoped3A : memref<!tpu.dma_semaphore, #tpu.memory_space<semaphore_mem>>) {add = true}
          %dma_wait3A_80 = arith.constant 0 : i32
          %dma_wait3A_81 = tpu.memref_slice %arg8[%add3A_65, %dma_wait3A_80] : memref<28x128xi32, #tpu.memory_space<vmem>> -> memref<1x128xi32, #tpu.memory_space<vmem>>
          %dma_wait3A_82 = tpu.memref_squeeze %dma_wait3A_81 : memref<1x128xi32, #tpu.memory_space<vmem>> -> memref<128xi32, #tpu.memory_space<vmem>>
          %dma_wait3A_83 = arith.constant 0 : i32
          %dma_wait3A_84 = arith.constant 0 : i32
          %dma_wait3A_85 = tpu.memref_slice %arg11[%dma_wait3A_83, %dma_wait3A_84] : memref<25600x64xf32, #tpu.memory_space<vmem_shared>> -> memref<25600x64xf32, #tpu.memory_space<vmem_shared>>
          tpu.wait_indirect_dma semaphore(%run_scoped3A : memref<!tpu.dma_semaphore, #tpu.memory_space<semaphore_mem>>) src(%arg10 : memref<128x64xf32, #tpu.memory_space<vmem>>) dst(%dma_wait3A_85 : memref<25600x64xf32, #tpu.memory_space<vmem_shared>>)
          tpu.yield
        }) : () -> ()
        %add3A_66 = arith.constant 3 : i32
        %add3A_67 = arith.addi %mul3A_44, %add3A_66 : i32
        %lt3A_68 = arith.constant 28 : i32
        %lt3A_69 = arith.cmpi slt, %add3A_67, %lt3A_68 : i32
        %convert_element_type3A_70 = arith.extui %lt3A_69 : i1 to i32
        %cond3A_71 = arith.constant 0 : i32
        %cond3A_72 = arith.cmpi ne, %convert_element_type3A_70, %cond3A_71 : i32
        scf.if %cond3A_72 {
          %add3A_74 = arith.constant 3 : i32
          %add3A_75 = arith.addi %mul3A_44, %add3A_74 : i32
          %dma_start3A_76 = arith.constant 0 : i32
          %dma_start3A_77 = tpu.memref_slice %arg7[%add3A_75, %dma_start3A_76] : memref<28x128xi32, #tpu.memory_space<vmem>> -> memref<1x128xi32, #tpu.memory_space<vmem>>
          %dma_start3A_78 = tpu.memref_squeeze %dma_start3A_77 : memref<1x128xi32, #tpu.memory_space<vmem>> -> memref<128xi32, #tpu.memory_space<vmem>>
          %dma_start3A_79 = arith.constant 0 : i32
          %dma_start3A_80 = arith.constant 0 : i32
          %dma_start3A_81 = tpu.memref_slice %arg2[%dma_start3A_79, %dma_start3A_80] : memref<50000x64xf32, #tpu.memory_space<hbm>> -> memref<50000x64xf32, #tpu.memory_space<hbm>>
          tpu.enqueue_indirect_dma source(%dma_start3A_81 : memref<50000x64xf32, #tpu.memory_space<hbm>>) target(%arg10 : memref<128x64xf32, #tpu.memory_space<vmem>>) offsets(%dma_start3A_78 : memref<128xi32, #tpu.memory_space<vmem>>) semaphore(%arg13 : memref<!tpu.dma_semaphore, #tpu.memory_space<semaphore_mem>>)
        } else {
        }
        %scan3A_73 = arith.constant 0 : i32
        scf.yield %scan3A_73 : i32
      }
      %scan3A_39 = arith.constant 14 : i32
      %scan3A_40 = arith.constant 0 : i32
      scf.yield %scan3A_40 : i32
    }
    %scan3A_6 = arith.constant 14 : i32
    %barrier3A_7 = arith.constant 0 : index
    tpu.barrier barrier_id(%barrier3A_7)
    %mul3A_8 = arith.constant 25000 : i32
    %mul3A_9 = arith.muli %arg0, %mul3A_8 : i32
    %mul3A_10 = arith.constant 1560 : i32
    %mul3A_11 = arith.muli %arg1, %mul3A_10 : i32
    %add3A = arith.addi %mul3A_9, %mul3A_11 : i32
    "tpu.region"() ({
      %run_scoped3A = tpu.sem_alloc : memref<!tpu.dma_semaphore, #tpu.memory_space<semaphore_mem>>
      %dma_start3A = arith.constant 0 : i32
      %dma_start3A_14 = tpu.memref_slice %arg6[%add3A, %dma_start3A] : memref<50000x64xf32, #tpu.memory_space<hbm>> -> memref<1560x64xf32, #tpu.memory_space<hbm>>
      %dma_start3A_15 = arith.constant 0 : i32
      %dma_start3A_16 = tpu.memref_slice %arg11[%mul3A_11, %dma_start3A_15] : memref<25600x64xf32, #tpu.memory_space<vmem_shared>> -> memref<1560x64xf32, #tpu.memory_space<vmem_shared>>
      tpu.enqueue_dma source(%dma_start3A_16 : memref<1560x64xf32, #tpu.memory_space<vmem_shared>>) target(%dma_start3A_14 : memref<1560x64xf32, #tpu.memory_space<hbm>>) target_semaphore(%run_scoped3A : memref<!tpu.dma_semaphore, #tpu.memory_space<semaphore_mem>>)
      %dma_wait3A = arith.constant 0 : i32
      %dma_wait3A_17 = tpu.memref_slice %arg6[%add3A, %dma_wait3A] : memref<50000x64xf32, #tpu.memory_space<hbm>> -> memref<1560x64xf32, #tpu.memory_space<hbm>>
      %dma_wait3A_18 = arith.constant 0 : i32
      %dma_wait3A_19 = tpu.memref_slice %arg11[%mul3A_11, %dma_wait3A_18] : memref<25600x64xf32, #tpu.memory_space<vmem_shared>> -> memref<1560x64xf32, #tpu.memory_space<vmem_shared>>
      tpu.wait_dma2 semaphore(%run_scoped3A : memref<!tpu.dma_semaphore, #tpu.memory_space<semaphore_mem>>) src(%dma_wait3A_19 : memref<1560x64xf32, #tpu.memory_space<vmem_shared>>) dst(%dma_wait3A_17 : memref<1560x64xf32, #tpu.memory_space<hbm>>)
      tpu.yield
    }) : () -> ()
    %eq3A = arith.constant 0 : i32
    %eq3A_12 = arith.cmpi eq, %arg1, %eq3A : i32
    %convert_element_type3A = arith.extui %eq3A_12 : i1 to i32
    %cond3A = arith.constant 0 : i32
    %cond3A_13 = arith.cmpi ne, %convert_element_type3A, %cond3A : i32
    scf.if %cond3A_13 {
      %add3A_14 = arith.constant 24960 : i32
      %add3A_15 = arith.addi %mul3A_9, %add3A_14 : i32
      "tpu.region"() ({
        %run_scoped3A = tpu.sem_alloc : memref<!tpu.dma_semaphore, #tpu.memory_space<semaphore_mem>>
        %dma_start3A = arith.constant 0 : i32
        %dma_start3A_16 = tpu.memref_slice %arg6[%add3A_15, %dma_start3A] : memref<50000x64xf32, #tpu.memory_space<hbm>> -> memref<40x64xf32, #tpu.memory_space<hbm>>
        %dma_start3A_17 = arith.constant 24960 : i32
        %dma_start3A_18 = arith.constant 0 : i32
        %dma_start3A_19 = tpu.memref_slice %arg11[%dma_start3A_17, %dma_start3A_18] : memref<25600x64xf32, #tpu.memory_space<vmem_shared>> -> memref<40x64xf32, #tpu.memory_space<vmem_shared>>
        tpu.enqueue_dma source(%dma_start3A_19 : memref<40x64xf32, #tpu.memory_space<vmem_shared>>) target(%dma_start3A_16 : memref<40x64xf32, #tpu.memory_space<hbm>>) target_semaphore(%run_scoped3A : memref<!tpu.dma_semaphore, #tpu.memory_space<semaphore_mem>>)
        %dma_wait3A = arith.constant 0 : i32
        %dma_wait3A_20 = tpu.memref_slice %arg6[%add3A_15, %dma_wait3A] : memref<50000x64xf32, #tpu.memory_space<hbm>> -> memref<40x64xf32, #tpu.memory_space<hbm>>
        %dma_wait3A_21 = arith.constant 24960 : i32
        %dma_wait3A_22 = arith.constant 0 : i32
        %dma_wait3A_23 = tpu.memref_slice %arg11[%dma_wait3A_21, %dma_wait3A_22] : memref<25600x64xf32, #tpu.memory_space<vmem_shared>> -> memref<40x64xf32, #tpu.memory_space<vmem_shared>>
        tpu.wait_dma2 semaphore(%run_scoped3A : memref<!tpu.dma_semaphore, #tpu.memory_space<semaphore_mem>>) src(%dma_wait3A_23 : memref<40x64xf32, #tpu.memory_space<vmem_shared>>) dst(%dma_wait3A_20 : memref<40x64xf32, #tpu.memory_space<hbm>>)
        tpu.yield
      }) : () -> ()
    } else {
    }
    return
  }
}

#map = affine_map<(d0, d1) -> (0, 0)>
#map1 = affine_map<(d0, d1) -> (0, 0, 0)>
#map2 = affine_map<(d0, d1) -> (0, 0, 0, 0)>
module attributes {stable_mosaic.version = 14 : i64} {
  func.func @_segsum_body(%arg0: i32, %arg1: i32, %arg2: memref<50000x64xf32, #tpu.memory_space<hbm>>, %arg3: memref<16x392x128xi32, #tpu.memory_space<hbm>>, %arg4: memref<2x16x392x128xi32, #tpu.memory_space<hbm>>, %arg5: memref<25600x64xf32, #tpu.memory_space<hbm>>, %arg6: memref<50000x64xf32, #tpu.memory_space<hbm>>, %arg7: memref<28x128xi32, #tpu.memory_space<vmem>>, %arg8: memref<28x128xi32, #tpu.memory_space<vmem>>, %arg9: memref<128x64xf32, #tpu.memory_space<vmem>>, %arg10: memref<128x64xf32, #tpu.memory_space<vmem>>, %arg11: memref<25600x64xf32, #tpu.memory_space<vmem_shared>>, %arg12: memref<!tpu.dma_semaphore, #tpu.memory_space<semaphore_mem>>, %arg13: memref<!tpu.dma_semaphore, #tpu.memory_space<semaphore_mem>>) attributes {dimension_semantics = [#tpu.dimension_semantics<core_parallel>, #tpu.dimension_semantics<subcore_parallel>], iteration_bounds = array<i64: 2, 16>, scalar_prefetch = 0 : i64, scratch_operands = 7 : i64, tpu.core_type = #tpu.core_type<sc_vector_subcore>, window_params = [{transform_indices = #map}, {transform_indices = #map1}, {transform_indices = #map2}, {transform_indices = #map}, {transform_indices = #map}]} {
    %mul3A = arith.constant 1600 : i32
    %mul3A_0 = arith.muli %arg1, %mul3A : i32
    "tpu.region"() ({
      %run_scoped3A = tpu.sem_alloc : memref<!tpu.dma_semaphore, #tpu.memory_space<semaphore_mem>>
      %dma_start3A = arith.constant 0 : i32
      %dma_start3A_14 = tpu.memref_slice %arg11[%mul3A_0, %dma_start3A] : memref<25600x64xf32, #tpu.memory_space<vmem_shared>> -> memref<1600x64xf32, #tpu.memory_space<vmem_shared>>
      %dma_start3A_15 = arith.constant 0 : i32
      %dma_start3A_16 = tpu.memref_slice %arg5[%mul3A_0, %dma_start3A_15] : memref<25600x64xf32, #tpu.memory_space<hbm>> -> memref<1600x64xf32, #tpu.memory_space<hbm>>
      tpu.enqueue_dma source(%dma_start3A_16 : memref<1600x64xf32, #tpu.memory_space<hbm>>) target(%dma_start3A_14 : memref<1600x64xf32, #tpu.memory_space<vmem_shared>>) target_semaphore(%run_scoped3A : memref<!tpu.dma_semaphore, #tpu.memory_space<semaphore_mem>>)
      %dma_wait3A = arith.constant 0 : i32
      %dma_wait3A_17 = tpu.memref_slice %arg11[%mul3A_0, %dma_wait3A] : memref<25600x64xf32, #tpu.memory_space<vmem_shared>> -> memref<1600x64xf32, #tpu.memory_space<vmem_shared>>
      %dma_wait3A_18 = arith.constant 0 : i32
      %dma_wait3A_19 = tpu.memref_slice %arg5[%mul3A_0, %dma_wait3A_18] : memref<25600x64xf32, #tpu.memory_space<hbm>> -> memref<1600x64xf32, #tpu.memory_space<hbm>>
      tpu.wait_dma2 semaphore(%run_scoped3A : memref<!tpu.dma_semaphore, #tpu.memory_space<semaphore_mem>>) src(%dma_wait3A_19 : memref<1600x64xf32, #tpu.memory_space<hbm>>) dst(%dma_wait3A_17 : memref<1600x64xf32, #tpu.memory_space<vmem_shared>>)
      tpu.yield
    }) : () -> ()
    %barrier3A = arith.constant 0 : index
    tpu.barrier barrier_id(%barrier3A)
    %scan3A = arith.constant 0 : i32
    %scan3A_1 = arith.constant 0 : i32
    %scan3A_2 = arith.constant 14 : i32
    %scan3A_3 = arith.addi %scan3A_1, %scan3A_2 : i32
    %scan3A_4 = arith.constant 1 : i32
    %scan3A_5 = scf.for %scan3A_14 = %scan3A_1 to %scan3A_3 step %scan3A_4 iter_args(%scan3A_15 = %scan3A) -> (i32)  : i32 {
      %mul3A_16 = arith.constant 28 : i32
      %mul3A_17 = arith.muli %scan3A_14, %mul3A_16 : i32
      "tpu.region"() ({
        %run_scoped3A = tpu.sem_alloc : memref<!tpu.dma_semaphore, #tpu.memory_space<semaphore_mem>>
        %dma_start3A_41 = arith.constant 0 : i32
        %dma_start3A_42 = tpu.memref_slice %arg3[%arg1, %mul3A_17, %dma_start3A_41] : memref<16x392x128xi32, #tpu.memory_space<hbm>> -> memref<1x28x128xi32, #tpu.memory_space<hbm>>
        %dma_start3A_43 = tpu.memref_squeeze %dma_start3A_42 : memref<1x28x128xi32, #tpu.memory_space<hbm>> -> memref<28x128xi32, #tpu.memory_space<hbm>>
        %dma_start3A_44 = arith.constant 0 : i32
        %dma_start3A_45 = tpu.memref_slice %arg3[%arg1, %mul3A_17, %dma_start3A_44] : memref<16x392x128xi32, #tpu.memory_space<hbm>> -> memref<1x28x128xi32, #tpu.memory_space<hbm>>
        %dma_start3A_46 = tpu.memref_squeeze %dma_start3A_45 : memref<1x28x128xi32, #tpu.memory_space<hbm>> -> memref<28x128xi32, #tpu.memory_space<hbm>>
        tpu.enqueue_dma source(%dma_start3A_46 : memref<28x128xi32, #tpu.memory_space<hbm>>) target(%arg7 : memref<28x128xi32, #tpu.memory_space<vmem>>) target_semaphore(%run_scoped3A : memref<!tpu.dma_semaphore, #tpu.memory_space<semaphore_mem>>)
        %dma_wait3A = arith.constant 0 : i32
        %dma_wait3A_47 = tpu.memref_slice %arg3[%arg1, %mul3A_17, %dma_wait3A] : memref<16x392x128xi32, #tpu.memory_space<hbm>> -> memref<1x28x128xi32, #tpu.memory_space<hbm>>
        %dma_wait3A_48 = tpu.memref_squeeze %dma_wait3A_47 : memref<1x28x128xi32, #tpu.memory_space<hbm>> -> memref<28x128xi32, #tpu.memory_space<hbm>>
        %dma_wait3A_49 = arith.constant 0 : i32
        %dma_wait3A_50 = tpu.memref_slice %arg3[%arg1, %mul3A_17, %dma_wait3A_49] : memref<16x392x128xi32, #tpu.memory_space<hbm>> -> memref<1x28x128xi32, #tpu.memory_space<hbm>>
        %dma_wait3A_51 = tpu.memref_squeeze %dma_wait3A_50 : memref<1x28x128xi32, #tpu.memory_space<hbm>> -> memref<28x128xi32, #tpu.memory_space<hbm>>
        tpu.wait_dma2 semaphore(%run_scoped3A : memref<!tpu.dma_semaphore, #tpu.memory_space<semaphore_mem>>) src(%dma_wait3A_51 : memref<28x128xi32, #tpu.memory_space<hbm>>) dst(%arg7 : memref<28x128xi32, #tpu.memory_space<vmem>>)
        tpu.yield
      }) : () -> ()
      %mul3A_18 = arith.constant 28 : i32
      %mul3A_19 = arith.muli %scan3A_14, %mul3A_18 : i32
      "tpu.region"() ({
        %run_scoped3A = tpu.sem_alloc : memref<!tpu.dma_semaphore, #tpu.memory_space<semaphore_mem>>
        %dma_start3A_41 = arith.constant 0 : i32
        %dma_start3A_42 = tpu.memref_slice %arg4[%arg0, %arg1, %mul3A_19, %dma_start3A_41] : memref<2x16x392x128xi32, #tpu.memory_space<hbm>> -> memref<1x1x28x128xi32, #tpu.memory_space<hbm>>
        %dma_start3A_43 = tpu.memref_squeeze %dma_start3A_42 : memref<1x1x28x128xi32, #tpu.memory_space<hbm>> -> memref<28x128xi32, #tpu.memory_space<hbm>>
        %dma_start3A_44 = arith.constant 0 : i32
        %dma_start3A_45 = tpu.memref_slice %arg4[%arg0, %arg1, %mul3A_19, %dma_start3A_44] : memref<2x16x392x128xi32, #tpu.memory_space<hbm>> -> memref<1x1x28x128xi32, #tpu.memory_space<hbm>>
        %dma_start3A_46 = tpu.memref_squeeze %dma_start3A_45 : memref<1x1x28x128xi32, #tpu.memory_space<hbm>> -> memref<28x128xi32, #tpu.memory_space<hbm>>
        tpu.enqueue_dma source(%dma_start3A_46 : memref<28x128xi32, #tpu.memory_space<hbm>>) target(%arg8 : memref<28x128xi32, #tpu.memory_space<vmem>>) target_semaphore(%run_scoped3A : memref<!tpu.dma_semaphore, #tpu.memory_space<semaphore_mem>>)
        %dma_wait3A = arith.constant 0 : i32
        %dma_wait3A_47 = tpu.memref_slice %arg4[%arg0, %arg1, %mul3A_19, %dma_wait3A] : memref<2x16x392x128xi32, #tpu.memory_space<hbm>> -> memref<1x1x28x128xi32, #tpu.memory_space<hbm>>
        %dma_wait3A_48 = tpu.memref_squeeze %dma_wait3A_47 : memref<1x1x28x128xi32, #tpu.memory_space<hbm>> -> memref<28x128xi32, #tpu.memory_space<hbm>>
        %dma_wait3A_49 = arith.constant 0 : i32
        %dma_wait3A_50 = tpu.memref_slice %arg4[%arg0, %arg1, %mul3A_19, %dma_wait3A_49] : memref<2x16x392x128xi32, #tpu.memory_space<hbm>> -> memref<1x1x28x128xi32, #tpu.memory_space<hbm>>
        %dma_wait3A_51 = tpu.memref_squeeze %dma_wait3A_50 : memref<1x1x28x128xi32, #tpu.memory_space<hbm>> -> memref<28x128xi32, #tpu.memory_space<hbm>>
        tpu.wait_dma2 semaphore(%run_scoped3A : memref<!tpu.dma_semaphore, #tpu.memory_space<semaphore_mem>>) src(%dma_wait3A_51 : memref<28x128xi32, #tpu.memory_space<hbm>>) dst(%arg8 : memref<28x128xi32, #tpu.memory_space<vmem>>)
        tpu.yield
      }) : () -> ()
      %dma_start3A = arith.constant 0 : i32
      %dma_start3A_20 = arith.constant 0 : i32
      %dma_start3A_21 = tpu.memref_slice %arg7[%dma_start3A, %dma_start3A_20] : memref<28x128xi32, #tpu.memory_space<vmem>> -> memref<1x128xi32, #tpu.memory_space<vmem>>
      %dma_start3A_22 = tpu.memref_squeeze %dma_start3A_21 : memref<1x128xi32, #tpu.memory_space<vmem>> -> memref<128xi32, #tpu.memory_space<vmem>>
      %dma_start3A_23 = arith.constant 0 : i32
      %dma_start3A_24 = arith.constant 0 : i32
      %dma_start3A_25 = tpu.memref_slice %arg2[%dma_start3A_23, %dma_start3A_24] : memref<50000x64xf32, #tpu.memory_space<hbm>> -> memref<50000x64xf32, #tpu.memory_space<hbm>>
      tpu.enqueue_indirect_dma source(%dma_start3A_25 : memref<50000x64xf32, #tpu.memory_space<hbm>>) target(%arg9 : memref<128x64xf32, #tpu.memory_space<vmem>>) offsets(%dma_start3A_22 : memref<128xi32, #tpu.memory_space<vmem>>) semaphore(%arg12 : memref<!tpu.dma_semaphore, #tpu.memory_space<semaphore_mem>>)
      %dma_start3A_26 = arith.constant 1 : i32
      %dma_start3A_27 = arith.constant 0 : i32
      %dma_start3A_28 = tpu.memref_slice %arg7[%dma_start3A_26, %dma_start3A_27] : memref<28x128xi32, #tpu.memory_space<vmem>> -> memref<1x128xi32, #tpu.memory_space<vmem>>
      %dma_start3A_29 = tpu.memref_squeeze %dma_start3A_28 : memref<1x128xi32, #tpu.memory_space<vmem>> -> memref<128xi32, #tpu.memory_space<vmem>>
      %dma_start3A_30 = arith.constant 0 : i32
      %dma_start3A_31 = arith.constant 0 : i32
      %dma_start3A_32 = tpu.memref_slice %arg2[%dma_start3A_30, %dma_start3A_31] : memref<50000x64xf32, #tpu.memory_space<hbm>> -> memref<50000x64xf32, #tpu.memory_space<hbm>>
      tpu.enqueue_indirect_dma source(%dma_start3A_32 : memref<50000x64xf32, #tpu.memory_space<hbm>>) target(%arg10 : memref<128x64xf32, #tpu.memory_space<vmem>>) offsets(%dma_start3A_29 : memref<128xi32, #tpu.memory_space<vmem>>) semaphore(%arg13 : memref<!tpu.dma_semaphore, #tpu.memory_space<semaphore_mem>>)
      %scan3A_33 = arith.constant 0 : i32
      %scan3A_34 = arith.constant 0 : i32
      %scan3A_35 = arith.constant 14 : i32
      %scan3A_36 = arith.addi %scan3A_34, %scan3A_35 : i32
      %scan3A_37 = arith.constant 1 : i32
      %scan3A_38 = scf.for %scan3A_41 = %scan3A_34 to %scan3A_36 step %scan3A_37 iter_args(%scan3A_42 = %scan3A_33) -> (i32)  : i32 {
        %mul3A_43 = arith.constant 2 : i32
        %mul3A_44 = arith.muli %mul3A_43, %scan3A_41 : i32
        %dma_wait3A = arith.constant 0 : i32
        %dma_wait3A_45 = tpu.memref_slice %arg7[%mul3A_44, %dma_wait3A] : memref<28x128xi32, #tpu.memory_space<vmem>> -> memref<1x128xi32, #tpu.memory_space<vmem>>
        %dma_wait3A_46 = tpu.memref_squeeze %dma_wait3A_45 : memref<1x128xi32, #tpu.memory_space<vmem>> -> memref<128xi32, #tpu.memory_space<vmem>>
        %dma_wait3A_47 = arith.constant 0 : i32
        %dma_wait3A_48 = arith.constant 0 : i32
        %dma_wait3A_49 = tpu.memref_slice %arg2[%dma_wait3A_47, %dma_wait3A_48] : memref<50000x64xf32, #tpu.memory_space<hbm>> -> memref<50000x64xf32, #tpu.memory_space<hbm>>
        tpu.wait_indirect_dma semaphore(%arg12 : memref<!tpu.dma_semaphore, #tpu.memory_space<semaphore_mem>>) src(%dma_wait3A_49 : memref<50000x64xf32, #tpu.memory_space<hbm>>) dst(%arg9 : memref<128x64xf32, #tpu.memory_space<vmem>>)
        "tpu.region"() ({
          %run_scoped3A = tpu.sem_alloc : memref<!tpu.dma_semaphore, #tpu.memory_space<semaphore_mem>>
          %dma_start3A_74 = arith.constant 0 : i32
          %dma_start3A_75 = tpu.memref_slice %arg8[%mul3A_44, %dma_start3A_74] : memref<28x128xi32, #tpu.memory_space<vmem>> -> memref<1x128xi32, #tpu.memory_space<vmem>>
          %dma_start3A_76 = tpu.memref_squeeze %dma_start3A_75 : memref<1x128xi32, #tpu.memory_space<vmem>> -> memref<128xi32, #tpu.memory_space<vmem>>
          %dma_start3A_77 = arith.constant 0 : i32
          %dma_start3A_78 = arith.constant 0 : i32
          %dma_start3A_79 = tpu.memref_slice %arg11[%dma_start3A_77, %dma_start3A_78] : memref<25600x64xf32, #tpu.memory_space<vmem_shared>> -> memref<25600x64xf32, #tpu.memory_space<vmem_shared>>
          tpu.enqueue_indirect_dma source(%arg9 : memref<128x64xf32, #tpu.memory_space<vmem>>) target(%dma_start3A_79 : memref<25600x64xf32, #tpu.memory_space<vmem_shared>>) offsets(%dma_start3A_76 : memref<128xi32, #tpu.memory_space<vmem>>) semaphore(%run_scoped3A : memref<!tpu.dma_semaphore, #tpu.memory_space<semaphore_mem>>) {add = true}
          %dma_wait3A_80 = arith.constant 0 : i32
          %dma_wait3A_81 = tpu.memref_slice %arg8[%mul3A_44, %dma_wait3A_80] : memref<28x128xi32, #tpu.memory_space<vmem>> -> memref<1x128xi32, #tpu.memory_space<vmem>>
          %dma_wait3A_82 = tpu.memref_squeeze %dma_wait3A_81 : memref<1x128xi32, #tpu.memory_space<vmem>> -> memref<128xi32, #tpu.memory_space<vmem>>
          %dma_wait3A_83 = arith.constant 0 : i32
          %dma_wait3A_84 = arith.constant 0 : i32
          %dma_wait3A_85 = tpu.memref_slice %arg11[%dma_wait3A_83, %dma_wait3A_84] : memref<25600x64xf32, #tpu.memory_space<vmem_shared>> -> memref<25600x64xf32, #tpu.memory_space<vmem_shared>>
          tpu.wait_indirect_dma semaphore(%run_scoped3A : memref<!tpu.dma_semaphore, #tpu.memory_space<semaphore_mem>>) src(%arg9 : memref<128x64xf32, #tpu.memory_space<vmem>>) dst(%dma_wait3A_85 : memref<25600x64xf32, #tpu.memory_space<vmem_shared>>)
          tpu.yield
        }) : () -> ()
        %add3A_50 = arith.constant 2 : i32
        %add3A_51 = arith.addi %mul3A_44, %add3A_50 : i32
        %lt3A = arith.constant 28 : i32
        %lt3A_52 = arith.cmpi slt, %add3A_51, %lt3A : i32
        %convert_element_type3A_53 = arith.extui %lt3A_52 : i1 to i32
        %cond3A_54 = arith.constant 0 : i32
        %cond3A_55 = arith.cmpi ne, %convert_element_type3A_53, %cond3A_54 : i32
        scf.if %cond3A_55 {
          %add3A_74 = arith.constant 2 : i32
          %add3A_75 = arith.addi %mul3A_44, %add3A_74 : i32
          %dma_start3A_76 = arith.constant 0 : i32
          %dma_start3A_77 = tpu.memref_slice %arg7[%add3A_75, %dma_start3A_76] : memref<28x128xi32, #tpu.memory_space<vmem>> -> memref<1x128xi32, #tpu.memory_space<vmem>>
          %dma_start3A_78 = tpu.memref_squeeze %dma_start3A_77 : memref<1x128xi32, #tpu.memory_space<vmem>> -> memref<128xi32, #tpu.memory_space<vmem>>
          %dma_start3A_79 = arith.constant 0 : i32
          %dma_start3A_80 = arith.constant 0 : i32
          %dma_start3A_81 = tpu.memref_slice %arg2[%dma_start3A_79, %dma_start3A_80] : memref<50000x64xf32, #tpu.memory_space<hbm>> -> memref<50000x64xf32, #tpu.memory_space<hbm>>
          tpu.enqueue_indirect_dma source(%dma_start3A_81 : memref<50000x64xf32, #tpu.memory_space<hbm>>) target(%arg9 : memref<128x64xf32, #tpu.memory_space<vmem>>) offsets(%dma_start3A_78 : memref<128xi32, #tpu.memory_space<vmem>>) semaphore(%arg12 : memref<!tpu.dma_semaphore, #tpu.memory_space<semaphore_mem>>)
        } else {
        }
        %add3A_56 = arith.constant 1 : i32
        %add3A_57 = arith.addi %mul3A_44, %add3A_56 : i32
        %dma_wait3A_58 = arith.constant 0 : i32
        %dma_wait3A_59 = tpu.memref_slice %arg7[%add3A_57, %dma_wait3A_58] : memref<28x128xi32, #tpu.memory_space<vmem>> -> memref<1x128xi32, #tpu.memory_space<vmem>>
        %dma_wait3A_60 = tpu.memref_squeeze %dma_wait3A_59 : memref<1x128xi32, #tpu.memory_space<vmem>> -> memref<128xi32, #tpu.memory_space<vmem>>
        %dma_wait3A_61 = arith.constant 0 : i32
        %dma_wait3A_62 = arith.constant 0 : i32
        %dma_wait3A_63 = tpu.memref_slice %arg2[%dma_wait3A_61, %dma_wait3A_62] : memref<50000x64xf32, #tpu.memory_space<hbm>> -> memref<50000x64xf32, #tpu.memory_space<hbm>>
        tpu.wait_indirect_dma semaphore(%arg13 : memref<!tpu.dma_semaphore, #tpu.memory_space<semaphore_mem>>) src(%dma_wait3A_63 : memref<50000x64xf32, #tpu.memory_space<hbm>>) dst(%arg10 : memref<128x64xf32, #tpu.memory_space<vmem>>)
        %add3A_64 = arith.constant 1 : i32
        %add3A_65 = arith.addi %mul3A_44, %add3A_64 : i32
        "tpu.region"() ({
          %run_scoped3A = tpu.sem_alloc : memref<!tpu.dma_semaphore, #tpu.memory_space<semaphore_mem>>
          %dma_start3A_74 = arith.constant 0 : i32
          %dma_start3A_75 = tpu.memref_slice %arg8[%add3A_65, %dma_start3A_74] : memref<28x128xi32, #tpu.memory_space<vmem>> -> memref<1x128xi32, #tpu.memory_space<vmem>>
          %dma_start3A_76 = tpu.memref_squeeze %dma_start3A_75 : memref<1x128xi32, #tpu.memory_space<vmem>> -> memref<128xi32, #tpu.memory_space<vmem>>
          %dma_start3A_77 = arith.constant 0 : i32
          %dma_start3A_78 = arith.constant 0 : i32
          %dma_start3A_79 = tpu.memref_slice %arg11[%dma_start3A_77, %dma_start3A_78] : memref<25600x64xf32, #tpu.memory_space<vmem_shared>> -> memref<25600x64xf32, #tpu.memory_space<vmem_shared>>
          tpu.enqueue_indirect_dma source(%arg10 : memref<128x64xf32, #tpu.memory_space<vmem>>) target(%dma_start3A_79 : memref<25600x64xf32, #tpu.memory_space<vmem_shared>>) offsets(%dma_start3A_76 : memref<128xi32, #tpu.memory_space<vmem>>) semaphore(%run_scoped3A : memref<!tpu.dma_semaphore, #tpu.memory_space<semaphore_mem>>) {add = true}
          %dma_wait3A_80 = arith.constant 0 : i32
          %dma_wait3A_81 = tpu.memref_slice %arg8[%add3A_65, %dma_wait3A_80] : memref<28x128xi32, #tpu.memory_space<vmem>> -> memref<1x128xi32, #tpu.memory_space<vmem>>
          %dma_wait3A_82 = tpu.memref_squeeze %dma_wait3A_81 : memref<1x128xi32, #tpu.memory_space<vmem>> -> memref<128xi32, #tpu.memory_space<vmem>>
          %dma_wait3A_83 = arith.constant 0 : i32
          %dma_wait3A_84 = arith.constant 0 : i32
          %dma_wait3A_85 = tpu.memref_slice %arg11[%dma_wait3A_83, %dma_wait3A_84] : memref<25600x64xf32, #tpu.memory_space<vmem_shared>> -> memref<25600x64xf32, #tpu.memory_space<vmem_shared>>
          tpu.wait_indirect_dma semaphore(%run_scoped3A : memref<!tpu.dma_semaphore, #tpu.memory_space<semaphore_mem>>) src(%arg10 : memref<128x64xf32, #tpu.memory_space<vmem>>) dst(%dma_wait3A_85 : memref<25600x64xf32, #tpu.memory_space<vmem_shared>>)
          tpu.yield
        }) : () -> ()
        %add3A_66 = arith.constant 3 : i32
        %add3A_67 = arith.addi %mul3A_44, %add3A_66 : i32
        %lt3A_68 = arith.constant 28 : i32
        %lt3A_69 = arith.cmpi slt, %add3A_67, %lt3A_68 : i32
        %convert_element_type3A_70 = arith.extui %lt3A_69 : i1 to i32
        %cond3A_71 = arith.constant 0 : i32
        %cond3A_72 = arith.cmpi ne, %convert_element_type3A_70, %cond3A_71 : i32
        scf.if %cond3A_72 {
          %add3A_74 = arith.constant 3 : i32
          %add3A_75 = arith.addi %mul3A_44, %add3A_74 : i32
          %dma_start3A_76 = arith.constant 0 : i32
          %dma_start3A_77 = tpu.memref_slice %arg7[%add3A_75, %dma_start3A_76] : memref<28x128xi32, #tpu.memory_space<vmem>> -> memref<1x128xi32, #tpu.memory_space<vmem>>
          %dma_start3A_78 = tpu.memref_squeeze %dma_start3A_77 : memref<1x128xi32, #tpu.memory_space<vmem>> -> memref<128xi32, #tpu.memory_space<vmem>>
          %dma_start3A_79 = arith.constant 0 : i32
          %dma_start3A_80 = arith.constant 0 : i32
          %dma_start3A_81 = tpu.memref_slice %arg2[%dma_start3A_79, %dma_start3A_80] : memref<50000x64xf32, #tpu.memory_space<hbm>> -> memref<50000x64xf32, #tpu.memory_space<hbm>>
          tpu.enqueue_indirect_dma source(%dma_start3A_81 : memref<50000x64xf32, #tpu.memory_space<hbm>>) target(%arg10 : memref<128x64xf32, #tpu.memory_space<vmem>>) offsets(%dma_start3A_78 : memref<128xi32, #tpu.memory_space<vmem>>) semaphore(%arg13 : memref<!tpu.dma_semaphore, #tpu.memory_space<semaphore_mem>>)
        } else {
        }
        %scan3A_73 = arith.constant 0 : i32
        scf.yield %scan3A_73 : i32
      }
      %scan3A_39 = arith.constant 14 : i32
      %scan3A_40 = arith.constant 0 : i32
      scf.yield %scan3A_40 : i32
    }
    %scan3A_6 = arith.constant 14 : i32
    %barrier3A_7 = arith.constant 0 : index
    tpu.barrier barrier_id(%barrier3A_7)
    %mul3A_8 = arith.constant 25000 : i32
    %mul3A_9 = arith.muli %arg0, %mul3A_8 : i32
    %mul3A_10 = arith.constant 1560 : i32
    %mul3A_11 = arith.muli %arg1, %mul3A_10 : i32
    %add3A = arith.addi %mul3A_9, %mul3A_11 : i32
    "tpu.region"() ({
      %run_scoped3A = tpu.sem_alloc : memref<!tpu.dma_semaphore, #tpu.memory_space<semaphore_mem>>
      %dma_start3A = arith.constant 0 : i32
      %dma_start3A_14 = tpu.memref_slice %arg6[%add3A, %dma_start3A] : memref<50000x64xf32, #tpu.memory_space<hbm>> -> memref<1560x64xf32, #tpu.memory_space<hbm>>
      %dma_start3A_15 = arith.constant 0 : i32
      %dma_start3A_16 = tpu.memref_slice %arg11[%mul3A_11, %dma_start3A_15] : memref<25600x64xf32, #tpu.memory_space<vmem_shared>> -> memref<1560x64xf32, #tpu.memory_space<vmem_shared>>
      tpu.enqueue_dma source(%dma_start3A_16 : memref<1560x64xf32, #tpu.memory_space<vmem_shared>>) target(%dma_start3A_14 : memref<1560x64xf32, #tpu.memory_space<hbm>>) target_semaphore(%run_scoped3A : memref<!tpu.dma_semaphore, #tpu.memory_space<semaphore_mem>>)
      %dma_wait3A = arith.constant 0 : i32
      %dma_wait3A_17 = tpu.memref_slice %arg6[%add3A, %dma_wait3A] : memref<50000x64xf32, #tpu.memory_space<hbm>> -> memref<1560x64xf32, #tpu.memory_space<hbm>>
      %dma_wait3A_18 = arith.constant 0 : i32
      %dma_wait3A_19 = tpu.memref_slice %arg11[%mul3A_11, %dma_wait3A_18] : memref<25600x64xf32, #tpu.memory_space<vmem_shared>> -> memref<1560x64xf32, #tpu.memory_space<vmem_shared>>
      tpu.wait_dma2 semaphore(%run_scoped3A : memref<!tpu.dma_semaphore, #tpu.memory_space<semaphore_mem>>) src(%dma_wait3A_19 : memref<1560x64xf32, #tpu.memory_space<vmem_shared>>) dst(%dma_wait3A_17 : memref<1560x64xf32, #tpu.memory_space<hbm>>)
      tpu.yield
    }) : () -> ()
    %eq3A = arith.constant 0 : i32
    %eq3A_12 = arith.cmpi eq, %arg1, %eq3A : i32
    %convert_element_type3A = arith.extui %eq3A_12 : i1 to i32
    %cond3A = arith.constant 0 : i32
    %cond3A_13 = arith.cmpi ne, %convert_element_type3A, %cond3A : i32
    scf.if %cond3A_13 {
      %add3A_14 = arith.constant 24960 : i32
      %add3A_15 = arith.addi %mul3A_9, %add3A_14 : i32
      "tpu.region"() ({
        %run_scoped3A = tpu.sem_alloc : memref<!tpu.dma_semaphore, #tpu.memory_space<semaphore_mem>>
        %dma_start3A = arith.constant 0 : i32
        %dma_start3A_16 = tpu.memref_slice %arg6[%add3A_15, %dma_start3A] : memref<50000x64xf32, #tpu.memory_space<hbm>> -> memref<40x64xf32, #tpu.memory_space<hbm>>
        %dma_start3A_17 = arith.constant 24960 : i32
        %dma_start3A_18 = arith.constant 0 : i32
        %dma_start3A_19 = tpu.memref_slice %arg11[%dma_start3A_17, %dma_start3A_18] : memref<25600x64xf32, #tpu.memory_space<vmem_shared>> -> memref<40x64xf32, #tpu.memory_space<vmem_shared>>
        tpu.enqueue_dma source(%dma_start3A_19 : memref<40x64xf32, #tpu.memory_space<vmem_shared>>) target(%dma_start3A_16 : memref<40x64xf32, #tpu.memory_space<hbm>>) target_semaphore(%run_scoped3A : memref<!tpu.dma_semaphore, #tpu.memory_space<semaphore_mem>>)
        %dma_wait3A = arith.constant 0 : i32
        %dma_wait3A_20 = tpu.memref_slice %arg6[%add3A_15, %dma_wait3A] : memref<50000x64xf32, #tpu.memory_space<hbm>> -> memref<40x64xf32, #tpu.memory_space<hbm>>
        %dma_wait3A_21 = arith.constant 24960 : i32
        %dma_wait3A_22 = arith.constant 0 : i32
        %dma_wait3A_23 = tpu.memref_slice %arg11[%dma_wait3A_21, %dma_wait3A_22] : memref<25600x64xf32, #tpu.memory_space<vmem_shared>> -> memref<40x64xf32, #tpu.memory_space<vmem_shared>>
        tpu.wait_dma2 semaphore(%run_scoped3A : memref<!tpu.dma_semaphore, #tpu.memory_space<semaphore_mem>>) src(%dma_wait3A_23 : memref<40x64xf32, #tpu.memory_space<vmem_shared>>) dst(%dma_wait3A_20 : memref<40x64xf32, #tpu.memory_space<hbm>>)
        tpu.yield
      }) : () -> ()
    } else {
    }
    return
  }
}

#map = affine_map<(d0, d1) -> (0, 0)>
#map1 = affine_map<(d0, d1) -> (0, 0, 0)>
#map2 = affine_map<(d0, d1) -> (0, 0, 0, 0)>
module attributes {stable_mosaic.version = 14 : i64} {
  func.func @_segsum_body(%arg0: i32, %arg1: i32, %arg2: memref<50000x64xf32, #tpu.memory_space<hbm>>, %arg3: memref<16x392x128xi32, #tpu.memory_space<hbm>>, %arg4: memref<2x16x392x128xi32, #tpu.memory_space<hbm>>, %arg5: memref<25600x64xf32, #tpu.memory_space<hbm>>, %arg6: memref<50000x64xf32, #tpu.memory_space<hbm>>, %arg7: memref<28x128xi32, #tpu.memory_space<vmem>>, %arg8: memref<28x128xi32, #tpu.memory_space<vmem>>, %arg9: memref<128x64xf32, #tpu.memory_space<vmem>>, %arg10: memref<128x64xf32, #tpu.memory_space<vmem>>, %arg11: memref<25600x64xf32, #tpu.memory_space<vmem_shared>>, %arg12: memref<!tpu.dma_semaphore, #tpu.memory_space<semaphore_mem>>, %arg13: memref<!tpu.dma_semaphore, #tpu.memory_space<semaphore_mem>>) attributes {dimension_semantics = [#tpu.dimension_semantics<core_parallel>, #tpu.dimension_semantics<subcore_parallel>], iteration_bounds = array<i64: 2, 16>, scalar_prefetch = 0 : i64, scratch_operands = 7 : i64, tpu.core_type = #tpu.core_type<sc_vector_subcore>, window_params = [{transform_indices = #map}, {transform_indices = #map1}, {transform_indices = #map2}, {transform_indices = #map}, {transform_indices = #map}]} {
    %mul3A = arith.constant 1600 : i32
    %mul3A_0 = arith.muli %arg1, %mul3A : i32
    "tpu.region"() ({
      %run_scoped3A = tpu.sem_alloc : memref<!tpu.dma_semaphore, #tpu.memory_space<semaphore_mem>>
      %dma_start3A = arith.constant 0 : i32
      %dma_start3A_14 = tpu.memref_slice %arg11[%mul3A_0, %dma_start3A] : memref<25600x64xf32, #tpu.memory_space<vmem_shared>> -> memref<1600x64xf32, #tpu.memory_space<vmem_shared>>
      %dma_start3A_15 = arith.constant 0 : i32
      %dma_start3A_16 = tpu.memref_slice %arg5[%mul3A_0, %dma_start3A_15] : memref<25600x64xf32, #tpu.memory_space<hbm>> -> memref<1600x64xf32, #tpu.memory_space<hbm>>
      tpu.enqueue_dma source(%dma_start3A_16 : memref<1600x64xf32, #tpu.memory_space<hbm>>) target(%dma_start3A_14 : memref<1600x64xf32, #tpu.memory_space<vmem_shared>>) target_semaphore(%run_scoped3A : memref<!tpu.dma_semaphore, #tpu.memory_space<semaphore_mem>>)
      %dma_wait3A = arith.constant 0 : i32
      %dma_wait3A_17 = tpu.memref_slice %arg11[%mul3A_0, %dma_wait3A] : memref<25600x64xf32, #tpu.memory_space<vmem_shared>> -> memref<1600x64xf32, #tpu.memory_space<vmem_shared>>
      %dma_wait3A_18 = arith.constant 0 : i32
      %dma_wait3A_19 = tpu.memref_slice %arg5[%mul3A_0, %dma_wait3A_18] : memref<25600x64xf32, #tpu.memory_space<hbm>> -> memref<1600x64xf32, #tpu.memory_space<hbm>>
      tpu.wait_dma2 semaphore(%run_scoped3A : memref<!tpu.dma_semaphore, #tpu.memory_space<semaphore_mem>>) src(%dma_wait3A_19 : memref<1600x64xf32, #tpu.memory_space<hbm>>) dst(%dma_wait3A_17 : memref<1600x64xf32, #tpu.memory_space<vmem_shared>>)
      tpu.yield
    }) : () -> ()
    %barrier3A = arith.constant 0 : index
    tpu.barrier barrier_id(%barrier3A)
    %scan3A = arith.constant 0 : i32
    %scan3A_1 = arith.constant 0 : i32
    %scan3A_2 = arith.constant 14 : i32
    %scan3A_3 = arith.addi %scan3A_1, %scan3A_2 : i32
    %scan3A_4 = arith.constant 1 : i32
    %scan3A_5 = scf.for %scan3A_14 = %scan3A_1 to %scan3A_3 step %scan3A_4 iter_args(%scan3A_15 = %scan3A) -> (i32)  : i32 {
      %mul3A_16 = arith.constant 28 : i32
      %mul3A_17 = arith.muli %scan3A_14, %mul3A_16 : i32
      "tpu.region"() ({
        %run_scoped3A = tpu.sem_alloc : memref<!tpu.dma_semaphore, #tpu.memory_space<semaphore_mem>>
        %dma_start3A_41 = arith.constant 0 : i32
        %dma_start3A_42 = tpu.memref_slice %arg3[%arg1, %mul3A_17, %dma_start3A_41] : memref<16x392x128xi32, #tpu.memory_space<hbm>> -> memref<1x28x128xi32, #tpu.memory_space<hbm>>
        %dma_start3A_43 = tpu.memref_squeeze %dma_start3A_42 : memref<1x28x128xi32, #tpu.memory_space<hbm>> -> memref<28x128xi32, #tpu.memory_space<hbm>>
        %dma_start3A_44 = arith.constant 0 : i32
        %dma_start3A_45 = tpu.memref_slice %arg3[%arg1, %mul3A_17, %dma_start3A_44] : memref<16x392x128xi32, #tpu.memory_space<hbm>> -> memref<1x28x128xi32, #tpu.memory_space<hbm>>
        %dma_start3A_46 = tpu.memref_squeeze %dma_start3A_45 : memref<1x28x128xi32, #tpu.memory_space<hbm>> -> memref<28x128xi32, #tpu.memory_space<hbm>>
        tpu.enqueue_dma source(%dma_start3A_46 : memref<28x128xi32, #tpu.memory_space<hbm>>) target(%arg7 : memref<28x128xi32, #tpu.memory_space<vmem>>) target_semaphore(%run_scoped3A : memref<!tpu.dma_semaphore, #tpu.memory_space<semaphore_mem>>)
        %dma_wait3A = arith.constant 0 : i32
        %dma_wait3A_47 = tpu.memref_slice %arg3[%arg1, %mul3A_17, %dma_wait3A] : memref<16x392x128xi32, #tpu.memory_space<hbm>> -> memref<1x28x128xi32, #tpu.memory_space<hbm>>
        %dma_wait3A_48 = tpu.memref_squeeze %dma_wait3A_47 : memref<1x28x128xi32, #tpu.memory_space<hbm>> -> memref<28x128xi32, #tpu.memory_space<hbm>>
        %dma_wait3A_49 = arith.constant 0 : i32
        %dma_wait3A_50 = tpu.memref_slice %arg3[%arg1, %mul3A_17, %dma_wait3A_49] : memref<16x392x128xi32, #tpu.memory_space<hbm>> -> memref<1x28x128xi32, #tpu.memory_space<hbm>>
        %dma_wait3A_51 = tpu.memref_squeeze %dma_wait3A_50 : memref<1x28x128xi32, #tpu.memory_space<hbm>> -> memref<28x128xi32, #tpu.memory_space<hbm>>
        tpu.wait_dma2 semaphore(%run_scoped3A : memref<!tpu.dma_semaphore, #tpu.memory_space<semaphore_mem>>) src(%dma_wait3A_51 : memref<28x128xi32, #tpu.memory_space<hbm>>) dst(%arg7 : memref<28x128xi32, #tpu.memory_space<vmem>>)
        tpu.yield
      }) : () -> ()
      %mul3A_18 = arith.constant 28 : i32
      %mul3A_19 = arith.muli %scan3A_14, %mul3A_18 : i32
      "tpu.region"() ({
        %run_scoped3A = tpu.sem_alloc : memref<!tpu.dma_semaphore, #tpu.memory_space<semaphore_mem>>
        %dma_start3A_41 = arith.constant 0 : i32
        %dma_start3A_42 = tpu.memref_slice %arg4[%arg0, %arg1, %mul3A_19, %dma_start3A_41] : memref<2x16x392x128xi32, #tpu.memory_space<hbm>> -> memref<1x1x28x128xi32, #tpu.memory_space<hbm>>
        %dma_start3A_43 = tpu.memref_squeeze %dma_start3A_42 : memref<1x1x28x128xi32, #tpu.memory_space<hbm>> -> memref<28x128xi32, #tpu.memory_space<hbm>>
        %dma_start3A_44 = arith.constant 0 : i32
        %dma_start3A_45 = tpu.memref_slice %arg4[%arg0, %arg1, %mul3A_19, %dma_start3A_44] : memref<2x16x392x128xi32, #tpu.memory_space<hbm>> -> memref<1x1x28x128xi32, #tpu.memory_space<hbm>>
        %dma_start3A_46 = tpu.memref_squeeze %dma_start3A_45 : memref<1x1x28x128xi32, #tpu.memory_space<hbm>> -> memref<28x128xi32, #tpu.memory_space<hbm>>
        tpu.enqueue_dma source(%dma_start3A_46 : memref<28x128xi32, #tpu.memory_space<hbm>>) target(%arg8 : memref<28x128xi32, #tpu.memory_space<vmem>>) target_semaphore(%run_scoped3A : memref<!tpu.dma_semaphore, #tpu.memory_space<semaphore_mem>>)
        %dma_wait3A = arith.constant 0 : i32
        %dma_wait3A_47 = tpu.memref_slice %arg4[%arg0, %arg1, %mul3A_19, %dma_wait3A] : memref<2x16x392x128xi32, #tpu.memory_space<hbm>> -> memref<1x1x28x128xi32, #tpu.memory_space<hbm>>
        %dma_wait3A_48 = tpu.memref_squeeze %dma_wait3A_47 : memref<1x1x28x128xi32, #tpu.memory_space<hbm>> -> memref<28x128xi32, #tpu.memory_space<hbm>>
        %dma_wait3A_49 = arith.constant 0 : i32
        %dma_wait3A_50 = tpu.memref_slice %arg4[%arg0, %arg1, %mul3A_19, %dma_wait3A_49] : memref<2x16x392x128xi32, #tpu.memory_space<hbm>> -> memref<1x1x28x128xi32, #tpu.memory_space<hbm>>
        %dma_wait3A_51 = tpu.memref_squeeze %dma_wait3A_50 : memref<1x1x28x128xi32, #tpu.memory_space<hbm>> -> memref<28x128xi32, #tpu.memory_space<hbm>>
        tpu.wait_dma2 semaphore(%run_scoped3A : memref<!tpu.dma_semaphore, #tpu.memory_space<semaphore_mem>>) src(%dma_wait3A_51 : memref<28x128xi32, #tpu.memory_space<hbm>>) dst(%arg8 : memref<28x128xi32, #tpu.memory_space<vmem>>)
        tpu.yield
      }) : () -> ()
      %dma_start3A = arith.constant 0 : i32
      %dma_start3A_20 = arith.constant 0 : i32
      %dma_start3A_21 = tpu.memref_slice %arg7[%dma_start3A, %dma_start3A_20] : memref<28x128xi32, #tpu.memory_space<vmem>> -> memref<1x128xi32, #tpu.memory_space<vmem>>
      %dma_start3A_22 = tpu.memref_squeeze %dma_start3A_21 : memref<1x128xi32, #tpu.memory_space<vmem>> -> memref<128xi32, #tpu.memory_space<vmem>>
      %dma_start3A_23 = arith.constant 0 : i32
      %dma_start3A_24 = arith.constant 0 : i32
      %dma_start3A_25 = tpu.memref_slice %arg2[%dma_start3A_23, %dma_start3A_24] : memref<50000x64xf32, #tpu.memory_space<hbm>> -> memref<50000x64xf32, #tpu.memory_space<hbm>>
      tpu.enqueue_indirect_dma source(%dma_start3A_25 : memref<50000x64xf32, #tpu.memory_space<hbm>>) target(%arg9 : memref<128x64xf32, #tpu.memory_space<vmem>>) offsets(%dma_start3A_22 : memref<128xi32, #tpu.memory_space<vmem>>) semaphore(%arg12 : memref<!tpu.dma_semaphore, #tpu.memory_space<semaphore_mem>>)
      %dma_start3A_26 = arith.constant 1 : i32
      %dma_start3A_27 = arith.constant 0 : i32
      %dma_start3A_28 = tpu.memref_slice %arg7[%dma_start3A_26, %dma_start3A_27] : memref<28x128xi32, #tpu.memory_space<vmem>> -> memref<1x128xi32, #tpu.memory_space<vmem>>
      %dma_start3A_29 = tpu.memref_squeeze %dma_start3A_28 : memref<1x128xi32, #tpu.memory_space<vmem>> -> memref<128xi32, #tpu.memory_space<vmem>>
      %dma_start3A_30 = arith.constant 0 : i32
      %dma_start3A_31 = arith.constant 0 : i32
      %dma_start3A_32 = tpu.memref_slice %arg2[%dma_start3A_30, %dma_start3A_31] : memref<50000x64xf32, #tpu.memory_space<hbm>> -> memref<50000x64xf32, #tpu.memory_space<hbm>>
      tpu.enqueue_indirect_dma source(%dma_start3A_32 : memref<50000x64xf32, #tpu.memory_space<hbm>>) target(%arg10 : memref<128x64xf32, #tpu.memory_space<vmem>>) offsets(%dma_start3A_29 : memref<128xi32, #tpu.memory_space<vmem>>) semaphore(%arg13 : memref<!tpu.dma_semaphore, #tpu.memory_space<semaphore_mem>>)
      %scan3A_33 = arith.constant 0 : i32
      %scan3A_34 = arith.constant 0 : i32
      %scan3A_35 = arith.constant 14 : i32
      %scan3A_36 = arith.addi %scan3A_34, %scan3A_35 : i32
      %scan3A_37 = arith.constant 1 : i32
      %scan3A_38 = scf.for %scan3A_41 = %scan3A_34 to %scan3A_36 step %scan3A_37 iter_args(%scan3A_42 = %scan3A_33) -> (i32)  : i32 {
        %mul3A_43 = arith.constant 2 : i32
        %mul3A_44 = arith.muli %mul3A_43, %scan3A_41 : i32
        %dma_wait3A = arith.constant 0 : i32
        %dma_wait3A_45 = tpu.memref_slice %arg7[%mul3A_44, %dma_wait3A] : memref<28x128xi32, #tpu.memory_space<vmem>> -> memref<1x128xi32, #tpu.memory_space<vmem>>
        %dma_wait3A_46 = tpu.memref_squeeze %dma_wait3A_45 : memref<1x128xi32, #tpu.memory_space<vmem>> -> memref<128xi32, #tpu.memory_space<vmem>>
        %dma_wait3A_47 = arith.constant 0 : i32
        %dma_wait3A_48 = arith.constant 0 : i32
        %dma_wait3A_49 = tpu.memref_slice %arg2[%dma_wait3A_47, %dma_wait3A_48] : memref<50000x64xf32, #tpu.memory_space<hbm>> -> memref<50000x64xf32, #tpu.memory_space<hbm>>
        tpu.wait_indirect_dma semaphore(%arg12 : memref<!tpu.dma_semaphore, #tpu.memory_space<semaphore_mem>>) src(%dma_wait3A_49 : memref<50000x64xf32, #tpu.memory_space<hbm>>) dst(%arg9 : memref<128x64xf32, #tpu.memory_space<vmem>>)
        "tpu.region"() ({
          %run_scoped3A = tpu.sem_alloc : memref<!tpu.dma_semaphore, #tpu.memory_space<semaphore_mem>>
          %dma_start3A_74 = arith.constant 0 : i32
          %dma_start3A_75 = tpu.memref_slice %arg8[%mul3A_44, %dma_start3A_74] : memref<28x128xi32, #tpu.memory_space<vmem>> -> memref<1x128xi32, #tpu.memory_space<vmem>>
          %dma_start3A_76 = tpu.memref_squeeze %dma_start3A_75 : memref<1x128xi32, #tpu.memory_space<vmem>> -> memref<128xi32, #tpu.memory_space<vmem>>
          %dma_start3A_77 = arith.constant 0 : i32
          %dma_start3A_78 = arith.constant 0 : i32
          %dma_start3A_79 = tpu.memref_slice %arg11[%dma_start3A_77, %dma_start3A_78] : memref<25600x64xf32, #tpu.memory_space<vmem_shared>> -> memref<25600x64xf32, #tpu.memory_space<vmem_shared>>
          tpu.enqueue_indirect_dma source(%arg9 : memref<128x64xf32, #tpu.memory_space<vmem>>) target(%dma_start3A_79 : memref<25600x64xf32, #tpu.memory_space<vmem_shared>>) offsets(%dma_start3A_76 : memref<128xi32, #tpu.memory_space<vmem>>) semaphore(%run_scoped3A : memref<!tpu.dma_semaphore, #tpu.memory_space<semaphore_mem>>) {add = true}
          %dma_wait3A_80 = arith.constant 0 : i32
          %dma_wait3A_81 = tpu.memref_slice %arg8[%mul3A_44, %dma_wait3A_80] : memref<28x128xi32, #tpu.memory_space<vmem>> -> memref<1x128xi32, #tpu.memory_space<vmem>>
          %dma_wait3A_82 = tpu.memref_squeeze %dma_wait3A_81 : memref<1x128xi32, #tpu.memory_space<vmem>> -> memref<128xi32, #tpu.memory_space<vmem>>
          %dma_wait3A_83 = arith.constant 0 : i32
          %dma_wait3A_84 = arith.constant 0 : i32
          %dma_wait3A_85 = tpu.memref_slice %arg11[%dma_wait3A_83, %dma_wait3A_84] : memref<25600x64xf32, #tpu.memory_space<vmem_shared>> -> memref<25600x64xf32, #tpu.memory_space<vmem_shared>>
          tpu.wait_indirect_dma semaphore(%run_scoped3A : memref<!tpu.dma_semaphore, #tpu.memory_space<semaphore_mem>>) src(%arg9 : memref<128x64xf32, #tpu.memory_space<vmem>>) dst(%dma_wait3A_85 : memref<25600x64xf32, #tpu.memory_space<vmem_shared>>)
          tpu.yield
        }) : () -> ()
        %add3A_50 = arith.constant 2 : i32
        %add3A_51 = arith.addi %mul3A_44, %add3A_50 : i32
        %lt3A = arith.constant 28 : i32
        %lt3A_52 = arith.cmpi slt, %add3A_51, %lt3A : i32
        %convert_element_type3A_53 = arith.extui %lt3A_52 : i1 to i32
        %cond3A_54 = arith.constant 0 : i32
        %cond3A_55 = arith.cmpi ne, %convert_element_type3A_53, %cond3A_54 : i32
        scf.if %cond3A_55 {
          %add3A_74 = arith.constant 2 : i32
          %add3A_75 = arith.addi %mul3A_44, %add3A_74 : i32
          %dma_start3A_76 = arith.constant 0 : i32
          %dma_start3A_77 = tpu.memref_slice %arg7[%add3A_75, %dma_start3A_76] : memref<28x128xi32, #tpu.memory_space<vmem>> -> memref<1x128xi32, #tpu.memory_space<vmem>>
          %dma_start3A_78 = tpu.memref_squeeze %dma_start3A_77 : memref<1x128xi32, #tpu.memory_space<vmem>> -> memref<128xi32, #tpu.memory_space<vmem>>
          %dma_start3A_79 = arith.constant 0 : i32
          %dma_start3A_80 = arith.constant 0 : i32
          %dma_start3A_81 = tpu.memref_slice %arg2[%dma_start3A_79, %dma_start3A_80] : memref<50000x64xf32, #tpu.memory_space<hbm>> -> memref<50000x64xf32, #tpu.memory_space<hbm>>
          tpu.enqueue_indirect_dma source(%dma_start3A_81 : memref<50000x64xf32, #tpu.memory_space<hbm>>) target(%arg9 : memref<128x64xf32, #tpu.memory_space<vmem>>) offsets(%dma_start3A_78 : memref<128xi32, #tpu.memory_space<vmem>>) semaphore(%arg12 : memref<!tpu.dma_semaphore, #tpu.memory_space<semaphore_mem>>)
        } else {
        }
        %add3A_56 = arith.constant 1 : i32
        %add3A_57 = arith.addi %mul3A_44, %add3A_56 : i32
        %dma_wait3A_58 = arith.constant 0 : i32
        %dma_wait3A_59 = tpu.memref_slice %arg7[%add3A_57, %dma_wait3A_58] : memref<28x128xi32, #tpu.memory_space<vmem>> -> memref<1x128xi32, #tpu.memory_space<vmem>>
        %dma_wait3A_60 = tpu.memref_squeeze %dma_wait3A_59 : memref<1x128xi32, #tpu.memory_space<vmem>> -> memref<128xi32, #tpu.memory_space<vmem>>
        %dma_wait3A_61 = arith.constant 0 : i32
        %dma_wait3A_62 = arith.constant 0 : i32
        %dma_wait3A_63 = tpu.memref_slice %arg2[%dma_wait3A_61, %dma_wait3A_62] : memref<50000x64xf32, #tpu.memory_space<hbm>> -> memref<50000x64xf32, #tpu.memory_space<hbm>>
        tpu.wait_indirect_dma semaphore(%arg13 : memref<!tpu.dma_semaphore, #tpu.memory_space<semaphore_mem>>) src(%dma_wait3A_63 : memref<50000x64xf32, #tpu.memory_space<hbm>>) dst(%arg10 : memref<128x64xf32, #tpu.memory_space<vmem>>)
        %add3A_64 = arith.constant 1 : i32
        %add3A_65 = arith.addi %mul3A_44, %add3A_64 : i32
        "tpu.region"() ({
          %run_scoped3A = tpu.sem_alloc : memref<!tpu.dma_semaphore, #tpu.memory_space<semaphore_mem>>
          %dma_start3A_74 = arith.constant 0 : i32
          %dma_start3A_75 = tpu.memref_slice %arg8[%add3A_65, %dma_start3A_74] : memref<28x128xi32, #tpu.memory_space<vmem>> -> memref<1x128xi32, #tpu.memory_space<vmem>>
          %dma_start3A_76 = tpu.memref_squeeze %dma_start3A_75 : memref<1x128xi32, #tpu.memory_space<vmem>> -> memref<128xi32, #tpu.memory_space<vmem>>
          %dma_start3A_77 = arith.constant 0 : i32
          %dma_start3A_78 = arith.constant 0 : i32
          %dma_start3A_79 = tpu.memref_slice %arg11[%dma_start3A_77, %dma_start3A_78] : memref<25600x64xf32, #tpu.memory_space<vmem_shared>> -> memref<25600x64xf32, #tpu.memory_space<vmem_shared>>
          tpu.enqueue_indirect_dma source(%arg10 : memref<128x64xf32, #tpu.memory_space<vmem>>) target(%dma_start3A_79 : memref<25600x64xf32, #tpu.memory_space<vmem_shared>>) offsets(%dma_start3A_76 : memref<128xi32, #tpu.memory_space<vmem>>) semaphore(%run_scoped3A : memref<!tpu.dma_semaphore, #tpu.memory_space<semaphore_mem>>) {add = true}
          %dma_wait3A_80 = arith.constant 0 : i32
          %dma_wait3A_81 = tpu.memref_slice %arg8[%add3A_65, %dma_wait3A_80] : memref<28x128xi32, #tpu.memory_space<vmem>> -> memref<1x128xi32, #tpu.memory_space<vmem>>
          %dma_wait3A_82 = tpu.memref_squeeze %dma_wait3A_81 : memref<1x128xi32, #tpu.memory_space<vmem>> -> memref<128xi32, #tpu.memory_space<vmem>>
          %dma_wait3A_83 = arith.constant 0 : i32
          %dma_wait3A_84 = arith.constant 0 : i32
          %dma_wait3A_85 = tpu.memref_slice %arg11[%dma_wait3A_83, %dma_wait3A_84] : memref<25600x64xf32, #tpu.memory_space<vmem_shared>> -> memref<25600x64xf32, #tpu.memory_space<vmem_shared>>
          tpu.wait_indirect_dma semaphore(%run_scoped3A : memref<!tpu.dma_semaphore, #tpu.memory_space<semaphore_mem>>) src(%arg10 : memref<128x64xf32, #tpu.memory_space<vmem>>) dst(%dma_wait3A_85 : memref<25600x64xf32, #tpu.memory_space<vmem_shared>>)
          tpu.yield
        }) : () -> ()
        %add3A_66 = arith.constant 3 : i32
        %add3A_67 = arith.addi %mul3A_44, %add3A_66 : i32
        %lt3A_68 = arith.constant 28 : i32
        %lt3A_69 = arith.cmpi slt, %add3A_67, %lt3A_68 : i32
        %convert_element_type3A_70 = arith.extui %lt3A_69 : i1 to i32
        %cond3A_71 = arith.constant 0 : i32
        %cond3A_72 = arith.cmpi ne, %convert_element_type3A_70, %cond3A_71 : i32
        scf.if %cond3A_72 {
          %add3A_74 = arith.constant 3 : i32
          %add3A_75 = arith.addi %mul3A_44, %add3A_74 : i32
          %dma_start3A_76 = arith.constant 0 : i32
          %dma_start3A_77 = tpu.memref_slice %arg7[%add3A_75, %dma_start3A_76] : memref<28x128xi32, #tpu.memory_space<vmem>> -> memref<1x128xi32, #tpu.memory_space<vmem>>
          %dma_start3A_78 = tpu.memref_squeeze %dma_start3A_77 : memref<1x128xi32, #tpu.memory_space<vmem>> -> memref<128xi32, #tpu.memory_space<vmem>>
          %dma_start3A_79 = arith.constant 0 : i32
          %dma_start3A_80 = arith.constant 0 : i32
          %dma_start3A_81 = tpu.memref_slice %arg2[%dma_start3A_79, %dma_start3A_80] : memref<50000x64xf32, #tpu.memory_space<hbm>> -> memref<50000x64xf32, #tpu.memory_space<hbm>>
          tpu.enqueue_indirect_dma source(%dma_start3A_81 : memref<50000x64xf32, #tpu.memory_space<hbm>>) target(%arg10 : memref<128x64xf32, #tpu.memory_space<vmem>>) offsets(%dma_start3A_78 : memref<128xi32, #tpu.memory_space<vmem>>) semaphore(%arg13 : memref<!tpu.dma_semaphore, #tpu.memory_space<semaphore_mem>>)
        } else {
        }
        %scan3A_73 = arith.constant 0 : i32
        scf.yield %scan3A_73 : i32
      }
      %scan3A_39 = arith.constant 14 : i32
      %scan3A_40 = arith.constant 0 : i32
      scf.yield %scan3A_40 : i32
    }
    %scan3A_6 = arith.constant 14 : i32
    %barrier3A_7 = arith.constant 0 : index
    tpu.barrier barrier_id(%barrier3A_7)
    %mul3A_8 = arith.constant 25000 : i32
    %mul3A_9 = arith.muli %arg0, %mul3A_8 : i32
    %mul3A_10 = arith.constant 1560 : i32
    %mul3A_11 = arith.muli %arg1, %mul3A_10 : i32
    %add3A = arith.addi %mul3A_9, %mul3A_11 : i32
    "tpu.region"() ({
      %run_scoped3A = tpu.sem_alloc : memref<!tpu.dma_semaphore, #tpu.memory_space<semaphore_mem>>
      %dma_start3A = arith.constant 0 : i32
      %dma_start3A_14 = tpu.memref_slice %arg6[%add3A, %dma_start3A] : memref<50000x64xf32, #tpu.memory_space<hbm>> -> memref<1560x64xf32, #tpu.memory_space<hbm>>
      %dma_start3A_15 = arith.constant 0 : i32
      %dma_start3A_16 = tpu.memref_slice %arg11[%mul3A_11, %dma_start3A_15] : memref<25600x64xf32, #tpu.memory_space<vmem_shared>> -> memref<1560x64xf32, #tpu.memory_space<vmem_shared>>
      tpu.enqueue_dma source(%dma_start3A_16 : memref<1560x64xf32, #tpu.memory_space<vmem_shared>>) target(%dma_start3A_14 : memref<1560x64xf32, #tpu.memory_space<hbm>>) target_semaphore(%run_scoped3A : memref<!tpu.dma_semaphore, #tpu.memory_space<semaphore_mem>>)
      %dma_wait3A = arith.constant 0 : i32
      %dma_wait3A_17 = tpu.memref_slice %arg6[%add3A, %dma_wait3A] : memref<50000x64xf32, #tpu.memory_space<hbm>> -> memref<1560x64xf32, #tpu.memory_space<hbm>>
      %dma_wait3A_18 = arith.constant 0 : i32
      %dma_wait3A_19 = tpu.memref_slice %arg11[%mul3A_11, %dma_wait3A_18] : memref<25600x64xf32, #tpu.memory_space<vmem_shared>> -> memref<1560x64xf32, #tpu.memory_space<vmem_shared>>
      tpu.wait_dma2 semaphore(%run_scoped3A : memref<!tpu.dma_semaphore, #tpu.memory_space<semaphore_mem>>) src(%dma_wait3A_19 : memref<1560x64xf32, #tpu.memory_space<vmem_shared>>) dst(%dma_wait3A_17 : memref<1560x64xf32, #tpu.memory_space<hbm>>)
      tpu.yield
    }) : () -> ()
    %eq3A = arith.constant 0 : i32
    %eq3A_12 = arith.cmpi eq, %arg1, %eq3A : i32
    %convert_element_type3A = arith.extui %eq3A_12 : i1 to i32
    %cond3A = arith.constant 0 : i32
    %cond3A_13 = arith.cmpi ne, %convert_element_type3A, %cond3A : i32
    scf.if %cond3A_13 {
      %add3A_14 = arith.constant 24960 : i32
      %add3A_15 = arith.addi %mul3A_9, %add3A_14 : i32
      "tpu.region"() ({
        %run_scoped3A = tpu.sem_alloc : memref<!tpu.dma_semaphore, #tpu.memory_space<semaphore_mem>>
        %dma_start3A = arith.constant 0 : i32
        %dma_start3A_16 = tpu.memref_slice %arg6[%add3A_15, %dma_start3A] : memref<50000x64xf32, #tpu.memory_space<hbm>> -> memref<40x64xf32, #tpu.memory_space<hbm>>
        %dma_start3A_17 = arith.constant 24960 : i32
        %dma_start3A_18 = arith.constant 0 : i32
        %dma_start3A_19 = tpu.memref_slice %arg11[%dma_start3A_17, %dma_start3A_18] : memref<25600x64xf32, #tpu.memory_space<vmem_shared>> -> memref<40x64xf32, #tpu.memory_space<vmem_shared>>
        tpu.enqueue_dma source(%dma_start3A_19 : memref<40x64xf32, #tpu.memory_space<vmem_shared>>) target(%dma_start3A_16 : memref<40x64xf32, #tpu.memory_space<hbm>>) target_semaphore(%run_scoped3A : memref<!tpu.dma_semaphore, #tpu.memory_space<semaphore_mem>>)
        %dma_wait3A = arith.constant 0 : i32
        %dma_wait3A_20 = tpu.memref_slice %arg6[%add3A_15, %dma_wait3A] : memref<50000x64xf32, #tpu.memory_space<hbm>> -> memref<40x64xf32, #tpu.memory_space<hbm>>
        %dma_wait3A_21 = arith.constant 24960 : i32
        %dma_wait3A_22 = arith.constant 0 : i32
        %dma_wait3A_23 = tpu.memref_slice %arg11[%dma_wait3A_21, %dma_wait3A_22] : memref<25600x64xf32, #tpu.memory_space<vmem_shared>> -> memref<40x64xf32, #tpu.memory_space<vmem_shared>>
        tpu.wait_dma2 semaphore(%run_scoped3A : memref<!tpu.dma_semaphore, #tpu.memory_space<semaphore_mem>>) src(%dma_wait3A_23 : memref<40x64xf32, #tpu.memory_space<vmem_shared>>) dst(%dma_wait3A_20 : memref<40x64xf32, #tpu.memory_space<hbm>>)
        tpu.yield
      }) : () -> ()
    } else {
    }
    return
  }
}

#map = affine_map<(d0, d1) -> (0, 0)>
#map1 = affine_map<(d0, d1) -> (0, 0, 0)>
#map2 = affine_map<(d0, d1) -> (0, 0, 0, 0)>
module attributes {stable_mosaic.version = 14 : i64} {
  func.func @_segsum_body(%arg0: i32, %arg1: i32, %arg2: memref<50000x64xf32, #tpu.memory_space<hbm>>, %arg3: memref<16x392x128xi32, #tpu.memory_space<hbm>>, %arg4: memref<2x16x392x128xi32, #tpu.memory_space<hbm>>, %arg5: memref<25600x64xf32, #tpu.memory_space<hbm>>, %arg6: memref<50000x64xf32, #tpu.memory_space<hbm>>, %arg7: memref<28x128xi32, #tpu.memory_space<vmem>>, %arg8: memref<28x128xi32, #tpu.memory_space<vmem>>, %arg9: memref<128x64xf32, #tpu.memory_space<vmem>>, %arg10: memref<128x64xf32, #tpu.memory_space<vmem>>, %arg11: memref<25600x64xf32, #tpu.memory_space<vmem_shared>>, %arg12: memref<!tpu.dma_semaphore, #tpu.memory_space<semaphore_mem>>, %arg13: memref<!tpu.dma_semaphore, #tpu.memory_space<semaphore_mem>>) attributes {dimension_semantics = [#tpu.dimension_semantics<core_parallel>, #tpu.dimension_semantics<subcore_parallel>], iteration_bounds = array<i64: 2, 16>, scalar_prefetch = 0 : i64, scratch_operands = 7 : i64, tpu.core_type = #tpu.core_type<sc_vector_subcore>, window_params = [{transform_indices = #map}, {transform_indices = #map1}, {transform_indices = #map2}, {transform_indices = #map}, {transform_indices = #map}]} {
    %mul3A = arith.constant 1600 : i32
    %mul3A_0 = arith.muli %arg1, %mul3A : i32
    "tpu.region"() ({
      %run_scoped3A = tpu.sem_alloc : memref<!tpu.dma_semaphore, #tpu.memory_space<semaphore_mem>>
      %dma_start3A = arith.constant 0 : i32
      %dma_start3A_14 = tpu.memref_slice %arg11[%mul3A_0, %dma_start3A] : memref<25600x64xf32, #tpu.memory_space<vmem_shared>> -> memref<1600x64xf32, #tpu.memory_space<vmem_shared>>
      %dma_start3A_15 = arith.constant 0 : i32
      %dma_start3A_16 = tpu.memref_slice %arg5[%mul3A_0, %dma_start3A_15] : memref<25600x64xf32, #tpu.memory_space<hbm>> -> memref<1600x64xf32, #tpu.memory_space<hbm>>
      tpu.enqueue_dma source(%dma_start3A_16 : memref<1600x64xf32, #tpu.memory_space<hbm>>) target(%dma_start3A_14 : memref<1600x64xf32, #tpu.memory_space<vmem_shared>>) target_semaphore(%run_scoped3A : memref<!tpu.dma_semaphore, #tpu.memory_space<semaphore_mem>>)
      %dma_wait3A = arith.constant 0 : i32
      %dma_wait3A_17 = tpu.memref_slice %arg11[%mul3A_0, %dma_wait3A] : memref<25600x64xf32, #tpu.memory_space<vmem_shared>> -> memref<1600x64xf32, #tpu.memory_space<vmem_shared>>
      %dma_wait3A_18 = arith.constant 0 : i32
      %dma_wait3A_19 = tpu.memref_slice %arg5[%mul3A_0, %dma_wait3A_18] : memref<25600x64xf32, #tpu.memory_space<hbm>> -> memref<1600x64xf32, #tpu.memory_space<hbm>>
      tpu.wait_dma2 semaphore(%run_scoped3A : memref<!tpu.dma_semaphore, #tpu.memory_space<semaphore_mem>>) src(%dma_wait3A_19 : memref<1600x64xf32, #tpu.memory_space<hbm>>) dst(%dma_wait3A_17 : memref<1600x64xf32, #tpu.memory_space<vmem_shared>>)
      tpu.yield
    }) : () -> ()
    %barrier3A = arith.constant 0 : index
    tpu.barrier barrier_id(%barrier3A)
    %scan3A = arith.constant 0 : i32
    %scan3A_1 = arith.constant 0 : i32
    %scan3A_2 = arith.constant 14 : i32
    %scan3A_3 = arith.addi %scan3A_1, %scan3A_2 : i32
    %scan3A_4 = arith.constant 1 : i32
    %scan3A_5 = scf.for %scan3A_14 = %scan3A_1 to %scan3A_3 step %scan3A_4 iter_args(%scan3A_15 = %scan3A) -> (i32)  : i32 {
      %mul3A_16 = arith.constant 28 : i32
      %mul3A_17 = arith.muli %scan3A_14, %mul3A_16 : i32
      "tpu.region"() ({
        %run_scoped3A = tpu.sem_alloc : memref<!tpu.dma_semaphore, #tpu.memory_space<semaphore_mem>>
        %dma_start3A_41 = arith.constant 0 : i32
        %dma_start3A_42 = tpu.memref_slice %arg3[%arg1, %mul3A_17, %dma_start3A_41] : memref<16x392x128xi32, #tpu.memory_space<hbm>> -> memref<1x28x128xi32, #tpu.memory_space<hbm>>
        %dma_start3A_43 = tpu.memref_squeeze %dma_start3A_42 : memref<1x28x128xi32, #tpu.memory_space<hbm>> -> memref<28x128xi32, #tpu.memory_space<hbm>>
        %dma_start3A_44 = arith.constant 0 : i32
        %dma_start3A_45 = tpu.memref_slice %arg3[%arg1, %mul3A_17, %dma_start3A_44] : memref<16x392x128xi32, #tpu.memory_space<hbm>> -> memref<1x28x128xi32, #tpu.memory_space<hbm>>
        %dma_start3A_46 = tpu.memref_squeeze %dma_start3A_45 : memref<1x28x128xi32, #tpu.memory_space<hbm>> -> memref<28x128xi32, #tpu.memory_space<hbm>>
        tpu.enqueue_dma source(%dma_start3A_46 : memref<28x128xi32, #tpu.memory_space<hbm>>) target(%arg7 : memref<28x128xi32, #tpu.memory_space<vmem>>) target_semaphore(%run_scoped3A : memref<!tpu.dma_semaphore, #tpu.memory_space<semaphore_mem>>)
        %dma_wait3A = arith.constant 0 : i32
        %dma_wait3A_47 = tpu.memref_slice %arg3[%arg1, %mul3A_17, %dma_wait3A] : memref<16x392x128xi32, #tpu.memory_space<hbm>> -> memref<1x28x128xi32, #tpu.memory_space<hbm>>
        %dma_wait3A_48 = tpu.memref_squeeze %dma_wait3A_47 : memref<1x28x128xi32, #tpu.memory_space<hbm>> -> memref<28x128xi32, #tpu.memory_space<hbm>>
        %dma_wait3A_49 = arith.constant 0 : i32
        %dma_wait3A_50 = tpu.memref_slice %arg3[%arg1, %mul3A_17, %dma_wait3A_49] : memref<16x392x128xi32, #tpu.memory_space<hbm>> -> memref<1x28x128xi32, #tpu.memory_space<hbm>>
        %dma_wait3A_51 = tpu.memref_squeeze %dma_wait3A_50 : memref<1x28x128xi32, #tpu.memory_space<hbm>> -> memref<28x128xi32, #tpu.memory_space<hbm>>
        tpu.wait_dma2 semaphore(%run_scoped3A : memref<!tpu.dma_semaphore, #tpu.memory_space<semaphore_mem>>) src(%dma_wait3A_51 : memref<28x128xi32, #tpu.memory_space<hbm>>) dst(%arg7 : memref<28x128xi32, #tpu.memory_space<vmem>>)
        tpu.yield
      }) : () -> ()
      %mul3A_18 = arith.constant 28 : i32
      %mul3A_19 = arith.muli %scan3A_14, %mul3A_18 : i32
      "tpu.region"() ({
        %run_scoped3A = tpu.sem_alloc : memref<!tpu.dma_semaphore, #tpu.memory_space<semaphore_mem>>
        %dma_start3A_41 = arith.constant 0 : i32
        %dma_start3A_42 = tpu.memref_slice %arg4[%arg0, %arg1, %mul3A_19, %dma_start3A_41] : memref<2x16x392x128xi32, #tpu.memory_space<hbm>> -> memref<1x1x28x128xi32, #tpu.memory_space<hbm>>
        %dma_start3A_43 = tpu.memref_squeeze %dma_start3A_42 : memref<1x1x28x128xi32, #tpu.memory_space<hbm>> -> memref<28x128xi32, #tpu.memory_space<hbm>>
        %dma_start3A_44 = arith.constant 0 : i32
        %dma_start3A_45 = tpu.memref_slice %arg4[%arg0, %arg1, %mul3A_19, %dma_start3A_44] : memref<2x16x392x128xi32, #tpu.memory_space<hbm>> -> memref<1x1x28x128xi32, #tpu.memory_space<hbm>>
        %dma_start3A_46 = tpu.memref_squeeze %dma_start3A_45 : memref<1x1x28x128xi32, #tpu.memory_space<hbm>> -> memref<28x128xi32, #tpu.memory_space<hbm>>
        tpu.enqueue_dma source(%dma_start3A_46 : memref<28x128xi32, #tpu.memory_space<hbm>>) target(%arg8 : memref<28x128xi32, #tpu.memory_space<vmem>>) target_semaphore(%run_scoped3A : memref<!tpu.dma_semaphore, #tpu.memory_space<semaphore_mem>>)
        %dma_wait3A = arith.constant 0 : i32
        %dma_wait3A_47 = tpu.memref_slice %arg4[%arg0, %arg1, %mul3A_19, %dma_wait3A] : memref<2x16x392x128xi32, #tpu.memory_space<hbm>> -> memref<1x1x28x128xi32, #tpu.memory_space<hbm>>
        %dma_wait3A_48 = tpu.memref_squeeze %dma_wait3A_47 : memref<1x1x28x128xi32, #tpu.memory_space<hbm>> -> memref<28x128xi32, #tpu.memory_space<hbm>>
        %dma_wait3A_49 = arith.constant 0 : i32
        %dma_wait3A_50 = tpu.memref_slice %arg4[%arg0, %arg1, %mul3A_19, %dma_wait3A_49] : memref<2x16x392x128xi32, #tpu.memory_space<hbm>> -> memref<1x1x28x128xi32, #tpu.memory_space<hbm>>
        %dma_wait3A_51 = tpu.memref_squeeze %dma_wait3A_50 : memref<1x1x28x128xi32, #tpu.memory_space<hbm>> -> memref<28x128xi32, #tpu.memory_space<hbm>>
        tpu.wait_dma2 semaphore(%run_scoped3A : memref<!tpu.dma_semaphore, #tpu.memory_space<semaphore_mem>>) src(%dma_wait3A_51 : memref<28x128xi32, #tpu.memory_space<hbm>>) dst(%arg8 : memref<28x128xi32, #tpu.memory_space<vmem>>)
        tpu.yield
      }) : () -> ()
      %dma_start3A = arith.constant 0 : i32
      %dma_start3A_20 = arith.constant 0 : i32
      %dma_start3A_21 = tpu.memref_slice %arg7[%dma_start3A, %dma_start3A_20] : memref<28x128xi32, #tpu.memory_space<vmem>> -> memref<1x128xi32, #tpu.memory_space<vmem>>
      %dma_start3A_22 = tpu.memref_squeeze %dma_start3A_21 : memref<1x128xi32, #tpu.memory_space<vmem>> -> memref<128xi32, #tpu.memory_space<vmem>>
      %dma_start3A_23 = arith.constant 0 : i32
      %dma_start3A_24 = arith.constant 0 : i32
      %dma_start3A_25 = tpu.memref_slice %arg2[%dma_start3A_23, %dma_start3A_24] : memref<50000x64xf32, #tpu.memory_space<hbm>> -> memref<50000x64xf32, #tpu.memory_space<hbm>>
      tpu.enqueue_indirect_dma source(%dma_start3A_25 : memref<50000x64xf32, #tpu.memory_space<hbm>>) target(%arg9 : memref<128x64xf32, #tpu.memory_space<vmem>>) offsets(%dma_start3A_22 : memref<128xi32, #tpu.memory_space<vmem>>) semaphore(%arg12 : memref<!tpu.dma_semaphore, #tpu.memory_space<semaphore_mem>>)
      %dma_start3A_26 = arith.constant 1 : i32
      %dma_start3A_27 = arith.constant 0 : i32
      %dma_start3A_28 = tpu.memref_slice %arg7[%dma_start3A_26, %dma_start3A_27] : memref<28x128xi32, #tpu.memory_space<vmem>> -> memref<1x128xi32, #tpu.memory_space<vmem>>
      %dma_start3A_29 = tpu.memref_squeeze %dma_start3A_28 : memref<1x128xi32, #tpu.memory_space<vmem>> -> memref<128xi32, #tpu.memory_space<vmem>>
      %dma_start3A_30 = arith.constant 0 : i32
      %dma_start3A_31 = arith.constant 0 : i32
      %dma_start3A_32 = tpu.memref_slice %arg2[%dma_start3A_30, %dma_start3A_31] : memref<50000x64xf32, #tpu.memory_space<hbm>> -> memref<50000x64xf32, #tpu.memory_space<hbm>>
      tpu.enqueue_indirect_dma source(%dma_start3A_32 : memref<50000x64xf32, #tpu.memory_space<hbm>>) target(%arg10 : memref<128x64xf32, #tpu.memory_space<vmem>>) offsets(%dma_start3A_29 : memref<128xi32, #tpu.memory_space<vmem>>) semaphore(%arg13 : memref<!tpu.dma_semaphore, #tpu.memory_space<semaphore_mem>>)
      %scan3A_33 = arith.constant 0 : i32
      %scan3A_34 = arith.constant 0 : i32
      %scan3A_35 = arith.constant 14 : i32
      %scan3A_36 = arith.addi %scan3A_34, %scan3A_35 : i32
      %scan3A_37 = arith.constant 1 : i32
      %scan3A_38 = scf.for %scan3A_41 = %scan3A_34 to %scan3A_36 step %scan3A_37 iter_args(%scan3A_42 = %scan3A_33) -> (i32)  : i32 {
        %mul3A_43 = arith.constant 2 : i32
        %mul3A_44 = arith.muli %mul3A_43, %scan3A_41 : i32
        %dma_wait3A = arith.constant 0 : i32
        %dma_wait3A_45 = tpu.memref_slice %arg7[%mul3A_44, %dma_wait3A] : memref<28x128xi32, #tpu.memory_space<vmem>> -> memref<1x128xi32, #tpu.memory_space<vmem>>
        %dma_wait3A_46 = tpu.memref_squeeze %dma_wait3A_45 : memref<1x128xi32, #tpu.memory_space<vmem>> -> memref<128xi32, #tpu.memory_space<vmem>>
        %dma_wait3A_47 = arith.constant 0 : i32
        %dma_wait3A_48 = arith.constant 0 : i32
        %dma_wait3A_49 = tpu.memref_slice %arg2[%dma_wait3A_47, %dma_wait3A_48] : memref<50000x64xf32, #tpu.memory_space<hbm>> -> memref<50000x64xf32, #tpu.memory_space<hbm>>
        tpu.wait_indirect_dma semaphore(%arg12 : memref<!tpu.dma_semaphore, #tpu.memory_space<semaphore_mem>>) src(%dma_wait3A_49 : memref<50000x64xf32, #tpu.memory_space<hbm>>) dst(%arg9 : memref<128x64xf32, #tpu.memory_space<vmem>>)
        "tpu.region"() ({
          %run_scoped3A = tpu.sem_alloc : memref<!tpu.dma_semaphore, #tpu.memory_space<semaphore_mem>>
          %dma_start3A_74 = arith.constant 0 : i32
          %dma_start3A_75 = tpu.memref_slice %arg8[%mul3A_44, %dma_start3A_74] : memref<28x128xi32, #tpu.memory_space<vmem>> -> memref<1x128xi32, #tpu.memory_space<vmem>>
          %dma_start3A_76 = tpu.memref_squeeze %dma_start3A_75 : memref<1x128xi32, #tpu.memory_space<vmem>> -> memref<128xi32, #tpu.memory_space<vmem>>
          %dma_start3A_77 = arith.constant 0 : i32
          %dma_start3A_78 = arith.constant 0 : i32
          %dma_start3A_79 = tpu.memref_slice %arg11[%dma_start3A_77, %dma_start3A_78] : memref<25600x64xf32, #tpu.memory_space<vmem_shared>> -> memref<25600x64xf32, #tpu.memory_space<vmem_shared>>
          tpu.enqueue_indirect_dma source(%arg9 : memref<128x64xf32, #tpu.memory_space<vmem>>) target(%dma_start3A_79 : memref<25600x64xf32, #tpu.memory_space<vmem_shared>>) offsets(%dma_start3A_76 : memref<128xi32, #tpu.memory_space<vmem>>) semaphore(%run_scoped3A : memref<!tpu.dma_semaphore, #tpu.memory_space<semaphore_mem>>) {add = true}
          %dma_wait3A_80 = arith.constant 0 : i32
          %dma_wait3A_81 = tpu.memref_slice %arg8[%mul3A_44, %dma_wait3A_80] : memref<28x128xi32, #tpu.memory_space<vmem>> -> memref<1x128xi32, #tpu.memory_space<vmem>>
          %dma_wait3A_82 = tpu.memref_squeeze %dma_wait3A_81 : memref<1x128xi32, #tpu.memory_space<vmem>> -> memref<128xi32, #tpu.memory_space<vmem>>
          %dma_wait3A_83 = arith.constant 0 : i32
          %dma_wait3A_84 = arith.constant 0 : i32
          %dma_wait3A_85 = tpu.memref_slice %arg11[%dma_wait3A_83, %dma_wait3A_84] : memref<25600x64xf32, #tpu.memory_space<vmem_shared>> -> memref<25600x64xf32, #tpu.memory_space<vmem_shared>>
          tpu.wait_indirect_dma semaphore(%run_scoped3A : memref<!tpu.dma_semaphore, #tpu.memory_space<semaphore_mem>>) src(%arg9 : memref<128x64xf32, #tpu.memory_space<vmem>>) dst(%dma_wait3A_85 : memref<25600x64xf32, #tpu.memory_space<vmem_shared>>)
          tpu.yield
        }) : () -> ()
        %add3A_50 = arith.constant 2 : i32
        %add3A_51 = arith.addi %mul3A_44, %add3A_50 : i32
        %lt3A = arith.constant 28 : i32
        %lt3A_52 = arith.cmpi slt, %add3A_51, %lt3A : i32
        %convert_element_type3A_53 = arith.extui %lt3A_52 : i1 to i32
        %cond3A_54 = arith.constant 0 : i32
        %cond3A_55 = arith.cmpi ne, %convert_element_type3A_53, %cond3A_54 : i32
        scf.if %cond3A_55 {
          %add3A_74 = arith.constant 2 : i32
          %add3A_75 = arith.addi %mul3A_44, %add3A_74 : i32
          %dma_start3A_76 = arith.constant 0 : i32
          %dma_start3A_77 = tpu.memref_slice %arg7[%add3A_75, %dma_start3A_76] : memref<28x128xi32, #tpu.memory_space<vmem>> -> memref<1x128xi32, #tpu.memory_space<vmem>>
          %dma_start3A_78 = tpu.memref_squeeze %dma_start3A_77 : memref<1x128xi32, #tpu.memory_space<vmem>> -> memref<128xi32, #tpu.memory_space<vmem>>
          %dma_start3A_79 = arith.constant 0 : i32
          %dma_start3A_80 = arith.constant 0 : i32
          %dma_start3A_81 = tpu.memref_slice %arg2[%dma_start3A_79, %dma_start3A_80] : memref<50000x64xf32, #tpu.memory_space<hbm>> -> memref<50000x64xf32, #tpu.memory_space<hbm>>
          tpu.enqueue_indirect_dma source(%dma_start3A_81 : memref<50000x64xf32, #tpu.memory_space<hbm>>) target(%arg9 : memref<128x64xf32, #tpu.memory_space<vmem>>) offsets(%dma_start3A_78 : memref<128xi32, #tpu.memory_space<vmem>>) semaphore(%arg12 : memref<!tpu.dma_semaphore, #tpu.memory_space<semaphore_mem>>)
        } else {
        }
        %add3A_56 = arith.constant 1 : i32
        %add3A_57 = arith.addi %mul3A_44, %add3A_56 : i32
        %dma_wait3A_58 = arith.constant 0 : i32
        %dma_wait3A_59 = tpu.memref_slice %arg7[%add3A_57, %dma_wait3A_58] : memref<28x128xi32, #tpu.memory_space<vmem>> -> memref<1x128xi32, #tpu.memory_space<vmem>>
        %dma_wait3A_60 = tpu.memref_squeeze %dma_wait3A_59 : memref<1x128xi32, #tpu.memory_space<vmem>> -> memref<128xi32, #tpu.memory_space<vmem>>
        %dma_wait3A_61 = arith.constant 0 : i32
        %dma_wait3A_62 = arith.constant 0 : i32
        %dma_wait3A_63 = tpu.memref_slice %arg2[%dma_wait3A_61, %dma_wait3A_62] : memref<50000x64xf32, #tpu.memory_space<hbm>> -> memref<50000x64xf32, #tpu.memory_space<hbm>>
        tpu.wait_indirect_dma semaphore(%arg13 : memref<!tpu.dma_semaphore, #tpu.memory_space<semaphore_mem>>) src(%dma_wait3A_63 : memref<50000x64xf32, #tpu.memory_space<hbm>>) dst(%arg10 : memref<128x64xf32, #tpu.memory_space<vmem>>)
        %add3A_64 = arith.constant 1 : i32
        %add3A_65 = arith.addi %mul3A_44, %add3A_64 : i32
        "tpu.region"() ({
          %run_scoped3A = tpu.sem_alloc : memref<!tpu.dma_semaphore, #tpu.memory_space<semaphore_mem>>
          %dma_start3A_74 = arith.constant 0 : i32
          %dma_start3A_75 = tpu.memref_slice %arg8[%add3A_65, %dma_start3A_74] : memref<28x128xi32, #tpu.memory_space<vmem>> -> memref<1x128xi32, #tpu.memory_space<vmem>>
          %dma_start3A_76 = tpu.memref_squeeze %dma_start3A_75 : memref<1x128xi32, #tpu.memory_space<vmem>> -> memref<128xi32, #tpu.memory_space<vmem>>
          %dma_start3A_77 = arith.constant 0 : i32
          %dma_start3A_78 = arith.constant 0 : i32
          %dma_start3A_79 = tpu.memref_slice %arg11[%dma_start3A_77, %dma_start3A_78] : memref<25600x64xf32, #tpu.memory_space<vmem_shared>> -> memref<25600x64xf32, #tpu.memory_space<vmem_shared>>
          tpu.enqueue_indirect_dma source(%arg10 : memref<128x64xf32, #tpu.memory_space<vmem>>) target(%dma_start3A_79 : memref<25600x64xf32, #tpu.memory_space<vmem_shared>>) offsets(%dma_start3A_76 : memref<128xi32, #tpu.memory_space<vmem>>) semaphore(%run_scoped3A : memref<!tpu.dma_semaphore, #tpu.memory_space<semaphore_mem>>) {add = true}
          %dma_wait3A_80 = arith.constant 0 : i32
          %dma_wait3A_81 = tpu.memref_slice %arg8[%add3A_65, %dma_wait3A_80] : memref<28x128xi32, #tpu.memory_space<vmem>> -> memref<1x128xi32, #tpu.memory_space<vmem>>
          %dma_wait3A_82 = tpu.memref_squeeze %dma_wait3A_81 : memref<1x128xi32, #tpu.memory_space<vmem>> -> memref<128xi32, #tpu.memory_space<vmem>>
          %dma_wait3A_83 = arith.constant 0 : i32
          %dma_wait3A_84 = arith.constant 0 : i32
          %dma_wait3A_85 = tpu.memref_slice %arg11[%dma_wait3A_83, %dma_wait3A_84] : memref<25600x64xf32, #tpu.memory_space<vmem_shared>> -> memref<25600x64xf32, #tpu.memory_space<vmem_shared>>
          tpu.wait_indirect_dma semaphore(%run_scoped3A : memref<!tpu.dma_semaphore, #tpu.memory_space<semaphore_mem>>) src(%arg10 : memref<128x64xf32, #tpu.memory_space<vmem>>) dst(%dma_wait3A_85 : memref<25600x64xf32, #tpu.memory_space<vmem_shared>>)
          tpu.yield
        }) : () -> ()
        %add3A_66 = arith.constant 3 : i32
        %add3A_67 = arith.addi %mul3A_44, %add3A_66 : i32
        %lt3A_68 = arith.constant 28 : i32
        %lt3A_69 = arith.cmpi slt, %add3A_67, %lt3A_68 : i32
        %convert_element_type3A_70 = arith.extui %lt3A_69 : i1 to i32
        %cond3A_71 = arith.constant 0 : i32
        %cond3A_72 = arith.cmpi ne, %convert_element_type3A_70, %cond3A_71 : i32
        scf.if %cond3A_72 {
          %add3A_74 = arith.constant 3 : i32
          %add3A_75 = arith.addi %mul3A_44, %add3A_74 : i32
          %dma_start3A_76 = arith.constant 0 : i32
          %dma_start3A_77 = tpu.memref_slice %arg7[%add3A_75, %dma_start3A_76] : memref<28x128xi32, #tpu.memory_space<vmem>> -> memref<1x128xi32, #tpu.memory_space<vmem>>
          %dma_start3A_78 = tpu.memref_squeeze %dma_start3A_77 : memref<1x128xi32, #tpu.memory_space<vmem>> -> memref<128xi32, #tpu.memory_space<vmem>>
          %dma_start3A_79 = arith.constant 0 : i32
          %dma_start3A_80 = arith.constant 0 : i32
          %dma_start3A_81 = tpu.memref_slice %arg2[%dma_start3A_79, %dma_start3A_80] : memref<50000x64xf32, #tpu.memory_space<hbm>> -> memref<50000x64xf32, #tpu.memory_space<hbm>>
          tpu.enqueue_indirect_dma source(%dma_start3A_81 : memref<50000x64xf32, #tpu.memory_space<hbm>>) target(%arg10 : memref<128x64xf32, #tpu.memory_space<vmem>>) offsets(%dma_start3A_78 : memref<128xi32, #tpu.memory_space<vmem>>) semaphore(%arg13 : memref<!tpu.dma_semaphore, #tpu.memory_space<semaphore_mem>>)
        } else {
        }
        %scan3A_73 = arith.constant 0 : i32
        scf.yield %scan3A_73 : i32
      }
      %scan3A_39 = arith.constant 14 : i32
      %scan3A_40 = arith.constant 0 : i32
      scf.yield %scan3A_40 : i32
    }
    %scan3A_6 = arith.constant 14 : i32
    %barrier3A_7 = arith.constant 0 : index
    tpu.barrier barrier_id(%barrier3A_7)
    %mul3A_8 = arith.constant 25000 : i32
    %mul3A_9 = arith.muli %arg0, %mul3A_8 : i32
    %mul3A_10 = arith.constant 1560 : i32
    %mul3A_11 = arith.muli %arg1, %mul3A_10 : i32
    %add3A = arith.addi %mul3A_9, %mul3A_11 : i32
    "tpu.region"() ({
      %run_scoped3A = tpu.sem_alloc : memref<!tpu.dma_semaphore, #tpu.memory_space<semaphore_mem>>
      %dma_start3A = arith.constant 0 : i32
      %dma_start3A_14 = tpu.memref_slice %arg6[%add3A, %dma_start3A] : memref<50000x64xf32, #tpu.memory_space<hbm>> -> memref<1560x64xf32, #tpu.memory_space<hbm>>
      %dma_start3A_15 = arith.constant 0 : i32
      %dma_start3A_16 = tpu.memref_slice %arg11[%mul3A_11, %dma_start3A_15] : memref<25600x64xf32, #tpu.memory_space<vmem_shared>> -> memref<1560x64xf32, #tpu.memory_space<vmem_shared>>
      tpu.enqueue_dma source(%dma_start3A_16 : memref<1560x64xf32, #tpu.memory_space<vmem_shared>>) target(%dma_start3A_14 : memref<1560x64xf32, #tpu.memory_space<hbm>>) target_semaphore(%run_scoped3A : memref<!tpu.dma_semaphore, #tpu.memory_space<semaphore_mem>>)
      %dma_wait3A = arith.constant 0 : i32
      %dma_wait3A_17 = tpu.memref_slice %arg6[%add3A, %dma_wait3A] : memref<50000x64xf32, #tpu.memory_space<hbm>> -> memref<1560x64xf32, #tpu.memory_space<hbm>>
      %dma_wait3A_18 = arith.constant 0 : i32
      %dma_wait3A_19 = tpu.memref_slice %arg11[%mul3A_11, %dma_wait3A_18] : memref<25600x64xf32, #tpu.memory_space<vmem_shared>> -> memref<1560x64xf32, #tpu.memory_space<vmem_shared>>
      tpu.wait_dma2 semaphore(%run_scoped3A : memref<!tpu.dma_semaphore, #tpu.memory_space<semaphore_mem>>) src(%dma_wait3A_19 : memref<1560x64xf32, #tpu.memory_space<vmem_shared>>) dst(%dma_wait3A_17 : memref<1560x64xf32, #tpu.memory_space<hbm>>)
      tpu.yield
    }) : () -> ()
    %eq3A = arith.constant 0 : i32
    %eq3A_12 = arith.cmpi eq, %arg1, %eq3A : i32
    %convert_element_type3A = arith.extui %eq3A_12 : i1 to i32
    %cond3A = arith.constant 0 : i32
    %cond3A_13 = arith.cmpi ne, %convert_element_type3A, %cond3A : i32
    scf.if %cond3A_13 {
      %add3A_14 = arith.constant 24960 : i32
      %add3A_15 = arith.addi %mul3A_9, %add3A_14 : i32
      "tpu.region"() ({
        %run_scoped3A = tpu.sem_alloc : memref<!tpu.dma_semaphore, #tpu.memory_space<semaphore_mem>>
        %dma_start3A = arith.constant 0 : i32
        %dma_start3A_16 = tpu.memref_slice %arg6[%add3A_15, %dma_start3A] : memref<50000x64xf32, #tpu.memory_space<hbm>> -> memref<40x64xf32, #tpu.memory_space<hbm>>
        %dma_start3A_17 = arith.constant 24960 : i32
        %dma_start3A_18 = arith.constant 0 : i32
        %dma_start3A_19 = tpu.memref_slice %arg11[%dma_start3A_17, %dma_start3A_18] : memref<25600x64xf32, #tpu.memory_space<vmem_shared>> -> memref<40x64xf32, #tpu.memory_space<vmem_shared>>
        tpu.enqueue_dma source(%dma_start3A_19 : memref<40x64xf32, #tpu.memory_space<vmem_shared>>) target(%dma_start3A_16 : memref<40x64xf32, #tpu.memory_space<hbm>>) target_semaphore(%run_scoped3A : memref<!tpu.dma_semaphore, #tpu.memory_space<semaphore_mem>>)
        %dma_wait3A = arith.constant 0 : i32
        %dma_wait3A_20 = tpu.memref_slice %arg6[%add3A_15, %dma_wait3A] : memref<50000x64xf32, #tpu.memory_space<hbm>> -> memref<40x64xf32, #tpu.memory_space<hbm>>
        %dma_wait3A_21 = arith.constant 24960 : i32
        %dma_wait3A_22 = arith.constant 0 : i32
        %dma_wait3A_23 = tpu.memref_slice %arg11[%dma_wait3A_21, %dma_wait3A_22] : memref<25600x64xf32, #tpu.memory_space<vmem_shared>> -> memref<40x64xf32, #tpu.memory_space<vmem_shared>>
        tpu.wait_dma2 semaphore(%run_scoped3A : memref<!tpu.dma_semaphore, #tpu.memory_space<semaphore_mem>>) src(%dma_wait3A_23 : memref<40x64xf32, #tpu.memory_space<vmem_shared>>) dst(%dma_wait3A_20 : memref<40x64xf32, #tpu.memory_space<hbm>>)
        tpu.yield
      }) : () -> ()
    } else {
    }
    return
  }
}

module attributes {stable_mosaic.version = 14 : i64} {
  func.func @_enc2_body(%arg0: i32, %arg1: memref<2000x64xf32, #tpu.memory_space<vmem>>, %arg2: memref<64x64xf32, #tpu.memory_space<vmem>>, %arg3: memref<1x64xf32, #tpu.memory_space<vmem>>, %arg4: memref<1x64xf32, #tpu.memory_space<vmem>>, %arg5: memref<1x64xf32, #tpu.memory_space<vmem>>, %arg6: memref<64x64xf32, #tpu.memory_space<vmem>>, %arg7: memref<1x64xf32, #tpu.memory_space<vmem>>, %arg8: memref<1x64xf32, #tpu.memory_space<vmem>>, %arg9: memref<1x64xf32, #tpu.memory_space<vmem>>, %arg10: memref<2000x64xf32, #tpu.memory_space<vmem>>) attributes {dimension_semantics = [#tpu.dimension_semantics<arbitrary>], iteration_bounds = array<i64: 25>, scalar_prefetch = 0 : i64, scratch_operands = 0 : i64, tpu.core_type = #tpu.core_type<tc>, window_params = [{transform_indices = @transform_0, window_bounds = array<i64: 2000, 64>}, {pipeline_mode = #tpu.pipeline_mode<synchronous>, transform_indices = @transform_1, window_bounds = array<i64: 64, 64>}, {pipeline_mode = #tpu.pipeline_mode<synchronous>, transform_indices = @transform_2, window_bounds = array<i64: 1, 64>}, {pipeline_mode = #tpu.pipeline_mode<synchronous>, transform_indices = @transform_3, window_bounds = array<i64: 1, 64>}, {pipeline_mode = #tpu.pipeline_mode<synchronous>, transform_indices = @transform_4, window_bounds = array<i64: 1, 64>}, {pipeline_mode = #tpu.pipeline_mode<synchronous>, transform_indices = @transform_5, window_bounds = array<i64: 64, 64>}, {pipeline_mode = #tpu.pipeline_mode<synchronous>, transform_indices = @transform_6, window_bounds = array<i64: 1, 64>}, {pipeline_mode = #tpu.pipeline_mode<synchronous>, transform_indices = @transform_7, window_bounds = array<i64: 1, 64>}, {pipeline_mode = #tpu.pipeline_mode<synchronous>, transform_indices = @transform_8, window_bounds = array<i64: 1, 64>}, {transform_indices = @transform_9, window_bounds = array<i64: 2000, 64>}]} {
    %get3A = arith.constant 0 : index
    %get3A_0 = arith.constant 0 : index
    %get3A_1 = vector.load %arg1[%get3A, %get3A_0] : memref<2000x64xf32, #tpu.memory_space<vmem>>, vector<2000x64xf32>
    %get3A_2 = arith.constant 0 : index
    %get3A_3 = arith.constant 0 : index
    %get3A_4 = vector.load %arg2[%get3A_2, %get3A_3] : memref<64x64xf32, #tpu.memory_space<vmem>>, vector<64x64xf32>
    %dot_general3A = arith.constant dense<0.000000e+00> : vector<2000x64xf32>
    %dot_general3A_5 = tpu.matmul %get3A_1, %get3A_4, %dot_general3A {dimension_numbers = #tpu.dot_dimension_numbers<[1], [0], [0], [1], [0, 0, 1, 1], [], []>, transpose_lhs_hint = false} : vector<2000x64xf32>, vector<64x64xf32>, vector<2000x64xf32> -> vector<2000x64xf32>
    %get3A_6 = arith.constant 0 : index
    %get3A_7 = arith.constant 0 : index
    %get3A_8 = vector.load %arg3[%get3A_6, %get3A_7] : memref<1x64xf32, #tpu.memory_space<vmem>>, vector<1x64xf32>
    %add3A = vector.broadcast %get3A_8 : vector<1x64xf32> to vector<2000x64xf32>
    %add3A_9 = arith.addf %dot_general3A_5, %add3A : vector<2000x64xf32>
    %max3A = arith.constant 0.000000e+00 : f32
    %max3A_10 = vector.broadcast %max3A : f32 to vector<2000x64xf32>
    %max3A_11 = arith.maximumf %add3A_9, %max3A_10 : vector<2000x64xf32>
    %get3A_12 = arith.constant 0 : index
    %get3A_13 = arith.constant 0 : index
    %get3A_14 = vector.load %arg4[%get3A_12, %get3A_13] : memref<1x64xf32, #tpu.memory_space<vmem>>, vector<1x64xf32>
    %get3A_15 = arith.constant 0 : index
    %get3A_16 = arith.constant 0 : index
    %get3A_17 = vector.load %arg5[%get3A_15, %get3A_16] : memref<1x64xf32, #tpu.memory_space<vmem>>, vector<1x64xf32>
    %reduce_sum3A = arith.constant dense<0.000000e+00> : vector<2000xf32>
    %reduce_sum3A_18 = vector.multi_reduction <add>, %max3A_11, %reduce_sum3A [1] : vector<2000x64xf32> to vector<2000xf32>
    %broadcast_in_dim3A = vector.shape_cast %reduce_sum3A_18 : vector<2000xf32> to vector<2000x1xf32>
    %div3A = arith.constant 6.400000e+01 : f32
    %div3A_19 = vector.broadcast %div3A : f32 to vector<2000x1xf32>
    %div3A_20 = arith.divf %broadcast_in_dim3A, %div3A_19 : vector<2000x1xf32>
    %sub3A = vector.broadcast %div3A_20 : vector<2000x1xf32> to vector<2000x64xf32>
    %sub3A_21 = arith.subf %max3A_11, %sub3A : vector<2000x64xf32>
    %integer_pow3A = arith.mulf %sub3A_21, %sub3A_21 : vector<2000x64xf32>
    %reduce_sum3A_22 = arith.constant dense<0.000000e+00> : vector<2000xf32>
    %reduce_sum3A_23 = vector.multi_reduction <add>, %integer_pow3A, %reduce_sum3A_22 [1] : vector<2000x64xf32> to vector<2000xf32>
    %broadcast_in_dim3A_24 = vector.shape_cast %reduce_sum3A_23 : vector<2000xf32> to vector<2000x1xf32>
    %div3A_25 = arith.constant 6.400000e+01 : f32
    %div3A_26 = vector.broadcast %div3A_25 : f32 to vector<2000x1xf32>
    %div3A_27 = arith.divf %broadcast_in_dim3A_24, %div3A_26 : vector<2000x1xf32>
    %sub3A_28 = vector.broadcast %div3A_20 : vector<2000x1xf32> to vector<2000x64xf32>
    %sub3A_29 = arith.subf %max3A_11, %sub3A_28 : vector<2000x64xf32>
    %add3A_30 = arith.constant 9.99999974E-6 : f32
    %add3A_31 = vector.broadcast %add3A_30 : f32 to vector<2000x1xf32>
    %add3A_32 = arith.addf %div3A_27, %add3A_31 : vector<2000x1xf32>
    %sqrt3A = math.sqrt %add3A_32 : vector<2000x1xf32>
    %div3A_33 = vector.broadcast %sqrt3A : vector<2000x1xf32> to vector<2000x64xf32>
    %div3A_34 = arith.divf %sub3A_29, %div3A_33 : vector<2000x64xf32>
    %mul3A = vector.broadcast %get3A_14 : vector<1x64xf32> to vector<2000x64xf32>
    %mul3A_35 = arith.mulf %div3A_34, %mul3A : vector<2000x64xf32>
    %add3A_36 = vector.broadcast %get3A_17 : vector<1x64xf32> to vector<2000x64xf32>
    %add3A_37 = arith.addf %mul3A_35, %add3A_36 : vector<2000x64xf32>
    %get3A_38 = arith.constant 0 : index
    %get3A_39 = arith.constant 0 : index
    %get3A_40 = vector.load %arg6[%get3A_38, %get3A_39] : memref<64x64xf32, #tpu.memory_space<vmem>>, vector<64x64xf32>
    %dot_general3A_41 = arith.constant dense<0.000000e+00> : vector<2000x64xf32>
    %dot_general3A_42 = tpu.matmul %add3A_37, %get3A_40, %dot_general3A_41 {dimension_numbers = #tpu.dot_dimension_numbers<[1], [0], [0], [1], [0, 0, 1, 1], [], []>, transpose_lhs_hint = false} : vector<2000x64xf32>, vector<64x64xf32>, vector<2000x64xf32> -> vector<2000x64xf32>
    %get3A_43 = arith.constant 0 : index
    %get3A_44 = arith.constant 0 : index
    %get3A_45 = vector.load %arg7[%get3A_43, %get3A_44] : memref<1x64xf32, #tpu.memory_space<vmem>>, vector<1x64xf32>
    %add3A_46 = vector.broadcast %get3A_45 : vector<1x64xf32> to vector<2000x64xf32>
    %add3A_47 = arith.addf %dot_general3A_42, %add3A_46 : vector<2000x64xf32>
    %max3A_48 = arith.constant 0.000000e+00 : f32
    %max3A_49 = vector.broadcast %max3A_48 : f32 to vector<2000x64xf32>
    %max3A_50 = arith.maximumf %add3A_47, %max3A_49 : vector<2000x64xf32>
    %get3A_51 = arith.constant 0 : index
    %get3A_52 = arith.constant 0 : index
    %get3A_53 = vector.load %arg8[%get3A_51, %get3A_52] : memref<1x64xf32, #tpu.memory_space<vmem>>, vector<1x64xf32>
    %get3A_54 = arith.constant 0 : index
    %get3A_55 = arith.constant 0 : index
    %get3A_56 = vector.load %arg9[%get3A_54, %get3A_55] : memref<1x64xf32, #tpu.memory_space<vmem>>, vector<1x64xf32>
    %reduce_sum3A_57 = arith.constant dense<0.000000e+00> : vector<2000xf32>
    %reduce_sum3A_58 = vector.multi_reduction <add>, %max3A_50, %reduce_sum3A_57 [1] : vector<2000x64xf32> to vector<2000xf32>
    %broadcast_in_dim3A_59 = vector.shape_cast %reduce_sum3A_58 : vector<2000xf32> to vector<2000x1xf32>
    %div3A_60 = arith.constant 6.400000e+01 : f32
    %div3A_61 = vector.broadcast %div3A_60 : f32 to vector<2000x1xf32>
    %div3A_62 = arith.divf %broadcast_in_dim3A_59, %div3A_61 : vector<2000x1xf32>
    %sub3A_63 = vector.broadcast %div3A_62 : vector<2000x1xf32> to vector<2000x64xf32>
    %sub3A_64 = arith.subf %max3A_50, %sub3A_63 : vector<2000x64xf32>
    %integer_pow3A_65 = arith.mulf %sub3A_64, %sub3A_64 : vector<2000x64xf32>
    %reduce_sum3A_66 = arith.constant dense<0.000000e+00> : vector<2000xf32>
    %reduce_sum3A_67 = vector.multi_reduction <add>, %integer_pow3A_65, %reduce_sum3A_66 [1] : vector<2000x64xf32> to vector<2000xf32>
    %broadcast_in_dim3A_68 = vector.shape_cast %reduce_sum3A_67 : vector<2000xf32> to vector<2000x1xf32>
    %div3A_69 = arith.constant 6.400000e+01 : f32
    %div3A_70 = vector.broadcast %div3A_69 : f32 to vector<2000x1xf32>
    %div3A_71 = arith.divf %broadcast_in_dim3A_68, %div3A_70 : vector<2000x1xf32>
    %sub3A_72 = vector.broadcast %div3A_62 : vector<2000x1xf32> to vector<2000x64xf32>
    %sub3A_73 = arith.subf %max3A_50, %sub3A_72 : vector<2000x64xf32>
    %add3A_74 = arith.constant 9.99999974E-6 : f32
    %add3A_75 = vector.broadcast %add3A_74 : f32 to vector<2000x1xf32>
    %add3A_76 = arith.addf %div3A_71, %add3A_75 : vector<2000x1xf32>
    %sqrt3A_77 = math.sqrt %add3A_76 : vector<2000x1xf32>
    %div3A_78 = vector.broadcast %sqrt3A_77 : vector<2000x1xf32> to vector<2000x64xf32>
    %div3A_79 = arith.divf %sub3A_73, %div3A_78 : vector<2000x64xf32>
    %mul3A_80 = vector.broadcast %get3A_53 : vector<1x64xf32> to vector<2000x64xf32>
    %mul3A_81 = arith.mulf %div3A_79, %mul3A_80 : vector<2000x64xf32>
    %add3A_82 = vector.broadcast %get3A_56 : vector<1x64xf32> to vector<2000x64xf32>
    %add3A_83 = arith.addf %mul3A_81, %add3A_82 : vector<2000x64xf32>
    %swap3A = arith.constant 0 : index
    %swap3A_84 = arith.constant 0 : index
    %swap3A_85 = vector.load %arg10[%swap3A, %swap3A_84] : memref<2000x64xf32, #tpu.memory_space<vmem>>, vector<2000x64xf32>
    tpu.vector_store %arg10[%swap3A, %swap3A_84], %add3A_83 {strides = array<i32>} : memref<2000x64xf32, #tpu.memory_space<vmem>>, vector<2000x64xf32>,
    return
  }
  func.func @transform_0(%arg0: i32) -> (i32, i32) {
    %c0_i32 = arith.constant 0 : i32
    %c0_i32_0 = arith.constant 0 : i32
    return %arg0, %c0_i32 : i32, i32
  }
  func.func @transform_1(%arg0: i32) -> (i32, i32) {
    %c0_i32 = arith.constant 0 : i32
    %c0_i32_0 = arith.constant 0 : i32
    %c0_i32_1 = arith.constant 0 : i32
    return %c0_i32, %c0_i32_0 : i32, i32
  }
  func.func @transform_2(%arg0: i32) -> (i32, i32) {
    %c0_i32 = arith.constant 0 : i32
    %c0_i32_0 = arith.constant 0 : i32
    %c0_i32_1 = arith.constant 0 : i32
    return %c0_i32, %c0_i32_0 : i32, i32
  }
  func.func @transform_3(%arg0: i32) -> (i32, i32) {
    %c0_i32 = arith.constant 0 : i32
    %c0_i32_0 = arith.constant 0 : i32
    %c0_i32_1 = arith.constant 0 : i32
    return %c0_i32, %c0_i32_0 : i32, i32
  }
  func.func @transform_4(%arg0: i32) -> (i32, i32) {
    %c0_i32 = arith.constant 0 : i32
    %c0_i32_0 = arith.constant 0 : i32
    %c0_i32_1 = arith.constant 0 : i32
    return %c0_i32, %c0_i32_0 : i32, i32
  }
  func.func @transform_5(%arg0: i32) -> (i32, i32) {
    %c0_i32 = arith.constant 0 : i32
    %c0_i32_0 = arith.constant 0 : i32
    %c0_i32_1 = arith.constant 0 : i32
    return %c0_i32, %c0_i32_0 : i32, i32
  }
  func.func @transform_6(%arg0: i32) -> (i32, i32) {
    %c0_i32 = arith.constant 0 : i32
    %c0_i32_0 = arith.constant 0 : i32
    %c0_i32_1 = arith.constant 0 : i32
    return %c0_i32, %c0_i32_0 : i32, i32
  }
  func.func @transform_7(%arg0: i32) -> (i32, i32) {
    %c0_i32 = arith.constant 0 : i32
    %c0_i32_0 = arith.constant 0 : i32
    %c0_i32_1 = arith.constant 0 : i32
    return %c0_i32, %c0_i32_0 : i32, i32
  }
  func.func @transform_8(%arg0: i32) -> (i32, i32) {
    %c0_i32 = arith.constant 0 : i32
    %c0_i32_0 = arith.constant 0 : i32
    %c0_i32_1 = arith.constant 0 : i32
    return %c0_i32, %c0_i32_0 : i32, i32
  }
  func.func @transform_9(%arg0: i32) -> (i32, i32) {
    %c0_i32 = arith.constant 0 : i32
    %c0_i32_0 = arith.constant 0 : i32
    return %arg0, %c0_i32 : i32, i32
  }
}

module attributes {stable_mosaic.version = 14 : i64} {
  func.func @_enc2_body(%arg0: i32, %arg1: memref<2000x8xf32, #tpu.memory_space<vmem>>, %arg2: memref<8x64xf32, #tpu.memory_space<vmem>>, %arg3: memref<1x64xf32, #tpu.memory_space<vmem>>, %arg4: memref<1x64xf32, #tpu.memory_space<vmem>>, %arg5: memref<1x64xf32, #tpu.memory_space<vmem>>, %arg6: memref<64x64xf32, #tpu.memory_space<vmem>>, %arg7: memref<1x64xf32, #tpu.memory_space<vmem>>, %arg8: memref<1x64xf32, #tpu.memory_space<vmem>>, %arg9: memref<1x64xf32, #tpu.memory_space<vmem>>, %arg10: memref<2000x64xf32, #tpu.memory_space<vmem>>) attributes {dimension_semantics = [#tpu.dimension_semantics<arbitrary>], iteration_bounds = array<i64: 400>, scalar_prefetch = 0 : i64, scratch_operands = 0 : i64, tpu.core_type = #tpu.core_type<tc>, window_params = [{transform_indices = @transform_0, window_bounds = array<i64: 2000, 8>}, {pipeline_mode = #tpu.pipeline_mode<synchronous>, transform_indices = @transform_1, window_bounds = array<i64: 8, 64>}, {pipeline_mode = #tpu.pipeline_mode<synchronous>, transform_indices = @transform_2, window_bounds = array<i64: 1, 64>}, {pipeline_mode = #tpu.pipeline_mode<synchronous>, transform_indices = @transform_3, window_bounds = array<i64: 1, 64>}, {pipeline_mode = #tpu.pipeline_mode<synchronous>, transform_indices = @transform_4, window_bounds = array<i64: 1, 64>}, {pipeline_mode = #tpu.pipeline_mode<synchronous>, transform_indices = @transform_5, window_bounds = array<i64: 64, 64>}, {pipeline_mode = #tpu.pipeline_mode<synchronous>, transform_indices = @transform_6, window_bounds = array<i64: 1, 64>}, {pipeline_mode = #tpu.pipeline_mode<synchronous>, transform_indices = @transform_7, window_bounds = array<i64: 1, 64>}, {pipeline_mode = #tpu.pipeline_mode<synchronous>, transform_indices = @transform_8, window_bounds = array<i64: 1, 64>}, {transform_indices = @transform_9, window_bounds = array<i64: 2000, 64>}]} {
    %get3A = arith.constant 0 : index
    %get3A_0 = arith.constant 0 : index
    %get3A_1 = vector.load %arg1[%get3A, %get3A_0] : memref<2000x8xf32, #tpu.memory_space<vmem>>, vector<2000x8xf32>
    %get3A_2 = arith.constant 0 : index
    %get3A_3 = arith.constant 0 : index
    %get3A_4 = vector.load %arg2[%get3A_2, %get3A_3] : memref<8x64xf32, #tpu.memory_space<vmem>>, vector<8x64xf32>
    %dot_general3A = arith.constant dense<0.000000e+00> : vector<2000x64xf32>
    %dot_general3A_5 = tpu.matmul %get3A_1, %get3A_4, %dot_general3A {dimension_numbers = #tpu.dot_dimension_numbers<[1], [0], [0], [1], [0, 0, 1, 1], [], []>, transpose_lhs_hint = false} : vector<2000x8xf32>, vector<8x64xf32>, vector<2000x64xf32> -> vector<2000x64xf32>
    %get3A_6 = arith.constant 0 : index
    %get3A_7 = arith.constant 0 : index
    %get3A_8 = vector.load %arg3[%get3A_6, %get3A_7] : memref<1x64xf32, #tpu.memory_space<vmem>>, vector<1x64xf32>
    %add3A = vector.broadcast %get3A_8 : vector<1x64xf32> to vector<2000x64xf32>
    %add3A_9 = arith.addf %dot_general3A_5, %add3A : vector<2000x64xf32>
    %max3A = arith.constant 0.000000e+00 : f32
    %max3A_10 = vector.broadcast %max3A : f32 to vector<2000x64xf32>
    %max3A_11 = arith.maximumf %add3A_9, %max3A_10 : vector<2000x64xf32>
    %get3A_12 = arith.constant 0 : index
    %get3A_13 = arith.constant 0 : index
    %get3A_14 = vector.load %arg4[%get3A_12, %get3A_13] : memref<1x64xf32, #tpu.memory_space<vmem>>, vector<1x64xf32>
    %get3A_15 = arith.constant 0 : index
    %get3A_16 = arith.constant 0 : index
    %get3A_17 = vector.load %arg5[%get3A_15, %get3A_16] : memref<1x64xf32, #tpu.memory_space<vmem>>, vector<1x64xf32>
    %reduce_sum3A = arith.constant dense<0.000000e+00> : vector<2000xf32>
    %reduce_sum3A_18 = vector.multi_reduction <add>, %max3A_11, %reduce_sum3A [1] : vector<2000x64xf32> to vector<2000xf32>
    %broadcast_in_dim3A = vector.shape_cast %reduce_sum3A_18 : vector<2000xf32> to vector<2000x1xf32>
    %div3A = arith.constant 6.400000e+01 : f32
    %div3A_19 = vector.broadcast %div3A : f32 to vector<2000x1xf32>
    %div3A_20 = arith.divf %broadcast_in_dim3A, %div3A_19 : vector<2000x1xf32>
    %sub3A = vector.broadcast %div3A_20 : vector<2000x1xf32> to vector<2000x64xf32>
    %sub3A_21 = arith.subf %max3A_11, %sub3A : vector<2000x64xf32>
    %integer_pow3A = arith.mulf %sub3A_21, %sub3A_21 : vector<2000x64xf32>
    %reduce_sum3A_22 = arith.constant dense<0.000000e+00> : vector<2000xf32>
    %reduce_sum3A_23 = vector.multi_reduction <add>, %integer_pow3A, %reduce_sum3A_22 [1] : vector<2000x64xf32> to vector<2000xf32>
    %broadcast_in_dim3A_24 = vector.shape_cast %reduce_sum3A_23 : vector<2000xf32> to vector<2000x1xf32>
    %div3A_25 = arith.constant 6.400000e+01 : f32
    %div3A_26 = vector.broadcast %div3A_25 : f32 to vector<2000x1xf32>
    %div3A_27 = arith.divf %broadcast_in_dim3A_24, %div3A_26 : vector<2000x1xf32>
    %sub3A_28 = vector.broadcast %div3A_20 : vector<2000x1xf32> to vector<2000x64xf32>
    %sub3A_29 = arith.subf %max3A_11, %sub3A_28 : vector<2000x64xf32>
    %add3A_30 = arith.constant 9.99999974E-6 : f32
    %add3A_31 = vector.broadcast %add3A_30 : f32 to vector<2000x1xf32>
    %add3A_32 = arith.addf %div3A_27, %add3A_31 : vector<2000x1xf32>
    %sqrt3A = math.sqrt %add3A_32 : vector<2000x1xf32>
    %div3A_33 = vector.broadcast %sqrt3A : vector<2000x1xf32> to vector<2000x64xf32>
    %div3A_34 = arith.divf %sub3A_29, %div3A_33 : vector<2000x64xf32>
    %mul3A = vector.broadcast %get3A_14 : vector<1x64xf32> to vector<2000x64xf32>
    %mul3A_35 = arith.mulf %div3A_34, %mul3A : vector<2000x64xf32>
    %add3A_36 = vector.broadcast %get3A_17 : vector<1x64xf32> to vector<2000x64xf32>
    %add3A_37 = arith.addf %mul3A_35, %add3A_36 : vector<2000x64xf32>
    %get3A_38 = arith.constant 0 : index
    %get3A_39 = arith.constant 0 : index
    %get3A_40 = vector.load %arg6[%get3A_38, %get3A_39] : memref<64x64xf32, #tpu.memory_space<vmem>>, vector<64x64xf32>
    %dot_general3A_41 = arith.constant dense<0.000000e+00> : vector<2000x64xf32>
    %dot_general3A_42 = tpu.matmul %add3A_37, %get3A_40, %dot_general3A_41 {dimension_numbers = #tpu.dot_dimension_numbers<[1], [0], [0], [1], [0, 0, 1, 1], [], []>, transpose_lhs_hint = false} : vector<2000x64xf32>, vector<64x64xf32>, vector<2000x64xf32> -> vector<2000x64xf32>
    %get3A_43 = arith.constant 0 : index
    %get3A_44 = arith.constant 0 : index
    %get3A_45 = vector.load %arg7[%get3A_43, %get3A_44] : memref<1x64xf32, #tpu.memory_space<vmem>>, vector<1x64xf32>
    %add3A_46 = vector.broadcast %get3A_45 : vector<1x64xf32> to vector<2000x64xf32>
    %add3A_47 = arith.addf %dot_general3A_42, %add3A_46 : vector<2000x64xf32>
    %max3A_48 = arith.constant 0.000000e+00 : f32
    %max3A_49 = vector.broadcast %max3A_48 : f32 to vector<2000x64xf32>
    %max3A_50 = arith.maximumf %add3A_47, %max3A_49 : vector<2000x64xf32>
    %get3A_51 = arith.constant 0 : index
    %get3A_52 = arith.constant 0 : index
    %get3A_53 = vector.load %arg8[%get3A_51, %get3A_52] : memref<1x64xf32, #tpu.memory_space<vmem>>, vector<1x64xf32>
    %get3A_54 = arith.constant 0 : index
    %get3A_55 = arith.constant 0 : index
    %get3A_56 = vector.load %arg9[%get3A_54, %get3A_55] : memref<1x64xf32, #tpu.memory_space<vmem>>, vector<1x64xf32>
    %reduce_sum3A_57 = arith.constant dense<0.000000e+00> : vector<2000xf32>
    %reduce_sum3A_58 = vector.multi_reduction <add>, %max3A_50, %reduce_sum3A_57 [1] : vector<2000x64xf32> to vector<2000xf32>
    %broadcast_in_dim3A_59 = vector.shape_cast %reduce_sum3A_58 : vector<2000xf32> to vector<2000x1xf32>
    %div3A_60 = arith.constant 6.400000e+01 : f32
    %div3A_61 = vector.broadcast %div3A_60 : f32 to vector<2000x1xf32>
    %div3A_62 = arith.divf %broadcast_in_dim3A_59, %div3A_61 : vector<2000x1xf32>
    %sub3A_63 = vector.broadcast %div3A_62 : vector<2000x1xf32> to vector<2000x64xf32>
    %sub3A_64 = arith.subf %max3A_50, %sub3A_63 : vector<2000x64xf32>
    %integer_pow3A_65 = arith.mulf %sub3A_64, %sub3A_64 : vector<2000x64xf32>
    %reduce_sum3A_66 = arith.constant dense<0.000000e+00> : vector<2000xf32>
    %reduce_sum3A_67 = vector.multi_reduction <add>, %integer_pow3A_65, %reduce_sum3A_66 [1] : vector<2000x64xf32> to vector<2000xf32>
    %broadcast_in_dim3A_68 = vector.shape_cast %reduce_sum3A_67 : vector<2000xf32> to vector<2000x1xf32>
    %div3A_69 = arith.constant 6.400000e+01 : f32
    %div3A_70 = vector.broadcast %div3A_69 : f32 to vector<2000x1xf32>
    %div3A_71 = arith.divf %broadcast_in_dim3A_68, %div3A_70 : vector<2000x1xf32>
    %sub3A_72 = vector.broadcast %div3A_62 : vector<2000x1xf32> to vector<2000x64xf32>
    %sub3A_73 = arith.subf %max3A_50, %sub3A_72 : vector<2000x64xf32>
    %add3A_74 = arith.constant 9.99999974E-6 : f32
    %add3A_75 = vector.broadcast %add3A_74 : f32 to vector<2000x1xf32>
    %add3A_76 = arith.addf %div3A_71, %add3A_75 : vector<2000x1xf32>
    %sqrt3A_77 = math.sqrt %add3A_76 : vector<2000x1xf32>
    %div3A_78 = vector.broadcast %sqrt3A_77 : vector<2000x1xf32> to vector<2000x64xf32>
    %div3A_79 = arith.divf %sub3A_73, %div3A_78 : vector<2000x64xf32>
    %mul3A_80 = vector.broadcast %get3A_53 : vector<1x64xf32> to vector<2000x64xf32>
    %mul3A_81 = arith.mulf %div3A_79, %mul3A_80 : vector<2000x64xf32>
    %add3A_82 = vector.broadcast %get3A_56 : vector<1x64xf32> to vector<2000x64xf32>
    %add3A_83 = arith.addf %mul3A_81, %add3A_82 : vector<2000x64xf32>
    %swap3A = arith.constant 0 : index
    %swap3A_84 = arith.constant 0 : index
    %swap3A_85 = vector.load %arg10[%swap3A, %swap3A_84] : memref<2000x64xf32, #tpu.memory_space<vmem>>, vector<2000x64xf32>
    tpu.vector_store %arg10[%swap3A, %swap3A_84], %add3A_83 {strides = array<i32>} : memref<2000x64xf32, #tpu.memory_space<vmem>>, vector<2000x64xf32>,
    return
  }
  func.func @transform_0(%arg0: i32) -> (i32, i32) {
    %c0_i32 = arith.constant 0 : i32
    %c0_i32_0 = arith.constant 0 : i32
    return %arg0, %c0_i32 : i32, i32
  }
  func.func @transform_1(%arg0: i32) -> (i32, i32) {
    %c0_i32 = arith.constant 0 : i32
    %c0_i32_0 = arith.constant 0 : i32
    %c0_i32_1 = arith.constant 0 : i32
    return %c0_i32, %c0_i32_0 : i32, i32
  }
  func.func @transform_2(%arg0: i32) -> (i32, i32) {
    %c0_i32 = arith.constant 0 : i32
    %c0_i32_0 = arith.constant 0 : i32
    %c0_i32_1 = arith.constant 0 : i32
    return %c0_i32, %c0_i32_0 : i32, i32
  }
  func.func @transform_3(%arg0: i32) -> (i32, i32) {
    %c0_i32 = arith.constant 0 : i32
    %c0_i32_0 = arith.constant 0 : i32
    %c0_i32_1 = arith.constant 0 : i32
    return %c0_i32, %c0_i32_0 : i32, i32
  }
  func.func @transform_4(%arg0: i32) -> (i32, i32) {
    %c0_i32 = arith.constant 0 : i32
    %c0_i32_0 = arith.constant 0 : i32
    %c0_i32_1 = arith.constant 0 : i32
    return %c0_i32, %c0_i32_0 : i32, i32
  }
  func.func @transform_5(%arg0: i32) -> (i32, i32) {
    %c0_i32 = arith.constant 0 : i32
    %c0_i32_0 = arith.constant 0 : i32
    %c0_i32_1 = arith.constant 0 : i32
    return %c0_i32, %c0_i32_0 : i32, i32
  }
  func.func @transform_6(%arg0: i32) -> (i32, i32) {
    %c0_i32 = arith.constant 0 : i32
    %c0_i32_0 = arith.constant 0 : i32
    %c0_i32_1 = arith.constant 0 : i32
    return %c0_i32, %c0_i32_0 : i32, i32
  }
  func.func @transform_7(%arg0: i32) -> (i32, i32) {
    %c0_i32 = arith.constant 0 : i32
    %c0_i32_0 = arith.constant 0 : i32
    %c0_i32_1 = arith.constant 0 : i32
    return %c0_i32, %c0_i32_0 : i32, i32
  }
  func.func @transform_8(%arg0: i32) -> (i32, i32) {
    %c0_i32 = arith.constant 0 : i32
    %c0_i32_0 = arith.constant 0 : i32
    %c0_i32_1 = arith.constant 0 : i32
    return %c0_i32, %c0_i32_0 : i32, i32
  }
  func.func @transform_9(%arg0: i32) -> (i32, i32) {
    %c0_i32 = arith.constant 0 : i32
    %c0_i32_0 = arith.constant 0 : i32
    return %arg0, %c0_i32 : i32, i32
  }
}

module attributes {stable_mosaic.version = 14 : i64} {
  func.func @_comb_body(%arg0: i32, %arg1: memref<2000x64xf32, #tpu.memory_space<vmem>>, %arg2: memref<2000x64xf32, #tpu.memory_space<vmem>>, %arg3: memref<2000x64xf32, #tpu.memory_space<vmem>>, %arg4: memref<64x64xf32, #tpu.memory_space<vmem>>, %arg5: memref<64x64xf32, #tpu.memory_space<vmem>>, %arg6: memref<64x64xf32, #tpu.memory_space<vmem>>, %arg7: memref<64x64xf32, #tpu.memory_space<vmem>>, %arg8: memref<1x64xf32, #tpu.memory_space<vmem>>, %arg9: memref<1x64xf32, #tpu.memory_space<vmem>>, %arg10: memref<1x64xf32, #tpu.memory_space<vmem>>, %arg11: memref<64x64xf32, #tpu.memory_space<vmem>>, %arg12: memref<1x64xf32, #tpu.memory_space<vmem>>, %arg13: memref<1x64xf32, #tpu.memory_space<vmem>>, %arg14: memref<1x64xf32, #tpu.memory_space<vmem>>, %arg15: memref<64x64xf32, #tpu.memory_space<vmem>>, %arg16: memref<1x64xf32, #tpu.memory_space<vmem>>, %arg17: memref<1x64xf32, #tpu.memory_space<vmem>>, %arg18: memref<2000x64xf32, #tpu.memory_space<vmem>>) attributes {dimension_semantics = [#tpu.dimension_semantics<arbitrary>], iteration_bounds = array<i64: 25>, scalar_prefetch = 0 : i64, scratch_operands = 0 : i64, tpu.core_type = #tpu.core_type<tc>, window_params = [{transform_indices = @transform_0, window_bounds = array<i64: 2000, 64>}, {transform_indices = @transform_1, window_bounds = array<i64: 2000, 64>}, {transform_indices = @transform_2, window_bounds = array<i64: 2000, 64>}, {pipeline_mode = #tpu.pipeline_mode<synchronous>, transform_indices = @transform_3, window_bounds = array<i64: 64, 64>}, {pipeline_mode = #tpu.pipeline_mode<synchronous>, transform_indices = @transform_4, window_bounds = array<i64: 64, 64>}, {pipeline_mode = #tpu.pipeline_mode<synchronous>, transform_indices = @transform_5, window_bounds = array<i64: 64, 64>}, {pipeline_mode = #tpu.pipeline_mode<synchronous>, transform_indices = @transform_6, window_bounds = array<i64: 64, 64>}, {pipeline_mode = #tpu.pipeline_mode<synchronous>, transform_indices = @transform_7, window_bounds = array<i64: 1, 64>}, {pipeline_mode = #tpu.pipeline_mode<synchronous>, transform_indices = @transform_8, window_bounds = array<i64: 1, 64>}, {pipeline_mode = #tpu.pipeline_mode<synchronous>, transform_indices = @transform_9, window_bounds = array<i64: 1, 64>}, {pipeline_mode = #tpu.pipeline_mode<synchronous>, transform_indices = @transform_10, window_bounds = array<i64: 64, 64>}, {pipeline_mode = #tpu.pipeline_mode<synchronous>, transform_indices = @transform_11, window_bounds = array<i64: 1, 64>}, {pipeline_mode = #tpu.pipeline_mode<synchronous>, transform_indices = @transform_12, window_bounds = array<i64: 1, 64>}, {pipeline_mode = #tpu.pipeline_mode<synchronous>, transform_indices = @transform_13, window_bounds = array<i64: 1, 64>}, {pipeline_mode = #tpu.pipeline_mode<synchronous>, transform_indices = @transform_14, window_bounds = array<i64: 64, 64>}, {pipeline_mode = #tpu.pipeline_mode<synchronous>, transform_indices = @transform_15, window_bounds = array<i64: 1, 64>}, {pipeline_mode = #tpu.pipeline_mode<synchronous>, transform_indices = @transform_16, window_bounds = array<i64: 1, 64>}, {transform_indices = @transform_17, window_bounds = array<i64: 2000, 64>}]} {
    %get3A = arith.constant 0 : index
    %get3A_0 = arith.constant 0 : index
    %get3A_1 = vector.load %arg1[%get3A, %get3A_0] : memref<2000x64xf32, #tpu.memory_space<vmem>>, vector<2000x64xf32>
    %get3A_2 = arith.constant 0 : index
    %get3A_3 = arith.constant 0 : index
    %get3A_4 = vector.load %arg2[%get3A_2, %get3A_3] : memref<2000x64xf32, #tpu.memory_space<vmem>>, vector<2000x64xf32>
    %get3A_5 = arith.constant 0 : index
    %get3A_6 = arith.constant 0 : index
    %get3A_7 = vector.load %arg4[%get3A_5, %get3A_6] : memref<64x64xf32, #tpu.memory_space<vmem>>, vector<64x64xf32>
    %dot_general3A = arith.constant dense<0.000000e+00> : vector<2000x64xf32>
    %dot_general3A_8 = tpu.matmul %get3A_4, %get3A_7, %dot_general3A {dimension_numbers = #tpu.dot_dimension_numbers<[1], [0], [0], [1], [0, 0, 1, 1], [], []>, precision = #tpu.contract_precision<fp32>, transpose_lhs_hint = false} : vector<2000x64xf32>, vector<64x64xf32>, vector<2000x64xf32> -> vector<2000x64xf32>
    %get3A_9 = arith.constant 0 : index
    %get3A_10 = arith.constant 0 : index
    %get3A_11 = vector.load %arg3[%get3A_9, %get3A_10] : memref<2000x64xf32, #tpu.memory_space<vmem>>, vector<2000x64xf32>
    %get3A_12 = arith.constant 0 : index
    %get3A_13 = arith.constant 0 : index
    %get3A_14 = vector.load %arg5[%get3A_12, %get3A_13] : memref<64x64xf32, #tpu.memory_space<vmem>>, vector<64x64xf32>
    %dot_general3A_15 = arith.constant dense<0.000000e+00> : vector<2000x64xf32>
    %dot_general3A_16 = tpu.matmul %get3A_11, %get3A_14, %dot_general3A_15 {dimension_numbers = #tpu.dot_dimension_numbers<[1], [0], [0], [1], [0, 0, 1, 1], [], []>, precision = #tpu.contract_precision<fp32>, transpose_lhs_hint = false} : vector<2000x64xf32>, vector<64x64xf32>, vector<2000x64xf32> -> vector<2000x64xf32>
    %add3A = arith.addf %dot_general3A_8, %dot_general3A_16 : vector<2000x64xf32>
    %get3A_17 = arith.constant 0 : index
    %get3A_18 = arith.constant 0 : index
    %get3A_19 = vector.load %arg6[%get3A_17, %get3A_18] : memref<64x64xf32, #tpu.memory_space<vmem>>, vector<64x64xf32>
    %dot_general3A_20 = arith.constant dense<0.000000e+00> : vector<2000x64xf32>
    %dot_general3A_21 = tpu.matmul %get3A_1, %get3A_19, %dot_general3A_20 {dimension_numbers = #tpu.dot_dimension_numbers<[1], [0], [0], [1], [0, 0, 1, 1], [], []>, transpose_lhs_hint = false} : vector<2000x64xf32>, vector<64x64xf32>, vector<2000x64xf32> -> vector<2000x64xf32>
    %get3A_22 = arith.constant 0 : index
    %get3A_23 = arith.constant 0 : index
    %get3A_24 = vector.load %arg7[%get3A_22, %get3A_23] : memref<64x64xf32, #tpu.memory_space<vmem>>, vector<64x64xf32>
    %dot_general3A_25 = arith.constant dense<0.000000e+00> : vector<2000x64xf32>
    %dot_general3A_26 = tpu.matmul %add3A, %get3A_24, %dot_general3A_25 {dimension_numbers = #tpu.dot_dimension_numbers<[1], [0], [0], [1], [0, 0, 1, 1], [], []>, transpose_lhs_hint = false} : vector<2000x64xf32>, vector<64x64xf32>, vector<2000x64xf32> -> vector<2000x64xf32>
    %add3A_27 = arith.addf %dot_general3A_21, %dot_general3A_26 : vector<2000x64xf32>
    %get3A_28 = arith.constant 0 : index
    %get3A_29 = arith.constant 0 : index
    %get3A_30 = vector.load %arg8[%get3A_28, %get3A_29] : memref<1x64xf32, #tpu.memory_space<vmem>>, vector<1x64xf32>
    %add3A_31 = vector.broadcast %get3A_30 : vector<1x64xf32> to vector<2000x64xf32>
    %add3A_32 = arith.addf %add3A_27, %add3A_31 : vector<2000x64xf32>
    %max3A = arith.constant 0.000000e+00 : f32
    %max3A_33 = vector.broadcast %max3A : f32 to vector<2000x64xf32>
    %max3A_34 = arith.maximumf %add3A_32, %max3A_33 : vector<2000x64xf32>
    %get3A_35 = arith.constant 0 : index
    %get3A_36 = arith.constant 0 : index
    %get3A_37 = vector.load %arg9[%get3A_35, %get3A_36] : memref<1x64xf32, #tpu.memory_space<vmem>>, vector<1x64xf32>
    %get3A_38 = arith.constant 0 : index
    %get3A_39 = arith.constant 0 : index
    %get3A_40 = vector.load %arg10[%get3A_38, %get3A_39] : memref<1x64xf32, #tpu.memory_space<vmem>>, vector<1x64xf32>
    %reduce_sum3A = arith.constant dense<0.000000e+00> : vector<2000xf32>
    %reduce_sum3A_41 = vector.multi_reduction <add>, %max3A_34, %reduce_sum3A [1] : vector<2000x64xf32> to vector<2000xf32>
    %broadcast_in_dim3A = vector.shape_cast %reduce_sum3A_41 : vector<2000xf32> to vector<2000x1xf32>
    %div3A = arith.constant 6.400000e+01 : f32
    %div3A_42 = vector.broadcast %div3A : f32 to vector<2000x1xf32>
    %div3A_43 = arith.divf %broadcast_in_dim3A, %div3A_42 : vector<2000x1xf32>
    %sub3A = vector.broadcast %div3A_43 : vector<2000x1xf32> to vector<2000x64xf32>
    %sub3A_44 = arith.subf %max3A_34, %sub3A : vector<2000x64xf32>
    %integer_pow3A = arith.mulf %sub3A_44, %sub3A_44 : vector<2000x64xf32>
    %reduce_sum3A_45 = arith.constant dense<0.000000e+00> : vector<2000xf32>
    %reduce_sum3A_46 = vector.multi_reduction <add>, %integer_pow3A, %reduce_sum3A_45 [1] : vector<2000x64xf32> to vector<2000xf32>
    %broadcast_in_dim3A_47 = vector.shape_cast %reduce_sum3A_46 : vector<2000xf32> to vector<2000x1xf32>
    %div3A_48 = arith.constant 6.400000e+01 : f32
    %div3A_49 = vector.broadcast %div3A_48 : f32 to vector<2000x1xf32>
    %div3A_50 = arith.divf %broadcast_in_dim3A_47, %div3A_49 : vector<2000x1xf32>
    %sub3A_51 = vector.broadcast %div3A_43 : vector<2000x1xf32> to vector<2000x64xf32>
    %sub3A_52 = arith.subf %max3A_34, %sub3A_51 : vector<2000x64xf32>
    %add3A_53 = arith.constant 9.99999974E-6 : f32
    %add3A_54 = vector.broadcast %add3A_53 : f32 to vector<2000x1xf32>
    %add3A_55 = arith.addf %div3A_50, %add3A_54 : vector<2000x1xf32>
    %sqrt3A = math.sqrt %add3A_55 : vector<2000x1xf32>
    %div3A_56 = vector.broadcast %sqrt3A : vector<2000x1xf32> to vector<2000x64xf32>
    %div3A_57 = arith.divf %sub3A_52, %div3A_56 : vector<2000x64xf32>
    %mul3A = vector.broadcast %get3A_37 : vector<1x64xf32> to vector<2000x64xf32>
    %mul3A_58 = arith.mulf %div3A_57, %mul3A : vector<2000x64xf32>
    %add3A_59 = vector.broadcast %get3A_40 : vector<1x64xf32> to vector<2000x64xf32>
    %add3A_60 = arith.addf %mul3A_58, %add3A_59 : vector<2000x64xf32>
    %get3A_61 = arith.constant 0 : index
    %get3A_62 = arith.constant 0 : index
    %get3A_63 = vector.load %arg11[%get3A_61, %get3A_62] : memref<64x64xf32, #tpu.memory_space<vmem>>, vector<64x64xf32>
    %dot_general3A_64 = arith.constant dense<0.000000e+00> : vector<2000x64xf32>
    %dot_general3A_65 = tpu.matmul %add3A_60, %get3A_63, %dot_general3A_64 {dimension_numbers = #tpu.dot_dimension_numbers<[1], [0], [0], [1], [0, 0, 1, 1], [], []>, transpose_lhs_hint = false} : vector<2000x64xf32>, vector<64x64xf32>, vector<2000x64xf32> -> vector<2000x64xf32>
    %get3A_66 = arith.constant 0 : index
    %get3A_67 = arith.constant 0 : index
    %get3A_68 = vector.load %arg12[%get3A_66, %get3A_67] : memref<1x64xf32, #tpu.memory_space<vmem>>, vector<1x64xf32>
    %add3A_69 = vector.broadcast %get3A_68 : vector<1x64xf32> to vector<2000x64xf32>
    %add3A_70 = arith.addf %dot_general3A_65, %add3A_69 : vector<2000x64xf32>
    %max3A_71 = arith.constant 0.000000e+00 : f32
    %max3A_72 = vector.broadcast %max3A_71 : f32 to vector<2000x64xf32>
    %max3A_73 = arith.maximumf %add3A_70, %max3A_72 : vector<2000x64xf32>
    %get3A_74 = arith.constant 0 : index
    %get3A_75 = arith.constant 0 : index
    %get3A_76 = vector.load %arg13[%get3A_74, %get3A_75] : memref<1x64xf32, #tpu.memory_space<vmem>>, vector<1x64xf32>
    %get3A_77 = arith.constant 0 : index
    %get3A_78 = arith.constant 0 : index
    %get3A_79 = vector.load %arg14[%get3A_77, %get3A_78] : memref<1x64xf32, #tpu.memory_space<vmem>>, vector<1x64xf32>
    %reduce_sum3A_80 = arith.constant dense<0.000000e+00> : vector<2000xf32>
    %reduce_sum3A_81 = vector.multi_reduction <add>, %max3A_73, %reduce_sum3A_80 [1] : vector<2000x64xf32> to vector<2000xf32>
    %broadcast_in_dim3A_82 = vector.shape_cast %reduce_sum3A_81 : vector<2000xf32> to vector<2000x1xf32>
    %div3A_83 = arith.constant 6.400000e+01 : f32
    %div3A_84 = vector.broadcast %div3A_83 : f32 to vector<2000x1xf32>
    %div3A_85 = arith.divf %broadcast_in_dim3A_82, %div3A_84 : vector<2000x1xf32>
    %sub3A_86 = vector.broadcast %div3A_85 : vector<2000x1xf32> to vector<2000x64xf32>
    %sub3A_87 = arith.subf %max3A_73, %sub3A_86 : vector<2000x64xf32>
    %integer_pow3A_88 = arith.mulf %sub3A_87, %sub3A_87 : vector<2000x64xf32>
    %reduce_sum3A_89 = arith.constant dense<0.000000e+00> : vector<2000xf32>
    %reduce_sum3A_90 = vector.multi_reduction <add>, %integer_pow3A_88, %reduce_sum3A_89 [1] : vector<2000x64xf32> to vector<2000xf32>
    %broadcast_in_dim3A_91 = vector.shape_cast %reduce_sum3A_90 : vector<2000xf32> to vector<2000x1xf32>
    %div3A_92 = arith.constant 6.400000e+01 : f32
    %div3A_93 = vector.broadcast %div3A_92 : f32 to vector<2000x1xf32>
    %div3A_94 = arith.divf %broadcast_in_dim3A_91, %div3A_93 : vector<2000x1xf32>
    %sub3A_95 = vector.broadcast %div3A_85 : vector<2000x1xf32> to vector<2000x64xf32>
    %sub3A_96 = arith.subf %max3A_73, %sub3A_95 : vector<2000x64xf32>
    %add3A_97 = arith.constant 9.99999974E-6 : f32
    %add3A_98 = vector.broadcast %add3A_97 : f32 to vector<2000x1xf32>
    %add3A_99 = arith.addf %div3A_94, %add3A_98 : vector<2000x1xf32>
    %sqrt3A_100 = math.sqrt %add3A_99 : vector<2000x1xf32>
    %div3A_101 = vector.broadcast %sqrt3A_100 : vector<2000x1xf32> to vector<2000x64xf32>
    %div3A_102 = arith.divf %sub3A_96, %div3A_101 : vector<2000x64xf32>
    %mul3A_103 = vector.broadcast %get3A_76 : vector<1x64xf32> to vector<2000x64xf32>
    %mul3A_104 = arith.mulf %div3A_102, %mul3A_103 : vector<2000x64xf32>
    %add3A_105 = vector.broadcast %get3A_79 : vector<1x64xf32> to vector<2000x64xf32>
    %add3A_106 = arith.addf %mul3A_104, %add3A_105 : vector<2000x64xf32>
    %get3A_107 = arith.constant 0 : index
    %get3A_108 = arith.constant 0 : index
    %get3A_109 = vector.load %arg15[%get3A_107, %get3A_108] : memref<64x64xf32, #tpu.memory_space<vmem>>, vector<64x64xf32>
    %dot_general3A_110 = arith.constant dense<0.000000e+00> : vector<2000x64xf32>
    %dot_general3A_111 = tpu.matmul %get3A_1, %get3A_109, %dot_general3A_110 {dimension_numbers = #tpu.dot_dimension_numbers<[1], [0], [0], [1], [0, 0, 1, 1], [], []>, transpose_lhs_hint = false} : vector<2000x64xf32>, vector<64x64xf32>, vector<2000x64xf32> -> vector<2000x64xf32>
    %add3A_112 = arith.addf %dot_general3A_111, %add3A_106 : vector<2000x64xf32>
    %get3A_113 = arith.constant 0 : index
    %get3A_114 = arith.constant 0 : index
    %get3A_115 = vector.load %arg16[%get3A_113, %get3A_114] : memref<1x64xf32, #tpu.memory_space<vmem>>, vector<1x64xf32>
    %get3A_116 = arith.constant 0 : index
    %get3A_117 = arith.constant 0 : index
    %get3A_118 = vector.load %arg17[%get3A_116, %get3A_117] : memref<1x64xf32, #tpu.memory_space<vmem>>, vector<1x64xf32>
    %reduce_sum3A_119 = arith.constant dense<0.000000e+00> : vector<2000xf32>
    %reduce_sum3A_120 = vector.multi_reduction <add>, %add3A_112, %reduce_sum3A_119 [1] : vector<2000x64xf32> to vector<2000xf32>
    %broadcast_in_dim3A_121 = vector.shape_cast %reduce_sum3A_120 : vector<2000xf32> to vector<2000x1xf32>
    %div3A_122 = arith.constant 6.400000e+01 : f32
    %div3A_123 = vector.broadcast %div3A_122 : f32 to vector<2000x1xf32>
    %div3A_124 = arith.divf %broadcast_in_dim3A_121, %div3A_123 : vector<2000x1xf32>
    %sub3A_125 = vector.broadcast %div3A_124 : vector<2000x1xf32> to vector<2000x64xf32>
    %sub3A_126 = arith.subf %add3A_112, %sub3A_125 : vector<2000x64xf32>
    %integer_pow3A_127 = arith.mulf %sub3A_126, %sub3A_126 : vector<2000x64xf32>
    %reduce_sum3A_128 = arith.constant dense<0.000000e+00> : vector<2000xf32>
    %reduce_sum3A_129 = vector.multi_reduction <add>, %integer_pow3A_127, %reduce_sum3A_128 [1] : vector<2000x64xf32> to vector<2000xf32>
    %broadcast_in_dim3A_130 = vector.shape_cast %reduce_sum3A_129 : vector<2000xf32> to vector<2000x1xf32>
    %div3A_131 = arith.constant 6.400000e+01 : f32
    %div3A_132 = vector.broadcast %div3A_131 : f32 to vector<2000x1xf32>
    %div3A_133 = arith.divf %broadcast_in_dim3A_130, %div3A_132 : vector<2000x1xf32>
    %sub3A_134 = vector.broadcast %div3A_124 : vector<2000x1xf32> to vector<2000x64xf32>
    %sub3A_135 = arith.subf %add3A_112, %sub3A_134 : vector<2000x64xf32>
    %add3A_136 = arith.constant 9.99999974E-6 : f32
    %add3A_137 = vector.broadcast %add3A_136 : f32 to vector<2000x1xf32>
    %add3A_138 = arith.addf %div3A_133, %add3A_137 : vector<2000x1xf32>
    %sqrt3A_139 = math.sqrt %add3A_138 : vector<2000x1xf32>
    %div3A_140 = vector.broadcast %sqrt3A_139 : vector<2000x1xf32> to vector<2000x64xf32>
    %div3A_141 = arith.divf %sub3A_135, %div3A_140 : vector<2000x64xf32>
    %mul3A_142 = vector.broadcast %get3A_115 : vector<1x64xf32> to vector<2000x64xf32>
    %mul3A_143 = arith.mulf %div3A_141, %mul3A_142 : vector<2000x64xf32>
    %add3A_144 = vector.broadcast %get3A_118 : vector<1x64xf32> to vector<2000x64xf32>
    %add3A_145 = arith.addf %mul3A_143, %add3A_144 : vector<2000x64xf32>
    %swap3A = arith.constant 0 : index
    %swap3A_146 = arith.constant 0 : index
    %swap3A_147 = vector.load %arg18[%swap3A, %swap3A_146] : memref<2000x64xf32, #tpu.memory_space<vmem>>, vector<2000x64xf32>
    tpu.vector_store %arg18[%swap3A, %swap3A_146], %add3A_145 {strides = array<i32>} : memref<2000x64xf32, #tpu.memory_space<vmem>>, vector<2000x64xf32>,
    return
  }
  func.func @transform_0(%arg0: i32) -> (i32, i32) {
    %c0_i32 = arith.constant 0 : i32
    %c0_i32_0 = arith.constant 0 : i32
    return %arg0, %c0_i32 : i32, i32
  }
  func.func @transform_1(%arg0: i32) -> (i32, i32) {
    %c0_i32 = arith.constant 0 : i32
    %c0_i32_0 = arith.constant 0 : i32
    return %arg0, %c0_i32 : i32, i32
  }
  func.func @transform_2(%arg0: i32) -> (i32, i32) {
    %c0_i32 = arith.constant 0 : i32
    %c0_i32_0 = arith.constant 0 : i32
    return %arg0, %c0_i32 : i32, i32
  }
  func.func @transform_3(%arg0: i32) -> (i32, i32) {
    %c0_i32 = arith.constant 0 : i32
    %c0_i32_0 = arith.constant 0 : i32
    %c0_i32_1 = arith.constant 0 : i32
    return %c0_i32, %c0_i32_0 : i32, i32
  }
  func.func @transform_4(%arg0: i32) -> (i32, i32) {
    %c0_i32 = arith.constant 0 : i32
    %c0_i32_0 = arith.constant 0 : i32
    %c0_i32_1 = arith.constant 0 : i32
    return %c0_i32, %c0_i32_0 : i32, i32
  }
  func.func @transform_5(%arg0: i32) -> (i32, i32) {
    %c0_i32 = arith.constant 0 : i32
    %c0_i32_0 = arith.constant 0 : i32
    %c0_i32_1 = arith.constant 0 : i32
    return %c0_i32, %c0_i32_0 : i32, i32
  }
  func.func @transform_6(%arg0: i32) -> (i32, i32) {
    %c0_i32 = arith.constant 0 : i32
    %c0_i32_0 = arith.constant 0 : i32
    %c0_i32_1 = arith.constant 0 : i32
    return %c0_i32, %c0_i32_0 : i32, i32
  }
  func.func @transform_7(%arg0: i32) -> (i32, i32) {
    %c0_i32 = arith.constant 0 : i32
    %c0_i32_0 = arith.constant 0 : i32
    %c0_i32_1 = arith.constant 0 : i32
    return %c0_i32, %c0_i32_0 : i32, i32
  }
  func.func @transform_8(%arg0: i32) -> (i32, i32) {
    %c0_i32 = arith.constant 0 : i32
    %c0_i32_0 = arith.constant 0 : i32
    %c0_i32_1 = arith.constant 0 : i32
    return %c0_i32, %c0_i32_0 : i32, i32
  }
  func.func @transform_9(%arg0: i32) -> (i32, i32) {
    %c0_i32 = arith.constant 0 : i32
    %c0_i32_0 = arith.constant 0 : i32
    %c0_i32_1 = arith.constant 0 : i32
    return %c0_i32, %c0_i32_0 : i32, i32
  }
  func.func @transform_10(%arg0: i32) -> (i32, i32) {
    %c0_i32 = arith.constant 0 : i32
    %c0_i32_0 = arith.constant 0 : i32
    %c0_i32_1 = arith.constant 0 : i32
    return %c0_i32, %c0_i32_0 : i32, i32
  }
  func.func @transform_11(%arg0: i32) -> (i32, i32) {
    %c0_i32 = arith.constant 0 : i32
    %c0_i32_0 = arith.constant 0 : i32
    %c0_i32_1 = arith.constant 0 : i32
    return %c0_i32, %c0_i32_0 : i32, i32
  }
  func.func @transform_12(%arg0: i32) -> (i32, i32) {
    %c0_i32 = arith.constant 0 : i32
    %c0_i32_0 = arith.constant 0 : i32
    %c0_i32_1 = arith.constant 0 : i32
    return %c0_i32, %c0_i32_0 : i32, i32
  }
  func.func @transform_13(%arg0: i32) -> (i32, i32) {
    %c0_i32 = arith.constant 0 : i32
    %c0_i32_0 = arith.constant 0 : i32
    %c0_i32_1 = arith.constant 0 : i32
    return %c0_i32, %c0_i32_0 : i32, i32
  }
  func.func @transform_14(%arg0: i32) -> (i32, i32) {
    %c0_i32 = arith.constant 0 : i32
    %c0_i32_0 = arith.constant 0 : i32
    %c0_i32_1 = arith.constant 0 : i32
    return %c0_i32, %c0_i32_0 : i32, i32
  }
  func.func @transform_15(%arg0: i32) -> (i32, i32) {
    %c0_i32 = arith.constant 0 : i32
    %c0_i32_0 = arith.constant 0 : i32
    %c0_i32_1 = arith.constant 0 : i32
    return %c0_i32, %c0_i32_0 : i32, i32
  }
  func.func @transform_16(%arg0: i32) -> (i32, i32) {
    %c0_i32 = arith.constant 0 : i32
    %c0_i32_0 = arith.constant 0 : i32
    %c0_i32_1 = arith.constant 0 : i32
    return %c0_i32, %c0_i32_0 : i32, i32
  }
  func.func @transform_17(%arg0: i32) -> (i32, i32) {
    %c0_i32 = arith.constant 0 : i32
    %c0_i32_0 = arith.constant 0 : i32
    return %arg0, %c0_i32 : i32, i32
  }
}

module attributes {stable_mosaic.version = 14 : i64} {
  func.func @_dec_body(%arg0: i32, %arg1: memref<2000x64xf32, #tpu.memory_space<vmem>>, %arg2: memref<64x64xf32, #tpu.memory_space<vmem>>, %arg3: memref<1x64xf32, #tpu.memory_space<vmem>>, %arg4: memref<1x64xf32, #tpu.memory_space<vmem>>, %arg5: memref<1x64xf32, #tpu.memory_space<vmem>>, %arg6: memref<64x8xf32, #tpu.memory_space<vmem>>, %arg7: memref<1x8xf32, #tpu.memory_space<vmem>>, %arg8: memref<2000x2xf32, #tpu.memory_space<vmem>>) attributes {dimension_semantics = [#tpu.dimension_semantics<arbitrary>], iteration_bounds = array<i64: 25>, scalar_prefetch = 0 : i64, scratch_operands = 0 : i64, tpu.core_type = #tpu.core_type<tc>, window_params = [{transform_indices = @transform_0, window_bounds = array<i64: 2000, 64>}, {pipeline_mode = #tpu.pipeline_mode<synchronous>, transform_indices = @transform_1, window_bounds = array<i64: 64, 64>}, {pipeline_mode = #tpu.pipeline_mode<synchronous>, transform_indices = @transform_2, window_bounds = array<i64: 1, 64>}, {pipeline_mode = #tpu.pipeline_mode<synchronous>, transform_indices = @transform_3, window_bounds = array<i64: 1, 64>}, {pipeline_mode = #tpu.pipeline_mode<synchronous>, transform_indices = @transform_4, window_bounds = array<i64: 1, 64>}, {pipeline_mode = #tpu.pipeline_mode<synchronous>, transform_indices = @transform_5, window_bounds = array<i64: 64, 8>}, {pipeline_mode = #tpu.pipeline_mode<synchronous>, transform_indices = @transform_6, window_bounds = array<i64: 1, 8>}, {transform_indices = @transform_7, window_bounds = array<i64: 2000, 2>}]} {
    %get3A = arith.constant 0 : index
    %get3A_0 = arith.constant 0 : index
    %get3A_1 = vector.load %arg1[%get3A, %get3A_0] : memref<2000x64xf32, #tpu.memory_space<vmem>>, vector<2000x64xf32>
    %get3A_2 = arith.constant 0 : index
    %get3A_3 = arith.constant 0 : index
    %get3A_4 = vector.load %arg2[%get3A_2, %get3A_3] : memref<64x64xf32, #tpu.memory_space<vmem>>, vector<64x64xf32>
    %dot_general3A = arith.constant dense<0.000000e+00> : vector<2000x64xf32>
    %dot_general3A_5 = tpu.matmul %get3A_1, %get3A_4, %dot_general3A {dimension_numbers = #tpu.dot_dimension_numbers<[1], [0], [0], [1], [0, 0, 1, 1], [], []>, transpose_lhs_hint = false} : vector<2000x64xf32>, vector<64x64xf32>, vector<2000x64xf32> -> vector<2000x64xf32>
    %get3A_6 = arith.constant 0 : index
    %get3A_7 = arith.constant 0 : index
    %get3A_8 = vector.load %arg3[%get3A_6, %get3A_7] : memref<1x64xf32, #tpu.memory_space<vmem>>, vector<1x64xf32>
    %add3A = vector.broadcast %get3A_8 : vector<1x64xf32> to vector<2000x64xf32>
    %add3A_9 = arith.addf %dot_general3A_5, %add3A : vector<2000x64xf32>
    %max3A = arith.constant 0.000000e+00 : f32
    %max3A_10 = vector.broadcast %max3A : f32 to vector<2000x64xf32>
    %max3A_11 = arith.maximumf %add3A_9, %max3A_10 : vector<2000x64xf32>
    %get3A_12 = arith.constant 0 : index
    %get3A_13 = arith.constant 0 : index
    %get3A_14 = vector.load %arg4[%get3A_12, %get3A_13] : memref<1x64xf32, #tpu.memory_space<vmem>>, vector<1x64xf32>
    %get3A_15 = arith.constant 0 : index
    %get3A_16 = arith.constant 0 : index
    %get3A_17 = vector.load %arg5[%get3A_15, %get3A_16] : memref<1x64xf32, #tpu.memory_space<vmem>>, vector<1x64xf32>
    %reduce_sum3A = arith.constant dense<0.000000e+00> : vector<2000xf32>
    %reduce_sum3A_18 = vector.multi_reduction <add>, %max3A_11, %reduce_sum3A [1] : vector<2000x64xf32> to vector<2000xf32>
    %broadcast_in_dim3A = vector.shape_cast %reduce_sum3A_18 : vector<2000xf32> to vector<2000x1xf32>
    %div3A = arith.constant 6.400000e+01 : f32
    %div3A_19 = vector.broadcast %div3A : f32 to vector<2000x1xf32>
    %div3A_20 = arith.divf %broadcast_in_dim3A, %div3A_19 : vector<2000x1xf32>
    %sub3A = vector.broadcast %div3A_20 : vector<2000x1xf32> to vector<2000x64xf32>
    %sub3A_21 = arith.subf %max3A_11, %sub3A : vector<2000x64xf32>
    %integer_pow3A = arith.mulf %sub3A_21, %sub3A_21 : vector<2000x64xf32>
    %reduce_sum3A_22 = arith.constant dense<0.000000e+00> : vector<2000xf32>
    %reduce_sum3A_23 = vector.multi_reduction <add>, %integer_pow3A, %reduce_sum3A_22 [1] : vector<2000x64xf32> to vector<2000xf32>
    %broadcast_in_dim3A_24 = vector.shape_cast %reduce_sum3A_23 : vector<2000xf32> to vector<2000x1xf32>
    %div3A_25 = arith.constant 6.400000e+01 : f32
    %div3A_26 = vector.broadcast %div3A_25 : f32 to vector<2000x1xf32>
    %div3A_27 = arith.divf %broadcast_in_dim3A_24, %div3A_26 : vector<2000x1xf32>
    %sub3A_28 = vector.broadcast %div3A_20 : vector<2000x1xf32> to vector<2000x64xf32>
    %sub3A_29 = arith.subf %max3A_11, %sub3A_28 : vector<2000x64xf32>
    %add3A_30 = arith.constant 9.99999974E-6 : f32
    %add3A_31 = vector.broadcast %add3A_30 : f32 to vector<2000x1xf32>
    %add3A_32 = arith.addf %div3A_27, %add3A_31 : vector<2000x1xf32>
    %sqrt3A = math.sqrt %add3A_32 : vector<2000x1xf32>
    %div3A_33 = vector.broadcast %sqrt3A : vector<2000x1xf32> to vector<2000x64xf32>
    %div3A_34 = arith.divf %sub3A_29, %div3A_33 : vector<2000x64xf32>
    %mul3A = vector.broadcast %get3A_14 : vector<1x64xf32> to vector<2000x64xf32>
    %mul3A_35 = arith.mulf %div3A_34, %mul3A : vector<2000x64xf32>
    %add3A_36 = vector.broadcast %get3A_17 : vector<1x64xf32> to vector<2000x64xf32>
    %add3A_37 = arith.addf %mul3A_35, %add3A_36 : vector<2000x64xf32>
    %get3A_38 = arith.constant 0 : index
    %get3A_39 = arith.constant 0 : index
    %get3A_40 = vector.load %arg6[%get3A_38, %get3A_39] : memref<64x8xf32, #tpu.memory_space<vmem>>, vector<64x8xf32>
    %dot_general3A_41 = arith.constant dense<0.000000e+00> : vector<2000x8xf32>
    %dot_general3A_42 = tpu.matmul %add3A_37, %get3A_40, %dot_general3A_41 {dimension_numbers = #tpu.dot_dimension_numbers<[1], [0], [0], [1], [0, 0, 1, 1], [], []>, transpose_lhs_hint = false} : vector<2000x64xf32>, vector<64x8xf32>, vector<2000x8xf32> -> vector<2000x8xf32>
    %get3A_43 = arith.constant 0 : index
    %get3A_44 = arith.constant 0 : index
    %get3A_45 = vector.load %arg7[%get3A_43, %get3A_44] : memref<1x8xf32, #tpu.memory_space<vmem>>, vector<1x8xf32>
    %add3A_46 = vector.broadcast %get3A_45 : vector<1x8xf32> to vector<2000x8xf32>
    %add3A_47 = arith.addf %dot_general3A_42, %add3A_46 : vector<2000x8xf32>
    %slice3A = vector.extract_strided_slice %add3A_47 {offsets = [0, 0], sizes = [2000, 1], strides = [1, 1]} : vector<2000x8xf32> to vector<2000x1xf32>
    %slice3A_48 = vector.extract_strided_slice %add3A_47 {offsets = [0, 1], sizes = [2000, 1], strides = [1, 1]} : vector<2000x8xf32> to vector<2000x1xf32>
    %max3A_49 = arith.maximumf %slice3A, %slice3A_48 : vector<2000x1xf32>
    %sub3A_50 = arith.subf %slice3A, %max3A_49 : vector<2000x1xf32>
    %exp3A = math.exp %sub3A_50 : vector<2000x1xf32>
    %sub3A_51 = arith.subf %slice3A_48, %max3A_49 : vector<2000x1xf32>
    %exp3A_52 = math.exp %sub3A_51 : vector<2000x1xf32>
    %add3A_53 = arith.addf %exp3A, %exp3A_52 : vector<2000x1xf32>
    %log3A = math.log %add3A_53 : vector<2000x1xf32>
    %add3A_54 = arith.addf %max3A_49, %log3A : vector<2000x1xf32>
    %slice3A_55 = vector.extract_strided_slice %add3A_47 {offsets = [0, 0], sizes = [2000, 2], strides = [1, 1]} : vector<2000x8xf32> to vector<2000x2xf32>
    %sub3A_56 = vector.broadcast %add3A_54 : vector<2000x1xf32> to vector<2000x2xf32>
    %sub3A_57 = arith.subf %slice3A_55, %sub3A_56 : vector<2000x2xf32>
    %swap3A = arith.constant 0 : index
    %swap3A_58 = arith.constant 0 : index
    %swap3A_59 = vector.load %arg8[%swap3A, %swap3A_58] : memref<2000x2xf32, #tpu.memory_space<vmem>>, vector<2000x2xf32>
    tpu.vector_store %arg8[%swap3A, %swap3A_58], %sub3A_57 {strides = array<i32>} : memref<2000x2xf32, #tpu.memory_space<vmem>>, vector<2000x2xf32>,
    return
  }
  func.func @transform_0(%arg0: i32) -> (i32, i32) {
    %c0_i32 = arith.constant 0 : i32
    %c0_i32_0 = arith.constant 0 : i32
    return %arg0, %c0_i32 : i32, i32
  }
  func.func @transform_1(%arg0: i32) -> (i32, i32) {
    %c0_i32 = arith.constant 0 : i32
    %c0_i32_0 = arith.constant 0 : i32
    %c0_i32_1 = arith.constant 0 : i32
    return %c0_i32, %c0_i32_0 : i32, i32
  }
  func.func @transform_2(%arg0: i32) -> (i32, i32) {
    %c0_i32 = arith.constant 0 : i32
    %c0_i32_0 = arith.constant 0 : i32
    %c0_i32_1 = arith.constant 0 : i32
    return %c0_i32, %c0_i32_0 : i32, i32
  }
  func.func @transform_3(%arg0: i32) -> (i32, i32) {
    %c0_i32 = arith.constant 0 : i32
    %c0_i32_0 = arith.constant 0 : i32
    %c0_i32_1 = arith.constant 0 : i32
    return %c0_i32, %c0_i32_0 : i32, i32
  }
  func.func @transform_4(%arg0: i32) -> (i32, i32) {
    %c0_i32 = arith.constant 0 : i32
    %c0_i32_0 = arith.constant 0 : i32
    %c0_i32_1 = arith.constant 0 : i32
    return %c0_i32, %c0_i32_0 : i32, i32
  }
  func.func @transform_5(%arg0: i32) -> (i32, i32) {
    %c0_i32 = arith.constant 0 : i32
    %c0_i32_0 = arith.constant 0 : i32
    %c0_i32_1 = arith.constant 0 : i32
    return %c0_i32, %c0_i32_0 : i32, i32
  }
  func.func @transform_6(%arg0: i32) -> (i32, i32) {
    %c0_i32 = arith.constant 0 : i32
    %c0_i32_0 = arith.constant 0 : i32
    %c0_i32_1 = arith.constant 0 : i32
    return %c0_i32, %c0_i32_0 : i32, i32
  }
  func.func @transform_7(%arg0: i32) -> (i32, i32) {
    %c0_i32 = arith.constant 0 : i32
    %c0_i32_0 = arith.constant 0 : i32
    return %arg0, %c0_i32 : i32, i32
  }
}

</mosaic_0001>

<sc_bundles>
// kernel: kernel.16.cloned.1.call-start
scs
__scs_entry_jumppad:
0x0: {  	(pc) =	sbr.rel $0x88, $3  }
0x1: {  	(tag) =	ssettag $0x0;
	lr =	simm.s32 $0x1  }
0x2: {  	[smem:$0x3F4B] =	sst lr;
	_ =	strace $0xD0000000  }
0x3: {  	_ = 	snop  }
0x4: {  	_ = 	snop  }
0x5: {  	_ = 	snop  }
0x6: {  	_ = 	snop  }
0x7: {  	_ = 	snop  }
__scs_overlays_trampoline_lowered:
0x8: {  	[smem:$0x3F5A] =	sst s0  }
0x9: {  	[smem:$0x3F5B] =	sst s1  }
0xa: {  	[smem:$0x3F5C] =	sst s2  }
0xb: {  	[smem:$0x3F5D] =	sst s3  }
0xc: {  	[smem:$0x3F5E] =	sst s4  }
0xd: {  	[smem:$0x3F5F] =	sst s5  }
0xe: {  	[smem:$0x3F60] =	sst s6  }
0xf: {  	[smem:$0x3F61] =	sst s7  }
0x10: {  	[smem:$0x3F62] =	sst s8  }
0x11: {  	[smem:$0x3F63] =	sst s9;
	s0 =	simm.s32 @!p0 $0x0  }
0x12: {  	s1 =	sld [smem:$0x3F49];
	s0 =	simm.s32 @p0 $0x1  }
0x13: {  	[smem:$0x3F64] =	sst s0;
	s0 =	simm.s32 @!p1 $0x0  }
0x14: {  	s2 =	sld [smem:$0x3F48];
	s0 =	simm.s32 @p1 $0x1  }
0x15: {  	[smem:$0x3F65] =	sst s0;
	s0 =	simm.s32 @!p2 $0x0  }
0x16: {  	s3 =	sld [smem:$0x3FDB];
	s0 =	simm.s32 @p2 $0x1  }
0x17: {  	s4 =	simm.s32 $0x1BF5;
	[smem:$0x3F67] =	sst s0  }
0x18: {  	s0 =	sld [smem:$0x3F4A];
	_ =	swait.ge [sflag:s4], $0x0  }
0x19: {  	s7 =	sld [smem:$0x3F4B]  }
0x1a: {  	s8 =	sadd.s32 $0xFFFFE003, lr  }
0x1b: {  	s9 =	sadd.s32 $0xFFFFFEF7, lr;
	s5 =	simm.s32 $0xFFFFFFFF;
	p2 =	slt.u32 s8, $0xFFFFF086  }
0x1c: {  	p1 =	slt.u32 s9, $0xF7A;
	s5 =	simm.s32 @!p2 $0x0  }
0x1d: {  	s5 =	simm.s32 @p1 $0x1;
	p0 =	seq.s32 s7, s2  }
0x1e: {  	s7 =	smul.u32 @!p0 $0xF7A, s2;
	p2 =	seq.s32 @!p0 s5, $0x0  }
0x1f: {  	s9 =	smul.u32 $0xF7A, s1;
	s8 =	simm.s32 @!p0 $0x1BF5;
	p2 =	por !p2, p0  }
0x20: {  	[sflag:s8] =	ssyncset.s32 @!p0 $0xFFFFF086;
	s6 =	sadd.s32 @!p0 s3, s7;
	s7 =	simm.s32 @!p0 $0x108  }
0x21: {  	s3 =	sadd.s32 s3, s9;
	s6 =	sadd.s32 @!p0 $0x88, s6;
	s7 =	simm.s32 @p2 $0x1082  }
0x22: {  	[simem:s7], [sflag:s8] =	dma.local @!p0 [hbm:s6], $0xF7A  }
0x23: {  	s9 =	sor.u32 $0xD0000000, s2;
	s6 =	simm.s32 $0x108;
	_ =	swait.ge @!p0 [sflag:s8], $0x0  }
0x24: {  	s3 =	sadd.s32 $0x88, s3;
	s6 =	simm.s32 @!p1 $0x1082;
	[sflag:s4] =	ssyncset.s32 $0xFFFFF086  }
0x25: {  	[simem:s6], [sflag:s4] =	dma.local [hbm:s3], $0xF7A  }
0x26: {  	[smem:$0x3F4B] =	sst s1;
	(tag) =	ssettag s2;
	_ =	strace s9  }
0x27: {  	s1 =	sld [smem:$0x3F5B]  }
0x28: {  	s2 =	sld [smem:$0x3F5C]  }
0x29: {  	s4 =	sld [smem:$0x3F5E]  }
0x2a: {  	p0 =	seq.s32 s5, $0x0;
	s5 =	sld [smem:$0x3F5F]  }
0x2b: {  	s6 =	sld [smem:$0x3F60]  }
0x2c: {  	s7 =	sld [smem:$0x3F61]  }
0x2d: {  	s3 =	simm.s32 $0x108;
	s8 =	sld [smem:$0x3F62]  }
0x2e: {  	s3 =	simm.s32 @!p0 $0x1082;
	s9 =	sld [smem:$0x3F63]  }
0x2f: {  	lr =	sadd.s32 s0, s3;
	s0 =	sld [smem:$0x3F5A]  }
0x30: {  	s3 =	sld [smem:$0x3F5D]  }
0x31: {  	[smem:$0x3F66] =	sst s10  }
0x32: {  	s10 =	sld [smem:$0x3F64];
	_ =	sdelay $0x3  }
0x33: {  	p0 =	seq.s32 s10, $0x1;
	s10 =	sld [smem:$0x3F66];
	_ =	sdelay $0x3  }
0x34: {  	[smem:$0x3F66] =	sst s10  }
0x35: {  	s10 =	sld [smem:$0x3F65];
	_ =	sdelay $0x3  }
0x36: {  	p1 =	seq.s32 s10, $0x1;
	s10 =	sld [smem:$0x3F66];
	_ =	sdelay $0x3  }
0x37: {  	[smem:$0x3F66] =	sst s10  }
0x38: {  	s10 =	sld [smem:$0x3F67]  }
0x39: {  	_ = 	snop;
	(pc) =	sbr.ind lr, $3  }
0x3a: {  	_ = 	snop  }
0x3b: {  	_ = 	snop  }
0x3c: {  	p2 =	seq.s32 s10, $0x1;
	s10 =	sld [smem:$0x3F66]  }
0x3d: {  	_ =	shalt  }
0x3e: {  	_ =	shalt  }
0x3f: {  	_ =	shalt  }
0x40: {  	_ =	shalt  }
0x41: {  	_ =	shalt  }
0x42: {  	_ =	shalt  }
0x43: {  	_ =	shalt  }
0x44: {  	_ =	shalt  }
0x45: {  	_ =	shalt  }
0x46: {  	_ =	shalt  }
0x47: {  	_ =	shalt  }
0x48: {  	_ =	shalt  }
0x49: {  	_ =	shalt  }
0x4a: {  	_ =	shalt  }
0x4b: {  	_ =	shalt  }
0x4c: {  	_ =	shalt  }
0x4d: {  	_ =	shalt  }
0x4e: {  	_ =	shalt  }
0x4f: {  	_ =	shalt  }
0x50: {  	_ =	shalt  }
0x51: {  	_ =	shalt  }
0x52: {  	_ =	shalt  }
0x53: {  	_ =	shalt  }
0x54: {  	_ =	shalt  }
0x55: {  	_ =	shalt  }
0x56: {  	_ =	shalt  }
0x57: {  	_ =	shalt  }
0x58: {  	_ =	shalt  }
0x59: {  	_ =	shalt  }
0x5a: {  	_ =	shalt  }
0x5b: {  	_ =	shalt  }
0x5c: {  	_ =	shalt  }
0x5d: {  	_ =	shalt  }
0x5e: {  	_ =	shalt  }
0x5f: {  	_ =	shalt  }
0x60: {  	_ =	shalt  }
0x61: {  	_ =	shalt  }
0x62: {  	_ =	shalt  }
0x63: {  	_ =	shalt  }
0x64: {  	_ =	shalt  }
0x65: {  	_ =	shalt  }
0x66: {  	_ =	shalt  }
0x67: {  	_ =	shalt  }
0x68: {  	_ =	shalt  }
0x69: {  	_ =	shalt  }
0x6a: {  	_ =	shalt  }
0x6b: {  	_ =	shalt  }
0x6c: {  	_ =	shalt  }
0x6d: {  	_ =	shalt  }
0x6e: {  	_ =	shalt  }
0x6f: {  	_ =	shalt  }
0x70: {  	_ =	shalt  }
0x71: {  	_ =	shalt  }
0x72: {  	_ =	shalt  }
0x73: {  	_ =	shalt  }
0x74: {  	_ =	shalt  }
0x75: {  	_ =	shalt  }
0x76: {  	_ =	shalt  }
0x77: {  	_ =	shalt  }
0x78: {  	_ =	shalt  }
0x79: {  	_ =	shalt  }
0x7a: {  	_ =	shalt  }
0x7b: {  	_ =	shalt  }
0x7c: {  	_ =	shalt  }
0x7d: {  	_ =	shalt  }
0x7e: {  	_ =	shalt  }
0x7f: {  	_ =	shalt  }
0x80: {  	_ =	shalt  }
0x81: {  	_ =	shalt  }
0x82: {  	_ =	shalt  }
0x83: {  	_ =	shalt  }
0x84: {  	_ =	shalt  }
0x85: {  	_ =	shalt  }
0x86: {  	_ =	shalt  }
0x87: {  	_ =	shalt  }
.Lfunc_end0:
.L_simem_size_0:
called_computation_lowered:
.L_overlay_start_0:
0x88: {  	s2 =	sld [smem:$0x3FD9]  }
0x89: {  	s3 =	sld [smem:$0x3FFE];
	_ =	sdelay $0x1  }
0x8a: {  	s1 =	srdreg.scid  }
0x8b: {  	s0 =	sand.u32 $0x1, s1  }
0x8c: {  	s17 =	sshll.u32 s0, $0xA;
	s2 =	sadd.s32 s3, s2  }
0x8d: {  	s2 =	sadd.s32 s2, s17  }
0x8e: {  	[smem:$0x3F72] =	sst s2  }
0x8f: {  	_ = 	snop  }
0x90: {  	(tm) =	ssettm $0x1  }
0x91: {  	s18 =	sld [smem:$0x3FFB];
	_ =	sdelay $0x3  }
0x92: {  	_ =	strace s18  }
0x93: {  	s2 =	sld [smem:$0x3FFC];
	_ =	sdelay $0x3  }
0x94: {  	_ =	strace s2  }
0x95: {  	s2 =	sld [smem:$0x3FFD];
	_ =	sdelay $0x3  }
0x96: {  	_ =	strace s2  }
0x97: {  	_ =	strace $0x8FFFFFFF  }
0x98: {  	s19 =	sld [smem:$0x3FDB];
	_ =	sdelay $0x1  }
0x99: {  	s20 =	simm.s32 $_scs_section_size  }
0x9a: {  	s4 =	simm.s32 $_size__tile_overlayer_lowered;
	s5 =	simm.s32 $_tile_overlayer_lowered  }
0x9b: {  	s6 =	simm.s32 $0x1BFF;
	s21 =	sshll.u32 s5, $0x1;
	s3 =	sadd.s32 s20, s19  }
0x9c: {  	s22 =	simm.s32 $0x0;
	s4 =	sshll.u32 s4, $0x1;
	s5 =	sadd.s32 s21, s3  }
0x9d: {  	[timem:s22], [sflag:s6] =	dma.local [hbm:s5], s4  }
0x9e: {  	_ =	swait.ge [sflag:s6], s4  }
0x9f: {  	s4 =	ssub.s32 $0x0, s4;
	[sflag:s6] =	ssyncset.done $0x0  }
0xa0: {  	[sflag:s6] =	ssyncadd.s32 s4;
	_ =	sdelay $0x1  }
0xa1: {  	s23 =	simm.s32 $0x1B8B  }
0xa2: {  	_ =	swait.ge [sflag:s23], $0x1  }
0xa3: {  	[sflag:s23] =	ssyncset.done $0x0  }
0xa4: {  	[sflag:s23] =	ssyncadd.s32 $0xFFFFFFFF  }
0xa5: {  	s4 =	sld [smem:$0x0]  }
0xa6: {  	s5 =	sand.u32 $0xFFFFFFFE, s1  }
0xa7: {  	p0 =	sne.s32 s1, s5  }
0xa8: {  	s5 =	sshll.u32 @p0 s5, $0xE  }
0xa9: {  	s5 =	sadd.s32 @p0 $0x11B8D, s5;
	s6 =	sshll.u32 @p0 s4, $0x11  }
0xaa: {  	s5 =	sor.u32 @p0 s6, s5  }
0xab: {  	[sflag:s5] =	ssyncadd.remote.s32 @p0 $0x1;
	_ =	sdelay $0x1  }
0xac: {  	s5 =	simm.s32 @p0 $0x1B8D  }
0xad: {  	_ =	swait.eq @p0 [sflag:s5], $0x1  }
0xae: {  	[sflag:s5] =	ssyncadd.s32 @p0 $0xFFFFFFFF  }
0xaf: {  	s6 =	sshll.u32 @!p0 s1, $0xE  }
0xb0: {  	s6 =	sor.u32 @!p0 $0x4000, s6;
	s5 =	simm.s32 @!p0 $0x1B8D  }
0xb1: {  	s4 =	sshll.u32 @!p0 s4, $0x11;
	s6 =	sadd.s32 @!p0 $0x11B8D, s6;
	_ =	swait.eq @!p0 [sflag:s5], $0x1  }
0xb2: {  	s4 =	sor.u32 @!p0 s4, s6;
	[sflag:s5] =	ssyncadd.s32 @!p0 $0xFFFFFFFF  }
0xb3: {  	s25 =	simm.s32 $0x1B8E;
	s24 =	sld [smem:$0x3FFE];
	[sflag:s4] =	ssyncadd.remote.s32 @!p0 $0x1  }
0xb4: {  	s26 =	simm.s32 $execute0_lowered;
	[smem:$0x3FD2] =	sst s25  }
0xb5: {  	s5 =	sshll.u32 s26, $0x1;
	_ =	strace $0x80000049;
	[dreg:$0x1] =	wrdreg $0xFFFFFFFF  }
0xb6: {  	s28 =	simm.s32 $_size_execute0_lowered;
	s3 =	sadd.s32 s3, s5;
	[dreg:$0x0] =	wrdreg $0x0  }
0xb7: {  	s5 =	sshll.u32 s28, $0x1;
	[dreg:$0x2] =	wrdreg s3  }
0xb8: {  	[dreg:$0x3] =	wrdreg s5  }
0xb9: {  	[dreg:$0x4] =	wrdreg $0xC0  }
0xba: {  	_ =	task [dreg:s22], $0x5FFFF  }
0xbb: {  	[dreg:$0x1] =	wrdreg $0xFFFFFFFF  }
0xbc: {  	[dreg:$0x0] =	wrdreg $0x60  }
0xbd: {  	[dreg:$0x2] =	wrdreg s24  }
0xbe: {  	[dreg:$0x3] =	wrdreg $0x5C000  }
0xbf: {  	[dreg:$0x4] =	wrdreg $0x9  }
0xc0: {  	_ =	task.clear_ibuf [dreg:s22], $0x5FFFF;
	_ =	strace $0x90000049  }
0xc1: {  	s29 =	simm.s32 $0x9;
	_ =	strace $0x8000004B  }
0xc2: {  	_ =	swait.ge [sflag:s29], $0x1  }
0xc3: {  	[sflag:s29] =	ssyncadd.s32 $0xFFFFFFFF  }
0xc4: {  	_ =	strace $0x9000004B  }
0xc5: {  	_ =	sfence  }
0xc6: {  	s30 =	sld [smem:$0x0];
	_ =	sdelay $0x2  }
0xc7: {  	s31 =	sshll.u32 s1, $0xD;
	s1 =	sshrl.u32 s1, $0x2  }
0xc8: {  	s4 =	sand.u32 $0x4000, s31;
	s1 =	sadd.s32 s1, s30  }
0xc9: {  	s0 =	sor.u32 s4, s0;
	s1 =	sshll.u32 s1, $0x11  }
0xca: {  	s0 =	sor.u32 s1, s0  }
0xcb: {  	s0 =	sadd.s32 $0x8F2B, s0  }
0xcc: {  	[sflag:s0] =	ssyncadd.remote.s32 $0x1  }
0xcd: {  	_ =	sfence.sel $0xFFFF  }
0xce: {  	[dreg:$0x0] =	wrdreg $0xFFFFFFFF;
	(pc) =	sbr.abs _section_cstart, $3  }
0xcf: {  	[dreg:$0x1] =	wrdreg $0xFFFFFFFF  }
0xd0: {  	_ =	task.clear_ibuf [dreg:s22], $0x2FFFF;
	_ =	strace $0x9FFFFFFF  }
0xd1: {  	(tm) =	ssettm $0x7FFFFFFF  }
tec
execute0_lowered:
.L_overlay_start_1:
0x0: {  	(tag) =	ssettag $0x1  }
0x1: {  	s7 =	rddreg [dreg:$0x0]  }
0x2: {  	s1 =	rddreg [dreg:$0x1]  }
0x3: {  	s0 =	rddreg [dreg:$0x2];
	s2 =	simm.s32 $0x0  }
0x4: {  	s22 =	stileid.u32;
	s5 =	srdreg.scid;
	s18 =	simm.s32 $0x3C00  }
0x5: {  	s19 =	simm.s32 $0x1;
	s20 =	simm.s32 $0x2;
	s21 =	simm.s32 $0x1B00  }
0x6: {  	[smem:$0x7FF] =	sst s2;
	s3 =	sadd.s32 $0xE5D000, s7;
	s8 =	smul.u32 $0x19000, s22  }
0x7: {  	s4 =	sadd.s32 $0x228000, s7;
	s9 =	sand.u32 $0x1, s5;
	s5 =	smul.u32 $0xC400, s22  }
0x8: {  	s6 =	sadd.s32 $0x87C00, s7;
	s14 =	sadd.s32 $0x240800, s7;
	s15 =	smul.u32 $0x30C0, s22  }
0x9: {  	s28 =	sshll.u32 s22, $0x6;
	s29 =	smul.u32 $0x61800, s22;
	s24 =	sadd.s32 $0x186000, s1  }
0xa: {  	p0 =	sne.s32 s22, $0x0;
	s22 =	simm.s32 $0x1B80;
	s11 =	smul.u32 $0xC4000, s9  }
0xb: {  	_ =	strace $0x8000004A;
	s12 =	ssub.s32 $0x2, s9;
	s13 =	smul.u32 $0x30D40, s9  }
0xc: {  	s17 =	smul.u32 $0x186A00, s9;
	s24 =	sshrl.u32 @!p0 s24, $0x3;
	s10 =	sshrl.u32 s8, $0x3  }
0xd: {  	s26 =	sshrl.u32 s12, $0x1;
	s16 =	sadd.s32 s8, s1;
	s8 =	sor.u32 $0x1C03, s28  }
0xe: {  	s31 =	sshrl.u32 s29, $0x2;
	s10 =	sadd.s32 s10, s7;
	s12 =	ssub.s32 s12, s26  }
0xf: {  	s9 =	sadd.s32 s11, s5;
	s30 =	sshrl.u32 s17, $0x3;
	s13 =	sadd.s32 s15, s13  }
0x10: {  	s23 =	sadd.s32 s31, s1;
	s15 =	simm.s32 $0xE00;
	s17 =	simm.s32 $0x1C00  }
0x11: {  	s7 =	sadd.s32 $0x194400, s10;
	s11 =	sadd.s32 s14, s30;
	s10 =	sadd.s32 s14, s13  }
0x12: {  	s12 =	smax.u32 s12, $0x1;
	s13 =	sshrl.u32 s16, $0x3;
	s14 =	simm.s32 $0x3  }
0x13: {  	s16 =	simm.s32 $0x80;
	s23 =	sshrl.u32 s23, $0x3;
	s11 =	sadd.s32 $0x30C00, s11  }
.LBB2_1:
0x14: {  	[spmem:s13], [sflag:s8] =	dma.local [hbm:s7], $0x3200  }
0x15: {  	_ =	swait.ge [sflag:s14], $0x3200  }
0x16: {  	[sflag:s14] =	ssyncset.done $0x0  }
0x17: {  	[sflag:s14] =	ssyncadd.s32 $0xFFFFCE00  }
0x18: {  	s25 =	simm.s32 $0x0;
	[bflag:$0x0] =	sbarrier.arrive $0xFFFF  }
.LBB2_2:
0x19: {  	s26 =	smul.u32 $0xE00, s25;
	_ =	sdelay $0x1  }
0x1a: {  	s28 =	sadd.s32 s5, s26  }
0x1b: {  	s28 =	sshrl.u32 s28, $0x3  }
0x1c: {  	s29 =	simm.s32 $0x0;
	s28 =	sadd.s32 s4, s28  }
0x1d: {  	[tilespmem:s29], [sflag:$0x3] =	stream.linear.gather [hbm4b:s28+s29], $0xE00, $0x38;
	[tilespmem:$0x1EC00] =	vst v63  }
0x1e: {  	s26 =	sadd.s32 s9, s26;
	_ =	swait.ge [sflag:s14], $0xE00  }
0x1f: {  	s26 =	sshrl.u32 s26, $0x3;
	[sflag:s14] =	ssyncset.done $0x0  }
0x20: {  	s26 =	sadd.s32 s6, s26;
	[sflag:s14] =	ssyncadd.s32 $0xFFFFF200  }
0x21: {  	[tilespmem:s15], [sflag:$0x3] =	stream.linear.gather [hbm4b:s26+s29], $0xE00, $0x38;
	[tilespmem:$0x1EC00] =	vst v63  }
0x22: {  	_ =	swait.ge [sflag:s14], $0xE00  }
0x23: {  	[sflag:s14] =	ssyncset.done $0x0  }
0x24: {  	[sflag:s14] =	ssyncadd.s32 $0xFFFFF200  }
0x25: {  	[tilespmem:s17], [sflag:$0x1] =	stream.indirect.gather [hbm4b:s3+s16], $0x40, s29, s16, $0xb8;
	[tilespmem:$0x1EC00] =	vst v63  }
0x26: {  	_ = 	snop  }
0x27: {  	[tilespmem:s18], [sflag:$0x2] =	stream.indirect.gather [hbm4b:s3+s16], $0x40, s16, s16, $0xb8;
	[tilespmem:$0x1EC00] =	vst v63  }
0x28: {  	_ =	swait.ge [sflag:s19], $0x2000  }
0x29: {  	[sflag:s19] =	ssyncset.done $0x0  }
0x2a: {  	s29 =	simm.s32 $0xE00;
	[sflag:s19] =	ssyncadd.s32 $0xFFFFE000  }
0x2b: {  	[spmem:s1] =	stream.indirect.scatter.add.f32 [tilespmem:s17], [sflag:$0x3], $0x40, s29, s16, $0xb8;
	[tilespmem:$0x1EC00] =	vst v63  }
0x2c: {  	_ =	swait.ge [sflag:s14], $0x2000  }
0x2d: {  	[sflag:s14] =	ssyncset.done $0x0  }
0x2e: {  	s30 =	simm.s32 $0x100;
	[sflag:s14] =	ssyncadd.s32 $0xFFFFE000  }
0x2f: {  	[tilespmem:s17], [sflag:$0x1] =	stream.indirect.gather [hbm4b:s3+s16], $0x40, s30, s16, $0xb8;
	[tilespmem:$0x1EC00] =	vst v63  }
0x30: {  	_ =	swait.ge [sflag:s20], $0x2000  }
0x31: {  	[sflag:s20] =	ssyncset.done $0x0  }
0x32: {  	s31 =	simm.s32 $0xE80;
	[sflag:s20] =	ssyncadd.s32 $0xFFFFE000  }
0x33: {  	[spmem:s1] =	stream.indirect.scatter.add.f32 [tilespmem:s18], [sflag:$0x3], $0x40, s31, s16, $0xb8;
	[tilespmem:$0x1EC00] =	vst v63  }
0x34: {  	_ =	swait.ge [sflag:s14], $0x2000  }
0x35: {  	[sflag:s14] =	ssyncset.done $0x0  }
0x36: {  	s28 =	simm.s32 $0x180;
	s26 =	simm.s32 $0x400;
	[sflag:s14] =	ssyncadd.s32 $0xFFFFE000  }
.LBB2_3:
0x37: {  	[tilespmem:s18], [sflag:$0x2] =	stream.indirect.gather [hbm4b:s3+s16], $0x40, s28, s16, $0xb8;
	[tilespmem:$0x1EC00] =	vst v63  }
0x38: {  	s28 =	smov.u32 s26  }
0x39: {  	p1 =	sne.s32 s26, $0x3000;
	s26 =	sadd.s32 $0x400, s26;
	_ =	swait.ge [sflag:s19], $0x2000  }
0x3a: {  	s28 =	sshra.s32 s28, $0x2;
	[sflag:s19] =	ssyncset.done $0x0  }
0x3b: {  	s29 =	sadd.s32 $0xE00, s28;
	[sflag:s19] =	ssyncadd.s32 $0xFFFFE000  }
0x3c: {  	[spmem:s1] =	stream.indirect.scatter.add.f32 [tilespmem:s17], [sflag:$0x3], $0x40, s29, s16, $0xb8;
	[tilespmem:$0x1EC00] =	vst v63  }
0x3d: {  	_ =	swait.ge [sflag:s14], $0x2000  }
0x3e: {  	[sflag:s14] =	ssyncset.done $0x0  }
0x3f: {  	s29 =	sadd.s32 $0x100, s28;
	[sflag:s14] =	ssyncadd.s32 $0xFFFFE000  }
0x40: {  	[tilespmem:s17], [sflag:$0x1] =	stream.indirect.gather [hbm4b:s3+s16], $0x40, s29, s16, $0xb8;
	[tilespmem:$0x1EC00] =	vst v63  }
0x41: {  	_ =	swait.ge [sflag:s20], $0x2000  }
0x42: {  	[sflag:s20] =	ssyncset.done $0x0  }
.Ltmp0:
0x43: {  	s29 =	sadd.s32 $0xE80, s28;
	[sflag:s20] =	ssyncadd.s32 $0xFFFFE000;
	(pc) =	sbr.rel @p1 .LBB2_3-.Ltmp0, $4  }
0x44: {  	[spmem:s1] =	stream.indirect.scatter.add.f32 [tilespmem:s18], [sflag:$0x3], $0x40, s29, s16, $0xb8;
	[tilespmem:$0x1EC00] =	vst v63  }
0x45: {  	_ =	swait.ge [sflag:s14], $0x2000  }
0x46: {  	[sflag:s14] =	ssyncset.done $0x0  }
0x47: {  	s28 =	sadd.s32 $0x180, s28;
	[sflag:s14] =	ssyncadd.s32 $0xFFFFE000  }
0x48: {  	[tilespmem:s18], [sflag:$0x2] =	stream.indirect.gather [hbm4b:s3+s16], $0x40, s28, s16, $0xb8;
	[tilespmem:$0x1EC00] =	vst v63  }
0x49: {  	_ =	swait.ge [sflag:s19], $0x2000  }
0x4a: {  	[sflag:s19] =	ssyncset.done $0x0  }
0x4b: {  	[sflag:s19] =	ssyncadd.s32 $0xFFFFE000  }
0x4c: {  	[spmem:s1] =	stream.indirect.scatter.add.f32 [tilespmem:s17], [sflag:$0x3], $0x40, s21, s16, $0xb8;
	[tilespmem:$0x1EC00] =	vst v63  }
0x4d: {  	_ =	swait.ge [sflag:s14], $0x2000  }
0x4e: {  	[sflag:s14] =	ssyncset.done $0x0  }
0x4f: {  	[sflag:s14] =	ssyncadd.s32 $0xFFFFE000  }
0x50: {  	s25 =	sadd.s32 $0x1, s25;
	_ =	swait.ge [sflag:s20], $0x2000  }
0x51: {  	p1 =	sne.s32 s25, $0xE;
	[sflag:s20] =	ssyncset.done $0x0  }
.Ltmp1:
0x52: {  	[sflag:s20] =	ssyncadd.s32 $0xFFFFE000;
	(pc) =	sbr.rel @p1 .LBB2_2-.Ltmp1, $4  }
0x53: {  	[spmem:s1] =	stream.indirect.scatter.add.f32 [tilespmem:s18], [sflag:$0x3], $0x40, s22, s16, $0xb8;
	[tilespmem:$0x1EC00] =	vst v63  }
0x54: {  	_ =	swait.ge [sflag:s14], $0x2000  }
0x55: {  	[sflag:s14] =	ssyncset.done $0x0  }
0x56: {  	[sflag:s14] =	ssyncadd.s32 $0xFFFFE000  }
0x57: {  	[bflag:$0x0] =	sbarrier.arrive $0xFFFF  }
0x58: {  	[hbm:s10], [sflag:s8] =	dma.local [spmem:s23], $0x30C0  }
0x59: {  	s2 =	sadd.s32 $0x1, s2;
	_ =	swait.ge [sflag:s14], $0x30C0  }
0x5a: {  	p1 =	sne.s32 s2, s12;
	[sflag:s14] =	ssyncset.done $0x0  }
.Ltmp2:
0x5b: {  	s25 =	simm.s32 @!p0 $0x3;
	[sflag:s14] =	ssyncadd.s32 $0xFFFFCF40;
	(pc) =	sbr.rel @p1 .LBB2_1-.Ltmp2, $4  }
0x5c: {  	[hbm:s11], [sflag:s8] =	dma.local @!p0 [spmem:s24], $0x140  }
0x5d: {  	_ =	swait.ge @!p0 [sflag:s25], $0x140  }
0x5e: {  	[sflag:s25] =	ssyncset.done @!p0 $0x0  }
0x5f: {  	[sflag:s25] =	ssyncadd.s32 @!p0 $0xFFFFFEC0  }
0x60: {  	_ =	sfence.sel $0x180000  }
0x61: {  	[bflag:$0x0] =	sbarrier.arrive $0xFFFF  }
0x62: {  	_ =	strace $0x9000004A  }
0x63: {  	s0 =	sadd.s32 @!p0 $0x100000, s0;
	[bflag:$0x2] =	sbarrier.arrive $0xFFFF  }
0x64: {  	[sflag:s0] =	ssyncadd.tile.s32 @!p0 $0x1;
	_ =	shalt  }
.Lfunc_end2:
_tile_overlayer_lowered:
.L_overlay_start_2:
0x65: {  	(tag) =	ssettag $0x2  }
0x66: {  	s0 =	rddreg [dreg:$0x0];
	s2 =	stileid.u32  }
0x67: {  	s1 =	rddreg [dreg:$0x1];
	p0 =	sne.s32 s2, $0x0  }
0x68: {  	s3 =	rddreg [dreg:$0x2];
	[bflag:$0x3] =	sbarrier.arrive $0xFFFF;
	s2 =	simm.s32 @!p0 $0x1C03  }
0x69: {  	[timem:s3], [sflag:s2] =	dma.local @!p0 [hbm:s0], s1  }
0x6a: {  	s0 =	simm.s32 @!p0 $0x3  }
0x6b: {  	_ =	swait.ge @!p0 [sflag:s0], s1  }
0x6c: {  	s1 =	ssub.s32 @!p0 $0x0, s1;
	[sflag:s0] =	ssyncset.done @!p0 $0x0  }
0x6d: {  	[sflag:s0] =	ssyncadd.s32 @!p0 s1  }
0x6e: {  	[bflag:$0x3] =	sbarrier.arrive $0xFFFF  }
0x6f: {  	_ =	shalt  }

// kernel: kernel.19.cloned.1.call-start
scs
__scs_entry_jumppad:
0x0: {  	(pc) =	sbr.rel $0x88, $3  }
0x1: {  	(tag) =	ssettag $0x0;
	lr =	simm.s32 $0x1  }
0x2: {  	[smem:$0x3F4B] =	sst lr;
	_ =	strace $0xD0000000  }
0x3: {  	_ = 	snop  }
0x4: {  	_ = 	snop  }
0x5: {  	_ = 	snop  }
0x6: {  	_ = 	snop  }
0x7: {  	_ = 	snop  }
__scs_overlays_trampoline_lowered:
0x8: {  	[smem:$0x3F5A] =	sst s0  }
0x9: {  	[smem:$0x3F5B] =	sst s1  }
0xa: {  	[smem:$0x3F5C] =	sst s2  }
0xb: {  	[smem:$0x3F5D] =	sst s3  }
0xc: {  	[smem:$0x3F5E] =	sst s4  }
0xd: {  	[smem:$0x3F5F] =	sst s5  }
0xe: {  	[smem:$0x3F60] =	sst s6  }
0xf: {  	[smem:$0x3F61] =	sst s7  }
0x10: {  	[smem:$0x3F62] =	sst s8  }
0x11: {  	[smem:$0x3F63] =	sst s9;
	s0 =	simm.s32 @!p0 $0x0  }
0x12: {  	s1 =	sld [smem:$0x3F49];
	s0 =	simm.s32 @p0 $0x1  }
0x13: {  	[smem:$0x3F64] =	sst s0;
	s0 =	simm.s32 @!p1 $0x0  }
0x14: {  	s2 =	sld [smem:$0x3F48];
	s0 =	simm.s32 @p1 $0x1  }
0x15: {  	[smem:$0x3F65] =	sst s0;
	s0 =	simm.s32 @!p2 $0x0  }
0x16: {  	s3 =	sld [smem:$0x3FDB];
	s0 =	simm.s32 @p2 $0x1  }
0x17: {  	s4 =	simm.s32 $0x1BF5;
	[smem:$0x3F67] =	sst s0  }
0x18: {  	s0 =	sld [smem:$0x3F4A];
	_ =	swait.ge [sflag:s4], $0x0  }
0x19: {  	s7 =	sld [smem:$0x3F4B]  }
0x1a: {  	s8 =	sadd.s32 $0xFFFFE003, lr  }
0x1b: {  	s9 =	sadd.s32 $0xFFFFFEF7, lr;
	s5 =	simm.s32 $0xFFFFFFFF;
	p2 =	slt.u32 s8, $0xFFFFF086  }
0x1c: {  	p1 =	slt.u32 s9, $0xF7A;
	s5 =	simm.s32 @!p2 $0x0  }
0x1d: {  	s5 =	simm.s32 @p1 $0x1;
	p0 =	seq.s32 s7, s2  }
0x1e: {  	s7 =	smul.u32 @!p0 $0xF7A, s2;
	p2 =	seq.s32 @!p0 s5, $0x0  }
0x1f: {  	s9 =	smul.u32 $0xF7A, s1;
	s8 =	simm.s32 @!p0 $0x1BF5;
	p2 =	por !p2, p0  }
0x20: {  	[sflag:s8] =	ssyncset.s32 @!p0 $0xFFFFF086;
	s6 =	sadd.s32 @!p0 s3, s7;
	s7 =	simm.s32 @!p0 $0x108  }
0x21: {  	s3 =	sadd.s32 s3, s9;
	s6 =	sadd.s32 @!p0 $0x88, s6;
	s7 =	simm.s32 @p2 $0x1082  }
0x22: {  	[simem:s7], [sflag:s8] =	dma.local @!p0 [hbm:s6], $0xF7A  }
0x23: {  	s9 =	sor.u32 $0xD0000000, s2;
	s6 =	simm.s32 $0x108;
	_ =	swait.ge @!p0 [sflag:s8], $0x0  }
0x24: {  	s3 =	sadd.s32 $0x88, s3;
	s6 =	simm.s32 @!p1 $0x1082;
	[sflag:s4] =	ssyncset.s32 $0xFFFFF086  }
0x25: {  	[simem:s6], [sflag:s4] =	dma.local [hbm:s3], $0xF7A  }
0x26: {  	[smem:$0x3F4B] =	sst s1;
	(tag) =	ssettag s2;
	_ =	strace s9  }
0x27: {  	s1 =	sld [smem:$0x3F5B]  }
0x28: {  	s2 =	sld [smem:$0x3F5C]  }
0x29: {  	s4 =	sld [smem:$0x3F5E]  }
0x2a: {  	p0 =	seq.s32 s5, $0x0;
	s5 =	sld [smem:$0x3F5F]  }
0x2b: {  	s6 =	sld [smem:$0x3F60]  }
0x2c: {  	s7 =	sld [smem:$0x3F61]  }
0x2d: {  	s3 =	simm.s32 $0x108;
	s8 =	sld [smem:$0x3F62]  }
0x2e: {  	s3 =	simm.s32 @!p0 $0x1082;
	s9 =	sld [smem:$0x3F63]  }
0x2f: {  	lr =	sadd.s32 s0, s3;
	s0 =	sld [smem:$0x3F5A]  }
0x30: {  	s3 =	sld [smem:$0x3F5D]  }
0x31: {  	[smem:$0x3F66] =	sst s10  }
0x32: {  	s10 =	sld [smem:$0x3F64];
	_ =	sdelay $0x3  }
0x33: {  	p0 =	seq.s32 s10, $0x1;
	s10 =	sld [smem:$0x3F66];
	_ =	sdelay $0x3  }
0x34: {  	[smem:$0x3F66] =	sst s10  }
0x35: {  	s10 =	sld [smem:$0x3F65];
	_ =	sdelay $0x3  }
0x36: {  	p1 =	seq.s32 s10, $0x1;
	s10 =	sld [smem:$0x3F66];
	_ =	sdelay $0x3  }
0x37: {  	[smem:$0x3F66] =	sst s10  }
0x38: {  	s10 =	sld [smem:$0x3F67]  }
0x39: {  	_ = 	snop;
	(pc) =	sbr.ind lr, $3  }
0x3a: {  	_ = 	snop  }
0x3b: {  	_ = 	snop  }
0x3c: {  	p2 =	seq.s32 s10, $0x1;
	s10 =	sld [smem:$0x3F66]  }
0x3d: {  	_ =	shalt  }
0x3e: {  	_ =	shalt  }
0x3f: {  	_ =	shalt  }
0x40: {  	_ =	shalt  }
0x41: {  	_ =	shalt  }
0x42: {  	_ =	shalt  }
0x43: {  	_ =	shalt  }
0x44: {  	_ =	shalt  }
0x45: {  	_ =	shalt  }
0x46: {  	_ =	shalt  }
0x47: {  	_ =	shalt  }
0x48: {  	_ =	shalt  }
0x49: {  	_ =	shalt  }
0x4a: {  	_ =	shalt  }
0x4b: {  	_ =	shalt  }
0x4c: {  	_ =	shalt  }
0x4d: {  	_ =	shalt  }
0x4e: {  	_ =	shalt  }
0x4f: {  	_ =	shalt  }
0x50: {  	_ =	shalt  }
0x51: {  	_ =	shalt  }
0x52: {  	_ =	shalt  }
0x53: {  	_ =	shalt  }
0x54: {  	_ =	shalt  }
0x55: {  	_ =	shalt  }
0x56: {  	_ =	shalt  }
0x57: {  	_ =	shalt  }
0x58: {  	_ =	shalt  }
0x59: {  	_ =	shalt  }
0x5a: {  	_ =	shalt  }
0x5b: {  	_ =	shalt  }
0x5c: {  	_ =	shalt  }
0x5d: {  	_ =	shalt  }
0x5e: {  	_ =	shalt  }
0x5f: {  	_ =	shalt  }
0x60: {  	_ =	shalt  }
0x61: {  	_ =	shalt  }
0x62: {  	_ =	shalt  }
0x63: {  	_ =	shalt  }
0x64: {  	_ =	shalt  }
0x65: {  	_ =	shalt  }
0x66: {  	_ =	shalt  }
0x67: {  	_ =	shalt  }
0x68: {  	_ =	shalt  }
0x69: {  	_ =	shalt  }
0x6a: {  	_ =	shalt  }
0x6b: {  	_ =	shalt  }
0x6c: {  	_ =	shalt  }
0x6d: {  	_ =	shalt  }
0x6e: {  	_ =	shalt  }
0x6f: {  	_ =	shalt  }
0x70: {  	_ =	shalt  }
0x71: {  	_ =	shalt  }
0x72: {  	_ =	shalt  }
0x73: {  	_ =	shalt  }
0x74: {  	_ =	shalt  }
0x75: {  	_ =	shalt  }
0x76: {  	_ =	shalt  }
0x77: {  	_ =	shalt  }
0x78: {  	_ =	shalt  }
0x79: {  	_ =	shalt  }
0x7a: {  	_ =	shalt  }
0x7b: {  	_ =	shalt  }
0x7c: {  	_ =	shalt  }
0x7d: {  	_ =	shalt  }
0x7e: {  	_ =	shalt  }
0x7f: {  	_ =	shalt  }
0x80: {  	_ =	shalt  }
0x81: {  	_ =	shalt  }
0x82: {  	_ =	shalt  }
0x83: {  	_ =	shalt  }
0x84: {  	_ =	shalt  }
0x85: {  	_ =	shalt  }
0x86: {  	_ =	shalt  }
0x87: {  	_ =	shalt  }
.Lfunc_end0:
.L_simem_size_0:
called_computation.1_lowered:
.L_overlay_start_0:
0x88: {  	s2 =	sld [smem:$0x3FD9]  }
0x89: {  	s3 =	sld [smem:$0x3FFE];
	_ =	sdelay $0x1  }
0x8a: {  	s1 =	srdreg.scid  }
0x8b: {  	s0 =	sand.u32 $0x1, s1  }
0x8c: {  	s16 =	sshll.u32 s0, $0xA;
	s2 =	sadd.s32 s3, s2  }
0x8d: {  	s2 =	sadd.s32 s2, s16  }
0x8e: {  	[smem:$0x3F72] =	sst s2  }
0x8f: {  	_ = 	snop  }
0x90: {  	(tm) =	ssettm $0x1  }
0x91: {  	s17 =	sld [smem:$0x3FFB];
	_ =	sdelay $0x3  }
0x92: {  	_ =	strace s17  }
0x93: {  	s2 =	sld [smem:$0x3FFC];
	_ =	sdelay $0x3  }
0x94: {  	_ =	strace s2  }
0x95: {  	s2 =	sld [smem:$0x3FFD];
	_ =	sdelay $0x3  }
0x96: {  	_ =	strace s2  }
0x97: {  	_ =	strace $0x8FFFFFFF  }
0x98: {  	s18 =	sld [smem:$0x3FDB];
	_ =	sdelay $0x1  }
0x99: {  	s19 =	simm.s32 $_scs_section_size  }
0x9a: {  	s4 =	simm.s32 $_size__tile_overlayer_lowered;
	s5 =	simm.s32 $_tile_overlayer_lowered  }
0x9b: {  	s22 =	simm.s32 $0x1BFF;
	s21 =	sshll.u32 s5, $0x1;
	s2 =	sadd.s32 s19, s18  }
0x9c: {  	s6 =	simm.s32 $0x0;
	s20 =	sshll.u32 s4, $0x1;
	s4 =	sadd.s32 s21, s2  }
0x9d: {  	[timem:s6], [sflag:s22] =	dma.local [hbm:s4], s20  }
0x9e: {  	_ =	swait.ge [sflag:s22], s20  }
0x9f: {  	s3 =	ssub.s32 $0x0, s20;
	[sflag:s22] =	ssyncset.done $0x0  }
0xa0: {  	[sflag:s22] =	ssyncadd.s32 s3;
	_ =	sdelay $0x1  }
0xa1: {  	s23 =	simm.s32 $0x1B8B  }
0xa2: {  	_ =	swait.ge [sflag:s23], $0x1  }
0xa3: {  	[sflag:s23] =	ssyncset.done $0x0  }
0xa4: {  	s25 =	simm.s32 $0x1B8E;
	s24 =	sld [smem:$0x3FFE];
	[sflag:s23] =	ssyncadd.s32 $0xFFFFFFFF  }
0xa5: {  	s26 =	simm.s32 $execute0_lowered;
	[smem:$0x3FD2] =	sst s25  }
0xa6: {  	s4 =	sshll.u32 s26, $0x1;
	_ =	strace $0x80000046;
	[dreg:$0x1] =	wrdreg $0xFFFFFFFF  }
0xa7: {  	s28 =	simm.s32 $_size_execute0_lowered;
	s2 =	sadd.s32 s2, s4;
	[dreg:$0x0] =	wrdreg $0x0  }
0xa8: {  	s4 =	sshll.u32 s28, $0x1;
	[dreg:$0x2] =	wrdreg s2  }
0xa9: {  	[dreg:$0x3] =	wrdreg s4  }
0xaa: {  	[dreg:$0x4] =	wrdreg $0xC0  }
0xab: {  	_ =	task [dreg:s6], $0x5FFFF  }
0xac: {  	[dreg:$0x1] =	wrdreg $0xFFFFFFFF  }
0xad: {  	[dreg:$0x0] =	wrdreg $0x60  }
0xae: {  	[dreg:$0x2] =	wrdreg s24  }
0xaf: {  	[dreg:$0x3] =	wrdreg $0x5C000  }
0xb0: {  	[dreg:$0x4] =	wrdreg $0xA  }
0xb1: {  	_ =	task.clear_ibuf [dreg:s6], $0x5FFFF;
	_ =	strace $0x90000046  }
0xb2: {  	s29 =	simm.s32 $0xA;
	_ =	strace $0x80000048  }
0xb3: {  	_ =	swait.ge [sflag:s29], $0x1  }
0xb4: {  	[sflag:s29] =	ssyncadd.s32 $0xFFFFFFFF  }
0xb5: {  	_ =	strace $0x90000048  }
0xb6: {  	_ =	sfence  }
0xb7: {  	s30 =	sld [smem:$0x0];
	_ =	sdelay $0x2  }
0xb8: {  	s31 =	sshll.u32 s1, $0xD;
	s1 =	sshrl.u32 s1, $0x2  }
0xb9: {  	s3 =	sand.u32 $0x4000, s31;
	s1 =	sadd.s32 s1, s30  }
0xba: {  	s0 =	sor.u32 s3, s0;
	s1 =	sshll.u32 s1, $0x11  }
0xbb: {  	s0 =	sor.u32 s1, s0  }
0xbc: {  	s0 =	sadd.s32 $0x8F2B, s0  }
0xbd: {  	[sflag:s0] =	ssyncadd.remote.s32 $0x1  }
0xbe: {  	_ =	sfence.sel $0xFFFF  }
0xbf: {  	[dreg:$0x0] =	wrdreg $0xFFFFFFFF;
	(pc) =	sbr.abs _section_cstart, $3  }
0xc0: {  	[dreg:$0x1] =	wrdreg $0xFFFFFFFF  }
0xc1: {  	_ =	task.clear_ibuf [dreg:s6], $0x2FFFF;
	_ =	strace $0x9FFFFFFF  }
0xc2: {  	(tm) =	ssettm $0x7FFFFFFF  }
0xc3: {  	_ =	shalt  }
tec
execute0_lowered:
.L_overlay_start_1:
0x0: {  	(tag) =	ssettag $0x1  }
0x1: {  	s7 =	rddreg [dreg:$0x0]  }
0x2: {  	s1 =	rddreg [dreg:$0x1]  }
0x3: {  	s0 =	rddreg [dreg:$0x2];
	s2 =	simm.s32 $0x0  }
0x4: {  	s22 =	stileid.u32;
	s5 =	srdreg.scid;
	s18 =	simm.s32 $0x3C00  }
0x5: {  	s19 =	simm.s32 $0x1;
	s20 =	simm.s32 $0x2;
	s21 =	simm.s32 $0x1B00  }
0x6: {  	[smem:$0x7FF] =	sst s2;
	s3 =	sadd.s32 $0xD800, s7;
	s8 =	smul.u32 $0x19000, s22  }
0x7: {  	s4 =	sadd.s32 $0x6F400, s7;
	s9 =	sand.u32 $0x1, s5;
	s5 =	smul.u32 $0xC400, s22  }
0x8: {  	s6 =	sadd.s32 $0x87C00, s7;
	s14 =	sadd.s32 $0x1C6400, s7;
	s15 =	smul.u32 $0x30C0, s22  }
0x9: {  	s28 =	sshll.u32 s22, $0x6;
	s29 =	smul.u32 $0x61800, s22;
	s24 =	sadd.s32 $0x186000, s1  }
0xa: {  	p0 =	sne.s32 s22, $0x0;
	s22 =	simm.s32 $0x1B80;
	s11 =	smul.u32 $0xC4000, s9  }
0xb: {  	_ =	strace $0x80000047;
	s12 =	ssub.s32 $0x2, s9;
	s13 =	smul.u32 $0x30D40, s9  }
0xc: {  	s17 =	smul.u32 $0x186A00, s9;
	s24 =	sshrl.u32 @!p0 s24, $0x3;
	s10 =	sshrl.u32 s8, $0x3  }
0xd: {  	s26 =	sshrl.u32 s12, $0x1;
	s16 =	sadd.s32 s8, s1;
	s8 =	sor.u32 $0x1C03, s28  }
0xe: {  	s31 =	sshrl.u32 s29, $0x2;
	s10 =	sadd.s32 s10, s7;
	s12 =	ssub.s32 s12, s26  }
0xf: {  	s9 =	sadd.s32 s11, s5;
	s30 =	sshrl.u32 s17, $0x3;
	s13 =	sadd.s32 s15, s13  }
0x10: {  	s23 =	sadd.s32 s31, s1;
	s15 =	simm.s32 $0xE00;
	s17 =	simm.s32 $0x1C00  }
0x11: {  	s7 =	sadd.s32 $0x194400, s10;
	s11 =	sadd.s32 s14, s30;
	s10 =	sadd.s32 s14, s13  }
0x12: {  	s12 =	smax.u32 s12, $0x1;
	s13 =	sshrl.u32 s16, $0x3;
	s14 =	simm.s32 $0x3  }
0x13: {  	s16 =	simm.s32 $0x80;
	s23 =	sshrl.u32 s23, $0x3;
	s11 =	sadd.s32 $0x30C00, s11  }
.LBB2_1:
0x14: {  	[spmem:s13], [sflag:s8] =	dma.local [hbm:s7], $0x3200  }
0x15: {  	_ =	swait.ge [sflag:s14], $0x3200  }
0x16: {  	[sflag:s14] =	ssyncset.done $0x0  }
0x17: {  	[sflag:s14] =	ssyncadd.s32 $0xFFFFCE00  }
0x18: {  	s25 =	simm.s32 $0x0;
	[bflag:$0x0] =	sbarrier.arrive $0xFFFF  }
.LBB2_2:
0x19: {  	s26 =	smul.u32 $0xE00, s25;
	_ =	sdelay $0x1  }
0x1a: {  	s28 =	sadd.s32 s5, s26  }
0x1b: {  	s28 =	sshrl.u32 s28, $0x3  }
0x1c: {  	s29 =	simm.s32 $0x0;
	s28 =	sadd.s32 s4, s28  }
0x1d: {  	[tilespmem:s29], [sflag:$0x3] =	stream.linear.gather [hbm4b:s28+s29], $0xE00, $0x38;
	[tilespmem:$0x1EC00] =	vst v63  }
0x1e: {  	s26 =	sadd.s32 s9, s26;
	_ =	swait.ge [sflag:s14], $0xE00  }
0x1f: {  	s26 =	sshrl.u32 s26, $0x3;
	[sflag:s14] =	ssyncset.done $0x0  }
0x20: {  	s26 =	sadd.s32 s6, s26;
	[sflag:s14] =	ssyncadd.s32 $0xFFFFF200  }
0x21: {  	[tilespmem:s15], [sflag:$0x3] =	stream.linear.gather [hbm4b:s26+s29], $0xE00, $0x38;
	[tilespmem:$0x1EC00] =	vst v63  }
0x22: {  	_ =	swait.ge [sflag:s14], $0xE00  }
0x23: {  	[sflag:s14] =	ssyncset.done $0x0  }
0x24: {  	[sflag:s14] =	ssyncadd.s32 $0xFFFFF200  }
0x25: {  	[tilespmem:s17], [sflag:$0x1] =	stream.indirect.gather [hbm4b:s3+s16], $0x40, s29, s16, $0xb8;
	[tilespmem:$0x1EC00] =	vst v63  }
0x26: {  	_ = 	snop  }
0x27: {  	[tilespmem:s18], [sflag:$0x2] =	stream.indirect.gather [hbm4b:s3+s16], $0x40, s16, s16, $0xb8;
	[tilespmem:$0x1EC00] =	vst v63  }
0x28: {  	_ =	swait.ge [sflag:s19], $0x2000  }
0x29: {  	[sflag:s19] =	ssyncset.done $0x0  }
0x2a: {  	s29 =	simm.s32 $0xE00;
	[sflag:s19] =	ssyncadd.s32 $0xFFFFE000  }
0x2b: {  	[spmem:s1] =	stream.indirect.scatter.add.f32 [tilespmem:s17], [sflag:$0x3], $0x40, s29, s16, $0xb8;
	[tilespmem:$0x1EC00] =	vst v63  }
0x2c: {  	_ =	swait.ge [sflag:s14], $0x2000  }
0x2d: {  	[sflag:s14] =	ssyncset.done $0x0  }
0x2e: {  	s30 =	simm.s32 $0x100;
	[sflag:s14] =	ssyncadd.s32 $0xFFFFE000  }
0x2f: {  	[tilespmem:s17], [sflag:$0x1] =	stream.indirect.gather [hbm4b:s3+s16], $0x40, s30, s16, $0xb8;
	[tilespmem:$0x1EC00] =	vst v63  }
0x30: {  	_ =	swait.ge [sflag:s20], $0x2000  }
0x31: {  	[sflag:s20] =	ssyncset.done $0x0  }
0x32: {  	s31 =	simm.s32 $0xE80;
	[sflag:s20] =	ssyncadd.s32 $0xFFFFE000  }
0x33: {  	[spmem:s1] =	stream.indirect.scatter.add.f32 [tilespmem:s18], [sflag:$0x3], $0x40, s31, s16, $0xb8;
	[tilespmem:$0x1EC00] =	vst v63  }
0x34: {  	_ =	swait.ge [sflag:s14], $0x2000  }
0x35: {  	[sflag:s14] =	ssyncset.done $0x0  }
0x36: {  	s28 =	simm.s32 $0x180;
	s26 =	simm.s32 $0x400;
	[sflag:s14] =	ssyncadd.s32 $0xFFFFE000  }
.LBB2_3:
0x37: {  	[tilespmem:s18], [sflag:$0x2] =	stream.indirect.gather [hbm4b:s3+s16], $0x40, s28, s16, $0xb8;
	[tilespmem:$0x1EC00] =	vst v63  }
0x38: {  	s28 =	smov.u32 s26  }
0x39: {  	p1 =	sne.s32 s26, $0x3000;
	s26 =	sadd.s32 $0x400, s26;
	_ =	swait.ge [sflag:s19], $0x2000  }
0x3a: {  	s28 =	sshra.s32 s28, $0x2;
	[sflag:s19] =	ssyncset.done $0x0  }
0x3b: {  	s29 =	sadd.s32 $0xE00, s28;
	[sflag:s19] =	ssyncadd.s32 $0xFFFFE000  }
0x3c: {  	[spmem:s1] =	stream.indirect.scatter.add.f32 [tilespmem:s17], [sflag:$0x3], $0x40, s29, s16, $0xb8;
	[tilespmem:$0x1EC00] =	vst v63  }
0x3d: {  	_ =	swait.ge [sflag:s14], $0x2000  }
0x3e: {  	[sflag:s14] =	ssyncset.done $0x0  }
0x3f: {  	s29 =	sadd.s32 $0x100, s28;
	[sflag:s14] =	ssyncadd.s32 $0xFFFFE000  }
0x40: {  	[tilespmem:s17], [sflag:$0x1] =	stream.indirect.gather [hbm4b:s3+s16], $0x40, s29, s16, $0xb8;
	[tilespmem:$0x1EC00] =	vst v63  }
0x41: {  	_ =	swait.ge [sflag:s20], $0x2000  }
0x42: {  	[sflag:s20] =	ssyncset.done $0x0  }
.Ltmp0:
0x43: {  	s29 =	sadd.s32 $0xE80, s28;
	[sflag:s20] =	ssyncadd.s32 $0xFFFFE000;
	(pc) =	sbr.rel @p1 .LBB2_3-.Ltmp0, $4  }
0x44: {  	[spmem:s1] =	stream.indirect.scatter.add.f32 [tilespmem:s18], [sflag:$0x3], $0x40, s29, s16, $0xb8;
	[tilespmem:$0x1EC00] =	vst v63  }
0x45: {  	_ =	swait.ge [sflag:s14], $0x2000  }
0x46: {  	[sflag:s14] =	ssyncset.done $0x0  }
0x47: {  	s28 =	sadd.s32 $0x180, s28;
	[sflag:s14] =	ssyncadd.s32 $0xFFFFE000  }
0x48: {  	[tilespmem:s18], [sflag:$0x2] =	stream.indirect.gather [hbm4b:s3+s16], $0x40, s28, s16, $0xb8;
	[tilespmem:$0x1EC00] =	vst v63  }
0x49: {  	_ =	swait.ge [sflag:s19], $0x2000  }
0x4a: {  	[sflag:s19] =	ssyncset.done $0x0  }
0x4b: {  	[sflag:s19] =	ssyncadd.s32 $0xFFFFE000  }
0x4c: {  	[spmem:s1] =	stream.indirect.scatter.add.f32 [tilespmem:s17], [sflag:$0x3], $0x40, s21, s16, $0xb8;
	[tilespmem:$0x1EC00] =	vst v63  }
0x4d: {  	_ =	swait.ge [sflag:s14], $0x2000  }
0x4e: {  	[sflag:s14] =	ssyncset.done $0x0  }
0x4f: {  	[sflag:s14] =	ssyncadd.s32 $0xFFFFE000  }
0x50: {  	s25 =	sadd.s32 $0x1, s25;
	_ =	swait.ge [sflag:s20], $0x2000  }
0x51: {  	p1 =	sne.s32 s25, $0xE;
	[sflag:s20] =	ssyncset.done $0x0  }
.Ltmp1:
0x52: {  	[sflag:s20] =	ssyncadd.s32 $0xFFFFE000;
	(pc) =	sbr.rel @p1 .LBB2_2-.Ltmp1, $4  }
0x53: {  	[spmem:s1] =	stream.indirect.scatter.add.f32 [tilespmem:s18], [sflag:$0x3], $0x40, s22, s16, $0xb8;
	[tilespmem:$0x1EC00] =	vst v63  }
0x54: {  	_ =	swait.ge [sflag:s14], $0x2000  }
0x55: {  	[sflag:s14] =	ssyncset.done $0x0  }
0x56: {  	[sflag:s14] =	ssyncadd.s32 $0xFFFFE000  }
0x57: {  	[bflag:$0x0] =	sbarrier.arrive $0xFFFF  }
0x58: {  	[hbm:s10], [sflag:s8] =	dma.local [spmem:s23], $0x30C0  }
0x59: {  	s2 =	sadd.s32 $0x1, s2;
	_ =	swait.ge [sflag:s14], $0x30C0  }
0x5a: {  	p1 =	sne.s32 s2, s12;
	[sflag:s14] =	ssyncset.done $0x0  }
.Ltmp2:
0x5b: {  	s25 =	simm.s32 @!p0 $0x3;
	[sflag:s14] =	ssyncadd.s32 $0xFFFFCF40;
	(pc) =	sbr.rel @p1 .LBB2_1-.Ltmp2, $4  }
0x5c: {  	[hbm:s11], [sflag:s8] =	dma.local @!p0 [spmem:s24], $0x140  }
0x5d: {  	_ =	swait.ge @!p0 [sflag:s25], $0x140  }
0x5e: {  	[sflag:s25] =	ssyncset.done @!p0 $0x0  }
0x5f: {  	[sflag:s25] =	ssyncadd.s32 @!p0 $0xFFFFFEC0  }
0x60: {  	_ =	sfence.sel $0x180000  }
0x61: {  	[bflag:$0x0] =	sbarrier.arrive $0xFFFF  }
0x62: {  	_ =	strace $0x90000047  }
0x63: {  	s0 =	sadd.s32 @!p0 $0x100000, s0;
	[bflag:$0x2] =	sbarrier.arrive $0xFFFF  }
0x64: {  	[sflag:s0] =	ssyncadd.tile.s32 @!p0 $0x1;
	_ =	shalt  }
.Lfunc_end2:
_tile_overlayer_lowered:
.L_overlay_start_2:
0x65: {  	(tag) =	ssettag $0x2  }
0x66: {  	s0 =	rddreg [dreg:$0x0];
	s2 =	stileid.u32  }
0x67: {  	s1 =	rddreg [dreg:$0x1];
	p0 =	sne.s32 s2, $0x0  }
0x68: {  	s3 =	rddreg [dreg:$0x2];
	[bflag:$0x3] =	sbarrier.arrive $0xFFFF;
	s2 =	simm.s32 @!p0 $0x1C03  }
0x69: {  	[timem:s3], [sflag:s2] =	dma.local @!p0 [hbm:s0], s1  }
0x6a: {  	s0 =	simm.s32 @!p0 $0x3  }
0x6b: {  	_ =	swait.ge @!p0 [sflag:s0], s1  }
0x6c: {  	s1 =	ssub.s32 @!p0 $0x0, s1;
	[sflag:s0] =	ssyncset.done @!p0 $0x0  }
0x6d: {  	[sflag:s0] =	ssyncadd.s32 @!p0 s1  }
0x6e: {  	[bflag:$0x3] =	sbarrier.arrive $0xFFFF  }
0x6f: {  	_ =	shalt  }

// kernel: kernel.22.cloned.1.call-start
scs
__scs_entry_jumppad:
0x0: {  	(pc) =	sbr.rel $0x88, $3  }
0x1: {  	(tag) =	ssettag $0x0;
	lr =	simm.s32 $0x1  }
0x2: {  	[smem:$0x3F4B] =	sst lr;
	_ =	strace $0xD0000000  }
0x3: {  	_ = 	snop  }
0x4: {  	_ = 	snop  }
0x5: {  	_ = 	snop  }
0x6: {  	_ = 	snop  }
0x7: {  	_ = 	snop  }
__scs_overlays_trampoline_lowered:
0x8: {  	[smem:$0x3F5A] =	sst s0  }
0x9: {  	[smem:$0x3F5B] =	sst s1  }
0xa: {  	[smem:$0x3F5C] =	sst s2  }
0xb: {  	[smem:$0x3F5D] =	sst s3  }
0xc: {  	[smem:$0x3F5E] =	sst s4  }
0xd: {  	[smem:$0x3F5F] =	sst s5  }
0xe: {  	[smem:$0x3F60] =	sst s6  }
0xf: {  	[smem:$0x3F61] =	sst s7  }
0x10: {  	[smem:$0x3F62] =	sst s8  }
0x11: {  	[smem:$0x3F63] =	sst s9;
	s0 =	simm.s32 @!p0 $0x0  }
0x12: {  	s1 =	sld [smem:$0x3F49];
	s0 =	simm.s32 @p0 $0x1  }
0x13: {  	[smem:$0x3F64] =	sst s0;
	s0 =	simm.s32 @!p1 $0x0  }
0x14: {  	s2 =	sld [smem:$0x3F48];
	s0 =	simm.s32 @p1 $0x1  }
0x15: {  	[smem:$0x3F65] =	sst s0;
	s0 =	simm.s32 @!p2 $0x0  }
0x16: {  	s3 =	sld [smem:$0x3FDB];
	s0 =	simm.s32 @p2 $0x1  }
0x17: {  	s4 =	simm.s32 $0x1BF5;
	[smem:$0x3F67] =	sst s0  }
0x18: {  	s0 =	sld [smem:$0x3F4A];
	_ =	swait.ge [sflag:s4], $0x0  }
0x19: {  	s7 =	sld [smem:$0x3F4B]  }
0x1a: {  	s8 =	sadd.s32 $0xFFFFE003, lr  }
0x1b: {  	s9 =	sadd.s32 $0xFFFFFEF7, lr;
	s5 =	simm.s32 $0xFFFFFFFF;
	p2 =	slt.u32 s8, $0xFFFFF086  }
0x1c: {  	p1 =	slt.u32 s9, $0xF7A;
	s5 =	simm.s32 @!p2 $0x0  }
0x1d: {  	s5 =	simm.s32 @p1 $0x1;
	p0 =	seq.s32 s7, s2  }
0x1e: {  	s7 =	smul.u32 @!p0 $0xF7A, s2;
	p2 =	seq.s32 @!p0 s5, $0x0  }
0x1f: {  	s9 =	smul.u32 $0xF7A, s1;
	s8 =	simm.s32 @!p0 $0x1BF5;
	p2 =	por !p2, p0  }
0x20: {  	[sflag:s8] =	ssyncset.s32 @!p0 $0xFFFFF086;
	s6 =	sadd.s32 @!p0 s3, s7;
	s7 =	simm.s32 @!p0 $0x108  }
0x21: {  	s3 =	sadd.s32 s3, s9;
	s6 =	sadd.s32 @!p0 $0x88, s6;
	s7 =	simm.s32 @p2 $0x1082  }
0x22: {  	[simem:s7], [sflag:s8] =	dma.local @!p0 [hbm:s6], $0xF7A  }
0x23: {  	s9 =	sor.u32 $0xD0000000, s2;
	s6 =	simm.s32 $0x108;
	_ =	swait.ge @!p0 [sflag:s8], $0x0  }
0x24: {  	s3 =	sadd.s32 $0x88, s3;
	s6 =	simm.s32 @!p1 $0x1082;
	[sflag:s4] =	ssyncset.s32 $0xFFFFF086  }
0x25: {  	[simem:s6], [sflag:s4] =	dma.local [hbm:s3], $0xF7A  }
0x26: {  	[smem:$0x3F4B] =	sst s1;
	(tag) =	ssettag s2;
	_ =	strace s9  }
0x27: {  	s1 =	sld [smem:$0x3F5B]  }
0x28: {  	s2 =	sld [smem:$0x3F5C]  }
0x29: {  	s4 =	sld [smem:$0x3F5E]  }
0x2a: {  	p0 =	seq.s32 s5, $0x0;
	s5 =	sld [smem:$0x3F5F]  }
0x2b: {  	s6 =	sld [smem:$0x3F60]  }
0x2c: {  	s7 =	sld [smem:$0x3F61]  }
0x2d: {  	s3 =	simm.s32 $0x108;
	s8 =	sld [smem:$0x3F62]  }
0x2e: {  	s3 =	simm.s32 @!p0 $0x1082;
	s9 =	sld [smem:$0x3F63]  }
0x2f: {  	lr =	sadd.s32 s0, s3;
	s0 =	sld [smem:$0x3F5A]  }
0x30: {  	s3 =	sld [smem:$0x3F5D]  }
0x31: {  	[smem:$0x3F66] =	sst s10  }
0x32: {  	s10 =	sld [smem:$0x3F64];
	_ =	sdelay $0x3  }
0x33: {  	p0 =	seq.s32 s10, $0x1;
	s10 =	sld [smem:$0x3F66];
	_ =	sdelay $0x3  }
0x34: {  	[smem:$0x3F66] =	sst s10  }
0x35: {  	s10 =	sld [smem:$0x3F65];
	_ =	sdelay $0x3  }
0x36: {  	p1 =	seq.s32 s10, $0x1;
	s10 =	sld [smem:$0x3F66];
	_ =	sdelay $0x3  }
0x37: {  	[smem:$0x3F66] =	sst s10  }
0x38: {  	s10 =	sld [smem:$0x3F67]  }
0x39: {  	_ = 	snop;
	(pc) =	sbr.ind lr, $3  }
0x3a: {  	_ = 	snop  }
0x3b: {  	_ = 	snop  }
0x3c: {  	p2 =	seq.s32 s10, $0x1;
	s10 =	sld [smem:$0x3F66]  }
0x3d: {  	_ =	shalt  }
0x3e: {  	_ =	shalt  }
0x3f: {  	_ =	shalt  }
0x40: {  	_ =	shalt  }
0x41: {  	_ =	shalt  }
0x42: {  	_ =	shalt  }
0x43: {  	_ =	shalt  }
0x44: {  	_ =	shalt  }
0x45: {  	_ =	shalt  }
0x46: {  	_ =	shalt  }
0x47: {  	_ =	shalt  }
0x48: {  	_ =	shalt  }
0x49: {  	_ =	shalt  }
0x4a: {  	_ =	shalt  }
0x4b: {  	_ =	shalt  }
0x4c: {  	_ =	shalt  }
0x4d: {  	_ =	shalt  }
0x4e: {  	_ =	shalt  }
0x4f: {  	_ =	shalt  }
0x50: {  	_ =	shalt  }
0x51: {  	_ =	shalt  }
0x52: {  	_ =	shalt  }
0x53: {  	_ =	shalt  }
0x54: {  	_ =	shalt  }
0x55: {  	_ =	shalt  }
0x56: {  	_ =	shalt  }
0x57: {  	_ =	shalt  }
0x58: {  	_ =	shalt  }
0x59: {  	_ =	shalt  }
0x5a: {  	_ =	shalt  }
0x5b: {  	_ =	shalt  }
0x5c: {  	_ =	shalt  }
0x5d: {  	_ =	shalt  }
0x5e: {  	_ =	shalt  }
0x5f: {  	_ =	shalt  }
0x60: {  	_ =	shalt  }
0x61: {  	_ =	shalt  }
0x62: {  	_ =	shalt  }
0x63: {  	_ =	shalt  }
0x64: {  	_ =	shalt  }
0x65: {  	_ =	shalt  }
0x66: {  	_ =	shalt  }
0x67: {  	_ =	shalt  }
0x68: {  	_ =	shalt  }
0x69: {  	_ =	shalt  }
0x6a: {  	_ =	shalt  }
0x6b: {  	_ =	shalt  }
0x6c: {  	_ =	shalt  }
0x6d: {  	_ =	shalt  }
0x6e: {  	_ =	shalt  }
0x6f: {  	_ =	shalt  }
0x70: {  	_ =	shalt  }
0x71: {  	_ =	shalt  }
0x72: {  	_ =	shalt  }
0x73: {  	_ =	shalt  }
0x74: {  	_ =	shalt  }
0x75: {  	_ =	shalt  }
0x76: {  	_ =	shalt  }
0x77: {  	_ =	shalt  }
0x78: {  	_ =	shalt  }
0x79: {  	_ =	shalt  }
0x7a: {  	_ =	shalt  }
0x7b: {  	_ =	shalt  }
0x7c: {  	_ =	shalt  }
0x7d: {  	_ =	shalt  }
0x7e: {  	_ =	shalt  }
0x7f: {  	_ =	shalt  }
0x80: {  	_ =	shalt  }
0x81: {  	_ =	shalt  }
0x82: {  	_ =	shalt  }
0x83: {  	_ =	shalt  }
0x84: {  	_ =	shalt  }
0x85: {  	_ =	shalt  }
0x86: {  	_ =	shalt  }
0x87: {  	_ =	shalt  }
.Lfunc_end0:
.L_simem_size_0:
called_computation.2_lowered:
.L_overlay_start_0:
0x88: {  	s2 =	sld [smem:$0x3FD9]  }
0x89: {  	s3 =	sld [smem:$0x3FFE];
	_ =	sdelay $0x1  }
0x8a: {  	s1 =	srdreg.scid  }
0x8b: {  	s0 =	sand.u32 $0x1, s1  }
0x8c: {  	s16 =	sshll.u32 s0, $0xA;
	s2 =	sadd.s32 s3, s2  }
0x8d: {  	s2 =	sadd.s32 s2, s16  }
0x8e: {  	[smem:$0x3F72] =	sst s2  }
0x8f: {  	_ = 	snop  }
0x90: {  	(tm) =	ssettm $0x1  }
0x91: {  	s17 =	sld [smem:$0x3FFB];
	_ =	sdelay $0x3  }
0x92: {  	_ =	strace s17  }
0x93: {  	s2 =	sld [smem:$0x3FFC];
	_ =	sdelay $0x3  }
0x94: {  	_ =	strace s2  }
0x95: {  	s2 =	sld [smem:$0x3FFD];
	_ =	sdelay $0x3  }
0x96: {  	_ =	strace s2  }
0x97: {  	_ =	strace $0x8FFFFFFF  }
0x98: {  	s18 =	sld [smem:$0x3FDB];
	_ =	sdelay $0x1  }
0x99: {  	s19 =	simm.s32 $_scs_section_size  }
0x9a: {  	s4 =	simm.s32 $_size__tile_overlayer_lowered;
	s5 =	simm.s32 $_tile_overlayer_lowered  }
0x9b: {  	s22 =	simm.s32 $0x1BFF;
	s21 =	sshll.u32 s5, $0x1;
	s2 =	sadd.s32 s19, s18  }
0x9c: {  	s6 =	simm.s32 $0x0;
	s20 =	sshll.u32 s4, $0x1;
	s4 =	sadd.s32 s21, s2  }
0x9d: {  	[timem:s6], [sflag:s22] =	dma.local [hbm:s4], s20  }
0x9e: {  	_ =	swait.ge [sflag:s22], s20  }
0x9f: {  	s3 =	ssub.s32 $0x0, s20;
	[sflag:s22] =	ssyncset.done $0x0  }
0xa0: {  	[sflag:s22] =	ssyncadd.s32 s3;
	_ =	sdelay $0x1  }
0xa1: {  	s23 =	simm.s32 $0x1B8B  }
0xa2: {  	_ =	swait.ge [sflag:s23], $0x1  }
0xa3: {  	[sflag:s23] =	ssyncset.done $0x0  }
0xa4: {  	s25 =	simm.s32 $0x1B8E;
	s24 =	sld [smem:$0x3FFE];
	[sflag:s23] =	ssyncadd.s32 $0xFFFFFFFF  }
0xa5: {  	s26 =	simm.s32 $execute0_lowered;
	[smem:$0x3FD2] =	sst s25  }
0xa6: {  	s4 =	sshll.u32 s26, $0x1;
	_ =	strace $0x8000004C;
	[dreg:$0x1] =	wrdreg $0xFFFFFFFF  }
0xa7: {  	s28 =	simm.s32 $_size_execute0_lowered;
	s2 =	sadd.s32 s2, s4;
	[dreg:$0x0] =	wrdreg $0x0  }
0xa8: {  	s4 =	sshll.u32 s28, $0x1;
	[dreg:$0x2] =	wrdreg s2  }
0xa9: {  	[dreg:$0x3] =	wrdreg s4  }
0xaa: {  	[dreg:$0x4] =	wrdreg $0xC0  }
0xab: {  	_ =	task [dreg:s6], $0x5FFFF  }
0xac: {  	[dreg:$0x1] =	wrdreg $0xFFFFFFFF  }
0xad: {  	[dreg:$0x0] =	wrdreg $0x60  }
0xae: {  	[dreg:$0x2] =	wrdreg s24  }
0xaf: {  	[dreg:$0x3] =	wrdreg $0x5C000  }
0xb0: {  	[dreg:$0x4] =	wrdreg $0x9  }
0xb1: {  	_ =	task.clear_ibuf [dreg:s6], $0x5FFFF;
	_ =	strace $0x9000004C  }
0xb2: {  	s29 =	simm.s32 $0x9;
	_ =	strace $0x8000004E  }
0xb3: {  	_ =	swait.ge [sflag:s29], $0x1  }
0xb4: {  	[sflag:s29] =	ssyncadd.s32 $0xFFFFFFFF  }
0xb5: {  	_ =	strace $0x9000004E  }
0xb6: {  	_ =	sfence  }
0xb7: {  	s30 =	sld [smem:$0x0];
	_ =	sdelay $0x2  }
0xb8: {  	s31 =	sshll.u32 s1, $0xD;
	s1 =	sshrl.u32 s1, $0x2  }
0xb9: {  	s3 =	sand.u32 $0x4000, s31;
	s1 =	sadd.s32 s1, s30  }
0xba: {  	s0 =	sor.u32 s3, s0;
	s1 =	sshll.u32 s1, $0x11  }
0xbb: {  	s0 =	sor.u32 s1, s0  }
0xbc: {  	s0 =	sadd.s32 $0x8F2B, s0  }
0xbd: {  	[sflag:s0] =	ssyncadd.remote.s32 $0x1  }
0xbe: {  	_ =	sfence.sel $0xFFFF  }
0xbf: {  	[dreg:$0x0] =	wrdreg $0xFFFFFFFF;
	(pc) =	sbr.abs _section_cstart, $3  }
0xc0: {  	[dreg:$0x1] =	wrdreg $0xFFFFFFFF  }
0xc1: {  	_ =	task.clear_ibuf [dreg:s6], $0x2FFFF;
	_ =	strace $0x9FFFFFFF  }
0xc2: {  	(tm) =	ssettm $0x7FFFFFFF  }
0xc3: {  	_ =	shalt  }
tec
execute0_lowered:
.L_overlay_start_1:
0x0: {  	(tag) =	ssettag $0x1  }
0x1: {  	s7 =	rddreg [dreg:$0x0]  }
0x2: {  	s1 =	rddreg [dreg:$0x1]  }
0x3: {  	s0 =	rddreg [dreg:$0x2];
	s2 =	simm.s32 $0x0  }
0x4: {  	s22 =	stileid.u32;
	s5 =	srdreg.scid;
	s18 =	simm.s32 $0x3C00  }
0x5: {  	s19 =	simm.s32 $0x1;
	s20 =	simm.s32 $0x2;
	s21 =	simm.s32 $0x1B00  }
0x6: {  	[smem:$0x7FF] =	sst s2;
	s3 =	sadd.s32 $0xD800, s7;
	s8 =	smul.u32 $0x19000, s22  }
0x7: {  	s4 =	sadd.s32 $0x6F400, s7;
	s9 =	sand.u32 $0x1, s5;
	s5 =	smul.u32 $0xC400, s22  }
0x8: {  	s6 =	sadd.s32 $0x87C00, s7;
	s14 =	sadd.s32 $0xB8C00, s7;
	s15 =	smul.u32 $0x30C0, s22  }
0x9: {  	s28 =	sshll.u32 s22, $0x6;
	s29 =	smul.u32 $0x61800, s22;
	s24 =	sadd.s32 $0x186000, s1  }
0xa: {  	p0 =	sne.s32 s22, $0x0;
	s22 =	simm.s32 $0x1B80;
	s11 =	smul.u32 $0xC4000, s9  }
0xb: {  	_ =	strace $0x8000004D;
	s12 =	ssub.s32 $0x2, s9;
	s13 =	smul.u32 $0x30D40, s9  }
0xc: {  	s17 =	smul.u32 $0x186A00, s9;
	s24 =	sshrl.u32 @!p0 s24, $0x3;
	s10 =	sshrl.u32 s8, $0x3  }
0xd: {  	s26 =	sshrl.u32 s12, $0x1;
	s16 =	sadd.s32 s8, s1;
	s8 =	sor.u32 $0x1C03, s28  }
0xe: {  	s31 =	sshrl.u32 s29, $0x2;
	s10 =	sadd.s32 s10, s7;
	s12 =	ssub.s32 s12, s26  }
0xf: {  	s9 =	sadd.s32 s11, s5;
	s30 =	sshrl.u32 s17, $0x3;
	s13 =	sadd.s32 s15, s13  }
0x10: {  	s23 =	sadd.s32 s31, s1;
	s15 =	simm.s32 $0xE00;
	s17 =	simm.s32 $0x1C00  }
0x11: {  	s7 =	sadd.s32 $0x194400, s10;
	s11 =	sadd.s32 s14, s30;
	s10 =	sadd.s32 s14, s13  }
0x12: {  	s12 =	smax.u32 s12, $0x1;
	s13 =	sshrl.u32 s16, $0x3;
	s14 =	simm.s32 $0x3  }
0x13: {  	s16 =	simm.s32 $0x80;
	s23 =	sshrl.u32 s23, $0x3;
	s11 =	sadd.s32 $0x30C00, s11  }
.LBB2_1:
0x14: {  	[spmem:s13], [sflag:s8] =	dma.local [hbm:s7], $0x3200  }
0x15: {  	_ =	swait.ge [sflag:s14], $0x3200  }
0x16: {  	[sflag:s14] =	ssyncset.done $0x0  }
0x17: {  	[sflag:s14] =	ssyncadd.s32 $0xFFFFCE00  }
0x18: {  	s25 =	simm.s32 $0x0;
	[bflag:$0x0] =	sbarrier.arrive $0xFFFF  }
.LBB2_2:
0x19: {  	s26 =	smul.u32 $0xE00, s25;
	_ =	sdelay $0x1  }
0x1a: {  	s28 =	sadd.s32 s5, s26  }
0x1b: {  	s28 =	sshrl.u32 s28, $0x3  }
0x1c: {  	s29 =	simm.s32 $0x0;
	s28 =	sadd.s32 s4, s28  }
0x1d: {  	[tilespmem:s29], [sflag:$0x3] =	stream.linear.gather [hbm4b:s28+s29], $0xE00, $0x38;
	[tilespmem:$0x1EC00] =	vst v63  }
0x1e: {  	s26 =	sadd.s32 s9, s26;
	_ =	swait.ge [sflag:s14], $0xE00  }
0x1f: {  	s26 =	sshrl.u32 s26, $0x3;
	[sflag:s14] =	ssyncset.done $0x0  }
0x20: {  	s26 =	sadd.s32 s6, s26;
	[sflag:s14] =	ssyncadd.s32 $0xFFFFF200  }
0x21: {  	[tilespmem:s15], [sflag:$0x3] =	stream.linear.gather [hbm4b:s26+s29], $0xE00, $0x38;
	[tilespmem:$0x1EC00] =	vst v63  }
0x22: {  	_ =	swait.ge [sflag:s14], $0xE00  }
0x23: {  	[sflag:s14] =	ssyncset.done $0x0  }
0x24: {  	[sflag:s14] =	ssyncadd.s32 $0xFFFFF200  }
0x25: {  	[tilespmem:s17], [sflag:$0x1] =	stream.indirect.gather [hbm4b:s3+s16], $0x40, s29, s16, $0xb8;
	[tilespmem:$0x1EC00] =	vst v63  }
0x26: {  	_ = 	snop  }
0x27: {  	[tilespmem:s18], [sflag:$0x2] =	stream.indirect.gather [hbm4b:s3+s16], $0x40, s16, s16, $0xb8;
	[tilespmem:$0x1EC00] =	vst v63  }
0x28: {  	_ =	swait.ge [sflag:s19], $0x2000  }
0x29: {  	[sflag:s19] =	ssyncset.done $0x0  }
0x2a: {  	s29 =	simm.s32 $0xE00;
	[sflag:s19] =	ssyncadd.s32 $0xFFFFE000  }
0x2b: {  	[spmem:s1] =	stream.indirect.scatter.add.f32 [tilespmem:s17], [sflag:$0x3], $0x40, s29, s16, $0xb8;
	[tilespmem:$0x1EC00] =	vst v63  }
0x2c: {  	_ =	swait.ge [sflag:s14], $0x2000  }
0x2d: {  	[sflag:s14] =	ssyncset.done $0x0  }
0x2e: {  	s30 =	simm.s32 $0x100;
	[sflag:s14] =	ssyncadd.s32 $0xFFFFE000  }
0x2f: {  	[tilespmem:s17], [sflag:$0x1] =	stream.indirect.gather [hbm4b:s3+s16], $0x40, s30, s16, $0xb8;
	[tilespmem:$0x1EC00] =	vst v63  }
0x30: {  	_ =	swait.ge [sflag:s20], $0x2000  }
0x31: {  	[sflag:s20] =	ssyncset.done $0x0  }
0x32: {  	s31 =	simm.s32 $0xE80;
	[sflag:s20] =	ssyncadd.s32 $0xFFFFE000  }
0x33: {  	[spmem:s1] =	stream.indirect.scatter.add.f32 [tilespmem:s18], [sflag:$0x3], $0x40, s31, s16, $0xb8;
	[tilespmem:$0x1EC00] =	vst v63  }
0x34: {  	_ =	swait.ge [sflag:s14], $0x2000  }
0x35: {  	[sflag:s14] =	ssyncset.done $0x0  }
0x36: {  	s28 =	simm.s32 $0x180;
	s26 =	simm.s32 $0x400;
	[sflag:s14] =	ssyncadd.s32 $0xFFFFE000  }
.LBB2_3:
0x37: {  	[tilespmem:s18], [sflag:$0x2] =	stream.indirect.gather [hbm4b:s3+s16], $0x40, s28, s16, $0xb8;
	[tilespmem:$0x1EC00] =	vst v63  }
0x38: {  	s28 =	smov.u32 s26  }
0x39: {  	p1 =	sne.s32 s26, $0x3000;
	s26 =	sadd.s32 $0x400, s26;
	_ =	swait.ge [sflag:s19], $0x2000  }
0x3a: {  	s28 =	sshra.s32 s28, $0x2;
	[sflag:s19] =	ssyncset.done $0x0  }
0x3b: {  	s29 =	sadd.s32 $0xE00, s28;
	[sflag:s19] =	ssyncadd.s32 $0xFFFFE000  }
0x3c: {  	[spmem:s1] =	stream.indirect.scatter.add.f32 [tilespmem:s17], [sflag:$0x3], $0x40, s29, s16, $0xb8;
	[tilespmem:$0x1EC00] =	vst v63  }
0x3d: {  	_ =	swait.ge [sflag:s14], $0x2000  }
0x3e: {  	[sflag:s14] =	ssyncset.done $0x0  }
0x3f: {  	s29 =	sadd.s32 $0x100, s28;
	[sflag:s14] =	ssyncadd.s32 $0xFFFFE000  }
0x40: {  	[tilespmem:s17], [sflag:$0x1] =	stream.indirect.gather [hbm4b:s3+s16], $0x40, s29, s16, $0xb8;
	[tilespmem:$0x1EC00] =	vst v63  }
0x41: {  	_ =	swait.ge [sflag:s20], $0x2000  }
0x42: {  	[sflag:s20] =	ssyncset.done $0x0  }
.Ltmp0:
0x43: {  	s29 =	sadd.s32 $0xE80, s28;
	[sflag:s20] =	ssyncadd.s32 $0xFFFFE000;
	(pc) =	sbr.rel @p1 .LBB2_3-.Ltmp0, $4  }
0x44: {  	[spmem:s1] =	stream.indirect.scatter.add.f32 [tilespmem:s18], [sflag:$0x3], $0x40, s29, s16, $0xb8;
	[tilespmem:$0x1EC00] =	vst v63  }
0x45: {  	_ =	swait.ge [sflag:s14], $0x2000  }
0x46: {  	[sflag:s14] =	ssyncset.done $0x0  }
0x47: {  	s28 =	sadd.s32 $0x180, s28;
	[sflag:s14] =	ssyncadd.s32 $0xFFFFE000  }
0x48: {  	[tilespmem:s18], [sflag:$0x2] =	stream.indirect.gather [hbm4b:s3+s16], $0x40, s28, s16, $0xb8;
	[tilespmem:$0x1EC00] =	vst v63  }
0x49: {  	_ =	swait.ge [sflag:s19], $0x2000  }
0x4a: {  	[sflag:s19] =	ssyncset.done $0x0  }
0x4b: {  	[sflag:s19] =	ssyncadd.s32 $0xFFFFE000  }
0x4c: {  	[spmem:s1] =	stream.indirect.scatter.add.f32 [tilespmem:s17], [sflag:$0x3], $0x40, s21, s16, $0xb8;
	[tilespmem:$0x1EC00] =	vst v63  }
0x4d: {  	_ =	swait.ge [sflag:s14], $0x2000  }
0x4e: {  	[sflag:s14] =	ssyncset.done $0x0  }
0x4f: {  	[sflag:s14] =	ssyncadd.s32 $0xFFFFE000  }
0x50: {  	s25 =	sadd.s32 $0x1, s25;
	_ =	swait.ge [sflag:s20], $0x2000  }
0x51: {  	p1 =	sne.s32 s25, $0xE;
	[sflag:s20] =	ssyncset.done $0x0  }
.Ltmp1:
0x52: {  	[sflag:s20] =	ssyncadd.s32 $0xFFFFE000;
	(pc) =	sbr.rel @p1 .LBB2_2-.Ltmp1, $4  }
0x53: {  	[spmem:s1] =	stream.indirect.scatter.add.f32 [tilespmem:s18], [sflag:$0x3], $0x40, s22, s16, $0xb8;
	[tilespmem:$0x1EC00] =	vst v63  }
0x54: {  	_ =	swait.ge [sflag:s14], $0x2000  }
0x55: {  	[sflag:s14] =	ssyncset.done $0x0  }
0x56: {  	[sflag:s14] =	ssyncadd.s32 $0xFFFFE000  }
0x57: {  	[bflag:$0x0] =	sbarrier.arrive $0xFFFF  }
0x58: {  	[hbm:s10], [sflag:s8] =	dma.local [spmem:s23], $0x30C0  }
0x59: {  	s2 =	sadd.s32 $0x1, s2;
	_ =	swait.ge [sflag:s14], $0x30C0  }
0x5a: {  	p1 =	sne.s32 s2, s12;
	[sflag:s14] =	ssyncset.done $0x0  }
.Ltmp2:
0x5b: {  	s25 =	simm.s32 @!p0 $0x3;
	[sflag:s14] =	ssyncadd.s32 $0xFFFFCF40;
	(pc) =	sbr.rel @p1 .LBB2_1-.Ltmp2, $4  }
0x5c: {  	[hbm:s11], [sflag:s8] =	dma.local @!p0 [spmem:s24], $0x140  }
0x5d: {  	_ =	swait.ge @!p0 [sflag:s25], $0x140  }
0x5e: {  	[sflag:s25] =	ssyncset.done @!p0 $0x0  }
0x5f: {  	[sflag:s25] =	ssyncadd.s32 @!p0 $0xFFFFFEC0  }
0x60: {  	_ =	sfence.sel $0x180000  }
0x61: {  	[bflag:$0x0] =	sbarrier.arrive $0xFFFF  }
0x62: {  	_ =	strace $0x9000004D  }
0x63: {  	s0 =	sadd.s32 @!p0 $0x100000, s0;
	[bflag:$0x2] =	sbarrier.arrive $0xFFFF  }
0x64: {  	[sflag:s0] =	ssyncadd.tile.s32 @!p0 $0x1;
	_ =	shalt  }
.Lfunc_end2:
_tile_overlayer_lowered:
.L_overlay_start_2:
0x65: {  	(tag) =	ssettag $0x2  }
0x66: {  	s0 =	rddreg [dreg:$0x0];
	s2 =	stileid.u32  }
0x67: {  	s1 =	rddreg [dreg:$0x1];
	p0 =	sne.s32 s2, $0x0  }
0x68: {  	s3 =	rddreg [dreg:$0x2];
	[bflag:$0x3] =	sbarrier.arrive $0xFFFF;
	s2 =	simm.s32 @!p0 $0x1C03  }
0x69: {  	[timem:s3], [sflag:s2] =	dma.local @!p0 [hbm:s0], s1  }
0x6a: {  	s0 =	simm.s32 @!p0 $0x3  }
0x6b: {  	_ =	swait.ge @!p0 [sflag:s0], s1  }
0x6c: {  	s1 =	ssub.s32 @!p0 $0x0, s1;
	[sflag:s0] =	ssyncset.done @!p0 $0x0  }
0x6d: {  	[sflag:s0] =	ssyncadd.s32 @!p0 s1  }
0x6e: {  	[bflag:$0x3] =	sbarrier.arrive $0xFFFF  }
0x6f: {  	_ =	shalt  }

// kernel: kernel.25.cloned.1.call-start
scs
__scs_entry_jumppad:
0x0: {  	(pc) =	sbr.rel $0x88, $3  }
0x1: {  	(tag) =	ssettag $0x0;
	lr =	simm.s32 $0x1  }
0x2: {  	[smem:$0x3F4B] =	sst lr;
	_ =	strace $0xD0000000  }
0x3: {  	_ = 	snop  }
0x4: {  	_ = 	snop  }
0x5: {  	_ = 	snop  }
0x6: {  	_ = 	snop  }
0x7: {  	_ = 	snop  }
__scs_overlays_trampoline_lowered:
0x8: {  	[smem:$0x3F5A] =	sst s0  }
0x9: {  	[smem:$0x3F5B] =	sst s1  }
0xa: {  	[smem:$0x3F5C] =	sst s2  }
0xb: {  	[smem:$0x3F5D] =	sst s3  }
0xc: {  	[smem:$0x3F5E] =	sst s4  }
0xd: {  	[smem:$0x3F5F] =	sst s5  }
0xe: {  	[smem:$0x3F60] =	sst s6  }
0xf: {  	[smem:$0x3F61] =	sst s7  }
0x10: {  	[smem:$0x3F62] =	sst s8  }
0x11: {  	[smem:$0x3F63] =	sst s9;
	s0 =	simm.s32 @!p0 $0x0  }
0x12: {  	s1 =	sld [smem:$0x3F49];
	s0 =	simm.s32 @p0 $0x1  }
0x13: {  	[smem:$0x3F64] =	sst s0;
	s0 =	simm.s32 @!p1 $0x0  }
0x14: {  	s2 =	sld [smem:$0x3F48];
	s0 =	simm.s32 @p1 $0x1  }
0x15: {  	[smem:$0x3F65] =	sst s0;
	s0 =	simm.s32 @!p2 $0x0  }
0x16: {  	s3 =	sld [smem:$0x3FDB];
	s0 =	simm.s32 @p2 $0x1  }
0x17: {  	s4 =	simm.s32 $0x1BF5;
	[smem:$0x3F67] =	sst s0  }
0x18: {  	s0 =	sld [smem:$0x3F4A];
	_ =	swait.ge [sflag:s4], $0x0  }
0x19: {  	s7 =	sld [smem:$0x3F4B]  }
0x1a: {  	s8 =	sadd.s32 $0xFFFFE003, lr  }
0x1b: {  	s9 =	sadd.s32 $0xFFFFFEF7, lr;
	s5 =	simm.s32 $0xFFFFFFFF;
	p2 =	slt.u32 s8, $0xFFFFF086  }
0x1c: {  	p1 =	slt.u32 s9, $0xF7A;
	s5 =	simm.s32 @!p2 $0x0  }
0x1d: {  	s5 =	simm.s32 @p1 $0x1;
	p0 =	seq.s32 s7, s2  }
0x1e: {  	s7 =	smul.u32 @!p0 $0xF7A, s2;
	p2 =	seq.s32 @!p0 s5, $0x0  }
0x1f: {  	s9 =	smul.u32 $0xF7A, s1;
	s8 =	simm.s32 @!p0 $0x1BF5;
	p2 =	por !p2, p0  }
0x20: {  	[sflag:s8] =	ssyncset.s32 @!p0 $0xFFFFF086;
	s6 =	sadd.s32 @!p0 s3, s7;
	s7 =	simm.s32 @!p0 $0x108  }
0x21: {  	s3 =	sadd.s32 s3, s9;
	s6 =	sadd.s32 @!p0 $0x88, s6;
	s7 =	simm.s32 @p2 $0x1082  }
0x22: {  	[simem:s7], [sflag:s8] =	dma.local @!p0 [hbm:s6], $0xF7A  }
0x23: {  	s9 =	sor.u32 $0xD0000000, s2;
	s6 =	simm.s32 $0x108;
	_ =	swait.ge @!p0 [sflag:s8], $0x0  }
0x24: {  	s3 =	sadd.s32 $0x88, s3;
	s6 =	simm.s32 @!p1 $0x1082;
	[sflag:s4] =	ssyncset.s32 $0xFFFFF086  }
0x25: {  	[simem:s6], [sflag:s4] =	dma.local [hbm:s3], $0xF7A  }
0x26: {  	[smem:$0x3F4B] =	sst s1;
	(tag) =	ssettag s2;
	_ =	strace s9  }
0x27: {  	s1 =	sld [smem:$0x3F5B]  }
0x28: {  	s2 =	sld [smem:$0x3F5C]  }
0x29: {  	s4 =	sld [smem:$0x3F5E]  }
0x2a: {  	p0 =	seq.s32 s5, $0x0;
	s5 =	sld [smem:$0x3F5F]  }
0x2b: {  	s6 =	sld [smem:$0x3F60]  }
0x2c: {  	s7 =	sld [smem:$0x3F61]  }
0x2d: {  	s3 =	simm.s32 $0x108;
	s8 =	sld [smem:$0x3F62]  }
0x2e: {  	s3 =	simm.s32 @!p0 $0x1082;
	s9 =	sld [smem:$0x3F63]  }
0x2f: {  	lr =	sadd.s32 s0, s3;
	s0 =	sld [smem:$0x3F5A]  }
0x30: {  	s3 =	sld [smem:$0x3F5D]  }
0x31: {  	[smem:$0x3F66] =	sst s10  }
0x32: {  	s10 =	sld [smem:$0x3F64];
	_ =	sdelay $0x3  }
0x33: {  	p0 =	seq.s32 s10, $0x1;
	s10 =	sld [smem:$0x3F66];
	_ =	sdelay $0x3  }
0x34: {  	[smem:$0x3F66] =	sst s10  }
0x35: {  	s10 =	sld [smem:$0x3F65];
	_ =	sdelay $0x3  }
0x36: {  	p1 =	seq.s32 s10, $0x1;
	s10 =	sld [smem:$0x3F66];
	_ =	sdelay $0x3  }
0x37: {  	[smem:$0x3F66] =	sst s10  }
0x38: {  	s10 =	sld [smem:$0x3F67]  }
0x39: {  	_ = 	snop;
	(pc) =	sbr.ind lr, $3  }
0x3a: {  	_ = 	snop  }
0x3b: {  	_ = 	snop  }
0x3c: {  	p2 =	seq.s32 s10, $0x1;
	s10 =	sld [smem:$0x3F66]  }
0x3d: {  	_ =	shalt  }
0x3e: {  	_ =	shalt  }
0x3f: {  	_ =	shalt  }
0x40: {  	_ =	shalt  }
0x41: {  	_ =	shalt  }
0x42: {  	_ =	shalt  }
0x43: {  	_ =	shalt  }
0x44: {  	_ =	shalt  }
0x45: {  	_ =	shalt  }
0x46: {  	_ =	shalt  }
0x47: {  	_ =	shalt  }
0x48: {  	_ =	shalt  }
0x49: {  	_ =	shalt  }
0x4a: {  	_ =	shalt  }
0x4b: {  	_ =	shalt  }
0x4c: {  	_ =	shalt  }
0x4d: {  	_ =	shalt  }
0x4e: {  	_ =	shalt  }
0x4f: {  	_ =	shalt  }
0x50: {  	_ =	shalt  }
0x51: {  	_ =	shalt  }
0x52: {  	_ =	shalt  }
0x53: {  	_ =	shalt  }
0x54: {  	_ =	shalt  }
0x55: {  	_ =	shalt  }
0x56: {  	_ =	shalt  }
0x57: {  	_ =	shalt  }
0x58: {  	_ =	shalt  }
0x59: {  	_ =	shalt  }
0x5a: {  	_ =	shalt  }
0x5b: {  	_ =	shalt  }
0x5c: {  	_ =	shalt  }
0x5d: {  	_ =	shalt  }
0x5e: {  	_ =	shalt  }
0x5f: {  	_ =	shalt  }
0x60: {  	_ =	shalt  }
0x61: {  	_ =	shalt  }
0x62: {  	_ =	shalt  }
0x63: {  	_ =	shalt  }
0x64: {  	_ =	shalt  }
0x65: {  	_ =	shalt  }
0x66: {  	_ =	shalt  }
0x67: {  	_ =	shalt  }
0x68: {  	_ =	shalt  }
0x69: {  	_ =	shalt  }
0x6a: {  	_ =	shalt  }
0x6b: {  	_ =	shalt  }
0x6c: {  	_ =	shalt  }
0x6d: {  	_ =	shalt  }
0x6e: {  	_ =	shalt  }
0x6f: {  	_ =	shalt  }
0x70: {  	_ =	shalt  }
0x71: {  	_ =	shalt  }
0x72: {  	_ =	shalt  }
0x73: {  	_ =	shalt  }
0x74: {  	_ =	shalt  }
0x75: {  	_ =	shalt  }
0x76: {  	_ =	shalt  }
0x77: {  	_ =	shalt  }
0x78: {  	_ =	shalt  }
0x79: {  	_ =	shalt  }
0x7a: {  	_ =	shalt  }
0x7b: {  	_ =	shalt  }
0x7c: {  	_ =	shalt  }
0x7d: {  	_ =	shalt  }
0x7e: {  	_ =	shalt  }
0x7f: {  	_ =	shalt  }
0x80: {  	_ =	shalt  }
0x81: {  	_ =	shalt  }
0x82: {  	_ =	shalt  }
0x83: {  	_ =	shalt  }
0x84: {  	_ =	shalt  }
0x85: {  	_ =	shalt  }
0x86: {  	_ =	shalt  }
0x87: {  	_ =	shalt  }
.Lfunc_end0:
.L_simem_size_0:
called_computation.3_lowered:
.L_overlay_start_0:
0x88: {  	s2 =	sld [smem:$0x3FD9]  }
0x89: {  	s3 =	sld [smem:$0x3FFE];
	_ =	sdelay $0x1  }
0x8a: {  	s1 =	srdreg.scid  }
0x8b: {  	s0 =	sand.u32 $0x1, s1  }
0x8c: {  	s16 =	sshll.u32 s0, $0xA;
	s2 =	sadd.s32 s3, s2  }
0x8d: {  	s2 =	sadd.s32 s2, s16  }
0x8e: {  	[smem:$0x3F72] =	sst s2  }
0x8f: {  	_ = 	snop  }
0x90: {  	(tm) =	ssettm $0x1  }
0x91: {  	s17 =	sld [smem:$0x3FFB];
	_ =	sdelay $0x3  }
0x92: {  	_ =	strace s17  }
0x93: {  	s2 =	sld [smem:$0x3FFC];
	_ =	sdelay $0x3  }
0x94: {  	_ =	strace s2  }
0x95: {  	s2 =	sld [smem:$0x3FFD];
	_ =	sdelay $0x3  }
0x96: {  	_ =	strace s2  }
0x97: {  	_ =	strace $0x8FFFFFFF  }
0x98: {  	s18 =	sld [smem:$0x3FDB];
	_ =	sdelay $0x1  }
0x99: {  	s19 =	simm.s32 $_scs_section_size  }
0x9a: {  	s4 =	simm.s32 $_size__tile_overlayer_lowered;
	s5 =	simm.s32 $_tile_overlayer_lowered  }
0x9b: {  	s22 =	simm.s32 $0x1BFF;
	s21 =	sshll.u32 s5, $0x1;
	s2 =	sadd.s32 s19, s18  }
0x9c: {  	s6 =	simm.s32 $0x0;
	s20 =	sshll.u32 s4, $0x1;
	s4 =	sadd.s32 s21, s2  }
0x9d: {  	[timem:s6], [sflag:s22] =	dma.local [hbm:s4], s20  }
0x9e: {  	_ =	swait.ge [sflag:s22], s20  }
0x9f: {  	s3 =	ssub.s32 $0x0, s20;
	[sflag:s22] =	ssyncset.done $0x0  }
0xa0: {  	[sflag:s22] =	ssyncadd.s32 s3;
	_ =	sdelay $0x1  }
0xa1: {  	s23 =	simm.s32 $0x1B8B  }
0xa2: {  	_ =	swait.ge [sflag:s23], $0x1  }
0xa3: {  	[sflag:s23] =	ssyncset.done $0x0  }
0xa4: {  	s25 =	simm.s32 $0x1B8E;
	s24 =	sld [smem:$0x3FFE];
	[sflag:s23] =	ssyncadd.s32 $0xFFFFFFFF  }
0xa5: {  	s26 =	simm.s32 $execute0_lowered;
	[smem:$0x3FD2] =	sst s25  }
0xa6: {  	s4 =	sshll.u32 s26, $0x1;
	_ =	strace $0x8000004F;
	[dreg:$0x1] =	wrdreg $0xFFFFFFFF  }
0xa7: {  	s28 =	simm.s32 $_size_execute0_lowered;
	s2 =	sadd.s32 s2, s4;
	[dreg:$0x0] =	wrdreg $0x0  }
0xa8: {  	s4 =	sshll.u32 s28, $0x1;
	[dreg:$0x2] =	wrdreg s2  }
0xa9: {  	[dreg:$0x3] =	wrdreg s4  }
0xaa: {  	[dreg:$0x4] =	wrdreg $0xC0  }
0xab: {  	_ =	task [dreg:s6], $0x5FFFF  }
0xac: {  	[dreg:$0x1] =	wrdreg $0xFFFFFFFF  }
0xad: {  	[dreg:$0x0] =	wrdreg $0x60  }
0xae: {  	[dreg:$0x2] =	wrdreg s24  }
0xaf: {  	[dreg:$0x3] =	wrdreg $0x5C000  }
0xb0: {  	[dreg:$0x4] =	wrdreg $0x9  }
0xb1: {  	_ =	task.clear_ibuf [dreg:s6], $0x5FFFF;
	_ =	strace $0x9000004F  }
0xb2: {  	s29 =	simm.s32 $0x9;
	_ =	strace $0x80000051  }
0xb3: {  	_ =	swait.ge [sflag:s29], $0x1  }
0xb4: {  	[sflag:s29] =	ssyncadd.s32 $0xFFFFFFFF  }
0xb5: {  	_ =	strace $0x90000051  }
0xb6: {  	_ =	sfence  }
0xb7: {  	s30 =	sld [smem:$0x0];
	_ =	sdelay $0x2  }
0xb8: {  	s31 =	sshll.u32 s1, $0xD;
	s1 =	sshrl.u32 s1, $0x2  }
0xb9: {  	s3 =	sand.u32 $0x4000, s31;
	s1 =	sadd.s32 s1, s30  }
0xba: {  	s0 =	sor.u32 s3, s0;
	s1 =	sshll.u32 s1, $0x11  }
0xbb: {  	s0 =	sor.u32 s1, s0  }
0xbc: {  	s0 =	sadd.s32 $0x8F2B, s0  }
0xbd: {  	[sflag:s0] =	ssyncadd.remote.s32 $0x1  }
0xbe: {  	_ =	sfence.sel $0xFFFF  }
0xbf: {  	[dreg:$0x0] =	wrdreg $0xFFFFFFFF;
	(pc) =	sbr.abs _section_cstart, $3  }
0xc0: {  	[dreg:$0x1] =	wrdreg $0xFFFFFFFF  }
0xc1: {  	_ =	task.clear_ibuf [dreg:s6], $0x2FFFF;
	_ =	strace $0x9FFFFFFF  }
0xc2: {  	(tm) =	ssettm $0x7FFFFFFF  }
0xc3: {  	_ =	shalt  }
tec
execute0_lowered:
.L_overlay_start_1:
0x0: {  	(tag) =	ssettag $0x1  }
0x1: {  	s7 =	rddreg [dreg:$0x0]  }
0x2: {  	s1 =	rddreg [dreg:$0x1]  }
0x3: {  	s0 =	rddreg [dreg:$0x2];
	s2 =	simm.s32 $0x0  }
0x4: {  	s22 =	stileid.u32;
	s5 =	srdreg.scid;
	s18 =	simm.s32 $0x3C00  }
0x5: {  	s19 =	simm.s32 $0x1;
	s20 =	simm.s32 $0x2;
	s21 =	simm.s32 $0x1B00  }
0x6: {  	[smem:$0x7FF] =	sst s2;
	s3 =	sadd.s32 $0xD800, s7;
	s8 =	smul.u32 $0x19000, s22  }
0x7: {  	s4 =	sadd.s32 $0x6F400, s7;
	s9 =	sand.u32 $0x1, s5;
	s5 =	smul.u32 $0xC400, s22  }
0x8: {  	s6 =	sadd.s32 $0x87C00, s7;
	s14 =	sadd.s32 $0x1C6400, s7;
	s15 =	smul.u32 $0x30C0, s22  }
0x9: {  	s28 =	sshll.u32 s22, $0x6;
	s29 =	smul.u32 $0x61800, s22;
	s24 =	sadd.s32 $0x186000, s1  }
0xa: {  	p0 =	sne.s32 s22, $0x0;
	s22 =	simm.s32 $0x1B80;
	s11 =	smul.u32 $0xC4000, s9  }
0xb: {  	_ =	strace $0x80000050;
	s12 =	ssub.s32 $0x2, s9;
	s13 =	smul.u32 $0x30D40, s9  }
0xc: {  	s17 =	smul.u32 $0x186A00, s9;
	s24 =	sshrl.u32 @!p0 s24, $0x3;
	s10 =	sshrl.u32 s8, $0x3  }
0xd: {  	s26 =	sshrl.u32 s12, $0x1;
	s16 =	sadd.s32 s8, s1;
	s8 =	sor.u32 $0x1C03, s28  }
0xe: {  	s31 =	sshrl.u32 s29, $0x2;
	s10 =	sadd.s32 s10, s7;
	s12 =	ssub.s32 s12, s26  }
0xf: {  	s9 =	sadd.s32 s11, s5;
	s30 =	sshrl.u32 s17, $0x3;
	s13 =	sadd.s32 s15, s13  }
0x10: {  	s23 =	sadd.s32 s31, s1;
	s15 =	simm.s32 $0xE00;
	s17 =	simm.s32 $0x1C00  }
0x11: {  	s7 =	sadd.s32 $0x194400, s10;
	s11 =	sadd.s32 s14, s30;
	s10 =	sadd.s32 s14, s13  }
0x12: {  	s12 =	smax.u32 s12, $0x1;
	s13 =	sshrl.u32 s16, $0x3;
	s14 =	simm.s32 $0x3  }
0x13: {  	s16 =	simm.s32 $0x80;
	s23 =	sshrl.u32 s23, $0x3;
	s11 =	sadd.s32 $0x30C00, s11  }
.LBB2_1:
0x14: {  	[spmem:s13], [sflag:s8] =	dma.local [hbm:s7], $0x3200  }
0x15: {  	_ =	swait.ge [sflag:s14], $0x3200  }
0x16: {  	[sflag:s14] =	ssyncset.done $0x0  }
0x17: {  	[sflag:s14] =	ssyncadd.s32 $0xFFFFCE00  }
0x18: {  	s25 =	simm.s32 $0x0;
	[bflag:$0x0] =	sbarrier.arrive $0xFFFF  }
.LBB2_2:
0x19: {  	s26 =	smul.u32 $0xE00, s25;
	_ =	sdelay $0x1  }
0x1a: {  	s28 =	sadd.s32 s5, s26  }
0x1b: {  	s28 =	sshrl.u32 s28, $0x3  }
0x1c: {  	s29 =	simm.s32 $0x0;
	s28 =	sadd.s32 s4, s28  }
0x1d: {  	[tilespmem:s29], [sflag:$0x3] =	stream.linear.gather [hbm4b:s28+s29], $0xE00, $0x38;
	[tilespmem:$0x1EC00] =	vst v63  }
0x1e: {  	s26 =	sadd.s32 s9, s26;
	_ =	swait.ge [sflag:s14], $0xE00  }
0x1f: {  	s26 =	sshrl.u32 s26, $0x3;
	[sflag:s14] =	ssyncset.done $0x0  }
0x20: {  	s26 =	sadd.s32 s6, s26;
	[sflag:s14] =	ssyncadd.s32 $0xFFFFF200  }
0x21: {  	[tilespmem:s15], [sflag:$0x3] =	stream.linear.gather [hbm4b:s26+s29], $0xE00, $0x38;
	[tilespmem:$0x1EC00] =	vst v63  }
0x22: {  	_ =	swait.ge [sflag:s14], $0xE00  }
0x23: {  	[sflag:s14] =	ssyncset.done $0x0  }
0x24: {  	[sflag:s14] =	ssyncadd.s32 $0xFFFFF200  }
0x25: {  	[tilespmem:s17], [sflag:$0x1] =	stream.indirect.gather [hbm4b:s3+s16], $0x40, s29, s16, $0xb8;
	[tilespmem:$0x1EC00] =	vst v63  }
0x26: {  	_ = 	snop  }
0x27: {  	[tilespmem:s18], [sflag:$0x2] =	stream.indirect.gather [hbm4b:s3+s16], $0x40, s16, s16, $0xb8;
	[tilespmem:$0x1EC00] =	vst v63  }
0x28: {  	_ =	swait.ge [sflag:s19], $0x2000  }
0x29: {  	[sflag:s19] =	ssyncset.done $0x0  }
0x2a: {  	s29 =	simm.s32 $0xE00;
	[sflag:s19] =	ssyncadd.s32 $0xFFFFE000  }
0x2b: {  	[spmem:s1] =	stream.indirect.scatter.add.f32 [tilespmem:s17], [sflag:$0x3], $0x40, s29, s16, $0xb8;
	[tilespmem:$0x1EC00] =	vst v63  }
0x2c: {  	_ =	swait.ge [sflag:s14], $0x2000  }
0x2d: {  	[sflag:s14] =	ssyncset.done $0x0  }
0x2e: {  	s30 =	simm.s32 $0x100;
	[sflag:s14] =	ssyncadd.s32 $0xFFFFE000  }
0x2f: {  	[tilespmem:s17], [sflag:$0x1] =	stream.indirect.gather [hbm4b:s3+s16], $0x40, s30, s16, $0xb8;
	[tilespmem:$0x1EC00] =	vst v63  }
0x30: {  	_ =	swait.ge [sflag:s20], $0x2000  }
0x31: {  	[sflag:s20] =	ssyncset.done $0x0  }
0x32: {  	s31 =	simm.s32 $0xE80;
	[sflag:s20] =	ssyncadd.s32 $0xFFFFE000  }
0x33: {  	[spmem:s1] =	stream.indirect.scatter.add.f32 [tilespmem:s18], [sflag:$0x3], $0x40, s31, s16, $0xb8;
	[tilespmem:$0x1EC00] =	vst v63  }
0x34: {  	_ =	swait.ge [sflag:s14], $0x2000  }
0x35: {  	[sflag:s14] =	ssyncset.done $0x0  }
0x36: {  	s28 =	simm.s32 $0x180;
	s26 =	simm.s32 $0x400;
	[sflag:s14] =	ssyncadd.s32 $0xFFFFE000  }
.LBB2_3:
0x37: {  	[tilespmem:s18], [sflag:$0x2] =	stream.indirect.gather [hbm4b:s3+s16], $0x40, s28, s16, $0xb8;
	[tilespmem:$0x1EC00] =	vst v63  }
0x38: {  	s28 =	smov.u32 s26  }
0x39: {  	p1 =	sne.s32 s26, $0x3000;
	s26 =	sadd.s32 $0x400, s26;
	_ =	swait.ge [sflag:s19], $0x2000  }
0x3a: {  	s28 =	sshra.s32 s28, $0x2;
	[sflag:s19] =	ssyncset.done $0x0  }
0x3b: {  	s29 =	sadd.s32 $0xE00, s28;
	[sflag:s19] =	ssyncadd.s32 $0xFFFFE000  }
0x3c: {  	[spmem:s1] =	stream.indirect.scatter.add.f32 [tilespmem:s17], [sflag:$0x3], $0x40, s29, s16, $0xb8;
	[tilespmem:$0x1EC00] =	vst v63  }
0x3d: {  	_ =	swait.ge [sflag:s14], $0x2000  }
0x3e: {  	[sflag:s14] =	ssyncset.done $0x0  }
0x3f: {  	s29 =	sadd.s32 $0x100, s28;
	[sflag:s14] =	ssyncadd.s32 $0xFFFFE000  }
0x40: {  	[tilespmem:s17], [sflag:$0x1] =	stream.indirect.gather [hbm4b:s3+s16], $0x40, s29, s16, $0xb8;
	[tilespmem:$0x1EC00] =	vst v63  }
0x41: {  	_ =	swait.ge [sflag:s20], $0x2000  }
0x42: {  	[sflag:s20] =	ssyncset.done $0x0  }
.Ltmp0:
0x43: {  	s29 =	sadd.s32 $0xE80, s28;
	[sflag:s20] =	ssyncadd.s32 $0xFFFFE000;
	(pc) =	sbr.rel @p1 .LBB2_3-.Ltmp0, $4  }
0x44: {  	[spmem:s1] =	stream.indirect.scatter.add.f32 [tilespmem:s18], [sflag:$0x3], $0x40, s29, s16, $0xb8;
	[tilespmem:$0x1EC00] =	vst v63  }
0x45: {  	_ =	swait.ge [sflag:s14], $0x2000  }
0x46: {  	[sflag:s14] =	ssyncset.done $0x0  }
0x47: {  	s28 =	sadd.s32 $0x180, s28;
	[sflag:s14] =	ssyncadd.s32 $0xFFFFE000  }
0x48: {  	[tilespmem:s18], [sflag:$0x2] =	stream.indirect.gather [hbm4b:s3+s16], $0x40, s28, s16, $0xb8;
	[tilespmem:$0x1EC00] =	vst v63  }
0x49: {  	_ =	swait.ge [sflag:s19], $0x2000  }
0x4a: {  	[sflag:s19] =	ssyncset.done $0x0  }
0x4b: {  	[sflag:s19] =	ssyncadd.s32 $0xFFFFE000  }
0x4c: {  	[spmem:s1] =	stream.indirect.scatter.add.f32 [tilespmem:s17], [sflag:$0x3], $0x40, s21, s16, $0xb8;
	[tilespmem:$0x1EC00] =	vst v63  }
0x4d: {  	_ =	swait.ge [sflag:s14], $0x2000  }
0x4e: {  	[sflag:s14] =	ssyncset.done $0x0  }
0x4f: {  	[sflag:s14] =	ssyncadd.s32 $0xFFFFE000  }
0x50: {  	s25 =	sadd.s32 $0x1, s25;
	_ =	swait.ge [sflag:s20], $0x2000  }
0x51: {  	p1 =	sne.s32 s25, $0xE;
	[sflag:s20] =	ssyncset.done $0x0  }
.Ltmp1:
0x52: {  	[sflag:s20] =	ssyncadd.s32 $0xFFFFE000;
	(pc) =	sbr.rel @p1 .LBB2_2-.Ltmp1, $4  }
0x53: {  	[spmem:s1] =	stream.indirect.scatter.add.f32 [tilespmem:s18], [sflag:$0x3], $0x40, s22, s16, $0xb8;
	[tilespmem:$0x1EC00] =	vst v63  }
0x54: {  	_ =	swait.ge [sflag:s14], $0x2000  }
0x55: {  	[sflag:s14] =	ssyncset.done $0x0  }
0x56: {  	[sflag:s14] =	ssyncadd.s32 $0xFFFFE000  }
0x57: {  	[bflag:$0x0] =	sbarrier.arrive $0xFFFF  }
0x58: {  	[hbm:s10], [sflag:s8] =	dma.local [spmem:s23], $0x30C0  }
0x59: {  	s2 =	sadd.s32 $0x1, s2;
	_ =	swait.ge [sflag:s14], $0x30C0  }
0x5a: {  	p1 =	sne.s32 s2, s12;
	[sflag:s14] =	ssyncset.done $0x0  }
.Ltmp2:
0x5b: {  	s25 =	simm.s32 @!p0 $0x3;
	[sflag:s14] =	ssyncadd.s32 $0xFFFFCF40;
	(pc) =	sbr.rel @p1 .LBB2_1-.Ltmp2, $4  }
0x5c: {  	[hbm:s11], [sflag:s8] =	dma.local @!p0 [spmem:s24], $0x140  }
0x5d: {  	_ =	swait.ge @!p0 [sflag:s25], $0x140  }
0x5e: {  	[sflag:s25] =	ssyncset.done @!p0 $0x0  }
0x5f: {  	[sflag:s25] =	ssyncadd.s32 @!p0 $0xFFFFFEC0  }
0x60: {  	_ =	sfence.sel $0x180000  }
0x61: {  	[bflag:$0x0] =	sbarrier.arrive $0xFFFF  }
0x62: {  	_ =	strace $0x90000050  }
0x63: {  	s0 =	sadd.s32 @!p0 $0x100000, s0;
	[bflag:$0x2] =	sbarrier.arrive $0xFFFF  }
0x64: {  	[sflag:s0] =	ssyncadd.tile.s32 @!p0 $0x1;
	_ =	shalt  }
.Lfunc_end2:
_tile_overlayer_lowered:
.L_overlay_start_2:
0x65: {  	(tag) =	ssettag $0x2  }
0x66: {  	s0 =	rddreg [dreg:$0x0];
	s2 =	stileid.u32  }
0x67: {  	s1 =	rddreg [dreg:$0x1];
	p0 =	sne.s32 s2, $0x0  }
0x68: {  	s3 =	rddreg [dreg:$0x2];
	[bflag:$0x3] =	sbarrier.arrive $0xFFFF;
	s2 =	simm.s32 @!p0 $0x1C03  }
0x69: {  	[timem:s3], [sflag:s2] =	dma.local @!p0 [hbm:s0], s1  }
0x6a: {  	s0 =	simm.s32 @!p0 $0x3  }
0x6b: {  	_ =	swait.ge @!p0 [sflag:s0], s1  }
0x6c: {  	s1 =	ssub.s32 @!p0 $0x0, s1;
	[sflag:s0] =	ssyncset.done @!p0 $0x0  }
0x6d: {  	[sflag:s0] =	ssyncadd.s32 @!p0 s1  }
0x6e: {  	[bflag:$0x3] =	sbarrier.arrive $0xFFFF  }
0x6f: {  	_ =	shalt  }

// kernel: kernel.28.cloned.1.call-start
scs
__scs_entry_jumppad:
0x0: {  	(pc) =	sbr.rel $0x88, $3  }
0x1: {  	(tag) =	ssettag $0x0;
	lr =	simm.s32 $0x1  }
0x2: {  	[smem:$0x3F4B] =	sst lr;
	_ =	strace $0xD0000000  }
0x3: {  	_ = 	snop  }
0x4: {  	_ = 	snop  }
0x5: {  	_ = 	snop  }
0x6: {  	_ = 	snop  }
0x7: {  	_ = 	snop  }
__scs_overlays_trampoline_lowered:
0x8: {  	[smem:$0x3F5A] =	sst s0  }
0x9: {  	[smem:$0x3F5B] =	sst s1  }
0xa: {  	[smem:$0x3F5C] =	sst s2  }
0xb: {  	[smem:$0x3F5D] =	sst s3  }
0xc: {  	[smem:$0x3F5E] =	sst s4  }
0xd: {  	[smem:$0x3F5F] =	sst s5  }
0xe: {  	[smem:$0x3F60] =	sst s6  }
0xf: {  	[smem:$0x3F61] =	sst s7  }
0x10: {  	[smem:$0x3F62] =	sst s8  }
0x11: {  	[smem:$0x3F63] =	sst s9;
	s0 =	simm.s32 @!p0 $0x0  }
0x12: {  	s1 =	sld [smem:$0x3F49];
	s0 =	simm.s32 @p0 $0x1  }
0x13: {  	[smem:$0x3F64] =	sst s0;
	s0 =	simm.s32 @!p1 $0x0  }
0x14: {  	s2 =	sld [smem:$0x3F48];
	s0 =	simm.s32 @p1 $0x1  }
0x15: {  	[smem:$0x3F65] =	sst s0;
	s0 =	simm.s32 @!p2 $0x0  }
0x16: {  	s3 =	sld [smem:$0x3FDB];
	s0 =	simm.s32 @p2 $0x1  }
0x17: {  	s4 =	simm.s32 $0x1BF5;
	[smem:$0x3F67] =	sst s0  }
0x18: {  	s0 =	sld [smem:$0x3F4A];
	_ =	swait.ge [sflag:s4], $0x0  }
0x19: {  	s7 =	sld [smem:$0x3F4B]  }
0x1a: {  	s8 =	sadd.s32 $0xFFFFE003, lr  }
0x1b: {  	s9 =	sadd.s32 $0xFFFFFEF7, lr;
	s5 =	simm.s32 $0xFFFFFFFF;
	p2 =	slt.u32 s8, $0xFFFFF086  }
0x1c: {  	p1 =	slt.u32 s9, $0xF7A;
	s5 =	simm.s32 @!p2 $0x0  }
0x1d: {  	s5 =	simm.s32 @p1 $0x1;
	p0 =	seq.s32 s7, s2  }
0x1e: {  	s7 =	smul.u32 @!p0 $0xF7A, s2;
	p2 =	seq.s32 @!p0 s5, $0x0  }
0x1f: {  	s9 =	smul.u32 $0xF7A, s1;
	s8 =	simm.s32 @!p0 $0x1BF5;
	p2 =	por !p2, p0  }
0x20: {  	[sflag:s8] =	ssyncset.s32 @!p0 $0xFFFFF086;
	s6 =	sadd.s32 @!p0 s3, s7;
	s7 =	simm.s32 @!p0 $0x108  }
0x21: {  	s3 =	sadd.s32 s3, s9;
	s6 =	sadd.s32 @!p0 $0x88, s6;
	s7 =	simm.s32 @p2 $0x1082  }
0x22: {  	[simem:s7], [sflag:s8] =	dma.local @!p0 [hbm:s6], $0xF7A  }
0x23: {  	s9 =	sor.u32 $0xD0000000, s2;
	s6 =	simm.s32 $0x108;
	_ =	swait.ge @!p0 [sflag:s8], $0x0  }
0x24: {  	s3 =	sadd.s32 $0x88, s3;
	s6 =	simm.s32 @!p1 $0x1082;
	[sflag:s4] =	ssyncset.s32 $0xFFFFF086  }
0x25: {  	[simem:s6], [sflag:s4] =	dma.local [hbm:s3], $0xF7A  }
0x26: {  	[smem:$0x3F4B] =	sst s1;
	(tag) =	ssettag s2;
	_ =	strace s9  }
0x27: {  	s1 =	sld [smem:$0x3F5B]  }
0x28: {  	s2 =	sld [smem:$0x3F5C]  }
0x29: {  	s4 =	sld [smem:$0x3F5E]  }
0x2a: {  	p0 =	seq.s32 s5, $0x0;
	s5 =	sld [smem:$0x3F5F]  }
0x2b: {  	s6 =	sld [smem:$0x3F60]  }
0x2c: {  	s7 =	sld [smem:$0x3F61]  }
0x2d: {  	s3 =	simm.s32 $0x108;
	s8 =	sld [smem:$0x3F62]  }
0x2e: {  	s3 =	simm.s32 @!p0 $0x1082;
	s9 =	sld [smem:$0x3F63]  }
0x2f: {  	lr =	sadd.s32 s0, s3;
	s0 =	sld [smem:$0x3F5A]  }
0x30: {  	s3 =	sld [smem:$0x3F5D]  }
0x31: {  	[smem:$0x3F66] =	sst s10  }
0x32: {  	s10 =	sld [smem:$0x3F64];
	_ =	sdelay $0x3  }
0x33: {  	p0 =	seq.s32 s10, $0x1;
	s10 =	sld [smem:$0x3F66];
	_ =	sdelay $0x3  }
0x34: {  	[smem:$0x3F66] =	sst s10  }
0x35: {  	s10 =	sld [smem:$0x3F65];
	_ =	sdelay $0x3  }
0x36: {  	p1 =	seq.s32 s10, $0x1;
	s10 =	sld [smem:$0x3F66];
	_ =	sdelay $0x3  }
0x37: {  	[smem:$0x3F66] =	sst s10  }
0x38: {  	s10 =	sld [smem:$0x3F67]  }
0x39: {  	_ = 	snop;
	(pc) =	sbr.ind lr, $3  }
0x3a: {  	_ = 	snop  }
0x3b: {  	_ = 	snop  }
0x3c: {  	p2 =	seq.s32 s10, $0x1;
	s10 =	sld [smem:$0x3F66]  }
0x3d: {  	_ =	shalt  }
0x3e: {  	_ =	shalt  }
0x3f: {  	_ =	shalt  }
0x40: {  	_ =	shalt  }
0x41: {  	_ =	shalt  }
0x42: {  	_ =	shalt  }
0x43: {  	_ =	shalt  }
0x44: {  	_ =	shalt  }
0x45: {  	_ =	shalt  }
0x46: {  	_ =	shalt  }
0x47: {  	_ =	shalt  }
0x48: {  	_ =	shalt  }
0x49: {  	_ =	shalt  }
0x4a: {  	_ =	shalt  }
0x4b: {  	_ =	shalt  }
0x4c: {  	_ =	shalt  }
0x4d: {  	_ =	shalt  }
0x4e: {  	_ =	shalt  }
0x4f: {  	_ =	shalt  }
0x50: {  	_ =	shalt  }
0x51: {  	_ =	shalt  }
0x52: {  	_ =	shalt  }
0x53: {  	_ =	shalt  }
0x54: {  	_ =	shalt  }
0x55: {  	_ =	shalt  }
0x56: {  	_ =	shalt  }
0x57: {  	_ =	shalt  }
0x58: {  	_ =	shalt  }
0x59: {  	_ =	shalt  }
0x5a: {  	_ =	shalt  }
0x5b: {  	_ =	shalt  }
0x5c: {  	_ =	shalt  }
0x5d: {  	_ =	shalt  }
0x5e: {  	_ =	shalt  }
0x5f: {  	_ =	shalt  }
0x60: {  	_ =	shalt  }
0x61: {  	_ =	shalt  }
0x62: {  	_ =	shalt  }
0x63: {  	_ =	shalt  }
0x64: {  	_ =	shalt  }
0x65: {  	_ =	shalt  }
0x66: {  	_ =	shalt  }
0x67: {  	_ =	shalt  }
0x68: {  	_ =	shalt  }
0x69: {  	_ =	shalt  }
0x6a: {  	_ =	shalt  }
0x6b: {  	_ =	shalt  }
0x6c: {  	_ =	shalt  }
0x6d: {  	_ =	shalt  }
0x6e: {  	_ =	shalt  }
0x6f: {  	_ =	shalt  }
0x70: {  	_ =	shalt  }
0x71: {  	_ =	shalt  }
0x72: {  	_ =	shalt  }
0x73: {  	_ =	shalt  }
0x74: {  	_ =	shalt  }
0x75: {  	_ =	shalt  }
0x76: {  	_ =	shalt  }
0x77: {  	_ =	shalt  }
0x78: {  	_ =	shalt  }
0x79: {  	_ =	shalt  }
0x7a: {  	_ =	shalt  }
0x7b: {  	_ =	shalt  }
0x7c: {  	_ =	shalt  }
0x7d: {  	_ =	shalt  }
0x7e: {  	_ =	shalt  }
0x7f: {  	_ =	shalt  }
0x80: {  	_ =	shalt  }
0x81: {  	_ =	shalt  }
0x82: {  	_ =	shalt  }
0x83: {  	_ =	shalt  }
0x84: {  	_ =	shalt  }
0x85: {  	_ =	shalt  }
0x86: {  	_ =	shalt  }
0x87: {  	_ =	shalt  }
.Lfunc_end0:
.L_simem_size_0:
called_computation.4_lowered:
.L_overlay_start_0:
0x88: {  	s2 =	sld [smem:$0x3FD9]  }
0x89: {  	s3 =	sld [smem:$0x3FFE];
	_ =	sdelay $0x1  }
0x8a: {  	s1 =	srdreg.scid  }
0x8b: {  	s0 =	sand.u32 $0x1, s1  }
0x8c: {  	s16 =	sshll.u32 s0, $0xA;
	s2 =	sadd.s32 s3, s2  }
0x8d: {  	s2 =	sadd.s32 s2, s16  }
0x8e: {  	[smem:$0x3F72] =	sst s2  }
0x8f: {  	_ = 	snop  }
0x90: {  	(tm) =	ssettm $0x1  }
0x91: {  	s17 =	sld [smem:$0x3FFB];
	_ =	sdelay $0x3  }
0x92: {  	_ =	strace s17  }
0x93: {  	s2 =	sld [smem:$0x3FFC];
	_ =	sdelay $0x3  }
0x94: {  	_ =	strace s2  }
0x95: {  	s2 =	sld [smem:$0x3FFD];
	_ =	sdelay $0x3  }
0x96: {  	_ =	strace s2  }
0x97: {  	_ =	strace $0x8FFFFFFF  }
0x98: {  	s18 =	sld [smem:$0x3FDB];
	_ =	sdelay $0x1  }
0x99: {  	s19 =	simm.s32 $_scs_section_size  }
0x9a: {  	s4 =	simm.s32 $_size__tile_overlayer_lowered;
	s5 =	simm.s32 $_tile_overlayer_lowered  }
0x9b: {  	s22 =	simm.s32 $0x1BFF;
	s21 =	sshll.u32 s5, $0x1;
	s2 =	sadd.s32 s19, s18  }
0x9c: {  	s6 =	simm.s32 $0x0;
	s20 =	sshll.u32 s4, $0x1;
	s4 =	sadd.s32 s21, s2  }
0x9d: {  	[timem:s6], [sflag:s22] =	dma.local [hbm:s4], s20  }
0x9e: {  	_ =	swait.ge [sflag:s22], s20  }
0x9f: {  	s3 =	ssub.s32 $0x0, s20;
	[sflag:s22] =	ssyncset.done $0x0  }
0xa0: {  	[sflag:s22] =	ssyncadd.s32 s3;
	_ =	sdelay $0x1  }
0xa1: {  	s23 =	simm.s32 $0x1B8B  }
0xa2: {  	_ =	swait.ge [sflag:s23], $0x1  }
0xa3: {  	[sflag:s23] =	ssyncset.done $0x0  }
0xa4: {  	s25 =	simm.s32 $0x1B8E;
	s24 =	sld [smem:$0x3FFE];
	[sflag:s23] =	ssyncadd.s32 $0xFFFFFFFF  }
0xa5: {  	s26 =	simm.s32 $execute0_lowered;
	[smem:$0x3FD2] =	sst s25  }
0xa6: {  	s4 =	sshll.u32 s26, $0x1;
	_ =	strace $0x80000052;
	[dreg:$0x1] =	wrdreg $0xFFFFFFFF  }
0xa7: {  	s28 =	simm.s32 $_size_execute0_lowered;
	s2 =	sadd.s32 s2, s4;
	[dreg:$0x0] =	wrdreg $0x0  }
0xa8: {  	s4 =	sshll.u32 s28, $0x1;
	[dreg:$0x2] =	wrdreg s2  }
0xa9: {  	[dreg:$0x3] =	wrdreg s4  }
0xaa: {  	[dreg:$0x4] =	wrdreg $0xC0  }
0xab: {  	_ =	task [dreg:s6], $0x5FFFF  }
0xac: {  	[dreg:$0x1] =	wrdreg $0xFFFFFFFF  }
0xad: {  	[dreg:$0x0] =	wrdreg $0x60  }
0xae: {  	[dreg:$0x2] =	wrdreg s24  }
0xaf: {  	[dreg:$0x3] =	wrdreg $0x5C000  }
0xb0: {  	[dreg:$0x4] =	wrdreg $0x9  }
0xb1: {  	_ =	task.clear_ibuf [dreg:s6], $0x5FFFF;
	_ =	strace $0x90000052  }
0xb2: {  	s29 =	simm.s32 $0x9;
	_ =	strace $0x80000054  }
0xb3: {  	_ =	swait.ge [sflag:s29], $0x1  }
0xb4: {  	[sflag:s29] =	ssyncadd.s32 $0xFFFFFFFF  }
0xb5: {  	_ =	strace $0x90000054  }
0xb6: {  	_ =	sfence  }
0xb7: {  	s30 =	sld [smem:$0x0];
	_ =	sdelay $0x2  }
0xb8: {  	s31 =	sshll.u32 s1, $0xD;
	s1 =	sshrl.u32 s1, $0x2  }
0xb9: {  	s3 =	sand.u32 $0x4000, s31;
	s1 =	sadd.s32 s1, s30  }
0xba: {  	s0 =	sor.u32 s3, s0;
	s1 =	sshll.u32 s1, $0x11  }
0xbb: {  	s0 =	sor.u32 s1, s0  }
0xbc: {  	s0 =	sadd.s32 $0x8F2B, s0  }
0xbd: {  	[sflag:s0] =	ssyncadd.remote.s32 $0x1  }
0xbe: {  	_ =	sfence.sel $0xFFFF  }
0xbf: {  	[dreg:$0x0] =	wrdreg $0xFFFFFFFF;
	(pc) =	sbr.abs _section_cstart, $3  }
0xc0: {  	[dreg:$0x1] =	wrdreg $0xFFFFFFFF  }
0xc1: {  	_ =	task.clear_ibuf [dreg:s6], $0x2FFFF;
	_ =	strace $0x9FFFFFFF  }
0xc2: {  	(tm) =	ssettm $0x7FFFFFFF  }
0xc3: {  	_ =	shalt  }
tec
execute0_lowered:
.L_overlay_start_1:
0x0: {  	(tag) =	ssettag $0x1  }
0x1: {  	s7 =	rddreg [dreg:$0x0]  }
0x2: {  	s1 =	rddreg [dreg:$0x1]  }
0x3: {  	s0 =	rddreg [dreg:$0x2];
	s2 =	simm.s32 $0x0  }
0x4: {  	s22 =	stileid.u32;
	s5 =	srdreg.scid;
	s18 =	simm.s32 $0x3C00  }
0x5: {  	s19 =	simm.s32 $0x1;
	s20 =	simm.s32 $0x2;
	s21 =	simm.s32 $0x1B00  }
0x6: {  	[smem:$0x7FF] =	sst s2;
	s3 =	sadd.s32 $0xD800, s7;
	s8 =	smul.u32 $0x19000, s22  }
0x7: {  	s4 =	sadd.s32 $0x6F400, s7;
	s9 =	sand.u32 $0x1, s5;
	s5 =	smul.u32 $0xC400, s22  }
0x8: {  	s6 =	sadd.s32 $0x87C00, s7;
	s14 =	sadd.s32 $0xB8C00, s7;
	s15 =	smul.u32 $0x30C0, s22  }
0x9: {  	s28 =	sshll.u32 s22, $0x6;
	s29 =	smul.u32 $0x61800, s22;
	s24 =	sadd.s32 $0x186000, s1  }
0xa: {  	p0 =	sne.s32 s22, $0x0;
	s22 =	simm.s32 $0x1B80;
	s11 =	smul.u32 $0xC4000, s9  }
0xb: {  	_ =	strace $0x80000053;
	s12 =	ssub.s32 $0x2, s9;
	s13 =	smul.u32 $0x30D40, s9  }
0xc: {  	s17 =	smul.u32 $0x186A00, s9;
	s24 =	sshrl.u32 @!p0 s24, $0x3;
	s10 =	sshrl.u32 s8, $0x3  }
0xd: {  	s26 =	sshrl.u32 s12, $0x1;
	s16 =	sadd.s32 s8, s1;
	s8 =	sor.u32 $0x1C03, s28  }
0xe: {  	s31 =	sshrl.u32 s29, $0x2;
	s10 =	sadd.s32 s10, s7;
	s12 =	ssub.s32 s12, s26  }
0xf: {  	s9 =	sadd.s32 s11, s5;
	s30 =	sshrl.u32 s17, $0x3;
	s13 =	sadd.s32 s15, s13  }
0x10: {  	s23 =	sadd.s32 s31, s1;
	s15 =	simm.s32 $0xE00;
	s17 =	simm.s32 $0x1C00  }
0x11: {  	s7 =	sadd.s32 $0x194400, s10;
	s11 =	sadd.s32 s14, s30;
	s10 =	sadd.s32 s14, s13  }
0x12: {  	s12 =	smax.u32 s12, $0x1;
	s13 =	sshrl.u32 s16, $0x3;
	s14 =	simm.s32 $0x3  }
0x13: {  	s16 =	simm.s32 $0x80;
	s23 =	sshrl.u32 s23, $0x3;
	s11 =	sadd.s32 $0x30C00, s11  }
.LBB2_1:
0x14: {  	[spmem:s13], [sflag:s8] =	dma.local [hbm:s7], $0x3200  }
0x15: {  	_ =	swait.ge [sflag:s14], $0x3200  }
0x16: {  	[sflag:s14] =	ssyncset.done $0x0  }
0x17: {  	[sflag:s14] =	ssyncadd.s32 $0xFFFFCE00  }
0x18: {  	s25 =	simm.s32 $0x0;
	[bflag:$0x0] =	sbarrier.arrive $0xFFFF  }
.LBB2_2:
0x19: {  	s26 =	smul.u32 $0xE00, s25;
	_ =	sdelay $0x1  }
0x1a: {  	s28 =	sadd.s32 s5, s26  }
0x1b: {  	s28 =	sshrl.u32 s28, $0x3  }
0x1c: {  	s29 =	simm.s32 $0x0;
	s28 =	sadd.s32 s4, s28  }
0x1d: {  	[tilespmem:s29], [sflag:$0x3] =	stream.linear.gather [hbm4b:s28+s29], $0xE00, $0x38;
	[tilespmem:$0x1EC00] =	vst v63  }
0x1e: {  	s26 =	sadd.s32 s9, s26;
	_ =	swait.ge [sflag:s14], $0xE00  }
0x1f: {  	s26 =	sshrl.u32 s26, $0x3;
	[sflag:s14] =	ssyncset.done $0x0  }
0x20: {  	s26 =	sadd.s32 s6, s26;
	[sflag:s14] =	ssyncadd.s32 $0xFFFFF200  }
0x21: {  	[tilespmem:s15], [sflag:$0x3] =	stream.linear.gather [hbm4b:s26+s29], $0xE00, $0x38;
	[tilespmem:$0x1EC00] =	vst v63  }
0x22: {  	_ =	swait.ge [sflag:s14], $0xE00  }
0x23: {  	[sflag:s14] =	ssyncset.done $0x0  }
0x24: {  	[sflag:s14] =	ssyncadd.s32 $0xFFFFF200  }
0x25: {  	[tilespmem:s17], [sflag:$0x1] =	stream.indirect.gather [hbm4b:s3+s16], $0x40, s29, s16, $0xb8;
	[tilespmem:$0x1EC00] =	vst v63  }
0x26: {  	_ = 	snop  }
0x27: {  	[tilespmem:s18], [sflag:$0x2] =	stream.indirect.gather [hbm4b:s3+s16], $0x40, s16, s16, $0xb8;
	[tilespmem:$0x1EC00] =	vst v63  }
0x28: {  	_ =	swait.ge [sflag:s19], $0x2000  }
0x29: {  	[sflag:s19] =	ssyncset.done $0x0  }
0x2a: {  	s29 =	simm.s32 $0xE00;
	[sflag:s19] =	ssyncadd.s32 $0xFFFFE000  }
0x2b: {  	[spmem:s1] =	stream.indirect.scatter.add.f32 [tilespmem:s17], [sflag:$0x3], $0x40, s29, s16, $0xb8;
	[tilespmem:$0x1EC00] =	vst v63  }
0x2c: {  	_ =	swait.ge [sflag:s14], $0x2000  }
0x2d: {  	[sflag:s14] =	ssyncset.done $0x0  }
0x2e: {  	s30 =	simm.s32 $0x100;
	[sflag:s14] =	ssyncadd.s32 $0xFFFFE000  }
0x2f: {  	[tilespmem:s17], [sflag:$0x1] =	stream.indirect.gather [hbm4b:s3+s16], $0x40, s30, s16, $0xb8;
	[tilespmem:$0x1EC00] =	vst v63  }
0x30: {  	_ =	swait.ge [sflag:s20], $0x2000  }
0x31: {  	[sflag:s20] =	ssyncset.done $0x0  }
0x32: {  	s31 =	simm.s32 $0xE80;
	[sflag:s20] =	ssyncadd.s32 $0xFFFFE000  }
0x33: {  	[spmem:s1] =	stream.indirect.scatter.add.f32 [tilespmem:s18], [sflag:$0x3], $0x40, s31, s16, $0xb8;
	[tilespmem:$0x1EC00] =	vst v63  }
0x34: {  	_ =	swait.ge [sflag:s14], $0x2000  }
0x35: {  	[sflag:s14] =	ssyncset.done $0x0  }
0x36: {  	s28 =	simm.s32 $0x180;
	s26 =	simm.s32 $0x400;
	[sflag:s14] =	ssyncadd.s32 $0xFFFFE000  }
.LBB2_3:
0x37: {  	[tilespmem:s18], [sflag:$0x2] =	stream.indirect.gather [hbm4b:s3+s16], $0x40, s28, s16, $0xb8;
	[tilespmem:$0x1EC00] =	vst v63  }
0x38: {  	s28 =	smov.u32 s26  }
0x39: {  	p1 =	sne.s32 s26, $0x3000;
	s26 =	sadd.s32 $0x400, s26;
	_ =	swait.ge [sflag:s19], $0x2000  }
0x3a: {  	s28 =	sshra.s32 s28, $0x2;
	[sflag:s19] =	ssyncset.done $0x0  }
0x3b: {  	s29 =	sadd.s32 $0xE00, s28;
	[sflag:s19] =	ssyncadd.s32 $0xFFFFE000  }
0x3c: {  	[spmem:s1] =	stream.indirect.scatter.add.f32 [tilespmem:s17], [sflag:$0x3], $0x40, s29, s16, $0xb8;
	[tilespmem:$0x1EC00] =	vst v63  }
0x3d: {  	_ =	swait.ge [sflag:s14], $0x2000  }
0x3e: {  	[sflag:s14] =	ssyncset.done $0x0  }
0x3f: {  	s29 =	sadd.s32 $0x100, s28;
	[sflag:s14] =	ssyncadd.s32 $0xFFFFE000  }
0x40: {  	[tilespmem:s17], [sflag:$0x1] =	stream.indirect.gather [hbm4b:s3+s16], $0x40, s29, s16, $0xb8;
	[tilespmem:$0x1EC00] =	vst v63  }
0x41: {  	_ =	swait.ge [sflag:s20], $0x2000  }
0x42: {  	[sflag:s20] =	ssyncset.done $0x0  }
.Ltmp0:
0x43: {  	s29 =	sadd.s32 $0xE80, s28;
	[sflag:s20] =	ssyncadd.s32 $0xFFFFE000;
	(pc) =	sbr.rel @p1 .LBB2_3-.Ltmp0, $4  }
0x44: {  	[spmem:s1] =	stream.indirect.scatter.add.f32 [tilespmem:s18], [sflag:$0x3], $0x40, s29, s16, $0xb8;
	[tilespmem:$0x1EC00] =	vst v63  }
0x45: {  	_ =	swait.ge [sflag:s14], $0x2000  }
0x46: {  	[sflag:s14] =	ssyncset.done $0x0  }
0x47: {  	s28 =	sadd.s32 $0x180, s28;
	[sflag:s14] =	ssyncadd.s32 $0xFFFFE000  }
0x48: {  	[tilespmem:s18], [sflag:$0x2] =	stream.indirect.gather [hbm4b:s3+s16], $0x40, s28, s16, $0xb8;
	[tilespmem:$0x1EC00] =	vst v63  }
0x49: {  	_ =	swait.ge [sflag:s19], $0x2000  }
0x4a: {  	[sflag:s19] =	ssyncset.done $0x0  }
0x4b: {  	[sflag:s19] =	ssyncadd.s32 $0xFFFFE000  }
0x4c: {  	[spmem:s1] =	stream.indirect.scatter.add.f32 [tilespmem:s17], [sflag:$0x3], $0x40, s21, s16, $0xb8;
	[tilespmem:$0x1EC00] =	vst v63  }
0x4d: {  	_ =	swait.ge [sflag:s14], $0x2000  }
0x4e: {  	[sflag:s14] =	ssyncset.done $0x0  }
0x4f: {  	[sflag:s14] =	ssyncadd.s32 $0xFFFFE000  }
0x50: {  	s25 =	sadd.s32 $0x1, s25;
	_ =	swait.ge [sflag:s20], $0x2000  }
0x51: {  	p1 =	sne.s32 s25, $0xE;
	[sflag:s20] =	ssyncset.done $0x0  }
.Ltmp1:
0x52: {  	[sflag:s20] =	ssyncadd.s32 $0xFFFFE000;
	(pc) =	sbr.rel @p1 .LBB2_2-.Ltmp1, $4  }
0x53: {  	[spmem:s1] =	stream.indirect.scatter.add.f32 [tilespmem:s18], [sflag:$0x3], $0x40, s22, s16, $0xb8;
	[tilespmem:$0x1EC00] =	vst v63  }
0x54: {  	_ =	swait.ge [sflag:s14], $0x2000  }
0x55: {  	[sflag:s14] =	ssyncset.done $0x0  }
0x56: {  	[sflag:s14] =	ssyncadd.s32 $0xFFFFE000  }
0x57: {  	[bflag:$0x0] =	sbarrier.arrive $0xFFFF  }
0x58: {  	[hbm:s10], [sflag:s8] =	dma.local [spmem:s23], $0x30C0  }
0x59: {  	s2 =	sadd.s32 $0x1, s2;
	_ =	swait.ge [sflag:s14], $0x30C0  }
0x5a: {  	p1 =	sne.s32 s2, s12;
	[sflag:s14] =	ssyncset.done $0x0  }
.Ltmp2:
0x5b: {  	s25 =	simm.s32 @!p0 $0x3;
	[sflag:s14] =	ssyncadd.s32 $0xFFFFCF40;
	(pc) =	sbr.rel @p1 .LBB2_1-.Ltmp2, $4  }
0x5c: {  	[hbm:s11], [sflag:s8] =	dma.local @!p0 [spmem:s24], $0x140  }
0x5d: {  	_ =	swait.ge @!p0 [sflag:s25], $0x140  }
0x5e: {  	[sflag:s25] =	ssyncset.done @!p0 $0x0  }
0x5f: {  	[sflag:s25] =	ssyncadd.s32 @!p0 $0xFFFFFEC0  }
0x60: {  	_ =	sfence.sel $0x180000  }
0x61: {  	[bflag:$0x0] =	sbarrier.arrive $0xFFFF  }
0x62: {  	_ =	strace $0x90000053  }
0x63: {  	s0 =	sadd.s32 @!p0 $0x100000, s0;
	[bflag:$0x2] =	sbarrier.arrive $0xFFFF  }
0x64: {  	[sflag:s0] =	ssyncadd.tile.s32 @!p0 $0x1;
	_ =	shalt  }
.Lfunc_end2:
_tile_overlayer_lowered:
.L_overlay_start_2:
0x65: {  	(tag) =	ssettag $0x2  }
0x66: {  	s0 =	rddreg [dreg:$0x0];
	s2 =	stileid.u32  }
0x67: {  	s1 =	rddreg [dreg:$0x1];
	p0 =	sne.s32 s2, $0x0  }
0x68: {  	s3 =	rddreg [dreg:$0x2];
	[bflag:$0x3] =	sbarrier.arrive $0xFFFF;
	s2 =	simm.s32 @!p0 $0x1C03  }
0x69: {  	[timem:s3], [sflag:s2] =	dma.local @!p0 [hbm:s0], s1  }
0x6a: {  	s0 =	simm.s32 @!p0 $0x3  }
0x6b: {  	_ =	swait.ge @!p0 [sflag:s0], s1  }
0x6c: {  	s1 =	ssub.s32 @!p0 $0x0, s1;
	[sflag:s0] =	ssyncset.done @!p0 $0x0  }
0x6d: {  	[sflag:s0] =	ssyncadd.s32 @!p0 s1  }
0x6e: {  	[bflag:$0x3] =	sbarrier.arrive $0xFFFF  }
0x6f: {  	_ =	shalt  }

// kernel: kernel.31.cloned.1.call-start
scs
__scs_entry_jumppad:
0x0: {  	(pc) =	sbr.rel $0x88, $3  }
0x1: {  	(tag) =	ssettag $0x0;
	lr =	simm.s32 $0x1  }
0x2: {  	[smem:$0x3F4B] =	sst lr;
	_ =	strace $0xD0000000  }
0x3: {  	_ = 	snop  }
0x4: {  	_ = 	snop  }
0x5: {  	_ = 	snop  }
0x6: {  	_ = 	snop  }
0x7: {  	_ = 	snop  }
__scs_overlays_trampoline_lowered:
0x8: {  	[smem:$0x3F5A] =	sst s0  }
0x9: {  	[smem:$0x3F5B] =	sst s1  }
0xa: {  	[smem:$0x3F5C] =	sst s2  }
0xb: {  	[smem:$0x3F5D] =	sst s3  }
0xc: {  	[smem:$0x3F5E] =	sst s4  }
0xd: {  	[smem:$0x3F5F] =	sst s5  }
0xe: {  	[smem:$0x3F60] =	sst s6  }
0xf: {  	[smem:$0x3F61] =	sst s7  }
0x10: {  	[smem:$0x3F62] =	sst s8  }
0x11: {  	[smem:$0x3F63] =	sst s9;
	s0 =	simm.s32 @!p0 $0x0  }
0x12: {  	s1 =	sld [smem:$0x3F49];
	s0 =	simm.s32 @p0 $0x1  }
0x13: {  	[smem:$0x3F64] =	sst s0;
	s0 =	simm.s32 @!p1 $0x0  }
0x14: {  	s2 =	sld [smem:$0x3F48];
	s0 =	simm.s32 @p1 $0x1  }
0x15: {  	[smem:$0x3F65] =	sst s0;
	s0 =	simm.s32 @!p2 $0x0  }
0x16: {  	s3 =	sld [smem:$0x3FDB];
	s0 =	simm.s32 @p2 $0x1  }
0x17: {  	s4 =	simm.s32 $0x1BF5;
	[smem:$0x3F67] =	sst s0  }
0x18: {  	s0 =	sld [smem:$0x3F4A];
	_ =	swait.ge [sflag:s4], $0x0  }
0x19: {  	s7 =	sld [smem:$0x3F4B]  }
0x1a: {  	s8 =	sadd.s32 $0xFFFFE003, lr  }
0x1b: {  	s9 =	sadd.s32 $0xFFFFFEF7, lr;
	s5 =	simm.s32 $0xFFFFFFFF;
	p2 =	slt.u32 s8, $0xFFFFF086  }
0x1c: {  	p1 =	slt.u32 s9, $0xF7A;
	s5 =	simm.s32 @!p2 $0x0  }
0x1d: {  	s5 =	simm.s32 @p1 $0x1;
	p0 =	seq.s32 s7, s2  }
0x1e: {  	s7 =	smul.u32 @!p0 $0xF7A, s2;
	p2 =	seq.s32 @!p0 s5, $0x0  }
0x1f: {  	s9 =	smul.u32 $0xF7A, s1;
	s8 =	simm.s32 @!p0 $0x1BF5;
	p2 =	por !p2, p0  }
0x20: {  	[sflag:s8] =	ssyncset.s32 @!p0 $0xFFFFF086;
	s6 =	sadd.s32 @!p0 s3, s7;
	s7 =	simm.s32 @!p0 $0x108  }
0x21: {  	s3 =	sadd.s32 s3, s9;
	s6 =	sadd.s32 @!p0 $0x88, s6;
	s7 =	simm.s32 @p2 $0x1082  }
0x22: {  	[simem:s7], [sflag:s8] =	dma.local @!p0 [hbm:s6], $0xF7A  }
0x23: {  	s9 =	sor.u32 $0xD0000000, s2;
	s6 =	simm.s32 $0x108;
	_ =	swait.ge @!p0 [sflag:s8], $0x0  }
0x24: {  	s3 =	sadd.s32 $0x88, s3;
	s6 =	simm.s32 @!p1 $0x1082;
	[sflag:s4] =	ssyncset.s32 $0xFFFFF086  }
0x25: {  	[simem:s6], [sflag:s4] =	dma.local [hbm:s3], $0xF7A  }
0x26: {  	[smem:$0x3F4B] =	sst s1;
	(tag) =	ssettag s2;
	_ =	strace s9  }
0x27: {  	s1 =	sld [smem:$0x3F5B]  }
0x28: {  	s2 =	sld [smem:$0x3F5C]  }
0x29: {  	s4 =	sld [smem:$0x3F5E]  }
0x2a: {  	p0 =	seq.s32 s5, $0x0;
	s5 =	sld [smem:$0x3F5F]  }
0x2b: {  	s6 =	sld [smem:$0x3F60]  }
0x2c: {  	s7 =	sld [smem:$0x3F61]  }
0x2d: {  	s3 =	simm.s32 $0x108;
	s8 =	sld [smem:$0x3F62]  }
0x2e: {  	s3 =	simm.s32 @!p0 $0x1082;
	s9 =	sld [smem:$0x3F63]  }
0x2f: {  	lr =	sadd.s32 s0, s3;
	s0 =	sld [smem:$0x3F5A]  }
0x30: {  	s3 =	sld [smem:$0x3F5D]  }
0x31: {  	[smem:$0x3F66] =	sst s10  }
0x32: {  	s10 =	sld [smem:$0x3F64];
	_ =	sdelay $0x3  }
0x33: {  	p0 =	seq.s32 s10, $0x1;
	s10 =	sld [smem:$0x3F66];
	_ =	sdelay $0x3  }
0x34: {  	[smem:$0x3F66] =	sst s10  }
0x35: {  	s10 =	sld [smem:$0x3F65];
	_ =	sdelay $0x3  }
0x36: {  	p1 =	seq.s32 s10, $0x1;
	s10 =	sld [smem:$0x3F66];
	_ =	sdelay $0x3  }
0x37: {  	[smem:$0x3F66] =	sst s10  }
0x38: {  	s10 =	sld [smem:$0x3F67]  }
0x39: {  	_ = 	snop;
	(pc) =	sbr.ind lr, $3  }
0x3a: {  	_ = 	snop  }
0x3b: {  	_ = 	snop  }
0x3c: {  	p2 =	seq.s32 s10, $0x1;
	s10 =	sld [smem:$0x3F66]  }
0x3d: {  	_ =	shalt  }
0x3e: {  	_ =	shalt  }
0x3f: {  	_ =	shalt  }
0x40: {  	_ =	shalt  }
0x41: {  	_ =	shalt  }
0x42: {  	_ =	shalt  }
0x43: {  	_ =	shalt  }
0x44: {  	_ =	shalt  }
0x45: {  	_ =	shalt  }
0x46: {  	_ =	shalt  }
0x47: {  	_ =	shalt  }
0x48: {  	_ =	shalt  }
0x49: {  	_ =	shalt  }
0x4a: {  	_ =	shalt  }
0x4b: {  	_ =	shalt  }
0x4c: {  	_ =	shalt  }
0x4d: {  	_ =	shalt  }
0x4e: {  	_ =	shalt  }
0x4f: {  	_ =	shalt  }
0x50: {  	_ =	shalt  }
0x51: {  	_ =	shalt  }
0x52: {  	_ =	shalt  }
0x53: {  	_ =	shalt  }
0x54: {  	_ =	shalt  }
0x55: {  	_ =	shalt  }
0x56: {  	_ =	shalt  }
0x57: {  	_ =	shalt  }
0x58: {  	_ =	shalt  }
0x59: {  	_ =	shalt  }
0x5a: {  	_ =	shalt  }
0x5b: {  	_ =	shalt  }
0x5c: {  	_ =	shalt  }
0x5d: {  	_ =	shalt  }
0x5e: {  	_ =	shalt  }
0x5f: {  	_ =	shalt  }
0x60: {  	_ =	shalt  }
0x61: {  	_ =	shalt  }
0x62: {  	_ =	shalt  }
0x63: {  	_ =	shalt  }
0x64: {  	_ =	shalt  }
0x65: {  	_ =	shalt  }
0x66: {  	_ =	shalt  }
0x67: {  	_ =	shalt  }
0x68: {  	_ =	shalt  }
0x69: {  	_ =	shalt  }
0x6a: {  	_ =	shalt  }
0x6b: {  	_ =	shalt  }
0x6c: {  	_ =	shalt  }
0x6d: {  	_ =	shalt  }
0x6e: {  	_ =	shalt  }
0x6f: {  	_ =	shalt  }
0x70: {  	_ =	shalt  }
0x71: {  	_ =	shalt  }
0x72: {  	_ =	shalt  }
0x73: {  	_ =	shalt  }
0x74: {  	_ =	shalt  }
0x75: {  	_ =	shalt  }
0x76: {  	_ =	shalt  }
0x77: {  	_ =	shalt  }
0x78: {  	_ =	shalt  }
0x79: {  	_ =	shalt  }
0x7a: {  	_ =	shalt  }
0x7b: {  	_ =	shalt  }
0x7c: {  	_ =	shalt  }
0x7d: {  	_ =	shalt  }
0x7e: {  	_ =	shalt  }
0x7f: {  	_ =	shalt  }
0x80: {  	_ =	shalt  }
0x81: {  	_ =	shalt  }
0x82: {  	_ =	shalt  }
0x83: {  	_ =	shalt  }
0x84: {  	_ =	shalt  }
0x85: {  	_ =	shalt  }
0x86: {  	_ =	shalt  }
0x87: {  	_ =	shalt  }
.Lfunc_end0:
.L_simem_size_0:
called_computation.5_lowered:
.L_overlay_start_0:
0x88: {  	s2 =	sld [smem:$0x3FD9]  }
0x89: {  	s3 =	sld [smem:$0x3FFE];
	_ =	sdelay $0x1  }
0x8a: {  	s1 =	srdreg.scid  }
0x8b: {  	s0 =	sand.u32 $0x1, s1  }
0x8c: {  	s16 =	sshll.u32 s0, $0xA;
	s2 =	sadd.s32 s3, s2  }
0x8d: {  	s2 =	sadd.s32 s2, s16  }
0x8e: {  	[smem:$0x3F72] =	sst s2  }
0x8f: {  	_ = 	snop  }
0x90: {  	(tm) =	ssettm $0x1  }
0x91: {  	s17 =	sld [smem:$0x3FFB];
	_ =	sdelay $0x3  }
0x92: {  	_ =	strace s17  }
0x93: {  	s2 =	sld [smem:$0x3FFC];
	_ =	sdelay $0x3  }
0x94: {  	_ =	strace s2  }
0x95: {  	s2 =	sld [smem:$0x3FFD];
	_ =	sdelay $0x3  }
0x96: {  	_ =	strace s2  }
0x97: {  	_ =	strace $0x8FFFFFFF  }
0x98: {  	s18 =	sld [smem:$0x3FDB];
	_ =	sdelay $0x1  }
0x99: {  	s19 =	simm.s32 $_scs_section_size  }
0x9a: {  	s4 =	simm.s32 $_size__tile_overlayer_lowered;
	s5 =	simm.s32 $_tile_overlayer_lowered  }
0x9b: {  	s22 =	simm.s32 $0x1BFF;
	s21 =	sshll.u32 s5, $0x1;
	s2 =	sadd.s32 s19, s18  }
0x9c: {  	s6 =	simm.s32 $0x0;
	s20 =	sshll.u32 s4, $0x1;
	s4 =	sadd.s32 s21, s2  }
0x9d: {  	[timem:s6], [sflag:s22] =	dma.local [hbm:s4], s20  }
0x9e: {  	_ =	swait.ge [sflag:s22], s20  }
0x9f: {  	s3 =	ssub.s32 $0x0, s20;
	[sflag:s22] =	ssyncset.done $0x0  }
0xa0: {  	[sflag:s22] =	ssyncadd.s32 s3;
	_ =	sdelay $0x1  }
0xa1: {  	s23 =	simm.s32 $0x1B8B  }
0xa2: {  	_ =	swait.ge [sflag:s23], $0x1  }
0xa3: {  	[sflag:s23] =	ssyncset.done $0x0  }
0xa4: {  	s25 =	simm.s32 $0x1B8E;
	s24 =	sld [smem:$0x3FFE];
	[sflag:s23] =	ssyncadd.s32 $0xFFFFFFFF  }
0xa5: {  	s26 =	simm.s32 $execute0_lowered;
	[smem:$0x3FD2] =	sst s25  }
0xa6: {  	s4 =	sshll.u32 s26, $0x1;
	_ =	strace $0x80000055;
	[dreg:$0x1] =	wrdreg $0xFFFFFFFF  }
0xa7: {  	s28 =	simm.s32 $_size_execute0_lowered;
	s2 =	sadd.s32 s2, s4;
	[dreg:$0x0] =	wrdreg $0x0  }
0xa8: {  	s4 =	sshll.u32 s28, $0x1;
	[dreg:$0x2] =	wrdreg s2  }
0xa9: {  	[dreg:$0x3] =	wrdreg s4  }
0xaa: {  	[dreg:$0x4] =	wrdreg $0xC0  }
0xab: {  	_ =	task [dreg:s6], $0x5FFFF  }
0xac: {  	[dreg:$0x1] =	wrdreg $0xFFFFFFFF  }
0xad: {  	[dreg:$0x0] =	wrdreg $0x60  }
0xae: {  	[dreg:$0x2] =	wrdreg s24  }
0xaf: {  	[dreg:$0x3] =	wrdreg $0x5C000  }
0xb0: {  	[dreg:$0x4] =	wrdreg $0x9  }
0xb1: {  	_ =	task.clear_ibuf [dreg:s6], $0x5FFFF;
	_ =	strace $0x90000055  }
0xb2: {  	s29 =	simm.s32 $0x9;
	_ =	strace $0x80000057  }
0xb3: {  	_ =	swait.ge [sflag:s29], $0x1  }
0xb4: {  	[sflag:s29] =	ssyncadd.s32 $0xFFFFFFFF  }
0xb5: {  	_ =	strace $0x90000057  }
0xb6: {  	_ =	sfence  }
0xb7: {  	s30 =	sld [smem:$0x0];
	_ =	sdelay $0x2  }
0xb8: {  	s31 =	sshll.u32 s1, $0xD;
	s1 =	sshrl.u32 s1, $0x2  }
0xb9: {  	s3 =	sand.u32 $0x4000, s31;
	s1 =	sadd.s32 s1, s30  }
0xba: {  	s0 =	sor.u32 s3, s0;
	s1 =	sshll.u32 s1, $0x11  }
0xbb: {  	s0 =	sor.u32 s1, s0  }
0xbc: {  	s0 =	sadd.s32 $0x8F2B, s0  }
0xbd: {  	[sflag:s0] =	ssyncadd.remote.s32 $0x1  }
0xbe: {  	_ =	sfence.sel $0xFFFF  }
0xbf: {  	[dreg:$0x0] =	wrdreg $0xFFFFFFFF;
	(pc) =	sbr.abs _section_cstart, $3  }
0xc0: {  	[dreg:$0x1] =	wrdreg $0xFFFFFFFF  }
0xc1: {  	_ =	task.clear_ibuf [dreg:s6], $0x2FFFF;
	_ =	strace $0x9FFFFFFF  }
0xc2: {  	(tm) =	ssettm $0x7FFFFFFF  }
0xc3: {  	_ =	shalt  }
tec
execute0_lowered:
.L_overlay_start_1:
0x0: {  	(tag) =	ssettag $0x1  }
0x1: {  	s7 =	rddreg [dreg:$0x0]  }
0x2: {  	s1 =	rddreg [dreg:$0x1]  }
0x3: {  	s0 =	rddreg [dreg:$0x2];
	s2 =	simm.s32 $0x0  }
0x4: {  	s22 =	stileid.u32;
	s5 =	srdreg.scid;
	s18 =	simm.s32 $0x3C00  }
0x5: {  	s19 =	simm.s32 $0x1;
	s20 =	simm.s32 $0x2;
	s21 =	simm.s32 $0x1B00  }
0x6: {  	[smem:$0x7FF] =	sst s2;
	s3 =	sadd.s32 $0xD800, s7;
	s8 =	smul.u32 $0x19000, s22  }
0x7: {  	s4 =	sadd.s32 $0x6F400, s7;
	s9 =	sand.u32 $0x1, s5;
	s5 =	smul.u32 $0xC400, s22  }
0x8: {  	s6 =	sadd.s32 $0x87C00, s7;
	s14 =	sadd.s32 $0x1C6400, s7;
	s15 =	smul.u32 $0x30C0, s22  }
0x9: {  	s28 =	sshll.u32 s22, $0x6;
	s29 =	smul.u32 $0x61800, s22;
	s24 =	sadd.s32 $0x186000, s1  }
0xa: {  	p0 =	sne.s32 s22, $0x0;
	s22 =	simm.s32 $0x1B80;
	s11 =	smul.u32 $0xC4000, s9  }
0xb: {  	_ =	strace $0x80000056;
	s12 =	ssub.s32 $0x2, s9;
	s13 =	smul.u32 $0x30D40, s9  }
0xc: {  	s17 =	smul.u32 $0x186A00, s9;
	s24 =	sshrl.u32 @!p0 s24, $0x3;
	s10 =	sshrl.u32 s8, $0x3  }
0xd: {  	s26 =	sshrl.u32 s12, $0x1;
	s16 =	sadd.s32 s8, s1;
	s8 =	sor.u32 $0x1C03, s28  }
0xe: {  	s31 =	sshrl.u32 s29, $0x2;
	s10 =	sadd.s32 s10, s7;
	s12 =	ssub.s32 s12, s26  }
0xf: {  	s9 =	sadd.s32 s11, s5;
	s30 =	sshrl.u32 s17, $0x3;
	s13 =	sadd.s32 s15, s13  }
0x10: {  	s23 =	sadd.s32 s31, s1;
	s15 =	simm.s32 $0xE00;
	s17 =	simm.s32 $0x1C00  }
0x11: {  	s7 =	sadd.s32 $0x194400, s10;
	s11 =	sadd.s32 s14, s30;
	s10 =	sadd.s32 s14, s13  }
0x12: {  	s12 =	smax.u32 s12, $0x1;
	s13 =	sshrl.u32 s16, $0x3;
	s14 =	simm.s32 $0x3  }
0x13: {  	s16 =	simm.s32 $0x80;
	s23 =	sshrl.u32 s23, $0x3;
	s11 =	sadd.s32 $0x30C00, s11  }
.LBB2_1:
0x14: {  	[spmem:s13], [sflag:s8] =	dma.local [hbm:s7], $0x3200  }
0x15: {  	_ =	swait.ge [sflag:s14], $0x3200  }
0x16: {  	[sflag:s14] =	ssyncset.done $0x0  }
0x17: {  	[sflag:s14] =	ssyncadd.s32 $0xFFFFCE00  }
0x18: {  	s25 =	simm.s32 $0x0;
	[bflag:$0x0] =	sbarrier.arrive $0xFFFF  }
.LBB2_2:
0x19: {  	s26 =	smul.u32 $0xE00, s25;
	_ =	sdelay $0x1  }
0x1a: {  	s28 =	sadd.s32 s5, s26  }
0x1b: {  	s28 =	sshrl.u32 s28, $0x3  }
0x1c: {  	s29 =	simm.s32 $0x0;
	s28 =	sadd.s32 s4, s28  }
0x1d: {  	[tilespmem:s29], [sflag:$0x3] =	stream.linear.gather [hbm4b:s28+s29], $0xE00, $0x38;
	[tilespmem:$0x1EC00] =	vst v63  }
0x1e: {  	s26 =	sadd.s32 s9, s26;
	_ =	swait.ge [sflag:s14], $0xE00  }
0x1f: {  	s26 =	sshrl.u32 s26, $0x3;
	[sflag:s14] =	ssyncset.done $0x0  }
0x20: {  	s26 =	sadd.s32 s6, s26;
	[sflag:s14] =	ssyncadd.s32 $0xFFFFF200  }
0x21: {  	[tilespmem:s15], [sflag:$0x3] =	stream.linear.gather [hbm4b:s26+s29], $0xE00, $0x38;
	[tilespmem:$0x1EC00] =	vst v63  }
0x22: {  	_ =	swait.ge [sflag:s14], $0xE00  }
0x23: {  	[sflag:s14] =	ssyncset.done $0x0  }
0x24: {  	[sflag:s14] =	ssyncadd.s32 $0xFFFFF200  }
0x25: {  	[tilespmem:s17], [sflag:$0x1] =	stream.indirect.gather [hbm4b:s3+s16], $0x40, s29, s16, $0xb8;
	[tilespmem:$0x1EC00] =	vst v63  }
0x26: {  	_ = 	snop  }
0x27: {  	[tilespmem:s18], [sflag:$0x2] =	stream.indirect.gather [hbm4b:s3+s16], $0x40, s16, s16, $0xb8;
	[tilespmem:$0x1EC00] =	vst v63  }
0x28: {  	_ =	swait.ge [sflag:s19], $0x2000  }
0x29: {  	[sflag:s19] =	ssyncset.done $0x0  }
0x2a: {  	s29 =	simm.s32 $0xE00;
	[sflag:s19] =	ssyncadd.s32 $0xFFFFE000  }
0x2b: {  	[spmem:s1] =	stream.indirect.scatter.add.f32 [tilespmem:s17], [sflag:$0x3], $0x40, s29, s16, $0xb8;
	[tilespmem:$0x1EC00] =	vst v63  }
0x2c: {  	_ =	swait.ge [sflag:s14], $0x2000  }
0x2d: {  	[sflag:s14] =	ssyncset.done $0x0  }
0x2e: {  	s30 =	simm.s32 $0x100;
	[sflag:s14] =	ssyncadd.s32 $0xFFFFE000  }
0x2f: {  	[tilespmem:s17], [sflag:$0x1] =	stream.indirect.gather [hbm4b:s3+s16], $0x40, s30, s16, $0xb8;
	[tilespmem:$0x1EC00] =	vst v63  }
0x30: {  	_ =	swait.ge [sflag:s20], $0x2000  }
0x31: {  	[sflag:s20] =	ssyncset.done $0x0  }
0x32: {  	s31 =	simm.s32 $0xE80;
	[sflag:s20] =	ssyncadd.s32 $0xFFFFE000  }
0x33: {  	[spmem:s1] =	stream.indirect.scatter.add.f32 [tilespmem:s18], [sflag:$0x3], $0x40, s31, s16, $0xb8;
	[tilespmem:$0x1EC00] =	vst v63  }
0x34: {  	_ =	swait.ge [sflag:s14], $0x2000  }
0x35: {  	[sflag:s14] =	ssyncset.done $0x0  }
0x36: {  	s28 =	simm.s32 $0x180;
	s26 =	simm.s32 $0x400;
	[sflag:s14] =	ssyncadd.s32 $0xFFFFE000  }
.LBB2_3:
0x37: {  	[tilespmem:s18], [sflag:$0x2] =	stream.indirect.gather [hbm4b:s3+s16], $0x40, s28, s16, $0xb8;
	[tilespmem:$0x1EC00] =	vst v63  }
0x38: {  	s28 =	smov.u32 s26  }
0x39: {  	p1 =	sne.s32 s26, $0x3000;
	s26 =	sadd.s32 $0x400, s26;
	_ =	swait.ge [sflag:s19], $0x2000  }
0x3a: {  	s28 =	sshra.s32 s28, $0x2;
	[sflag:s19] =	ssyncset.done $0x0  }
0x3b: {  	s29 =	sadd.s32 $0xE00, s28;
	[sflag:s19] =	ssyncadd.s32 $0xFFFFE000  }
0x3c: {  	[spmem:s1] =	stream.indirect.scatter.add.f32 [tilespmem:s17], [sflag:$0x3], $0x40, s29, s16, $0xb8;
	[tilespmem:$0x1EC00] =	vst v63  }
0x3d: {  	_ =	swait.ge [sflag:s14], $0x2000  }
0x3e: {  	[sflag:s14] =	ssyncset.done $0x0  }
0x3f: {  	s29 =	sadd.s32 $0x100, s28;
	[sflag:s14] =	ssyncadd.s32 $0xFFFFE000  }
0x40: {  	[tilespmem:s17], [sflag:$0x1] =	stream.indirect.gather [hbm4b:s3+s16], $0x40, s29, s16, $0xb8;
	[tilespmem:$0x1EC00] =	vst v63  }
0x41: {  	_ =	swait.ge [sflag:s20], $0x2000  }
0x42: {  	[sflag:s20] =	ssyncset.done $0x0  }
.Ltmp0:
0x43: {  	s29 =	sadd.s32 $0xE80, s28;
	[sflag:s20] =	ssyncadd.s32 $0xFFFFE000;
	(pc) =	sbr.rel @p1 .LBB2_3-.Ltmp0, $4  }
0x44: {  	[spmem:s1] =	stream.indirect.scatter.add.f32 [tilespmem:s18], [sflag:$0x3], $0x40, s29, s16, $0xb8;
	[tilespmem:$0x1EC00] =	vst v63  }
0x45: {  	_ =	swait.ge [sflag:s14], $0x2000  }
0x46: {  	[sflag:s14] =	ssyncset.done $0x0  }
0x47: {  	s28 =	sadd.s32 $0x180, s28;
	[sflag:s14] =	ssyncadd.s32 $0xFFFFE000  }
0x48: {  	[tilespmem:s18], [sflag:$0x2] =	stream.indirect.gather [hbm4b:s3+s16], $0x40, s28, s16, $0xb8;
	[tilespmem:$0x1EC00] =	vst v63  }
0x49: {  	_ =	swait.ge [sflag:s19], $0x2000  }
0x4a: {  	[sflag:s19] =	ssyncset.done $0x0  }
0x4b: {  	[sflag:s19] =	ssyncadd.s32 $0xFFFFE000  }
0x4c: {  	[spmem:s1] =	stream.indirect.scatter.add.f32 [tilespmem:s17], [sflag:$0x3], $0x40, s21, s16, $0xb8;
	[tilespmem:$0x1EC00] =	vst v63  }
0x4d: {  	_ =	swait.ge [sflag:s14], $0x2000  }
0x4e: {  	[sflag:s14] =	ssyncset.done $0x0  }
0x4f: {  	[sflag:s14] =	ssyncadd.s32 $0xFFFFE000  }
0x50: {  	s25 =	sadd.s32 $0x1, s25;
	_ =	swait.ge [sflag:s20], $0x2000  }
0x51: {  	p1 =	sne.s32 s25, $0xE;
	[sflag:s20] =	ssyncset.done $0x0  }
.Ltmp1:
0x52: {  	[sflag:s20] =	ssyncadd.s32 $0xFFFFE000;
	(pc) =	sbr.rel @p1 .LBB2_2-.Ltmp1, $4  }
0x53: {  	[spmem:s1] =	stream.indirect.scatter.add.f32 [tilespmem:s18], [sflag:$0x3], $0x40, s22, s16, $0xb8;
	[tilespmem:$0x1EC00] =	vst v63  }
0x54: {  	_ =	swait.ge [sflag:s14], $0x2000  }
0x55: {  	[sflag:s14] =	ssyncset.done $0x0  }
0x56: {  	[sflag:s14] =	ssyncadd.s32 $0xFFFFE000  }
0x57: {  	[bflag:$0x0] =	sbarrier.arrive $0xFFFF  }
0x58: {  	[hbm:s10], [sflag:s8] =	dma.local [spmem:s23], $0x30C0  }
0x59: {  	s2 =	sadd.s32 $0x1, s2;
	_ =	swait.ge [sflag:s14], $0x30C0  }
0x5a: {  	p1 =	sne.s32 s2, s12;
	[sflag:s14] =	ssyncset.done $0x0  }
.Ltmp2:
0x5b: {  	s25 =	simm.s32 @!p0 $0x3;
	[sflag:s14] =	ssyncadd.s32 $0xFFFFCF40;
	(pc) =	sbr.rel @p1 .LBB2_1-.Ltmp2, $4  }
0x5c: {  	[hbm:s11], [sflag:s8] =	dma.local @!p0 [spmem:s24], $0x140  }
0x5d: {  	_ =	swait.ge @!p0 [sflag:s25], $0x140  }
0x5e: {  	[sflag:s25] =	ssyncset.done @!p0 $0x0  }
0x5f: {  	[sflag:s25] =	ssyncadd.s32 @!p0 $0xFFFFFEC0  }
0x60: {  	_ =	sfence.sel $0x180000  }
0x61: {  	[bflag:$0x0] =	sbarrier.arrive $0xFFFF  }
0x62: {  	_ =	strace $0x90000056  }
0x63: {  	s0 =	sadd.s32 @!p0 $0x100000, s0;
	[bflag:$0x2] =	sbarrier.arrive $0xFFFF  }
0x64: {  	[sflag:s0] =	ssyncadd.tile.s32 @!p0 $0x1;
	_ =	shalt  }
.Lfunc_end2:
_tile_overlayer_lowered:
.L_overlay_start_2:
0x65: {  	(tag) =	ssettag $0x2  }
0x66: {  	s0 =	rddreg [dreg:$0x0];
	s2 =	stileid.u32  }
0x67: {  	s1 =	rddreg [dreg:$0x1];
	p0 =	sne.s32 s2, $0x0  }
0x68: {  	s3 =	rddreg [dreg:$0x2];
	[bflag:$0x3] =	sbarrier.arrive $0xFFFF;
	s2 =	simm.s32 @!p0 $0x1C03  }
0x69: {  	[timem:s3], [sflag:s2] =	dma.local @!p0 [hbm:s0], s1  }
0x6a: {  	s0 =	simm.s32 @!p0 $0x3  }
0x6b: {  	_ =	swait.ge @!p0 [sflag:s0], s1  }
0x6c: {  	s1 =	ssub.s32 @!p0 $0x0, s1;
	[sflag:s0] =	ssyncset.done @!p0 $0x0  }
0x6d: {  	[sflag:s0] =	ssyncadd.s32 @!p0 s1  }
0x6e: {  	[bflag:$0x3] =	sbarrier.arrive $0xFFFF  }
0x6f: {  	_ =	shalt  }

</sc_bundles>
